<compile_context>
chip_gen: v7x
topology: tpu7x:2x2x1
jax: 0.10.2.dev20260603
libtpu: 0.0.44.dev20260713+nightly
codegen_flags: <defaults>
</compile_context>

<pallas_src>
import functools

import jax
import jax.numpy as jnp
from jax import lax
from jax.experimental import pallas as pl
from jax.experimental.pallas import tpu as pltpu
from jax.experimental.pallas import tpu_sc as plsc

_N = 10000
_NP = 10240
_E = 320000
_NC = 2
_NS = 16
_CHUNK = 128
_ECH = _E // _CHUNK
_DH = 32
_RPT = _NP // _NS
_NCH_A = 156
_NCH_B = _ECH - 15 * _NCH_A
_DEG_A = 78
_DEG_B = _ECH - 31 * _DEG_A

_sc_mesh = plsc.VectorSubcoreMesh(core_axis_name="c", subcore_axis_name="s")
_sc_params = pltpu.CompilerParams(use_tc_tiling_on_sc=False,
                                  needs_layout_passes=False)


@functools.partial(
    pl.kernel,
    mesh=_sc_mesh,
    compiler_params=_sc_params,
    out_type=jax.ShapeDtypeStruct((_NC, _NP, 16), jnp.float32),
    scratch_types=[
        pltpu.VMEM((_DEG_B, _CHUNK), jnp.int32),
        pltpu.VMEM((_CHUNK, 16), jnp.float32),
        pltpu.VMEM_SHARED((_NP, 16), jnp.float32),
    ],
)
def _degrees(ones_hbm, edge_hbm, out_hbm, idxc, rows, acc):
    c = lax.axis_index("c")
    s = lax.axis_index("s")
    wid = c * _NS + s
    pltpu.sync_copy(ones_hbm.at[pl.ds(s * _RPT, _RPT)],
                    acc.at[pl.ds(s * _RPT, _RPT)])
    pltpu.sync_copy(ones_hbm.at[pl.ds(0, _CHUNK)], rows)

    @pl.when(wid < 31)
    def _():
        pltpu.sync_copy(edge_hbm.at[1, pl.ds(wid * _DEG_A, _DEG_A)],
                        idxc.at[pl.ds(0, _DEG_A)])

    @pl.when(wid == 31)
    def _():
        pltpu.sync_copy(edge_hbm.at[1, pl.ds(wid * _DEG_A, _DEG_B)],
                        idxc.at[pl.ds(0, _DEG_B)])

    plsc.subcore_barrier()

    def count(nch):
        def body(i, carry):
            pltpu.sync_copy(rows, acc.at[idxc.at[i]], add=True)
            return carry
        lax.fori_loop(0, nch, body, 0)

    @pl.when(wid < 31)
    def _():
        count(_DEG_A)

    @pl.when(wid == 31)
    def _():
        count(_DEG_B)

    plsc.subcore_barrier()
    pltpu.sync_copy(acc.at[pl.ds(s * _RPT, _RPT)],
                    out_hbm.at[c, pl.ds(s * _RPT, _RPT)])


def _hop_pipeline(nch, src, idxr, idxc, rows_a, rows_b, dst, sga, sgb):
    pltpu.async_copy(src.at[idxr.at[0]], rows_a, sga)
    pltpu.async_copy(src.at[idxr.at[1]], rows_b, sgb)

    def body(g, carry):
        pltpu.make_async_copy(src.at[idxr.at[0]], rows_a, sga).wait()
        pltpu.sync_copy(rows_a, dst.at[idxc.at[2 * g]], add=True)
        pltpu.async_copy(src.at[idxr.at[2 * g + 2]], rows_a, sga)
        pltpu.make_async_copy(src.at[idxr.at[1]], rows_b, sgb).wait()
        pltpu.sync_copy(rows_b, dst.at[idxc.at[2 * g + 1]], add=True)
        pltpu.async_copy(src.at[idxr.at[2 * g + 3]], rows_b, sgb)
        return carry

    lax.fori_loop(0, nch // 2 - 1, body, 0)
    pltpu.make_async_copy(src.at[idxr.at[0]], rows_a, sga).wait()
    pltpu.sync_copy(rows_a, dst.at[idxc.at[nch - 2]], add=True)
    pltpu.make_async_copy(src.at[idxr.at[1]], rows_b, sgb).wait()
    pltpu.sync_copy(rows_b, dst.at[idxc.at[nch - 1]], add=True)


@functools.partial(
    pl.kernel,
    mesh=_sc_mesh,
    compiler_params=_sc_params,
    out_type=jax.ShapeDtypeStruct((_NC, _NP, _DH), jnp.bfloat16),
    scratch_types=[
        pltpu.VMEM((_NCH_B, _CHUNK), jnp.int32),
        pltpu.VMEM((_NCH_B, _CHUNK), jnp.int32),
        pltpu.VMEM((_CHUNK, _DH), jnp.bfloat16),
        pltpu.VMEM((_CHUNK, _DH), jnp.bfloat16),
        pltpu.VMEM((_RPT, _DH), jnp.bfloat16),
        pltpu.VMEM((_RPT,), jnp.float32),
        pltpu.VMEM_SHARED((_NP, _DH), jnp.bfloat16),
        pltpu.VMEM_SHARED((_NP, _DH), jnp.bfloat16),
        pltpu.SemaphoreType.DMA,
        pltpu.SemaphoreType.DMA,
    ],
)
def _layer(u_hbm, dinv_hbm, edge_hbm, out_hbm, idxr, idxc,
           rows_a, rows_b, stage, dv, acc1, acc2, sga, sgb):
    c = lax.axis_index("c")
    s = lax.axis_index("s")
    rb = s * _RPT
    pltpu.sync_copy(u_hbm.at[c, pl.ds(rb, _RPT)], acc1.at[pl.ds(rb, _RPT)])

    def preload(nch):
        pltpu.sync_copy(edge_hbm.at[0, pl.ds(s * _NCH_A, nch)],
                        idxr.at[pl.ds(0, nch)])
        pltpu.sync_copy(edge_hbm.at[1, pl.ds(s * _NCH_A, nch)],
                        idxc.at[pl.ds(0, nch)])

    @pl.when(s < 15)
    def _():
        preload(_NCH_A)

    @pl.when(s == 15)
    def _():
        preload(_NCH_B)

    plsc.subcore_barrier()

    @pl.when(s < 15)
    def _():
        _hop_pipeline(_NCH_A, u_hbm.at[c], idxr, idxc, rows_a, rows_b,
                      acc1, sga, sgb)

    @pl.when(s == 15)
    def _():
        _hop_pipeline(_NCH_B, u_hbm.at[c], idxr, idxc, rows_a, rows_b,
                      acc1, sga, sgb)

    plsc.subcore_barrier()

    pltpu.sync_copy(dinv_hbm.at[pl.ds(rb, _RPT)], dv)
    pltpu.sync_copy(acc1.at[pl.ds(rb, _RPT)], stage)

    def scale(m, carry):
        dvec = dv[pl.ds(m * 16, 16)]
        for j in range(16):
            n = m * 16 + j
            d2 = dvec[j] * dvec[j]
            va, vb = plsc.unpack(stage[n, :],
                                 format=plsc.PackFormat.INTERLEAVED)
            stage[n, :] = plsc.pack(va * d2, vb * d2,
                                    format=plsc.PackFormat.INTERLEAVED)
        return carry

    lax.fori_loop(0, _RPT // 16, scale, 0)
    pltpu.sync_copy(stage, acc1.at[pl.ds(rb, _RPT)])
    pltpu.sync_copy(stage, acc2.at[pl.ds(rb, _RPT)])
    plsc.subcore_barrier()

    @pl.when(s < 15)
    def _():
        _hop_pipeline(_NCH_A, acc1, idxr, idxc, rows_a, rows_b,
                      acc2, sga, sgb)

    @pl.when(s == 15)
    def _():
        _hop_pipeline(_NCH_B, acc1, idxr, idxc, rows_a, rows_b,
                      acc2, sga, sgb)

    plsc.subcore_barrier()
    pltpu.sync_copy(acc2.at[pl.ds(rb, _RPT)], out_hbm.at[c, pl.ds(rb, _RPT)])


_ROWS_B = 1024
_GRID = _NP // _ROWS_B


def _entry_body(d0_ref, d1_ref, x_ref, w1_ref, dinv_ref, dinvf_ref, u_ref):
    deg = d0_ref[0, :, :1] + d1_ref[0, :, :1] - 1.0
    dinv = lax.rsqrt(deg)
    dinv_ref[:] = dinv
    dinvf_ref[:] = dinv.reshape(_ROWS_B // 128, 128)
    for c in range(_NC):
        u_ref[c] = (jnp.dot(x_ref[:], w1_ref[c],
                            preferred_element_type=jnp.float32)
                    * dinv).astype(jnp.bfloat16)


def _entry(degp, xp, W1):
    return pl.pallas_call(
        _entry_body,
        grid=(_GRID,),
        in_specs=[
            pl.BlockSpec((1, _ROWS_B, 16), lambda i: (0, i, 0)),
            pl.BlockSpec((1, _ROWS_B, 16), lambda i: (1, i, 0)),
            pl.BlockSpec((_ROWS_B, 128), lambda i: (i, 0)),
            pl.BlockSpec((_NC, 128, _DH), lambda i: (0, 0, 0)),
        ],
        out_specs=[
            pl.BlockSpec((_ROWS_B, 1), lambda i: (i, 0)),
            pl.BlockSpec((_ROWS_B // 128, 128), lambda i: (i, 0)),
            pl.BlockSpec((_NC, _ROWS_B, _DH), lambda i: (0, i, 0)),
        ],
        out_shape=[
            jax.ShapeDtypeStruct((_NP, 1), jnp.float32),
            jax.ShapeDtypeStruct((_NP // 128, 128), jnp.float32),
            jax.ShapeDtypeStruct((_NC, _NP, _DH), jnp.bfloat16),
        ],
    )(degp, degp, xp, W1)


def _mid_body(z_ref, dinv_ref, b1_ref, w2_ref, u_ref):
    dinv = dinv_ref[:]
    z = jnp.concatenate([z_ref[0], z_ref[1]],
                        axis=1).astype(jnp.float32)
    h = jnp.maximum(z * dinv + b1_ref[:], 0.0)
    for c in range(_NC):
        u_ref[c] = (jnp.dot(h, w2_ref[c],
                            preferred_element_type=jnp.float32)
                    * dinv).astype(jnp.bfloat16)


def _mid(z3, dinv, b1, W2p):
    return pl.pallas_call(
        _mid_body,
        grid=(_GRID,),
        in_specs=[
            pl.BlockSpec((_NC, _ROWS_B, _DH), lambda i: (0, i, 0)),
            pl.BlockSpec((_ROWS_B, 1), lambda i: (i, 0)),
            pl.BlockSpec((1, 2 * _DH), lambda i: (0, 0)),
            pl.BlockSpec((_NC, 2 * _DH, _DH), lambda i: (0, 0, 0)),
        ],
        out_specs=pl.BlockSpec((_NC, _ROWS_B, _DH), lambda i: (0, i, 0)),
        out_shape=jax.ShapeDtypeStruct((_NC, _NP, _DH), jnp.bfloat16),
    )(z3, dinv, b1, W2p)


def _final_body(z_ref, dinv_ref, b2_ref, out_ref):
    z = jnp.concatenate([z_ref[0], z_ref[1]],
                        axis=1).astype(jnp.float32)
    t = z * dinv_ref[:] + b2_ref[:]
    t = t[:, :40]
    m = jnp.max(t, axis=1, keepdims=True)
    e = t - m
    out_ref[:] = e - jnp.log(jnp.sum(jnp.exp(e), axis=1, keepdims=True))


def _final(z3, dinv, b2p):
    return pl.pallas_call(
        _final_body,
        grid=(_GRID,),
        in_specs=[
            pl.BlockSpec((_NC, _ROWS_B, _DH), lambda i: (0, i, 0)),
            pl.BlockSpec((_ROWS_B, 1), lambda i: (i, 0)),
            pl.BlockSpec((1, 2 * _DH), lambda i: (0, 0)),
        ],
        out_specs=pl.BlockSpec((_ROWS_B, 40), lambda i: (i, 0)),
        out_shape=jax.ShapeDtypeStruct((_NP, 40), jnp.float32),
    )(z3, dinv, b2p)


def kernel(x, edge_index, W1, b1, W2, b2):
    e2 = edge_index.reshape(2, _ECH, _CHUNK)
    xp = jnp.pad(x, ((0, _NP - _N), (0, 0)))
    ones16 = jnp.ones((_NP, 16), jnp.float32)
    W2f = jnp.pad(W2, ((0, 0), (0, 2 * _DH - 40)))
    W1c = jnp.stack([W1[:, :_DH], W1[:, _DH:]])
    W2p = jnp.stack([W2f[:, :_DH], W2f[:, _DH:]])
    b1r = b1.reshape(1, 2 * _DH)
    b2r = jnp.pad(b2, (0, 2 * _DH - 40)).reshape(1, 2 * _DH)

    degp = _degrees(ones16, e2)
    dinv, dinvf, u1 = _entry(degp, xp, W1c)
    dinv1 = dinvf.reshape(_NP)
    z1 = _layer(u1, dinv1, e2)
    u2 = _mid(z1, dinv, b1r, W2p)
    z2 = _layer(u2, dinv1, e2)
    out = _final(z2, dinv, b2r)
    return out[:_N]

# --- scband reference (transcript-rebuilt; emitter-appended) ---
"""Pipeline reference for scband-sgcnet2-22694607192488 (READ-ONLY COPY).

The authoritative reference and input builder live on the scoring server;
editing this copy changes nothing except your own understanding.
"""

import jax, jax.numpy as jnp
import numpy as np

N_NODES = 10000
N_EDGES = 320000
IN_CH = 128
NHID = 64
OUT_CH = 40
K_HOPS = 2


def gcn_norm(edge_index, num_nodes):
    # PyG gcn_norm with add_self_loops=True, edge_weight=None
    row = edge_index[0]
    col = edge_index[1]
    loop = jnp.arange(num_nodes, dtype=edge_index.dtype)
    row = jnp.concatenate([row, loop])
    col = jnp.concatenate([col, loop])
    ew = jnp.ones(row.shape[0], dtype=jnp.float32)
    deg = jnp.zeros((num_nodes,), jnp.float32).at[col].add(ew)
    deg_inv_sqrt = jnp.where(deg > 0, 1.0 / jnp.sqrt(deg), 0.0)
    norm = deg_inv_sqrt[row] * ew * deg_inv_sqrt[col]
    return row, col, norm


def sg_conv(x, row, col, norm, W, b, K):
    # SGConv: K propagation steps, then a single linear layer
    for _ in range(K):
        msg = x[row] * norm[:, None]
        x = jnp.zeros_like(x).at[col].add(msg)
    return x @ W + b


def setup_inputs(seed: int = 0) -> dict:
    key = jax.random.key(seed)
    k1, k2, k3, k4 = jax.random.split(key, 4)
    x = jax.random.normal(k1, (N_NODES, IN_CH), dtype=jnp.float32)
    edge_index = jax.random.randint(k2, (2, N_EDGES), 0, N_NODES, dtype=jnp.int32)
    W1 = jax.random.normal(k3, (IN_CH, NHID), dtype=jnp.float32) * 0.05
    b1 = jnp.zeros((NHID,), dtype=jnp.float32)
    W2 = jax.random.normal(k4, (NHID, OUT_CH), dtype=jnp.float32) * 0.05
    b2 = jnp.zeros((OUT_CH,), dtype=jnp.float32)
    return {"x": x, "edge_index": edge_index, "W1": W1, "b1": b1, "W2": W2, "b2": b2}


def reference(x, edge_index, W1, b1, W2, b2):
    row, col, norm = gcn_norm(edge_index, x.shape[0])
    h = sg_conv(x, row, col, norm, W1, b1, K_HOPS)
    h = jax.nn.relu(h)
    # dropout is identity in eval mode
    h = sg_conv(h, row, col, norm, W2, b2, K_HOPS)
    return jax.nn.log_softmax(h, axis=1)

if __name__ == "__main__":
    import jax
    _d = setup_inputs()
    print(jax.jit(kernel)(*tuple(_d.values())))

</pallas_src>

<mosaic_0001>
#map = affine_map<(d0, d1) -> (0, 0, 0)>
#map1 = affine_map<(d0, d1) -> (0)>
module attributes {stable_mosaic.version = 14 : i64} {
  func.func @_layer(%arg0: i32, %arg1: i32, %arg2: memref<2x10240x32xbf16, #tpu.memory_space<hbm>>, %arg3: memref<10240xf32, #tpu.memory_space<hbm>>, %arg4: memref<2x2500x128xi32, #tpu.memory_space<hbm>>, %arg5: memref<2x10240x32xbf16, #tpu.memory_space<hbm>>, %arg6: memref<160x128xi32, #tpu.memory_space<vmem>>, %arg7: memref<160x128xi32, #tpu.memory_space<vmem>>, %arg8: memref<128x32xbf16, #tpu.memory_space<vmem>>, %arg9: memref<128x32xbf16, #tpu.memory_space<vmem>>, %arg10: memref<640x32xbf16, #tpu.memory_space<vmem>>, %arg11: memref<640xf32, #tpu.memory_space<vmem>>, %arg12: memref<10240x32xbf16, #tpu.memory_space<vmem_shared>>, %arg13: memref<10240x32xbf16, #tpu.memory_space<vmem_shared>>, %arg14: memref<!tpu.dma_semaphore, #tpu.memory_space<semaphore_mem>>, %arg15: memref<!tpu.dma_semaphore, #tpu.memory_space<semaphore_mem>>) attributes {dimension_semantics = [#tpu.dimension_semantics<core_parallel>, #tpu.dimension_semantics<subcore_parallel>], iteration_bounds = array<i64: 2, 16>, scalar_prefetch = 0 : i64, scratch_operands = 10 : i64, tpu.core_type = #tpu.core_type<sc_vector_subcore>, window_params = [{transform_indices = #map}, {transform_indices = #map1}, {transform_indices = #map}, {transform_indices = #map}]} {
    %mul3A = arith.constant 640 : i32
    %mul3A_0 = arith.muli %arg1, %mul3A : i32
    "tpu.region"() ({
      %run_scoped3A = tpu.sem_alloc : memref<!tpu.dma_semaphore, #tpu.memory_space<semaphore_mem>>
      %dma_start3A = arith.constant 0 : i32
      %dma_start3A_35 = tpu.memref_slice %arg12[%mul3A_0, %dma_start3A] : memref<10240x32xbf16, #tpu.memory_space<vmem_shared>> -> memref<640x32xbf16, #tpu.memory_space<vmem_shared>>
      %dma_start3A_36 = arith.constant 0 : i32
      %dma_start3A_37 = tpu.memref_slice %arg2[%arg0, %mul3A_0, %dma_start3A_36] : memref<2x10240x32xbf16, #tpu.memory_space<hbm>> -> memref<1x640x32xbf16, #tpu.memory_space<hbm>>
      %dma_start3A_38 = tpu.memref_squeeze %dma_start3A_37 : memref<1x640x32xbf16, #tpu.memory_space<hbm>> -> memref<640x32xbf16, #tpu.memory_space<hbm>>
      tpu.enqueue_dma source(%dma_start3A_38 : memref<640x32xbf16, #tpu.memory_space<hbm>>) target(%dma_start3A_35 : memref<640x32xbf16, #tpu.memory_space<vmem_shared>>) target_semaphore(%run_scoped3A : memref<!tpu.dma_semaphore, #tpu.memory_space<semaphore_mem>>)
      %dma_wait3A = arith.constant 0 : i32
      %dma_wait3A_39 = tpu.memref_slice %arg12[%mul3A_0, %dma_wait3A] : memref<10240x32xbf16, #tpu.memory_space<vmem_shared>> -> memref<640x32xbf16, #tpu.memory_space<vmem_shared>>
      %dma_wait3A_40 = arith.constant 0 : i32
      %dma_wait3A_41 = tpu.memref_slice %arg2[%arg0, %mul3A_0, %dma_wait3A_40] : memref<2x10240x32xbf16, #tpu.memory_space<hbm>> -> memref<1x640x32xbf16, #tpu.memory_space<hbm>>
      %dma_wait3A_42 = tpu.memref_squeeze %dma_wait3A_41 : memref<1x640x32xbf16, #tpu.memory_space<hbm>> -> memref<640x32xbf16, #tpu.memory_space<hbm>>
      tpu.wait_dma2 semaphore(%run_scoped3A : memref<!tpu.dma_semaphore, #tpu.memory_space<semaphore_mem>>) src(%dma_wait3A_42 : memref<640x32xbf16, #tpu.memory_space<hbm>>) dst(%dma_wait3A_39 : memref<640x32xbf16, #tpu.memory_space<vmem_shared>>)
      tpu.yield
    }) : () -> ()
    %lt3A = arith.constant 15 : i32
    %lt3A_1 = arith.cmpi slt, %arg1, %lt3A : i32
    %convert_element_type3A = arith.extui %lt3A_1 : i1 to i32
    %cond3A = arith.constant 0 : i32
    %cond3A_2 = arith.cmpi ne, %convert_element_type3A, %cond3A : i32
    scf.if %cond3A_2 {
      %mul3A_35 = arith.constant 156 : i32
      %mul3A_36 = arith.muli %arg1, %mul3A_35 : i32
      %run_scoped3A = arith.constant 0 : i32
      "tpu.region"() ({
        %run_scoped3A_40 = tpu.sem_alloc : memref<!tpu.dma_semaphore, #tpu.memory_space<semaphore_mem>>
        %dma_start3A = arith.constant 0 : i32
        %dma_start3A_41 = arith.constant 0 : i32
        %dma_start3A_42 = tpu.memref_slice %arg6[%dma_start3A, %dma_start3A_41] : memref<160x128xi32, #tpu.memory_space<vmem>> -> memref<156x128xi32, #tpu.memory_space<vmem>>
        %dma_start3A_43 = arith.constant 0 : i32
        %dma_start3A_44 = tpu.memref_slice %arg4[%run_scoped3A, %mul3A_36, %dma_start3A_43] : memref<2x2500x128xi32, #tpu.memory_space<hbm>> -> memref<1x156x128xi32, #tpu.memory_space<hbm>>
        %dma_start3A_45 = tpu.memref_squeeze %dma_start3A_44 : memref<1x156x128xi32, #tpu.memory_space<hbm>> -> memref<156x128xi32, #tpu.memory_space<hbm>>
        %dma_start3A_46 = arith.constant 0 : i32
        %dma_start3A_47 = arith.constant 0 : i32
        %dma_start3A_48 = tpu.memref_slice %arg6[%dma_start3A_46, %dma_start3A_47] : memref<160x128xi32, #tpu.memory_space<vmem>> -> memref<156x128xi32, #tpu.memory_space<vmem>>
        %dma_start3A_49 = arith.constant 0 : i32
        %dma_start3A_50 = tpu.memref_slice %arg4[%run_scoped3A, %mul3A_36, %dma_start3A_49] : memref<2x2500x128xi32, #tpu.memory_space<hbm>> -> memref<1x156x128xi32, #tpu.memory_space<hbm>>
        %dma_start3A_51 = tpu.memref_squeeze %dma_start3A_50 : memref<1x156x128xi32, #tpu.memory_space<hbm>> -> memref<156x128xi32, #tpu.memory_space<hbm>>
        tpu.enqueue_dma source(%dma_start3A_51 : memref<156x128xi32, #tpu.memory_space<hbm>>) target(%dma_start3A_48 : memref<156x128xi32, #tpu.memory_space<vmem>>) target_semaphore(%run_scoped3A_40 : memref<!tpu.dma_semaphore, #tpu.memory_space<semaphore_mem>>)
        %dma_wait3A = arith.constant 0 : i32
        %dma_wait3A_52 = arith.constant 0 : i32
        %dma_wait3A_53 = tpu.memref_slice %arg6[%dma_wait3A, %dma_wait3A_52] : memref<160x128xi32, #tpu.memory_space<vmem>> -> memref<156x128xi32, #tpu.memory_space<vmem>>
        %dma_wait3A_54 = arith.constant 0 : i32
        %dma_wait3A_55 = tpu.memref_slice %arg4[%run_scoped3A, %mul3A_36, %dma_wait3A_54] : memref<2x2500x128xi32, #tpu.memory_space<hbm>> -> memref<1x156x128xi32, #tpu.memory_space<hbm>>
        %dma_wait3A_56 = tpu.memref_squeeze %dma_wait3A_55 : memref<1x156x128xi32, #tpu.memory_space<hbm>> -> memref<156x128xi32, #tpu.memory_space<hbm>>
        %dma_wait3A_57 = arith.constant 0 : i32
        %dma_wait3A_58 = arith.constant 0 : i32
        %dma_wait3A_59 = tpu.memref_slice %arg6[%dma_wait3A_57, %dma_wait3A_58] : memref<160x128xi32, #tpu.memory_space<vmem>> -> memref<156x128xi32, #tpu.memory_space<vmem>>
        %dma_wait3A_60 = arith.constant 0 : i32
        %dma_wait3A_61 = tpu.memref_slice %arg4[%run_scoped3A, %mul3A_36, %dma_wait3A_60] : memref<2x2500x128xi32, #tpu.memory_space<hbm>> -> memref<1x156x128xi32, #tpu.memory_space<hbm>>
        %dma_wait3A_62 = tpu.memref_squeeze %dma_wait3A_61 : memref<1x156x128xi32, #tpu.memory_space<hbm>> -> memref<156x128xi32, #tpu.memory_space<hbm>>
        tpu.wait_dma2 semaphore(%run_scoped3A_40 : memref<!tpu.dma_semaphore, #tpu.memory_space<semaphore_mem>>) src(%dma_wait3A_62 : memref<156x128xi32, #tpu.memory_space<hbm>>) dst(%dma_wait3A_59 : memref<156x128xi32, #tpu.memory_space<vmem>>)
        tpu.yield
      }) : () -> ()
      %mul3A_37 = arith.constant 156 : i32
      %mul3A_38 = arith.muli %arg1, %mul3A_37 : i32
      %run_scoped3A_39 = arith.constant 1 : i32
      "tpu.region"() ({
        %run_scoped3A_40 = tpu.sem_alloc : memref<!tpu.dma_semaphore, #tpu.memory_space<semaphore_mem>>
        %dma_start3A = arith.constant 0 : i32
        %dma_start3A_41 = arith.constant 0 : i32
        %dma_start3A_42 = tpu.memref_slice %arg7[%dma_start3A, %dma_start3A_41] : memref<160x128xi32, #tpu.memory_space<vmem>> -> memref<156x128xi32, #tpu.memory_space<vmem>>
        %dma_start3A_43 = arith.constant 0 : i32
        %dma_start3A_44 = tpu.memref_slice %arg4[%run_scoped3A_39, %mul3A_38, %dma_start3A_43] : memref<2x2500x128xi32, #tpu.memory_space<hbm>> -> memref<1x156x128xi32, #tpu.memory_space<hbm>>
        %dma_start3A_45 = tpu.memref_squeeze %dma_start3A_44 : memref<1x156x128xi32, #tpu.memory_space<hbm>> -> memref<156x128xi32, #tpu.memory_space<hbm>>
        %dma_start3A_46 = arith.constant 0 : i32
        %dma_start3A_47 = arith.constant 0 : i32
        %dma_start3A_48 = tpu.memref_slice %arg7[%dma_start3A_46, %dma_start3A_47] : memref<160x128xi32, #tpu.memory_space<vmem>> -> memref<156x128xi32, #tpu.memory_space<vmem>>
        %dma_start3A_49 = arith.constant 0 : i32
        %dma_start3A_50 = tpu.memref_slice %arg4[%run_scoped3A_39, %mul3A_38, %dma_start3A_49] : memref<2x2500x128xi32, #tpu.memory_space<hbm>> -> memref<1x156x128xi32, #tpu.memory_space<hbm>>
        %dma_start3A_51 = tpu.memref_squeeze %dma_start3A_50 : memref<1x156x128xi32, #tpu.memory_space<hbm>> -> memref<156x128xi32, #tpu.memory_space<hbm>>
        tpu.enqueue_dma source(%dma_start3A_51 : memref<156x128xi32, #tpu.memory_space<hbm>>) target(%dma_start3A_48 : memref<156x128xi32, #tpu.memory_space<vmem>>) target_semaphore(%run_scoped3A_40 : memref<!tpu.dma_semaphore, #tpu.memory_space<semaphore_mem>>)
        %dma_wait3A = arith.constant 0 : i32
        %dma_wait3A_52 = arith.constant 0 : i32
        %dma_wait3A_53 = tpu.memref_slice %arg7[%dma_wait3A, %dma_wait3A_52] : memref<160x128xi32, #tpu.memory_space<vmem>> -> memref<156x128xi32, #tpu.memory_space<vmem>>
        %dma_wait3A_54 = arith.constant 0 : i32
        %dma_wait3A_55 = tpu.memref_slice %arg4[%run_scoped3A_39, %mul3A_38, %dma_wait3A_54] : memref<2x2500x128xi32, #tpu.memory_space<hbm>> -> memref<1x156x128xi32, #tpu.memory_space<hbm>>
        %dma_wait3A_56 = tpu.memref_squeeze %dma_wait3A_55 : memref<1x156x128xi32, #tpu.memory_space<hbm>> -> memref<156x128xi32, #tpu.memory_space<hbm>>
        %dma_wait3A_57 = arith.constant 0 : i32
        %dma_wait3A_58 = arith.constant 0 : i32
        %dma_wait3A_59 = tpu.memref_slice %arg7[%dma_wait3A_57, %dma_wait3A_58] : memref<160x128xi32, #tpu.memory_space<vmem>> -> memref<156x128xi32, #tpu.memory_space<vmem>>
        %dma_wait3A_60 = arith.constant 0 : i32
        %dma_wait3A_61 = tpu.memref_slice %arg4[%run_scoped3A_39, %mul3A_38, %dma_wait3A_60] : memref<2x2500x128xi32, #tpu.memory_space<hbm>> -> memref<1x156x128xi32, #tpu.memory_space<hbm>>
        %dma_wait3A_62 = tpu.memref_squeeze %dma_wait3A_61 : memref<1x156x128xi32, #tpu.memory_space<hbm>> -> memref<156x128xi32, #tpu.memory_space<hbm>>
        tpu.wait_dma2 semaphore(%run_scoped3A_40 : memref<!tpu.dma_semaphore, #tpu.memory_space<semaphore_mem>>) src(%dma_wait3A_62 : memref<156x128xi32, #tpu.memory_space<hbm>>) dst(%dma_wait3A_59 : memref<156x128xi32, #tpu.memory_space<vmem>>)
        tpu.yield
      }) : () -> ()
    } else {
    }
    %eq3A = arith.constant 15 : i32
    %eq3A_3 = arith.cmpi eq, %arg1, %eq3A : i32
    %convert_element_type3A_4 = arith.extui %eq3A_3 : i1 to i32
    %cond3A_5 = arith.constant 0 : i32
    %cond3A_6 = arith.cmpi ne, %convert_element_type3A_4, %cond3A_5 : i32
    scf.if %cond3A_6 {
      %mul3A_35 = arith.constant 156 : i32
      %mul3A_36 = arith.muli %arg1, %mul3A_35 : i32
      %run_scoped3A = arith.constant 0 : i32
      "tpu.region"() ({
        %run_scoped3A_40 = tpu.sem_alloc : memref<!tpu.dma_semaphore, #tpu.memory_space<semaphore_mem>>
        %dma_start3A = arith.constant 0 : i32
        %dma_start3A_41 = arith.constant 0 : i32
        %dma_start3A_42 = tpu.memref_slice %arg6[%dma_start3A, %dma_start3A_41] : memref<160x128xi32, #tpu.memory_space<vmem>> -> memref<160x128xi32, #tpu.memory_space<vmem>>
        %dma_start3A_43 = arith.constant 0 : i32
        %dma_start3A_44 = tpu.memref_slice %arg4[%run_scoped3A, %mul3A_36, %dma_start3A_43] : memref<2x2500x128xi32, #tpu.memory_space<hbm>> -> memref<1x160x128xi32, #tpu.memory_space<hbm>>
        %dma_start3A_45 = tpu.memref_squeeze %dma_start3A_44 : memref<1x160x128xi32, #tpu.memory_space<hbm>> -> memref<160x128xi32, #tpu.memory_space<hbm>>
        %dma_start3A_46 = arith.constant 0 : i32
        %dma_start3A_47 = arith.constant 0 : i32
        %dma_start3A_48 = tpu.memref_slice %arg6[%dma_start3A_46, %dma_start3A_47] : memref<160x128xi32, #tpu.memory_space<vmem>> -> memref<160x128xi32, #tpu.memory_space<vmem>>
        %dma_start3A_49 = arith.constant 0 : i32
        %dma_start3A_50 = tpu.memref_slice %arg4[%run_scoped3A, %mul3A_36, %dma_start3A_49] : memref<2x2500x128xi32, #tpu.memory_space<hbm>> -> memref<1x160x128xi32, #tpu.memory_space<hbm>>
        %dma_start3A_51 = tpu.memref_squeeze %dma_start3A_50 : memref<1x160x128xi32, #tpu.memory_space<hbm>> -> memref<160x128xi32, #tpu.memory_space<hbm>>
        tpu.enqueue_dma source(%dma_start3A_51 : memref<160x128xi32, #tpu.memory_space<hbm>>) target(%dma_start3A_48 : memref<160x128xi32, #tpu.memory_space<vmem>>) target_semaphore(%run_scoped3A_40 : memref<!tpu.dma_semaphore, #tpu.memory_space<semaphore_mem>>)
        %dma_wait3A = arith.constant 0 : i32
        %dma_wait3A_52 = arith.constant 0 : i32
        %dma_wait3A_53 = tpu.memref_slice %arg6[%dma_wait3A, %dma_wait3A_52] : memref<160x128xi32, #tpu.memory_space<vmem>> -> memref<160x128xi32, #tpu.memory_space<vmem>>
        %dma_wait3A_54 = arith.constant 0 : i32
        %dma_wait3A_55 = tpu.memref_slice %arg4[%run_scoped3A, %mul3A_36, %dma_wait3A_54] : memref<2x2500x128xi32, #tpu.memory_space<hbm>> -> memref<1x160x128xi32, #tpu.memory_space<hbm>>
        %dma_wait3A_56 = tpu.memref_squeeze %dma_wait3A_55 : memref<1x160x128xi32, #tpu.memory_space<hbm>> -> memref<160x128xi32, #tpu.memory_space<hbm>>
        %dma_wait3A_57 = arith.constant 0 : i32
        %dma_wait3A_58 = arith.constant 0 : i32
        %dma_wait3A_59 = tpu.memref_slice %arg6[%dma_wait3A_57, %dma_wait3A_58] : memref<160x128xi32, #tpu.memory_space<vmem>> -> memref<160x128xi32, #tpu.memory_space<vmem>>
        %dma_wait3A_60 = arith.constant 0 : i32
        %dma_wait3A_61 = tpu.memref_slice %arg4[%run_scoped3A, %mul3A_36, %dma_wait3A_60] : memref<2x2500x128xi32, #tpu.memory_space<hbm>> -> memref<1x160x128xi32, #tpu.memory_space<hbm>>
        %dma_wait3A_62 = tpu.memref_squeeze %dma_wait3A_61 : memref<1x160x128xi32, #tpu.memory_space<hbm>> -> memref<160x128xi32, #tpu.memory_space<hbm>>
        tpu.wait_dma2 semaphore(%run_scoped3A_40 : memref<!tpu.dma_semaphore, #tpu.memory_space<semaphore_mem>>) src(%dma_wait3A_62 : memref<160x128xi32, #tpu.memory_space<hbm>>) dst(%dma_wait3A_59 : memref<160x128xi32, #tpu.memory_space<vmem>>)
        tpu.yield
      }) : () -> ()
      %mul3A_37 = arith.constant 156 : i32
      %mul3A_38 = arith.muli %arg1, %mul3A_37 : i32
      %run_scoped3A_39 = arith.constant 1 : i32
      "tpu.region"() ({
        %run_scoped3A_40 = tpu.sem_alloc : memref<!tpu.dma_semaphore, #tpu.memory_space<semaphore_mem>>
        %dma_start3A = arith.constant 0 : i32
        %dma_start3A_41 = arith.constant 0 : i32
        %dma_start3A_42 = tpu.memref_slice %arg7[%dma_start3A, %dma_start3A_41] : memref<160x128xi32, #tpu.memory_space<vmem>> -> memref<160x128xi32, #tpu.memory_space<vmem>>
        %dma_start3A_43 = arith.constant 0 : i32
        %dma_start3A_44 = tpu.memref_slice %arg4[%run_scoped3A_39, %mul3A_38, %dma_start3A_43] : memref<2x2500x128xi32, #tpu.memory_space<hbm>> -> memref<1x160x128xi32, #tpu.memory_space<hbm>>
        %dma_start3A_45 = tpu.memref_squeeze %dma_start3A_44 : memref<1x160x128xi32, #tpu.memory_space<hbm>> -> memref<160x128xi32, #tpu.memory_space<hbm>>
        %dma_start3A_46 = arith.constant 0 : i32
        %dma_start3A_47 = arith.constant 0 : i32
        %dma_start3A_48 = tpu.memref_slice %arg7[%dma_start3A_46, %dma_start3A_47] : memref<160x128xi32, #tpu.memory_space<vmem>> -> memref<160x128xi32, #tpu.memory_space<vmem>>
        %dma_start3A_49 = arith.constant 0 : i32
        %dma_start3A_50 = tpu.memref_slice %arg4[%run_scoped3A_39, %mul3A_38, %dma_start3A_49] : memref<2x2500x128xi32, #tpu.memory_space<hbm>> -> memref<1x160x128xi32, #tpu.memory_space<hbm>>
        %dma_start3A_51 = tpu.memref_squeeze %dma_start3A_50 : memref<1x160x128xi32, #tpu.memory_space<hbm>> -> memref<160x128xi32, #tpu.memory_space<hbm>>
        tpu.enqueue_dma source(%dma_start3A_51 : memref<160x128xi32, #tpu.memory_space<hbm>>) target(%dma_start3A_48 : memref<160x128xi32, #tpu.memory_space<vmem>>) target_semaphore(%run_scoped3A_40 : memref<!tpu.dma_semaphore, #tpu.memory_space<semaphore_mem>>)
        %dma_wait3A = arith.constant 0 : i32
        %dma_wait3A_52 = arith.constant 0 : i32
        %dma_wait3A_53 = tpu.memref_slice %arg7[%dma_wait3A, %dma_wait3A_52] : memref<160x128xi32, #tpu.memory_space<vmem>> -> memref<160x128xi32, #tpu.memory_space<vmem>>
        %dma_wait3A_54 = arith.constant 0 : i32
        %dma_wait3A_55 = tpu.memref_slice %arg4[%run_scoped3A_39, %mul3A_38, %dma_wait3A_54] : memref<2x2500x128xi32, #tpu.memory_space<hbm>> -> memref<1x160x128xi32, #tpu.memory_space<hbm>>
        %dma_wait3A_56 = tpu.memref_squeeze %dma_wait3A_55 : memref<1x160x128xi32, #tpu.memory_space<hbm>> -> memref<160x128xi32, #tpu.memory_space<hbm>>
        %dma_wait3A_57 = arith.constant 0 : i32
        %dma_wait3A_58 = arith.constant 0 : i32
        %dma_wait3A_59 = tpu.memref_slice %arg7[%dma_wait3A_57, %dma_wait3A_58] : memref<160x128xi32, #tpu.memory_space<vmem>> -> memref<160x128xi32, #tpu.memory_space<vmem>>
        %dma_wait3A_60 = arith.constant 0 : i32
        %dma_wait3A_61 = tpu.memref_slice %arg4[%run_scoped3A_39, %mul3A_38, %dma_wait3A_60] : memref<2x2500x128xi32, #tpu.memory_space<hbm>> -> memref<1x160x128xi32, #tpu.memory_space<hbm>>
        %dma_wait3A_62 = tpu.memref_squeeze %dma_wait3A_61 : memref<1x160x128xi32, #tpu.memory_space<hbm>> -> memref<160x128xi32, #tpu.memory_space<hbm>>
        tpu.wait_dma2 semaphore(%run_scoped3A_40 : memref<!tpu.dma_semaphore, #tpu.memory_space<semaphore_mem>>) src(%dma_wait3A_62 : memref<160x128xi32, #tpu.memory_space<hbm>>) dst(%dma_wait3A_59 : memref<160x128xi32, #tpu.memory_space<vmem>>)
        tpu.yield
      }) : () -> ()
    } else {
    }
    %barrier3A = arith.constant 0 : index
    tpu.barrier barrier_id(%barrier3A)
    %lt3A_7 = arith.constant 15 : i32
    %lt3A_8 = arith.cmpi slt, %arg1, %lt3A_7 : i32
    %convert_element_type3A_9 = arith.extui %lt3A_8 : i1 to i32
    %cond3A_10 = arith.constant 0 : i32
    %cond3A_11 = arith.cmpi ne, %convert_element_type3A_9, %cond3A_10 : i32
    scf.if %cond3A_11 {
      %dma_start3A = arith.constant 0 : i32
      %dma_start3A_35 = arith.constant 0 : i32
      %dma_start3A_36 = tpu.memref_slice %arg6[%dma_start3A, %dma_start3A_35] : memref<160x128xi32, #tpu.memory_space<vmem>> -> memref<1x128xi32, #tpu.memory_space<vmem>>
      %dma_start3A_37 = tpu.memref_squeeze %dma_start3A_36 : memref<1x128xi32, #tpu.memory_space<vmem>> -> memref<128xi32, #tpu.memory_space<vmem>>
      %dma_start3A_38 = arith.constant 0 : i32
      %dma_start3A_39 = arith.constant 0 : i32
      %dma_start3A_40 = tpu.memref_slice %arg2[%arg0, %dma_start3A_38, %dma_start3A_39] : memref<2x10240x32xbf16, #tpu.memory_space<hbm>> -> memref<1x10240x32xbf16, #tpu.memory_space<hbm>>
      %dma_start3A_41 = tpu.memref_squeeze %dma_start3A_40 : memref<1x10240x32xbf16, #tpu.memory_space<hbm>> -> memref<10240x32xbf16, #tpu.memory_space<hbm>>
      %dma_start3A_42 = arith.constant 0 : i32
      %dma_start3A_43 = arith.constant 0 : i32
      %dma_start3A_44 = tpu.memref_slice %dma_start3A_41[%dma_start3A_42, %dma_start3A_43] : memref<10240x32xbf16, #tpu.memory_space<hbm>> -> memref<10240x32xbf16, #tpu.memory_space<hbm>>
      tpu.enqueue_indirect_dma source(%dma_start3A_44 : memref<10240x32xbf16, #tpu.memory_space<hbm>>) target(%arg8 : memref<128x32xbf16, #tpu.memory_space<vmem>>) offsets(%dma_start3A_37 : memref<128xi32, #tpu.memory_space<vmem>>) semaphore(%arg14 : memref<!tpu.dma_semaphore, #tpu.memory_space<semaphore_mem>>)
      %dma_start3A_45 = arith.constant 1 : i32
      %dma_start3A_46 = arith.constant 0 : i32
      %dma_start3A_47 = tpu.memref_slice %arg6[%dma_start3A_45, %dma_start3A_46] : memref<160x128xi32, #tpu.memory_space<vmem>> -> memref<1x128xi32, #tpu.memory_space<vmem>>
      %dma_start3A_48 = tpu.memref_squeeze %dma_start3A_47 : memref<1x128xi32, #tpu.memory_space<vmem>> -> memref<128xi32, #tpu.memory_space<vmem>>
      %dma_start3A_49 = arith.constant 0 : i32
      %dma_start3A_50 = arith.constant 0 : i32
      %dma_start3A_51 = tpu.memref_slice %arg2[%arg0, %dma_start3A_49, %dma_start3A_50] : memref<2x10240x32xbf16, #tpu.memory_space<hbm>> -> memref<1x10240x32xbf16, #tpu.memory_space<hbm>>
      %dma_start3A_52 = tpu.memref_squeeze %dma_start3A_51 : memref<1x10240x32xbf16, #tpu.memory_space<hbm>> -> memref<10240x32xbf16, #tpu.memory_space<hbm>>
      %dma_start3A_53 = arith.constant 0 : i32
      %dma_start3A_54 = arith.constant 0 : i32
      %dma_start3A_55 = tpu.memref_slice %dma_start3A_52[%dma_start3A_53, %dma_start3A_54] : memref<10240x32xbf16, #tpu.memory_space<hbm>> -> memref<10240x32xbf16, #tpu.memory_space<hbm>>
      tpu.enqueue_indirect_dma source(%dma_start3A_55 : memref<10240x32xbf16, #tpu.memory_space<hbm>>) target(%arg9 : memref<128x32xbf16, #tpu.memory_space<vmem>>) offsets(%dma_start3A_48 : memref<128xi32, #tpu.memory_space<vmem>>) semaphore(%arg15 : memref<!tpu.dma_semaphore, #tpu.memory_space<semaphore_mem>>)
      %scan3A_56 = arith.constant 0 : i32
      %scan3A_57 = arith.constant 0 : i32
      %scan3A_58 = arith.constant 77 : i32
      %scan3A_59 = arith.addi %scan3A_57, %scan3A_58 : i32
      %scan3A_60 = arith.constant 1 : i32
      scf.for %scan3A_84 = %scan3A_57 to %scan3A_59 step %scan3A_60  : i32 {
        %dma_wait3A_85 = arith.constant 0 : i32
        %dma_wait3A_86 = arith.constant 0 : i32
        %dma_wait3A_87 = tpu.memref_slice %arg6[%dma_wait3A_85, %dma_wait3A_86] : memref<160x128xi32, #tpu.memory_space<vmem>> -> memref<1x128xi32, #tpu.memory_space<vmem>>
        %dma_wait3A_88 = tpu.memref_squeeze %dma_wait3A_87 : memref<1x128xi32, #tpu.memory_space<vmem>> -> memref<128xi32, #tpu.memory_space<vmem>>
        %dma_wait3A_89 = arith.constant 0 : i32
        %dma_wait3A_90 = arith.constant 0 : i32
        %dma_wait3A_91 = tpu.memref_slice %arg2[%arg0, %dma_wait3A_89, %dma_wait3A_90] : memref<2x10240x32xbf16, #tpu.memory_space<hbm>> -> memref<1x10240x32xbf16, #tpu.memory_space<hbm>>
        %dma_wait3A_92 = tpu.memref_squeeze %dma_wait3A_91 : memref<1x10240x32xbf16, #tpu.memory_space<hbm>> -> memref<10240x32xbf16, #tpu.memory_space<hbm>>
        %dma_wait3A_93 = arith.constant 0 : i32
        %dma_wait3A_94 = arith.constant 0 : i32
        %dma_wait3A_95 = tpu.memref_slice %dma_wait3A_92[%dma_wait3A_93, %dma_wait3A_94] : memref<10240x32xbf16, #tpu.memory_space<hbm>> -> memref<10240x32xbf16, #tpu.memory_space<hbm>>
        tpu.wait_indirect_dma semaphore(%arg14 : memref<!tpu.dma_semaphore, #tpu.memory_space<semaphore_mem>>) src(%dma_wait3A_95 : memref<10240x32xbf16, #tpu.memory_space<hbm>>) dst(%arg8 : memref<128x32xbf16, #tpu.memory_space<vmem>>)
        %mul3A_96 = arith.constant 2 : i32
        %mul3A_97 = arith.muli %mul3A_96, %scan3A_84 : i32
        "tpu.region"() ({
          %run_scoped3A_140 = tpu.sem_alloc : memref<!tpu.dma_semaphore, #tpu.memory_space<semaphore_mem>>
          %dma_start3A_141 = arith.constant 0 : i32
          %dma_start3A_142 = tpu.memref_slice %arg7[%mul3A_97, %dma_start3A_141] : memref<160x128xi32, #tpu.memory_space<vmem>> -> memref<1x128xi32, #tpu.memory_space<vmem>>
          %dma_start3A_143 = tpu.memref_squeeze %dma_start3A_142 : memref<1x128xi32, #tpu.memory_space<vmem>> -> memref<128xi32, #tpu.memory_space<vmem>>
          %dma_start3A_144 = arith.constant 0 : i32
          %dma_start3A_145 = arith.constant 0 : i32
          %dma_start3A_146 = tpu.memref_slice %arg12[%dma_start3A_144, %dma_start3A_145] : memref<10240x32xbf16, #tpu.memory_space<vmem_shared>> -> memref<10240x32xbf16, #tpu.memory_space<vmem_shared>>
          tpu.enqueue_indirect_dma source(%arg8 : memref<128x32xbf16, #tpu.memory_space<vmem>>) target(%dma_start3A_146 : memref<10240x32xbf16, #tpu.memory_space<vmem_shared>>) offsets(%dma_start3A_143 : memref<128xi32, #tpu.memory_space<vmem>>) semaphore(%run_scoped3A_140 : memref<!tpu.dma_semaphore, #tpu.memory_space<semaphore_mem>>) {add = true}
          %dma_wait3A_147 = arith.constant 0 : i32
          %dma_wait3A_148 = tpu.memref_slice %arg7[%mul3A_97, %dma_wait3A_147] : memref<160x128xi32, #tpu.memory_space<vmem>> -> memref<1x128xi32, #tpu.memory_space<vmem>>
          %dma_wait3A_149 = tpu.memref_squeeze %dma_wait3A_148 : memref<1x128xi32, #tpu.memory_space<vmem>> -> memref<128xi32, #tpu.memory_space<vmem>>
          %dma_wait3A_150 = arith.constant 0 : i32
          %dma_wait3A_151 = arith.constant 0 : i32
          %dma_wait3A_152 = tpu.memref_slice %arg12[%dma_wait3A_150, %dma_wait3A_151] : memref<10240x32xbf16, #tpu.memory_space<vmem_shared>> -> memref<10240x32xbf16, #tpu.memory_space<vmem_shared>>
          tpu.wait_indirect_dma semaphore(%run_scoped3A_140 : memref<!tpu.dma_semaphore, #tpu.memory_space<semaphore_mem>>) src(%arg8 : memref<128x32xbf16, #tpu.memory_space<vmem>>) dst(%dma_wait3A_152 : memref<10240x32xbf16, #tpu.memory_space<vmem_shared>>)
          tpu.yield
        }) : () -> ()
        %mul3A_98 = arith.constant 2 : i32
        %mul3A_99 = arith.muli %mul3A_98, %scan3A_84 : i32
        %add3A = arith.constant 2 : i32
        %add3A_100 = arith.addi %mul3A_99, %add3A : i32
        %dma_start3A_101 = arith.constant 0 : i32
        %dma_start3A_102 = tpu.memref_slice %arg6[%add3A_100, %dma_start3A_101] : memref<160x128xi32, #tpu.memory_space<vmem>> -> memref<1x128xi32, #tpu.memory_space<vmem>>
        %dma_start3A_103 = tpu.memref_squeeze %dma_start3A_102 : memref<1x128xi32, #tpu.memory_space<vmem>> -> memref<128xi32, #tpu.memory_space<vmem>>
        %dma_start3A_104 = arith.constant 0 : i32
        %dma_start3A_105 = arith.constant 0 : i32
        %dma_start3A_106 = tpu.memref_slice %arg2[%arg0, %dma_start3A_104, %dma_start3A_105] : memref<2x10240x32xbf16, #tpu.memory_space<hbm>> -> memref<1x10240x32xbf16, #tpu.memory_space<hbm>>
        %dma_start3A_107 = tpu.memref_squeeze %dma_start3A_106 : memref<1x10240x32xbf16, #tpu.memory_space<hbm>> -> memref<10240x32xbf16, #tpu.memory_space<hbm>>
        %dma_start3A_108 = arith.constant 0 : i32
        %dma_start3A_109 = arith.constant 0 : i32
        %dma_start3A_110 = tpu.memref_slice %dma_start3A_107[%dma_start3A_108, %dma_start3A_109] : memref<10240x32xbf16, #tpu.memory_space<hbm>> -> memref<10240x32xbf16, #tpu.memory_space<hbm>>
        tpu.enqueue_indirect_dma source(%dma_start3A_110 : memref<10240x32xbf16, #tpu.memory_space<hbm>>) target(%arg8 : memref<128x32xbf16, #tpu.memory_space<vmem>>) offsets(%dma_start3A_103 : memref<128xi32, #tpu.memory_space<vmem>>) semaphore(%arg14 : memref<!tpu.dma_semaphore, #tpu.memory_space<semaphore_mem>>)
        %dma_wait3A_111 = arith.constant 1 : i32
        %dma_wait3A_112 = arith.constant 0 : i32
        %dma_wait3A_113 = tpu.memref_slice %arg6[%dma_wait3A_111, %dma_wait3A_112] : memref<160x128xi32, #tpu.memory_space<vmem>> -> memref<1x128xi32, #tpu.memory_space<vmem>>
        %dma_wait3A_114 = tpu.memref_squeeze %dma_wait3A_113 : memref<1x128xi32, #tpu.memory_space<vmem>> -> memref<128xi32, #tpu.memory_space<vmem>>
        %dma_wait3A_115 = arith.constant 0 : i32
        %dma_wait3A_116 = arith.constant 0 : i32
        %dma_wait3A_117 = tpu.memref_slice %arg2[%arg0, %dma_wait3A_115, %dma_wait3A_116] : memref<2x10240x32xbf16, #tpu.memory_space<hbm>> -> memref<1x10240x32xbf16, #tpu.memory_space<hbm>>
        %dma_wait3A_118 = tpu.memref_squeeze %dma_wait3A_117 : memref<1x10240x32xbf16, #tpu.memory_space<hbm>> -> memref<10240x32xbf16, #tpu.memory_space<hbm>>
        %dma_wait3A_119 = arith.constant 0 : i32
        %dma_wait3A_120 = arith.constant 0 : i32
        %dma_wait3A_121 = tpu.memref_slice %dma_wait3A_118[%dma_wait3A_119, %dma_wait3A_120] : memref<10240x32xbf16, #tpu.memory_space<hbm>> -> memref<10240x32xbf16, #tpu.memory_space<hbm>>
        tpu.wait_indirect_dma semaphore(%arg15 : memref<!tpu.dma_semaphore, #tpu.memory_space<semaphore_mem>>) src(%dma_wait3A_121 : memref<10240x32xbf16, #tpu.memory_space<hbm>>) dst(%arg9 : memref<128x32xbf16, #tpu.memory_space<vmem>>)
        %mul3A_122 = arith.constant 2 : i32
        %mul3A_123 = arith.muli %mul3A_122, %scan3A_84 : i32
        %add3A_124 = arith.constant 1 : i32
        %add3A_125 = arith.addi %mul3A_123, %add3A_124 : i32
        "tpu.region"() ({
          %run_scoped3A_140 = tpu.sem_alloc : memref<!tpu.dma_semaphore, #tpu.memory_space<semaphore_mem>>
          %dma_start3A_141 = arith.constant 0 : i32
          %dma_start3A_142 = tpu.memref_slice %arg7[%add3A_125, %dma_start3A_141] : memref<160x128xi32, #tpu.memory_space<vmem>> -> memref<1x128xi32, #tpu.memory_space<vmem>>
          %dma_start3A_143 = tpu.memref_squeeze %dma_start3A_142 : memref<1x128xi32, #tpu.memory_space<vmem>> -> memref<128xi32, #tpu.memory_space<vmem>>
          %dma_start3A_144 = arith.constant 0 : i32
          %dma_start3A_145 = arith.constant 0 : i32
          %dma_start3A_146 = tpu.memref_slice %arg12[%dma_start3A_144, %dma_start3A_145] : memref<10240x32xbf16, #tpu.memory_space<vmem_shared>> -> memref<10240x32xbf16, #tpu.memory_space<vmem_shared>>
          tpu.enqueue_indirect_dma source(%arg9 : memref<128x32xbf16, #tpu.memory_space<vmem>>) target(%dma_start3A_146 : memref<10240x32xbf16, #tpu.memory_space<vmem_shared>>) offsets(%dma_start3A_143 : memref<128xi32, #tpu.memory_space<vmem>>) semaphore(%run_scoped3A_140 : memref<!tpu.dma_semaphore, #tpu.memory_space<semaphore_mem>>) {add = true}
          %dma_wait3A_147 = arith.constant 0 : i32
          %dma_wait3A_148 = tpu.memref_slice %arg7[%add3A_125, %dma_wait3A_147] : memref<160x128xi32, #tpu.memory_space<vmem>> -> memref<1x128xi32, #tpu.memory_space<vmem>>
          %dma_wait3A_149 = tpu.memref_squeeze %dma_wait3A_148 : memref<1x128xi32, #tpu.memory_space<vmem>> -> memref<128xi32, #tpu.memory_space<vmem>>
          %dma_wait3A_150 = arith.constant 0 : i32
          %dma_wait3A_151 = arith.constant 0 : i32
          %dma_wait3A_152 = tpu.memref_slice %arg12[%dma_wait3A_150, %dma_wait3A_151] : memref<10240x32xbf16, #tpu.memory_space<vmem_shared>> -> memref<10240x32xbf16, #tpu.memory_space<vmem_shared>>
          tpu.wait_indirect_dma semaphore(%run_scoped3A_140 : memref<!tpu.dma_semaphore, #tpu.memory_space<semaphore_mem>>) src(%arg9 : memref<128x32xbf16, #tpu.memory_space<vmem>>) dst(%dma_wait3A_152 : memref<10240x32xbf16, #tpu.memory_space<vmem_shared>>)
          tpu.yield
        }) : () -> ()
        %mul3A_126 = arith.constant 2 : i32
        %mul3A_127 = arith.muli %mul3A_126, %scan3A_84 : i32
        %add3A_128 = arith.constant 3 : i32
        %add3A_129 = arith.addi %mul3A_127, %add3A_128 : i32
        %dma_start3A_130 = arith.constant 0 : i32
        %dma_start3A_131 = tpu.memref_slice %arg6[%add3A_129, %dma_start3A_130] : memref<160x128xi32, #tpu.memory_space<vmem>> -> memref<1x128xi32, #tpu.memory_space<vmem>>
        %dma_start3A_132 = tpu.memref_squeeze %dma_start3A_131 : memref<1x128xi32, #tpu.memory_space<vmem>> -> memref<128xi32, #tpu.memory_space<vmem>>
        %dma_start3A_133 = arith.constant 0 : i32
        %dma_start3A_134 = arith.constant 0 : i32
        %dma_start3A_135 = tpu.memref_slice %arg2[%arg0, %dma_start3A_133, %dma_start3A_134] : memref<2x10240x32xbf16, #tpu.memory_space<hbm>> -> memref<1x10240x32xbf16, #tpu.memory_space<hbm>>
        %dma_start3A_136 = tpu.memref_squeeze %dma_start3A_135 : memref<1x10240x32xbf16, #tpu.memory_space<hbm>> -> memref<10240x32xbf16, #tpu.memory_space<hbm>>
        %dma_start3A_137 = arith.constant 0 : i32
        %dma_start3A_138 = arith.constant 0 : i32
        %dma_start3A_139 = tpu.memref_slice %dma_start3A_136[%dma_start3A_137, %dma_start3A_138] : memref<10240x32xbf16, #tpu.memory_space<hbm>> -> memref<10240x32xbf16, #tpu.memory_space<hbm>>
        tpu.enqueue_indirect_dma source(%dma_start3A_139 : memref<10240x32xbf16, #tpu.memory_space<hbm>>) target(%arg9 : memref<128x32xbf16, #tpu.memory_space<vmem>>) offsets(%dma_start3A_132 : memref<128xi32, #tpu.memory_space<vmem>>) semaphore(%arg15 : memref<!tpu.dma_semaphore, #tpu.memory_space<semaphore_mem>>)
      }
      %scan3A_61 = arith.constant 77 : i32
      %dma_wait3A = arith.constant 0 : i32
      %dma_wait3A_62 = arith.constant 0 : i32
      %dma_wait3A_63 = tpu.memref_slice %arg6[%dma_wait3A, %dma_wait3A_62] : memref<160x128xi32, #tpu.memory_space<vmem>> -> memref<1x128xi32, #tpu.memory_space<vmem>>
      %dma_wait3A_64 = tpu.memref_squeeze %dma_wait3A_63 : memref<1x128xi32, #tpu.memory_space<vmem>> -> memref<128xi32, #tpu.memory_space<vmem>>
      %dma_wait3A_65 = arith.constant 0 : i32
      %dma_wait3A_66 = arith.constant 0 : i32
      %dma_wait3A_67 = tpu.memref_slice %arg2[%arg0, %dma_wait3A_65, %dma_wait3A_66] : memref<2x10240x32xbf16, #tpu.memory_space<hbm>> -> memref<1x10240x32xbf16, #tpu.memory_space<hbm>>
      %dma_wait3A_68 = tpu.memref_squeeze %dma_wait3A_67 : memref<1x10240x32xbf16, #tpu.memory_space<hbm>> -> memref<10240x32xbf16, #tpu.memory_space<hbm>>
      %dma_wait3A_69 = arith.constant 0 : i32
      %dma_wait3A_70 = arith.constant 0 : i32
      %dma_wait3A_71 = tpu.memref_slice %dma_wait3A_68[%dma_wait3A_69, %dma_wait3A_70] : memref<10240x32xbf16, #tpu.memory_space<hbm>> -> memref<10240x32xbf16, #tpu.memory_space<hbm>>
      tpu.wait_indirect_dma semaphore(%arg14 : memref<!tpu.dma_semaphore, #tpu.memory_space<semaphore_mem>>) src(%dma_wait3A_71 : memref<10240x32xbf16, #tpu.memory_space<hbm>>) dst(%arg8 : memref<128x32xbf16, #tpu.memory_space<vmem>>)
      %run_scoped3A = arith.constant 154 : i32
      "tpu.region"() ({
        %run_scoped3A_84 = tpu.sem_alloc : memref<!tpu.dma_semaphore, #tpu.memory_space<semaphore_mem>>
        %dma_start3A_85 = arith.constant 0 : i32
        %dma_start3A_86 = tpu.memref_slice %arg7[%run_scoped3A, %dma_start3A_85] : memref<160x128xi32, #tpu.memory_space<vmem>> -> memref<1x128xi32, #tpu.memory_space<vmem>>
        %dma_start3A_87 = tpu.memref_squeeze %dma_start3A_86 : memref<1x128xi32, #tpu.memory_space<vmem>> -> memref<128xi32, #tpu.memory_space<vmem>>
        %dma_start3A_88 = arith.constant 0 : i32
        %dma_start3A_89 = arith.constant 0 : i32
        %dma_start3A_90 = tpu.memref_slice %arg12[%dma_start3A_88, %dma_start3A_89] : memref<10240x32xbf16, #tpu.memory_space<vmem_shared>> -> memref<10240x32xbf16, #tpu.memory_space<vmem_shared>>
        tpu.enqueue_indirect_dma source(%arg8 : memref<128x32xbf16, #tpu.memory_space<vmem>>) target(%dma_start3A_90 : memref<10240x32xbf16, #tpu.memory_space<vmem_shared>>) offsets(%dma_start3A_87 : memref<128xi32, #tpu.memory_space<vmem>>) semaphore(%run_scoped3A_84 : memref<!tpu.dma_semaphore, #tpu.memory_space<semaphore_mem>>) {add = true}
        %dma_wait3A_91 = arith.constant 0 : i32
        %dma_wait3A_92 = tpu.memref_slice %arg7[%run_scoped3A, %dma_wait3A_91] : memref<160x128xi32, #tpu.memory_space<vmem>> -> memref<1x128xi32, #tpu.memory_space<vmem>>
        %dma_wait3A_93 = tpu.memref_squeeze %dma_wait3A_92 : memref<1x128xi32, #tpu.memory_space<vmem>> -> memref<128xi32, #tpu.memory_space<vmem>>
        %dma_wait3A_94 = arith.constant 0 : i32
        %dma_wait3A_95 = arith.constant 0 : i32
        %dma_wait3A_96 = tpu.memref_slice %arg12[%dma_wait3A_94, %dma_wait3A_95] : memref<10240x32xbf16, #tpu.memory_space<vmem_shared>> -> memref<10240x32xbf16, #tpu.memory_space<vmem_shared>>
        tpu.wait_indirect_dma semaphore(%run_scoped3A_84 : memref<!tpu.dma_semaphore, #tpu.memory_space<semaphore_mem>>) src(%arg8 : memref<128x32xbf16, #tpu.memory_space<vmem>>) dst(%dma_wait3A_96 : memref<10240x32xbf16, #tpu.memory_space<vmem_shared>>)
        tpu.yield
      }) : () -> ()
      %dma_wait3A_72 = arith.constant 1 : i32
      %dma_wait3A_73 = arith.constant 0 : i32
      %dma_wait3A_74 = tpu.memref_slice %arg6[%dma_wait3A_72, %dma_wait3A_73] : memref<160x128xi32, #tpu.memory_space<vmem>> -> memref<1x128xi32, #tpu.memory_space<vmem>>
      %dma_wait3A_75 = tpu.memref_squeeze %dma_wait3A_74 : memref<1x128xi32, #tpu.memory_space<vmem>> -> memref<128xi32, #tpu.memory_space<vmem>>
      %dma_wait3A_76 = arith.constant 0 : i32
      %dma_wait3A_77 = arith.constant 0 : i32
      %dma_wait3A_78 = tpu.memref_slice %arg2[%arg0, %dma_wait3A_76, %dma_wait3A_77] : memref<2x10240x32xbf16, #tpu.memory_space<hbm>> -> memref<1x10240x32xbf16, #tpu.memory_space<hbm>>
      %dma_wait3A_79 = tpu.memref_squeeze %dma_wait3A_78 : memref<1x10240x32xbf16, #tpu.memory_space<hbm>> -> memref<10240x32xbf16, #tpu.memory_space<hbm>>
      %dma_wait3A_80 = arith.constant 0 : i32
      %dma_wait3A_81 = arith.constant 0 : i32
      %dma_wait3A_82 = tpu.memref_slice %dma_wait3A_79[%dma_wait3A_80, %dma_wait3A_81] : memref<10240x32xbf16, #tpu.memory_space<hbm>> -> memref<10240x32xbf16, #tpu.memory_space<hbm>>
      tpu.wait_indirect_dma semaphore(%arg15 : memref<!tpu.dma_semaphore, #tpu.memory_space<semaphore_mem>>) src(%dma_wait3A_82 : memref<10240x32xbf16, #tpu.memory_space<hbm>>) dst(%arg9 : memref<128x32xbf16, #tpu.memory_space<vmem>>)
      %run_scoped3A_83 = arith.constant 155 : i32
      "tpu.region"() ({
        %run_scoped3A_84 = tpu.sem_alloc : memref<!tpu.dma_semaphore, #tpu.memory_space<semaphore_mem>>
        %dma_start3A_85 = arith.constant 0 : i32
        %dma_start3A_86 = tpu.memref_slice %arg7[%run_scoped3A_83, %dma_start3A_85] : memref<160x128xi32, #tpu.memory_space<vmem>> -> memref<1x128xi32, #tpu.memory_space<vmem>>
        %dma_start3A_87 = tpu.memref_squeeze %dma_start3A_86 : memref<1x128xi32, #tpu.memory_space<vmem>> -> memref<128xi32, #tpu.memory_space<vmem>>
        %dma_start3A_88 = arith.constant 0 : i32
        %dma_start3A_89 = arith.constant 0 : i32
        %dma_start3A_90 = tpu.memref_slice %arg12[%dma_start3A_88, %dma_start3A_89] : memref<10240x32xbf16, #tpu.memory_space<vmem_shared>> -> memref<10240x32xbf16, #tpu.memory_space<vmem_shared>>
        tpu.enqueue_indirect_dma source(%arg9 : memref<128x32xbf16, #tpu.memory_space<vmem>>) target(%dma_start3A_90 : memref<10240x32xbf16, #tpu.memory_space<vmem_shared>>) offsets(%dma_start3A_87 : memref<128xi32, #tpu.memory_space<vmem>>) semaphore(%run_scoped3A_84 : memref<!tpu.dma_semaphore, #tpu.memory_space<semaphore_mem>>) {add = true}
        %dma_wait3A_91 = arith.constant 0 : i32
        %dma_wait3A_92 = tpu.memref_slice %arg7[%run_scoped3A_83, %dma_wait3A_91] : memref<160x128xi32, #tpu.memory_space<vmem>> -> memref<1x128xi32, #tpu.memory_space<vmem>>
        %dma_wait3A_93 = tpu.memref_squeeze %dma_wait3A_92 : memref<1x128xi32, #tpu.memory_space<vmem>> -> memref<128xi32, #tpu.memory_space<vmem>>
        %dma_wait3A_94 = arith.constant 0 : i32
        %dma_wait3A_95 = arith.constant 0 : i32
        %dma_wait3A_96 = tpu.memref_slice %arg12[%dma_wait3A_94, %dma_wait3A_95] : memref<10240x32xbf16, #tpu.memory_space<vmem_shared>> -> memref<10240x32xbf16, #tpu.memory_space<vmem_shared>>
        tpu.wait_indirect_dma semaphore(%run_scoped3A_84 : memref<!tpu.dma_semaphore, #tpu.memory_space<semaphore_mem>>) src(%arg9 : memref<128x32xbf16, #tpu.memory_space<vmem>>) dst(%dma_wait3A_96 : memref<10240x32xbf16, #tpu.memory_space<vmem_shared>>)
        tpu.yield
      }) : () -> ()
    } else {
    }
    %eq3A_12 = arith.constant 15 : i32
    %eq3A_13 = arith.cmpi eq, %arg1, %eq3A_12 : i32
    %convert_element_type3A_14 = arith.extui %eq3A_13 : i1 to i32
    %cond3A_15 = arith.constant 0 : i32
    %cond3A_16 = arith.cmpi ne, %convert_element_type3A_14, %cond3A_15 : i32
    scf.if %cond3A_16 {
      %dma_start3A = arith.constant 0 : i32
      %dma_start3A_35 = arith.constant 0 : i32
      %dma_start3A_36 = tpu.memref_slice %arg6[%dma_start3A, %dma_start3A_35] : memref<160x128xi32, #tpu.memory_space<vmem>> -> memref<1x128xi32, #tpu.memory_space<vmem>>
      %dma_start3A_37 = tpu.memref_squeeze %dma_start3A_36 : memref<1x128xi32, #tpu.memory_space<vmem>> -> memref<128xi32, #tpu.memory_space<vmem>>
      %dma_start3A_38 = arith.constant 0 : i32
      %dma_start3A_39 = arith.constant 0 : i32
      %dma_start3A_40 = tpu.memref_slice %arg2[%arg0, %dma_start3A_38, %dma_start3A_39] : memref<2x10240x32xbf16, #tpu.memory_space<hbm>> -> memref<1x10240x32xbf16, #tpu.memory_space<hbm>>
      %dma_start3A_41 = tpu.memref_squeeze %dma_start3A_40 : memref<1x10240x32xbf16, #tpu.memory_space<hbm>> -> memref<10240x32xbf16, #tpu.memory_space<hbm>>
      %dma_start3A_42 = arith.constant 0 : i32
      %dma_start3A_43 = arith.constant 0 : i32
      %dma_start3A_44 = tpu.memref_slice %dma_start3A_41[%dma_start3A_42, %dma_start3A_43] : memref<10240x32xbf16, #tpu.memory_space<hbm>> -> memref<10240x32xbf16, #tpu.memory_space<hbm>>
      tpu.enqueue_indirect_dma source(%dma_start3A_44 : memref<10240x32xbf16, #tpu.memory_space<hbm>>) target(%arg8 : memref<128x32xbf16, #tpu.memory_space<vmem>>) offsets(%dma_start3A_37 : memref<128xi32, #tpu.memory_space<vmem>>) semaphore(%arg14 : memref<!tpu.dma_semaphore, #tpu.memory_space<semaphore_mem>>)
      %dma_start3A_45 = arith.constant 1 : i32
      %dma_start3A_46 = arith.constant 0 : i32
      %dma_start3A_47 = tpu.memref_slice %arg6[%dma_start3A_45, %dma_start3A_46] : memref<160x128xi32, #tpu.memory_space<vmem>> -> memref<1x128xi32, #tpu.memory_space<vmem>>
      %dma_start3A_48 = tpu.memref_squeeze %dma_start3A_47 : memref<1x128xi32, #tpu.memory_space<vmem>> -> memref<128xi32, #tpu.memory_space<vmem>>
      %dma_start3A_49 = arith.constant 0 : i32
      %dma_start3A_50 = arith.constant 0 : i32
      %dma_start3A_51 = tpu.memref_slice %arg2[%arg0, %dma_start3A_49, %dma_start3A_50] : memref<2x10240x32xbf16, #tpu.memory_space<hbm>> -> memref<1x10240x32xbf16, #tpu.memory_space<hbm>>
      %dma_start3A_52 = tpu.memref_squeeze %dma_start3A_51 : memref<1x10240x32xbf16, #tpu.memory_space<hbm>> -> memref<10240x32xbf16, #tpu.memory_space<hbm>>
      %dma_start3A_53 = arith.constant 0 : i32
      %dma_start3A_54 = arith.constant 0 : i32
      %dma_start3A_55 = tpu.memref_slice %dma_start3A_52[%dma_start3A_53, %dma_start3A_54] : memref<10240x32xbf16, #tpu.memory_space<hbm>> -> memref<10240x32xbf16, #tpu.memory_space<hbm>>
      tpu.enqueue_indirect_dma source(%dma_start3A_55 : memref<10240x32xbf16, #tpu.memory_space<hbm>>) target(%arg9 : memref<128x32xbf16, #tpu.memory_space<vmem>>) offsets(%dma_start3A_48 : memref<128xi32, #tpu.memory_space<vmem>>) semaphore(%arg15 : memref<!tpu.dma_semaphore, #tpu.memory_space<semaphore_mem>>)
      %scan3A_56 = arith.constant 0 : i32
      %scan3A_57 = arith.constant 0 : i32
      %scan3A_58 = arith.constant 79 : i32
      %scan3A_59 = arith.addi %scan3A_57, %scan3A_58 : i32
      %scan3A_60 = arith.constant 1 : i32
      scf.for %scan3A_84 = %scan3A_57 to %scan3A_59 step %scan3A_60  : i32 {
        %dma_wait3A_85 = arith.constant 0 : i32
        %dma_wait3A_86 = arith.constant 0 : i32
        %dma_wait3A_87 = tpu.memref_slice %arg6[%dma_wait3A_85, %dma_wait3A_86] : memref<160x128xi32, #tpu.memory_space<vmem>> -> memref<1x128xi32, #tpu.memory_space<vmem>>
        %dma_wait3A_88 = tpu.memref_squeeze %dma_wait3A_87 : memref<1x128xi32, #tpu.memory_space<vmem>> -> memref<128xi32, #tpu.memory_space<vmem>>
        %dma_wait3A_89 = arith.constant 0 : i32
        %dma_wait3A_90 = arith.constant 0 : i32
        %dma_wait3A_91 = tpu.memref_slice %arg2[%arg0, %dma_wait3A_89, %dma_wait3A_90] : memref<2x10240x32xbf16, #tpu.memory_space<hbm>> -> memref<1x10240x32xbf16, #tpu.memory_space<hbm>>
        %dma_wait3A_92 = tpu.memref_squeeze %dma_wait3A_91 : memref<1x10240x32xbf16, #tpu.memory_space<hbm>> -> memref<10240x32xbf16, #tpu.memory_space<hbm>>
        %dma_wait3A_93 = arith.constant 0 : i32
        %dma_wait3A_94 = arith.constant 0 : i32
        %dma_wait3A_95 = tpu.memref_slice %dma_wait3A_92[%dma_wait3A_93, %dma_wait3A_94] : memref<10240x32xbf16, #tpu.memory_space<hbm>> -> memref<10240x32xbf16, #tpu.memory_space<hbm>>
        tpu.wait_indirect_dma semaphore(%arg14 : memref<!tpu.dma_semaphore, #tpu.memory_space<semaphore_mem>>) src(%dma_wait3A_95 : memref<10240x32xbf16, #tpu.memory_space<hbm>>) dst(%arg8 : memref<128x32xbf16, #tpu.memory_space<vmem>>)
        %mul3A_96 = arith.constant 2 : i32
        %mul3A_97 = arith.muli %mul3A_96, %scan3A_84 : i32
        "tpu.region"() ({
          %run_scoped3A_140 = tpu.sem_alloc : memref<!tpu.dma_semaphore, #tpu.memory_space<semaphore_mem>>
          %dma_start3A_141 = arith.constant 0 : i32
          %dma_start3A_142 = tpu.memref_slice %arg7[%mul3A_97, %dma_start3A_141] : memref<160x128xi32, #tpu.memory_space<vmem>> -> memref<1x128xi32, #tpu.memory_space<vmem>>
          %dma_start3A_143 = tpu.memref_squeeze %dma_start3A_142 : memref<1x128xi32, #tpu.memory_space<vmem>> -> memref<128xi32, #tpu.memory_space<vmem>>
          %dma_start3A_144 = arith.constant 0 : i32
          %dma_start3A_145 = arith.constant 0 : i32
          %dma_start3A_146 = tpu.memref_slice %arg12[%dma_start3A_144, %dma_start3A_145] : memref<10240x32xbf16, #tpu.memory_space<vmem_shared>> -> memref<10240x32xbf16, #tpu.memory_space<vmem_shared>>
          tpu.enqueue_indirect_dma source(%arg8 : memref<128x32xbf16, #tpu.memory_space<vmem>>) target(%dma_start3A_146 : memref<10240x32xbf16, #tpu.memory_space<vmem_shared>>) offsets(%dma_start3A_143 : memref<128xi32, #tpu.memory_space<vmem>>) semaphore(%run_scoped3A_140 : memref<!tpu.dma_semaphore, #tpu.memory_space<semaphore_mem>>) {add = true}
          %dma_wait3A_147 = arith.constant 0 : i32
          %dma_wait3A_148 = tpu.memref_slice %arg7[%mul3A_97, %dma_wait3A_147] : memref<160x128xi32, #tpu.memory_space<vmem>> -> memref<1x128xi32, #tpu.memory_space<vmem>>
          %dma_wait3A_149 = tpu.memref_squeeze %dma_wait3A_148 : memref<1x128xi32, #tpu.memory_space<vmem>> -> memref<128xi32, #tpu.memory_space<vmem>>
          %dma_wait3A_150 = arith.constant 0 : i32
          %dma_wait3A_151 = arith.constant 0 : i32
          %dma_wait3A_152 = tpu.memref_slice %arg12[%dma_wait3A_150, %dma_wait3A_151] : memref<10240x32xbf16, #tpu.memory_space<vmem_shared>> -> memref<10240x32xbf16, #tpu.memory_space<vmem_shared>>
          tpu.wait_indirect_dma semaphore(%run_scoped3A_140 : memref<!tpu.dma_semaphore, #tpu.memory_space<semaphore_mem>>) src(%arg8 : memref<128x32xbf16, #tpu.memory_space<vmem>>) dst(%dma_wait3A_152 : memref<10240x32xbf16, #tpu.memory_space<vmem_shared>>)
          tpu.yield
        }) : () -> ()
        %mul3A_98 = arith.constant 2 : i32
        %mul3A_99 = arith.muli %mul3A_98, %scan3A_84 : i32
        %add3A = arith.constant 2 : i32
        %add3A_100 = arith.addi %mul3A_99, %add3A : i32
        %dma_start3A_101 = arith.constant 0 : i32
        %dma_start3A_102 = tpu.memref_slice %arg6[%add3A_100, %dma_start3A_101] : memref<160x128xi32, #tpu.memory_space<vmem>> -> memref<1x128xi32, #tpu.memory_space<vmem>>
        %dma_start3A_103 = tpu.memref_squeeze %dma_start3A_102 : memref<1x128xi32, #tpu.memory_space<vmem>> -> memref<128xi32, #tpu.memory_space<vmem>>
        %dma_start3A_104 = arith.constant 0 : i32
        %dma_start3A_105 = arith.constant 0 : i32
        %dma_start3A_106 = tpu.memref_slice %arg2[%arg0, %dma_start3A_104, %dma_start3A_105] : memref<2x10240x32xbf16, #tpu.memory_space<hbm>> -> memref<1x10240x32xbf16, #tpu.memory_space<hbm>>
        %dma_start3A_107 = tpu.memref_squeeze %dma_start3A_106 : memref<1x10240x32xbf16, #tpu.memory_space<hbm>> -> memref<10240x32xbf16, #tpu.memory_space<hbm>>
        %dma_start3A_108 = arith.constant 0 : i32
        %dma_start3A_109 = arith.constant 0 : i32
        %dma_start3A_110 = tpu.memref_slice %dma_start3A_107[%dma_start3A_108, %dma_start3A_109] : memref<10240x32xbf16, #tpu.memory_space<hbm>> -> memref<10240x32xbf16, #tpu.memory_space<hbm>>
        tpu.enqueue_indirect_dma source(%dma_start3A_110 : memref<10240x32xbf16, #tpu.memory_space<hbm>>) target(%arg8 : memref<128x32xbf16, #tpu.memory_space<vmem>>) offsets(%dma_start3A_103 : memref<128xi32, #tpu.memory_space<vmem>>) semaphore(%arg14 : memref<!tpu.dma_semaphore, #tpu.memory_space<semaphore_mem>>)
        %dma_wait3A_111 = arith.constant 1 : i32
        %dma_wait3A_112 = arith.constant 0 : i32
        %dma_wait3A_113 = tpu.memref_slice %arg6[%dma_wait3A_111, %dma_wait3A_112] : memref<160x128xi32, #tpu.memory_space<vmem>> -> memref<1x128xi32, #tpu.memory_space<vmem>>
        %dma_wait3A_114 = tpu.memref_squeeze %dma_wait3A_113 : memref<1x128xi32, #tpu.memory_space<vmem>> -> memref<128xi32, #tpu.memory_space<vmem>>
        %dma_wait3A_115 = arith.constant 0 : i32
        %dma_wait3A_116 = arith.constant 0 : i32
        %dma_wait3A_117 = tpu.memref_slice %arg2[%arg0, %dma_wait3A_115, %dma_wait3A_116] : memref<2x10240x32xbf16, #tpu.memory_space<hbm>> -> memref<1x10240x32xbf16, #tpu.memory_space<hbm>>
        %dma_wait3A_118 = tpu.memref_squeeze %dma_wait3A_117 : memref<1x10240x32xbf16, #tpu.memory_space<hbm>> -> memref<10240x32xbf16, #tpu.memory_space<hbm>>
        %dma_wait3A_119 = arith.constant 0 : i32
        %dma_wait3A_120 = arith.constant 0 : i32
        %dma_wait3A_121 = tpu.memref_slice %dma_wait3A_118[%dma_wait3A_119, %dma_wait3A_120] : memref<10240x32xbf16, #tpu.memory_space<hbm>> -> memref<10240x32xbf16, #tpu.memory_space<hbm>>
        tpu.wait_indirect_dma semaphore(%arg15 : memref<!tpu.dma_semaphore, #tpu.memory_space<semaphore_mem>>) src(%dma_wait3A_121 : memref<10240x32xbf16, #tpu.memory_space<hbm>>) dst(%arg9 : memref<128x32xbf16, #tpu.memory_space<vmem>>)
        %mul3A_122 = arith.constant 2 : i32
        %mul3A_123 = arith.muli %mul3A_122, %scan3A_84 : i32
        %add3A_124 = arith.constant 1 : i32
        %add3A_125 = arith.addi %mul3A_123, %add3A_124 : i32
        "tpu.region"() ({
          %run_scoped3A_140 = tpu.sem_alloc : memref<!tpu.dma_semaphore, #tpu.memory_space<semaphore_mem>>
          %dma_start3A_141 = arith.constant 0 : i32
          %dma_start3A_142 = tpu.memref_slice %arg7[%add3A_125, %dma_start3A_141] : memref<160x128xi32, #tpu.memory_space<vmem>> -> memref<1x128xi32, #tpu.memory_space<vmem>>
          %dma_start3A_143 = tpu.memref_squeeze %dma_start3A_142 : memref<1x128xi32, #tpu.memory_space<vmem>> -> memref<128xi32, #tpu.memory_space<vmem>>
          %dma_start3A_144 = arith.constant 0 : i32
          %dma_start3A_145 = arith.constant 0 : i32
          %dma_start3A_146 = tpu.memref_slice %arg12[%dma_start3A_144, %dma_start3A_145] : memref<10240x32xbf16, #tpu.memory_space<vmem_shared>> -> memref<10240x32xbf16, #tpu.memory_space<vmem_shared>>
          tpu.enqueue_indirect_dma source(%arg9 : memref<128x32xbf16, #tpu.memory_space<vmem>>) target(%dma_start3A_146 : memref<10240x32xbf16, #tpu.memory_space<vmem_shared>>) offsets(%dma_start3A_143 : memref<128xi32, #tpu.memory_space<vmem>>) semaphore(%run_scoped3A_140 : memref<!tpu.dma_semaphore, #tpu.memory_space<semaphore_mem>>) {add = true}
          %dma_wait3A_147 = arith.constant 0 : i32
          %dma_wait3A_148 = tpu.memref_slice %arg7[%add3A_125, %dma_wait3A_147] : memref<160x128xi32, #tpu.memory_space<vmem>> -> memref<1x128xi32, #tpu.memory_space<vmem>>
          %dma_wait3A_149 = tpu.memref_squeeze %dma_wait3A_148 : memref<1x128xi32, #tpu.memory_space<vmem>> -> memref<128xi32, #tpu.memory_space<vmem>>
          %dma_wait3A_150 = arith.constant 0 : i32
          %dma_wait3A_151 = arith.constant 0 : i32
          %dma_wait3A_152 = tpu.memref_slice %arg12[%dma_wait3A_150, %dma_wait3A_151] : memref<10240x32xbf16, #tpu.memory_space<vmem_shared>> -> memref<10240x32xbf16, #tpu.memory_space<vmem_shared>>
          tpu.wait_indirect_dma semaphore(%run_scoped3A_140 : memref<!tpu.dma_semaphore, #tpu.memory_space<semaphore_mem>>) src(%arg9 : memref<128x32xbf16, #tpu.memory_space<vmem>>) dst(%dma_wait3A_152 : memref<10240x32xbf16, #tpu.memory_space<vmem_shared>>)
          tpu.yield
        }) : () -> ()
        %mul3A_126 = arith.constant 2 : i32
        %mul3A_127 = arith.muli %mul3A_126, %scan3A_84 : i32
        %add3A_128 = arith.constant 3 : i32
        %add3A_129 = arith.addi %mul3A_127, %add3A_128 : i32
        %dma_start3A_130 = arith.constant 0 : i32
        %dma_start3A_131 = tpu.memref_slice %arg6[%add3A_129, %dma_start3A_130] : memref<160x128xi32, #tpu.memory_space<vmem>> -> memref<1x128xi32, #tpu.memory_space<vmem>>
        %dma_start3A_132 = tpu.memref_squeeze %dma_start3A_131 : memref<1x128xi32, #tpu.memory_space<vmem>> -> memref<128xi32, #tpu.memory_space<vmem>>
        %dma_start3A_133 = arith.constant 0 : i32
        %dma_start3A_134 = arith.constant 0 : i32
        %dma_start3A_135 = tpu.memref_slice %arg2[%arg0, %dma_start3A_133, %dma_start3A_134] : memref<2x10240x32xbf16, #tpu.memory_space<hbm>> -> memref<1x10240x32xbf16, #tpu.memory_space<hbm>>
        %dma_start3A_136 = tpu.memref_squeeze %dma_start3A_135 : memref<1x10240x32xbf16, #tpu.memory_space<hbm>> -> memref<10240x32xbf16, #tpu.memory_space<hbm>>
        %dma_start3A_137 = arith.constant 0 : i32
        %dma_start3A_138 = arith.constant 0 : i32
        %dma_start3A_139 = tpu.memref_slice %dma_start3A_136[%dma_start3A_137, %dma_start3A_138] : memref<10240x32xbf16, #tpu.memory_space<hbm>> -> memref<10240x32xbf16, #tpu.memory_space<hbm>>
        tpu.enqueue_indirect_dma source(%dma_start3A_139 : memref<10240x32xbf16, #tpu.memory_space<hbm>>) target(%arg9 : memref<128x32xbf16, #tpu.memory_space<vmem>>) offsets(%dma_start3A_132 : memref<128xi32, #tpu.memory_space<vmem>>) semaphore(%arg15 : memref<!tpu.dma_semaphore, #tpu.memory_space<semaphore_mem>>)
      }
      %scan3A_61 = arith.constant 79 : i32
      %dma_wait3A = arith.constant 0 : i32
      %dma_wait3A_62 = arith.constant 0 : i32
      %dma_wait3A_63 = tpu.memref_slice %arg6[%dma_wait3A, %dma_wait3A_62] : memref<160x128xi32, #tpu.memory_space<vmem>> -> memref<1x128xi32, #tpu.memory_space<vmem>>
      %dma_wait3A_64 = tpu.memref_squeeze %dma_wait3A_63 : memref<1x128xi32, #tpu.memory_space<vmem>> -> memref<128xi32, #tpu.memory_space<vmem>>
      %dma_wait3A_65 = arith.constant 0 : i32
      %dma_wait3A_66 = arith.constant 0 : i32
      %dma_wait3A_67 = tpu.memref_slice %arg2[%arg0, %dma_wait3A_65, %dma_wait3A_66] : memref<2x10240x32xbf16, #tpu.memory_space<hbm>> -> memref<1x10240x32xbf16, #tpu.memory_space<hbm>>
      %dma_wait3A_68 = tpu.memref_squeeze %dma_wait3A_67 : memref<1x10240x32xbf16, #tpu.memory_space<hbm>> -> memref<10240x32xbf16, #tpu.memory_space<hbm>>
      %dma_wait3A_69 = arith.constant 0 : i32
      %dma_wait3A_70 = arith.constant 0 : i32
      %dma_wait3A_71 = tpu.memref_slice %dma_wait3A_68[%dma_wait3A_69, %dma_wait3A_70] : memref<10240x32xbf16, #tpu.memory_space<hbm>> -> memref<10240x32xbf16, #tpu.memory_space<hbm>>
      tpu.wait_indirect_dma semaphore(%arg14 : memref<!tpu.dma_semaphore, #tpu.memory_space<semaphore_mem>>) src(%dma_wait3A_71 : memref<10240x32xbf16, #tpu.memory_space<hbm>>) dst(%arg8 : memref<128x32xbf16, #tpu.memory_space<vmem>>)
      %run_scoped3A = arith.constant 158 : i32
      "tpu.region"() ({
        %run_scoped3A_84 = tpu.sem_alloc : memref<!tpu.dma_semaphore, #tpu.memory_space<semaphore_mem>>
        %dma_start3A_85 = arith.constant 0 : i32
        %dma_start3A_86 = tpu.memref_slice %arg7[%run_scoped3A, %dma_start3A_85] : memref<160x128xi32, #tpu.memory_space<vmem>> -> memref<1x128xi32, #tpu.memory_space<vmem>>
        %dma_start3A_87 = tpu.memref_squeeze %dma_start3A_86 : memref<1x128xi32, #tpu.memory_space<vmem>> -> memref<128xi32, #tpu.memory_space<vmem>>
        %dma_start3A_88 = arith.constant 0 : i32
        %dma_start3A_89 = arith.constant 0 : i32
        %dma_start3A_90 = tpu.memref_slice %arg12[%dma_start3A_88, %dma_start3A_89] : memref<10240x32xbf16, #tpu.memory_space<vmem_shared>> -> memref<10240x32xbf16, #tpu.memory_space<vmem_shared>>
        tpu.enqueue_indirect_dma source(%arg8 : memref<128x32xbf16, #tpu.memory_space<vmem>>) target(%dma_start3A_90 : memref<10240x32xbf16, #tpu.memory_space<vmem_shared>>) offsets(%dma_start3A_87 : memref<128xi32, #tpu.memory_space<vmem>>) semaphore(%run_scoped3A_84 : memref<!tpu.dma_semaphore, #tpu.memory_space<semaphore_mem>>) {add = true}
        %dma_wait3A_91 = arith.constant 0 : i32
        %dma_wait3A_92 = tpu.memref_slice %arg7[%run_scoped3A, %dma_wait3A_91] : memref<160x128xi32, #tpu.memory_space<vmem>> -> memref<1x128xi32, #tpu.memory_space<vmem>>
        %dma_wait3A_93 = tpu.memref_squeeze %dma_wait3A_92 : memref<1x128xi32, #tpu.memory_space<vmem>> -> memref<128xi32, #tpu.memory_space<vmem>>
        %dma_wait3A_94 = arith.constant 0 : i32
        %dma_wait3A_95 = arith.constant 0 : i32
        %dma_wait3A_96 = tpu.memref_slice %arg12[%dma_wait3A_94, %dma_wait3A_95] : memref<10240x32xbf16, #tpu.memory_space<vmem_shared>> -> memref<10240x32xbf16, #tpu.memory_space<vmem_shared>>
        tpu.wait_indirect_dma semaphore(%run_scoped3A_84 : memref<!tpu.dma_semaphore, #tpu.memory_space<semaphore_mem>>) src(%arg8 : memref<128x32xbf16, #tpu.memory_space<vmem>>) dst(%dma_wait3A_96 : memref<10240x32xbf16, #tpu.memory_space<vmem_shared>>)
        tpu.yield
      }) : () -> ()
      %dma_wait3A_72 = arith.constant 1 : i32
      %dma_wait3A_73 = arith.constant 0 : i32
      %dma_wait3A_74 = tpu.memref_slice %arg6[%dma_wait3A_72, %dma_wait3A_73] : memref<160x128xi32, #tpu.memory_space<vmem>> -> memref<1x128xi32, #tpu.memory_space<vmem>>
      %dma_wait3A_75 = tpu.memref_squeeze %dma_wait3A_74 : memref<1x128xi32, #tpu.memory_space<vmem>> -> memref<128xi32, #tpu.memory_space<vmem>>
      %dma_wait3A_76 = arith.constant 0 : i32
      %dma_wait3A_77 = arith.constant 0 : i32
      %dma_wait3A_78 = tpu.memref_slice %arg2[%arg0, %dma_wait3A_76, %dma_wait3A_77] : memref<2x10240x32xbf16, #tpu.memory_space<hbm>> -> memref<1x10240x32xbf16, #tpu.memory_space<hbm>>
      %dma_wait3A_79 = tpu.memref_squeeze %dma_wait3A_78 : memref<1x10240x32xbf16, #tpu.memory_space<hbm>> -> memref<10240x32xbf16, #tpu.memory_space<hbm>>
      %dma_wait3A_80 = arith.constant 0 : i32
      %dma_wait3A_81 = arith.constant 0 : i32
      %dma_wait3A_82 = tpu.memref_slice %dma_wait3A_79[%dma_wait3A_80, %dma_wait3A_81] : memref<10240x32xbf16, #tpu.memory_space<hbm>> -> memref<10240x32xbf16, #tpu.memory_space<hbm>>
      tpu.wait_indirect_dma semaphore(%arg15 : memref<!tpu.dma_semaphore, #tpu.memory_space<semaphore_mem>>) src(%dma_wait3A_82 : memref<10240x32xbf16, #tpu.memory_space<hbm>>) dst(%arg9 : memref<128x32xbf16, #tpu.memory_space<vmem>>)
      %run_scoped3A_83 = arith.constant 159 : i32
      "tpu.region"() ({
        %run_scoped3A_84 = tpu.sem_alloc : memref<!tpu.dma_semaphore, #tpu.memory_space<semaphore_mem>>
        %dma_start3A_85 = arith.constant 0 : i32
        %dma_start3A_86 = tpu.memref_slice %arg7[%run_scoped3A_83, %dma_start3A_85] : memref<160x128xi32, #tpu.memory_space<vmem>> -> memref<1x128xi32, #tpu.memory_space<vmem>>
        %dma_start3A_87 = tpu.memref_squeeze %dma_start3A_86 : memref<1x128xi32, #tpu.memory_space<vmem>> -> memref<128xi32, #tpu.memory_space<vmem>>
        %dma_start3A_88 = arith.constant 0 : i32
        %dma_start3A_89 = arith.constant 0 : i32
        %dma_start3A_90 = tpu.memref_slice %arg12[%dma_start3A_88, %dma_start3A_89] : memref<10240x32xbf16, #tpu.memory_space<vmem_shared>> -> memref<10240x32xbf16, #tpu.memory_space<vmem_shared>>
        tpu.enqueue_indirect_dma source(%arg9 : memref<128x32xbf16, #tpu.memory_space<vmem>>) target(%dma_start3A_90 : memref<10240x32xbf16, #tpu.memory_space<vmem_shared>>) offsets(%dma_start3A_87 : memref<128xi32, #tpu.memory_space<vmem>>) semaphore(%run_scoped3A_84 : memref<!tpu.dma_semaphore, #tpu.memory_space<semaphore_mem>>) {add = true}
        %dma_wait3A_91 = arith.constant 0 : i32
        %dma_wait3A_92 = tpu.memref_slice %arg7[%run_scoped3A_83, %dma_wait3A_91] : memref<160x128xi32, #tpu.memory_space<vmem>> -> memref<1x128xi32, #tpu.memory_space<vmem>>
        %dma_wait3A_93 = tpu.memref_squeeze %dma_wait3A_92 : memref<1x128xi32, #tpu.memory_space<vmem>> -> memref<128xi32, #tpu.memory_space<vmem>>
        %dma_wait3A_94 = arith.constant 0 : i32
        %dma_wait3A_95 = arith.constant 0 : i32
        %dma_wait3A_96 = tpu.memref_slice %arg12[%dma_wait3A_94, %dma_wait3A_95] : memref<10240x32xbf16, #tpu.memory_space<vmem_shared>> -> memref<10240x32xbf16, #tpu.memory_space<vmem_shared>>
        tpu.wait_indirect_dma semaphore(%run_scoped3A_84 : memref<!tpu.dma_semaphore, #tpu.memory_space<semaphore_mem>>) src(%arg9 : memref<128x32xbf16, #tpu.memory_space<vmem>>) dst(%dma_wait3A_96 : memref<10240x32xbf16, #tpu.memory_space<vmem_shared>>)
        tpu.yield
      }) : () -> ()
    } else {
    }
    %barrier3A_17 = arith.constant 0 : index
    tpu.barrier barrier_id(%barrier3A_17)
    "tpu.region"() ({
      %run_scoped3A = tpu.sem_alloc : memref<!tpu.dma_semaphore, #tpu.memory_space<semaphore_mem>>
      %dma_start3A = tpu.memref_slice %arg3[%mul3A_0] : memref<10240xf32, #tpu.memory_space<hbm>> -> memref<640xf32, #tpu.memory_space<hbm>>
      %dma_start3A_35 = tpu.memref_slice %arg3[%mul3A_0] : memref<10240xf32, #tpu.memory_space<hbm>> -> memref<640xf32, #tpu.memory_space<hbm>>
      tpu.enqueue_dma source(%dma_start3A_35 : memref<640xf32, #tpu.memory_space<hbm>>) target(%arg11 : memref<640xf32, #tpu.memory_space<vmem>>) target_semaphore(%run_scoped3A : memref<!tpu.dma_semaphore, #tpu.memory_space<semaphore_mem>>)
      %dma_wait3A = tpu.memref_slice %arg3[%mul3A_0] : memref<10240xf32, #tpu.memory_space<hbm>> -> memref<640xf32, #tpu.memory_space<hbm>>
      %dma_wait3A_36 = tpu.memref_slice %arg3[%mul3A_0] : memref<10240xf32, #tpu.memory_space<hbm>> -> memref<640xf32, #tpu.memory_space<hbm>>
      tpu.wait_dma2 semaphore(%run_scoped3A : memref<!tpu.dma_semaphore, #tpu.memory_space<semaphore_mem>>) src(%dma_wait3A_36 : memref<640xf32, #tpu.memory_space<hbm>>) dst(%arg11 : memref<640xf32, #tpu.memory_space<vmem>>)
      tpu.yield
    }) : () -> ()
    "tpu.region"() ({
      %run_scoped3A = tpu.sem_alloc : memref<!tpu.dma_semaphore, #tpu.memory_space<semaphore_mem>>
      %dma_start3A = arith.constant 0 : i32
      %dma_start3A_35 = tpu.memref_slice %arg12[%mul3A_0, %dma_start3A] : memref<10240x32xbf16, #tpu.memory_space<vmem_shared>> -> memref<640x32xbf16, #tpu.memory_space<vmem_shared>>
      %dma_start3A_36 = arith.constant 0 : i32
      %dma_start3A_37 = tpu.memref_slice %arg12[%mul3A_0, %dma_start3A_36] : memref<10240x32xbf16, #tpu.memory_space<vmem_shared>> -> memref<640x32xbf16, #tpu.memory_space<vmem_shared>>
      tpu.enqueue_dma source(%dma_start3A_37 : memref<640x32xbf16, #tpu.memory_space<vmem_shared>>) target(%arg10 : memref<640x32xbf16, #tpu.memory_space<vmem>>) target_semaphore(%run_scoped3A : memref<!tpu.dma_semaphore, #tpu.memory_space<semaphore_mem>>)
      %dma_wait3A = arith.constant 0 : i32
      %dma_wait3A_38 = tpu.memref_slice %arg12[%mul3A_0, %dma_wait3A] : memref<10240x32xbf16, #tpu.memory_space<vmem_shared>> -> memref<640x32xbf16, #tpu.memory_space<vmem_shared>>
      %dma_wait3A_39 = arith.constant 0 : i32
      %dma_wait3A_40 = tpu.memref_slice %arg12[%mul3A_0, %dma_wait3A_39] : memref<10240x32xbf16, #tpu.memory_space<vmem_shared>> -> memref<640x32xbf16, #tpu.memory_space<vmem_shared>>
      tpu.wait_dma2 semaphore(%run_scoped3A : memref<!tpu.dma_semaphore, #tpu.memory_space<semaphore_mem>>) src(%dma_wait3A_40 : memref<640x32xbf16, #tpu.memory_space<vmem_shared>>) dst(%arg10 : memref<640x32xbf16, #tpu.memory_space<vmem>>)
      tpu.yield
    }) : () -> ()
    %scan3A = arith.constant 0 : i32
    %scan3A_18 = arith.constant 0 : i32
    %scan3A_19 = arith.constant 40 : i32
    %scan3A_20 = arith.addi %scan3A_18, %scan3A_19 : i32
    %scan3A_21 = arith.constant 1 : i32
    scf.for %scan3A_35 = %scan3A_18 to %scan3A_20 step %scan3A_21  : i32 {
      %mul3A_36 = arith.constant 16 : i32
      %mul3A_37 = arith.muli %scan3A_35, %mul3A_36 : i32
      %get3A = arith.index_cast %mul3A_37 : i32 to index
      %get3A_38 = tpu.vector_load %arg11[%get3A] {strides = array<i32>} : memref<640xf32, #tpu.memory_space<vmem>>, vector<16xf32>,
      %mul3A_39 = arith.constant 16 : i32
      %mul3A_40 = arith.muli %scan3A_35, %mul3A_39 : i32
      %add3A = arith.constant 0 : i32
      %add3A_41 = arith.addi %mul3A_40, %add3A : i32
      %slice3A = vector.extract_strided_slice %get3A_38 {offsets = [0], sizes = [1], strides = [1]} : vector<16xf32> to vector<1xf32>
      %squeeze3A = vector.extract %slice3A[0] : f32 from vector<1xf32>
      %slice3A_42 = vector.extract_strided_slice %get3A_38 {offsets = [0], sizes = [1], strides = [1]} : vector<16xf32> to vector<1xf32>
      %squeeze3A_43 = vector.extract %slice3A_42[0] : f32 from vector<1xf32>
      %mul3A_44 = arith.mulf %squeeze3A, %squeeze3A_43 : f32
      %get3A_45 = arith.index_cast %add3A_41 : i32 to index
      %get3A_46 = arith.constant 0 : index
      %get3A_47 = tpu.vector_load %arg10[%get3A_45, %get3A_46] {strides = array<i32>} : memref<640x32xbf16, #tpu.memory_space<vmem>>, vector<32xbf16>,
      %unpack3A = tpu.unpack_subelements %get3A_47, 0 {pack_format = #tpu.pack_format<interleaved>} : vector<32xbf16> -> vector<16xf32>
      %unpack3A_48 = tpu.unpack_subelements %get3A_47, 1 {pack_format = #tpu.pack_format<interleaved>} : vector<32xbf16> -> vector<16xf32>
      %mul3A_49 = vector.broadcast %mul3A_44 : f32 to vector<16xf32>
      %mul3A_50 = arith.mulf %unpack3A, %mul3A_49 : vector<16xf32>
      %mul3A_51 = vector.broadcast %mul3A_44 : f32 to vector<16xf32>
      %mul3A_52 = arith.mulf %unpack3A_48, %mul3A_51 : vector<16xf32>
      %pack3A = tpu.pack_subelements %mul3A_50, %mul3A_52 {pack_format = #tpu.pack_format<interleaved>, positions = array<i32: 0, 1>} : vector<16xf32>, vector<16xf32> -> vector<32xbf16>
      %swap3A = arith.index_cast %add3A_41 : i32 to index
      %swap3A_53 = arith.constant 0 : index
      %swap3A_54 = tpu.vector_load %arg10[%swap3A, %swap3A_53] {strides = array<i32>} : memref<640x32xbf16, #tpu.memory_space<vmem>>, vector<32xbf16>,
      tpu.vector_store %arg10[%swap3A, %swap3A_53], %pack3A {strides = array<i32>} : memref<640x32xbf16, #tpu.memory_space<vmem>>, vector<32xbf16>,
      %mul3A_55 = arith.constant 16 : i32
      %mul3A_56 = arith.muli %scan3A_35, %mul3A_55 : i32
      %add3A_57 = arith.constant 1 : i32
      %add3A_58 = arith.addi %mul3A_56, %add3A_57 : i32
      %slice3A_59 = vector.extract_strided_slice %get3A_38 {offsets = [1], sizes = [1], strides = [1]} : vector<16xf32> to vector<1xf32>
      %squeeze3A_60 = vector.extract %slice3A_59[0] : f32 from vector<1xf32>
      %slice3A_61 = vector.extract_strided_slice %get3A_38 {offsets = [1], sizes = [1], strides = [1]} : vector<16xf32> to vector<1xf32>
      %squeeze3A_62 = vector.extract %slice3A_61[0] : f32 from vector<1xf32>
      %mul3A_63 = arith.mulf %squeeze3A_60, %squeeze3A_62 : f32
      %get3A_64 = arith.index_cast %add3A_58 : i32 to index
      %get3A_65 = arith.constant 0 : index
      %get3A_66 = tpu.vector_load %arg10[%get3A_64, %get3A_65] {strides = array<i32>} : memref<640x32xbf16, #tpu.memory_space<vmem>>, vector<32xbf16>,
      %unpack3A_67 = tpu.unpack_subelements %get3A_66, 0 {pack_format = #tpu.pack_format<interleaved>} : vector<32xbf16> -> vector<16xf32>
      %unpack3A_68 = tpu.unpack_subelements %get3A_66, 1 {pack_format = #tpu.pack_format<interleaved>} : vector<32xbf16> -> vector<16xf32>
      %mul3A_69 = vector.broadcast %mul3A_63 : f32 to vector<16xf32>
      %mul3A_70 = arith.mulf %unpack3A_67, %mul3A_69 : vector<16xf32>
      %mul3A_71 = vector.broadcast %mul3A_63 : f32 to vector<16xf32>
      %mul3A_72 = arith.mulf %unpack3A_68, %mul3A_71 : vector<16xf32>
      %pack3A_73 = tpu.pack_subelements %mul3A_70, %mul3A_72 {pack_format = #tpu.pack_format<interleaved>, positions = array<i32: 0, 1>} : vector<16xf32>, vector<16xf32> -> vector<32xbf16>
      %swap3A_74 = arith.index_cast %add3A_58 : i32 to index
      %swap3A_75 = arith.constant 0 : index
      %swap3A_76 = tpu.vector_load %arg10[%swap3A_74, %swap3A_75] {strides = array<i32>} : memref<640x32xbf16, #tpu.memory_space<vmem>>, vector<32xbf16>,
      tpu.vector_store %arg10[%swap3A_74, %swap3A_75], %pack3A_73 {strides = array<i32>} : memref<640x32xbf16, #tpu.memory_space<vmem>>, vector<32xbf16>,
      %mul3A_77 = arith.constant 16 : i32
      %mul3A_78 = arith.muli %scan3A_35, %mul3A_77 : i32
      %add3A_79 = arith.constant 2 : i32
      %add3A_80 = arith.addi %mul3A_78, %add3A_79 : i32
      %slice3A_81 = vector.extract_strided_slice %get3A_38 {offsets = [2], sizes = [1], strides = [1]} : vector<16xf32> to vector<1xf32>
      %squeeze3A_82 = vector.extract %slice3A_81[0] : f32 from vector<1xf32>
      %slice3A_83 = vector.extract_strided_slice %get3A_38 {offsets = [2], sizes = [1], strides = [1]} : vector<16xf32> to vector<1xf32>
      %squeeze3A_84 = vector.extract %slice3A_83[0] : f32 from vector<1xf32>
      %mul3A_85 = arith.mulf %squeeze3A_82, %squeeze3A_84 : f32
      %get3A_86 = arith.index_cast %add3A_80 : i32 to index
      %get3A_87 = arith.constant 0 : index
      %get3A_88 = tpu.vector_load %arg10[%get3A_86, %get3A_87] {strides = array<i32>} : memref<640x32xbf16, #tpu.memory_space<vmem>>, vector<32xbf16>,
      %unpack3A_89 = tpu.unpack_subelements %get3A_88, 0 {pack_format = #tpu.pack_format<interleaved>} : vector<32xbf16> -> vector<16xf32>
      %unpack3A_90 = tpu.unpack_subelements %get3A_88, 1 {pack_format = #tpu.pack_format<interleaved>} : vector<32xbf16> -> vector<16xf32>
      %mul3A_91 = vector.broadcast %mul3A_85 : f32 to vector<16xf32>
      %mul3A_92 = arith.mulf %unpack3A_89, %mul3A_91 : vector<16xf32>
      %mul3A_93 = vector.broadcast %mul3A_85 : f32 to vector<16xf32>
      %mul3A_94 = arith.mulf %unpack3A_90, %mul3A_93 : vector<16xf32>
      %pack3A_95 = tpu.pack_subelements %mul3A_92, %mul3A_94 {pack_format = #tpu.pack_format<interleaved>, positions = array<i32: 0, 1>} : vector<16xf32>, vector<16xf32> -> vector<32xbf16>
      %swap3A_96 = arith.index_cast %add3A_80 : i32 to index
      %swap3A_97 = arith.constant 0 : index
      %swap3A_98 = tpu.vector_load %arg10[%swap3A_96, %swap3A_97] {strides = array<i32>} : memref<640x32xbf16, #tpu.memory_space<vmem>>, vector<32xbf16>,
      tpu.vector_store %arg10[%swap3A_96, %swap3A_97], %pack3A_95 {strides = array<i32>} : memref<640x32xbf16, #tpu.memory_space<vmem>>, vector<32xbf16>,
      %mul3A_99 = arith.constant 16 : i32
      %mul3A_100 = arith.muli %scan3A_35, %mul3A_99 : i32
      %add3A_101 = arith.constant 3 : i32
      %add3A_102 = arith.addi %mul3A_100, %add3A_101 : i32
      %slice3A_103 = vector.extract_strided_slice %get3A_38 {offsets = [3], sizes = [1], strides = [1]} : vector<16xf32> to vector<1xf32>
      %squeeze3A_104 = vector.extract %slice3A_103[0] : f32 from vector<1xf32>
      %slice3A_105 = vector.extract_strided_slice %get3A_38 {offsets = [3], sizes = [1], strides = [1]} : vector<16xf32> to vector<1xf32>
      %squeeze3A_106 = vector.extract %slice3A_105[0] : f32 from vector<1xf32>
      %mul3A_107 = arith.mulf %squeeze3A_104, %squeeze3A_106 : f32
      %get3A_108 = arith.index_cast %add3A_102 : i32 to index
      %get3A_109 = arith.constant 0 : index
      %get3A_110 = tpu.vector_load %arg10[%get3A_108, %get3A_109] {strides = array<i32>} : memref<640x32xbf16, #tpu.memory_space<vmem>>, vector<32xbf16>,
      %unpack3A_111 = tpu.unpack_subelements %get3A_110, 0 {pack_format = #tpu.pack_format<interleaved>} : vector<32xbf16> -> vector<16xf32>
      %unpack3A_112 = tpu.unpack_subelements %get3A_110, 1 {pack_format = #tpu.pack_format<interleaved>} : vector<32xbf16> -> vector<16xf32>
      %mul3A_113 = vector.broadcast %mul3A_107 : f32 to vector<16xf32>
      %mul3A_114 = arith.mulf %unpack3A_111, %mul3A_113 : vector<16xf32>
      %mul3A_115 = vector.broadcast %mul3A_107 : f32 to vector<16xf32>
      %mul3A_116 = arith.mulf %unpack3A_112, %mul3A_115 : vector<16xf32>
      %pack3A_117 = tpu.pack_subelements %mul3A_114, %mul3A_116 {pack_format = #tpu.pack_format<interleaved>, positions = array<i32: 0, 1>} : vector<16xf32>, vector<16xf32> -> vector<32xbf16>
      %swap3A_118 = arith.index_cast %add3A_102 : i32 to index
      %swap3A_119 = arith.constant 0 : index
      %swap3A_120 = tpu.vector_load %arg10[%swap3A_118, %swap3A_119] {strides = array<i32>} : memref<640x32xbf16, #tpu.memory_space<vmem>>, vector<32xbf16>,
      tpu.vector_store %arg10[%swap3A_118, %swap3A_119], %pack3A_117 {strides = array<i32>} : memref<640x32xbf16, #tpu.memory_space<vmem>>, vector<32xbf16>,
      %mul3A_121 = arith.constant 16 : i32
      %mul3A_122 = arith.muli %scan3A_35, %mul3A_121 : i32
      %add3A_123 = arith.constant 4 : i32
      %add3A_124 = arith.addi %mul3A_122, %add3A_123 : i32
      %slice3A_125 = vector.extract_strided_slice %get3A_38 {offsets = [4], sizes = [1], strides = [1]} : vector<16xf32> to vector<1xf32>
      %squeeze3A_126 = vector.extract %slice3A_125[0] : f32 from vector<1xf32>
      %slice3A_127 = vector.extract_strided_slice %get3A_38 {offsets = [4], sizes = [1], strides = [1]} : vector<16xf32> to vector<1xf32>
      %squeeze3A_128 = vector.extract %slice3A_127[0] : f32 from vector<1xf32>
      %mul3A_129 = arith.mulf %squeeze3A_126, %squeeze3A_128 : f32
      %get3A_130 = arith.index_cast %add3A_124 : i32 to index
      %get3A_131 = arith.constant 0 : index
      %get3A_132 = tpu.vector_load %arg10[%get3A_130, %get3A_131] {strides = array<i32>} : memref<640x32xbf16, #tpu.memory_space<vmem>>, vector<32xbf16>,
      %unpack3A_133 = tpu.unpack_subelements %get3A_132, 0 {pack_format = #tpu.pack_format<interleaved>} : vector<32xbf16> -> vector<16xf32>
      %unpack3A_134 = tpu.unpack_subelements %get3A_132, 1 {pack_format = #tpu.pack_format<interleaved>} : vector<32xbf16> -> vector<16xf32>
      %mul3A_135 = vector.broadcast %mul3A_129 : f32 to vector<16xf32>
      %mul3A_136 = arith.mulf %unpack3A_133, %mul3A_135 : vector<16xf32>
      %mul3A_137 = vector.broadcast %mul3A_129 : f32 to vector<16xf32>
      %mul3A_138 = arith.mulf %unpack3A_134, %mul3A_137 : vector<16xf32>
      %pack3A_139 = tpu.pack_subelements %mul3A_136, %mul3A_138 {pack_format = #tpu.pack_format<interleaved>, positions = array<i32: 0, 1>} : vector<16xf32>, vector<16xf32> -> vector<32xbf16>
      %swap3A_140 = arith.index_cast %add3A_124 : i32 to index
      %swap3A_141 = arith.constant 0 : index
      %swap3A_142 = tpu.vector_load %arg10[%swap3A_140, %swap3A_141] {strides = array<i32>} : memref<640x32xbf16, #tpu.memory_space<vmem>>, vector<32xbf16>,
      tpu.vector_store %arg10[%swap3A_140, %swap3A_141], %pack3A_139 {strides = array<i32>} : memref<640x32xbf16, #tpu.memory_space<vmem>>, vector<32xbf16>,
      %mul3A_143 = arith.constant 16 : i32
      %mul3A_144 = arith.muli %scan3A_35, %mul3A_143 : i32
      %add3A_145 = arith.constant 5 : i32
      %add3A_146 = arith.addi %mul3A_144, %add3A_145 : i32
      %slice3A_147 = vector.extract_strided_slice %get3A_38 {offsets = [5], sizes = [1], strides = [1]} : vector<16xf32> to vector<1xf32>
      %squeeze3A_148 = vector.extract %slice3A_147[0] : f32 from vector<1xf32>
      %slice3A_149 = vector.extract_strided_slice %get3A_38 {offsets = [5], sizes = [1], strides = [1]} : vector<16xf32> to vector<1xf32>
      %squeeze3A_150 = vector.extract %slice3A_149[0] : f32 from vector<1xf32>
      %mul3A_151 = arith.mulf %squeeze3A_148, %squeeze3A_150 : f32
      %get3A_152 = arith.index_cast %add3A_146 : i32 to index
      %get3A_153 = arith.constant 0 : index
      %get3A_154 = tpu.vector_load %arg10[%get3A_152, %get3A_153] {strides = array<i32>} : memref<640x32xbf16, #tpu.memory_space<vmem>>, vector<32xbf16>,
      %unpack3A_155 = tpu.unpack_subelements %get3A_154, 0 {pack_format = #tpu.pack_format<interleaved>} : vector<32xbf16> -> vector<16xf32>
      %unpack3A_156 = tpu.unpack_subelements %get3A_154, 1 {pack_format = #tpu.pack_format<interleaved>} : vector<32xbf16> -> vector<16xf32>
      %mul3A_157 = vector.broadcast %mul3A_151 : f32 to vector<16xf32>
      %mul3A_158 = arith.mulf %unpack3A_155, %mul3A_157 : vector<16xf32>
      %mul3A_159 = vector.broadcast %mul3A_151 : f32 to vector<16xf32>
      %mul3A_160 = arith.mulf %unpack3A_156, %mul3A_159 : vector<16xf32>
      %pack3A_161 = tpu.pack_subelements %mul3A_158, %mul3A_160 {pack_format = #tpu.pack_format<interleaved>, positions = array<i32: 0, 1>} : vector<16xf32>, vector<16xf32> -> vector<32xbf16>
      %swap3A_162 = arith.index_cast %add3A_146 : i32 to index
      %swap3A_163 = arith.constant 0 : index
      %swap3A_164 = tpu.vector_load %arg10[%swap3A_162, %swap3A_163] {strides = array<i32>} : memref<640x32xbf16, #tpu.memory_space<vmem>>, vector<32xbf16>,
      tpu.vector_store %arg10[%swap3A_162, %swap3A_163], %pack3A_161 {strides = array<i32>} : memref<640x32xbf16, #tpu.memory_space<vmem>>, vector<32xbf16>,
      %mul3A_165 = arith.constant 16 : i32
      %mul3A_166 = arith.muli %scan3A_35, %mul3A_165 : i32
      %add3A_167 = arith.constant 6 : i32
      %add3A_168 = arith.addi %mul3A_166, %add3A_167 : i32
      %slice3A_169 = vector.extract_strided_slice %get3A_38 {offsets = [6], sizes = [1], strides = [1]} : vector<16xf32> to vector<1xf32>
      %squeeze3A_170 = vector.extract %slice3A_169[0] : f32 from vector<1xf32>
      %slice3A_171 = vector.extract_strided_slice %get3A_38 {offsets = [6], sizes = [1], strides = [1]} : vector<16xf32> to vector<1xf32>
      %squeeze3A_172 = vector.extract %slice3A_171[0] : f32 from vector<1xf32>
      %mul3A_173 = arith.mulf %squeeze3A_170, %squeeze3A_172 : f32
      %get3A_174 = arith.index_cast %add3A_168 : i32 to index
      %get3A_175 = arith.constant 0 : index
      %get3A_176 = tpu.vector_load %arg10[%get3A_174, %get3A_175] {strides = array<i32>} : memref<640x32xbf16, #tpu.memory_space<vmem>>, vector<32xbf16>,
      %unpack3A_177 = tpu.unpack_subelements %get3A_176, 0 {pack_format = #tpu.pack_format<interleaved>} : vector<32xbf16> -> vector<16xf32>
      %unpack3A_178 = tpu.unpack_subelements %get3A_176, 1 {pack_format = #tpu.pack_format<interleaved>} : vector<32xbf16> -> vector<16xf32>
      %mul3A_179 = vector.broadcast %mul3A_173 : f32 to vector<16xf32>
      %mul3A_180 = arith.mulf %unpack3A_177, %mul3A_179 : vector<16xf32>
      %mul3A_181 = vector.broadcast %mul3A_173 : f32 to vector<16xf32>
      %mul3A_182 = arith.mulf %unpack3A_178, %mul3A_181 : vector<16xf32>
      %pack3A_183 = tpu.pack_subelements %mul3A_180, %mul3A_182 {pack_format = #tpu.pack_format<interleaved>, positions = array<i32: 0, 1>} : vector<16xf32>, vector<16xf32> -> vector<32xbf16>
      %swap3A_184 = arith.index_cast %add3A_168 : i32 to index
      %swap3A_185 = arith.constant 0 : index
      %swap3A_186 = tpu.vector_load %arg10[%swap3A_184, %swap3A_185] {strides = array<i32>} : memref<640x32xbf16, #tpu.memory_space<vmem>>, vector<32xbf16>,
      tpu.vector_store %arg10[%swap3A_184, %swap3A_185], %pack3A_183 {strides = array<i32>} : memref<640x32xbf16, #tpu.memory_space<vmem>>, vector<32xbf16>,
      %mul3A_187 = arith.constant 16 : i32
      %mul3A_188 = arith.muli %scan3A_35, %mul3A_187 : i32
      %add3A_189 = arith.constant 7 : i32
      %add3A_190 = arith.addi %mul3A_188, %add3A_189 : i32
      %slice3A_191 = vector.extract_strided_slice %get3A_38 {offsets = [7], sizes = [1], strides = [1]} : vector<16xf32> to vector<1xf32>
      %squeeze3A_192 = vector.extract %slice3A_191[0] : f32 from vector<1xf32>
      %slice3A_193 = vector.extract_strided_slice %get3A_38 {offsets = [7], sizes = [1], strides = [1]} : vector<16xf32> to vector<1xf32>
      %squeeze3A_194 = vector.extract %slice3A_193[0] : f32 from vector<1xf32>
      %mul3A_195 = arith.mulf %squeeze3A_192, %squeeze3A_194 : f32
      %get3A_196 = arith.index_cast %add3A_190 : i32 to index
      %get3A_197 = arith.constant 0 : index
      %get3A_198 = tpu.vector_load %arg10[%get3A_196, %get3A_197] {strides = array<i32>} : memref<640x32xbf16, #tpu.memory_space<vmem>>, vector<32xbf16>,
      %unpack3A_199 = tpu.unpack_subelements %get3A_198, 0 {pack_format = #tpu.pack_format<interleaved>} : vector<32xbf16> -> vector<16xf32>
      %unpack3A_200 = tpu.unpack_subelements %get3A_198, 1 {pack_format = #tpu.pack_format<interleaved>} : vector<32xbf16> -> vector<16xf32>
      %mul3A_201 = vector.broadcast %mul3A_195 : f32 to vector<16xf32>
      %mul3A_202 = arith.mulf %unpack3A_199, %mul3A_201 : vector<16xf32>
      %mul3A_203 = vector.broadcast %mul3A_195 : f32 to vector<16xf32>
      %mul3A_204 = arith.mulf %unpack3A_200, %mul3A_203 : vector<16xf32>
      %pack3A_205 = tpu.pack_subelements %mul3A_202, %mul3A_204 {pack_format = #tpu.pack_format<interleaved>, positions = array<i32: 0, 1>} : vector<16xf32>, vector<16xf32> -> vector<32xbf16>
      %swap3A_206 = arith.index_cast %add3A_190 : i32 to index
      %swap3A_207 = arith.constant 0 : index
      %swap3A_208 = tpu.vector_load %arg10[%swap3A_206, %swap3A_207] {strides = array<i32>} : memref<640x32xbf16, #tpu.memory_space<vmem>>, vector<32xbf16>,
      tpu.vector_store %arg10[%swap3A_206, %swap3A_207], %pack3A_205 {strides = array<i32>} : memref<640x32xbf16, #tpu.memory_space<vmem>>, vector<32xbf16>,
      %mul3A_209 = arith.constant 16 : i32
      %mul3A_210 = arith.muli %scan3A_35, %mul3A_209 : i32
      %add3A_211 = arith.constant 8 : i32
      %add3A_212 = arith.addi %mul3A_210, %add3A_211 : i32
      %slice3A_213 = vector.extract_strided_slice %get3A_38 {offsets = [8], sizes = [1], strides = [1]} : vector<16xf32> to vector<1xf32>
      %squeeze3A_214 = vector.extract %slice3A_213[0] : f32 from vector<1xf32>
      %slice3A_215 = vector.extract_strided_slice %get3A_38 {offsets = [8], sizes = [1], strides = [1]} : vector<16xf32> to vector<1xf32>
      %squeeze3A_216 = vector.extract %slice3A_215[0] : f32 from vector<1xf32>
      %mul3A_217 = arith.mulf %squeeze3A_214, %squeeze3A_216 : f32
      %get3A_218 = arith.index_cast %add3A_212 : i32 to index
      %get3A_219 = arith.constant 0 : index
      %get3A_220 = tpu.vector_load %arg10[%get3A_218, %get3A_219] {strides = array<i32>} : memref<640x32xbf16, #tpu.memory_space<vmem>>, vector<32xbf16>,
      %unpack3A_221 = tpu.unpack_subelements %get3A_220, 0 {pack_format = #tpu.pack_format<interleaved>} : vector<32xbf16> -> vector<16xf32>
      %unpack3A_222 = tpu.unpack_subelements %get3A_220, 1 {pack_format = #tpu.pack_format<interleaved>} : vector<32xbf16> -> vector<16xf32>
      %mul3A_223 = vector.broadcast %mul3A_217 : f32 to vector<16xf32>
      %mul3A_224 = arith.mulf %unpack3A_221, %mul3A_223 : vector<16xf32>
      %mul3A_225 = vector.broadcast %mul3A_217 : f32 to vector<16xf32>
      %mul3A_226 = arith.mulf %unpack3A_222, %mul3A_225 : vector<16xf32>
      %pack3A_227 = tpu.pack_subelements %mul3A_224, %mul3A_226 {pack_format = #tpu.pack_format<interleaved>, positions = array<i32: 0, 1>} : vector<16xf32>, vector<16xf32> -> vector<32xbf16>
      %swap3A_228 = arith.index_cast %add3A_212 : i32 to index
      %swap3A_229 = arith.constant 0 : index
      %swap3A_230 = tpu.vector_load %arg10[%swap3A_228, %swap3A_229] {strides = array<i32>} : memref<640x32xbf16, #tpu.memory_space<vmem>>, vector<32xbf16>,
      tpu.vector_store %arg10[%swap3A_228, %swap3A_229], %pack3A_227 {strides = array<i32>} : memref<640x32xbf16, #tpu.memory_space<vmem>>, vector<32xbf16>,
      %mul3A_231 = arith.constant 16 : i32
      %mul3A_232 = arith.muli %scan3A_35, %mul3A_231 : i32
      %add3A_233 = arith.constant 9 : i32
      %add3A_234 = arith.addi %mul3A_232, %add3A_233 : i32
      %slice3A_235 = vector.extract_strided_slice %get3A_38 {offsets = [9], sizes = [1], strides = [1]} : vector<16xf32> to vector<1xf32>
      %squeeze3A_236 = vector.extract %slice3A_235[0] : f32 from vector<1xf32>
      %slice3A_237 = vector.extract_strided_slice %get3A_38 {offsets = [9], sizes = [1], strides = [1]} : vector<16xf32> to vector<1xf32>
      %squeeze3A_238 = vector.extract %slice3A_237[0] : f32 from vector<1xf32>
      %mul3A_239 = arith.mulf %squeeze3A_236, %squeeze3A_238 : f32
      %get3A_240 = arith.index_cast %add3A_234 : i32 to index
      %get3A_241 = arith.constant 0 : index
      %get3A_242 = tpu.vector_load %arg10[%get3A_240, %get3A_241] {strides = array<i32>} : memref<640x32xbf16, #tpu.memory_space<vmem>>, vector<32xbf16>,
      %unpack3A_243 = tpu.unpack_subelements %get3A_242, 0 {pack_format = #tpu.pack_format<interleaved>} : vector<32xbf16> -> vector<16xf32>
      %unpack3A_244 = tpu.unpack_subelements %get3A_242, 1 {pack_format = #tpu.pack_format<interleaved>} : vector<32xbf16> -> vector<16xf32>
      %mul3A_245 = vector.broadcast %mul3A_239 : f32 to vector<16xf32>
      %mul3A_246 = arith.mulf %unpack3A_243, %mul3A_245 : vector<16xf32>
      %mul3A_247 = vector.broadcast %mul3A_239 : f32 to vector<16xf32>
      %mul3A_248 = arith.mulf %unpack3A_244, %mul3A_247 : vector<16xf32>
      %pack3A_249 = tpu.pack_subelements %mul3A_246, %mul3A_248 {pack_format = #tpu.pack_format<interleaved>, positions = array<i32: 0, 1>} : vector<16xf32>, vector<16xf32> -> vector<32xbf16>
      %swap3A_250 = arith.index_cast %add3A_234 : i32 to index
      %swap3A_251 = arith.constant 0 : index
      %swap3A_252 = tpu.vector_load %arg10[%swap3A_250, %swap3A_251] {strides = array<i32>} : memref<640x32xbf16, #tpu.memory_space<vmem>>, vector<32xbf16>,
      tpu.vector_store %arg10[%swap3A_250, %swap3A_251], %pack3A_249 {strides = array<i32>} : memref<640x32xbf16, #tpu.memory_space<vmem>>, vector<32xbf16>,
      %mul3A_253 = arith.constant 16 : i32
      %mul3A_254 = arith.muli %scan3A_35, %mul3A_253 : i32
      %add3A_255 = arith.constant 10 : i32
      %add3A_256 = arith.addi %mul3A_254, %add3A_255 : i32
      %slice3A_257 = vector.extract_strided_slice %get3A_38 {offsets = [10], sizes = [1], strides = [1]} : vector<16xf32> to vector<1xf32>
      %squeeze3A_258 = vector.extract %slice3A_257[0] : f32 from vector<1xf32>
      %slice3A_259 = vector.extract_strided_slice %get3A_38 {offsets = [10], sizes = [1], strides = [1]} : vector<16xf32> to vector<1xf32>
      %squeeze3A_260 = vector.extract %slice3A_259[0] : f32 from vector<1xf32>
      %mul3A_261 = arith.mulf %squeeze3A_258, %squeeze3A_260 : f32
      %get3A_262 = arith.index_cast %add3A_256 : i32 to index
      %get3A_263 = arith.constant 0 : index
      %get3A_264 = tpu.vector_load %arg10[%get3A_262, %get3A_263] {strides = array<i32>} : memref<640x32xbf16, #tpu.memory_space<vmem>>, vector<32xbf16>,
      %unpack3A_265 = tpu.unpack_subelements %get3A_264, 0 {pack_format = #tpu.pack_format<interleaved>} : vector<32xbf16> -> vector<16xf32>
      %unpack3A_266 = tpu.unpack_subelements %get3A_264, 1 {pack_format = #tpu.pack_format<interleaved>} : vector<32xbf16> -> vector<16xf32>
      %mul3A_267 = vector.broadcast %mul3A_261 : f32 to vector<16xf32>
      %mul3A_268 = arith.mulf %unpack3A_265, %mul3A_267 : vector<16xf32>
      %mul3A_269 = vector.broadcast %mul3A_261 : f32 to vector<16xf32>
      %mul3A_270 = arith.mulf %unpack3A_266, %mul3A_269 : vector<16xf32>
      %pack3A_271 = tpu.pack_subelements %mul3A_268, %mul3A_270 {pack_format = #tpu.pack_format<interleaved>, positions = array<i32: 0, 1>} : vector<16xf32>, vector<16xf32> -> vector<32xbf16>
      %swap3A_272 = arith.index_cast %add3A_256 : i32 to index
      %swap3A_273 = arith.constant 0 : index
      %swap3A_274 = tpu.vector_load %arg10[%swap3A_272, %swap3A_273] {strides = array<i32>} : memref<640x32xbf16, #tpu.memory_space<vmem>>, vector<32xbf16>,
      tpu.vector_store %arg10[%swap3A_272, %swap3A_273], %pack3A_271 {strides = array<i32>} : memref<640x32xbf16, #tpu.memory_space<vmem>>, vector<32xbf16>,
      %mul3A_275 = arith.constant 16 : i32
      %mul3A_276 = arith.muli %scan3A_35, %mul3A_275 : i32
      %add3A_277 = arith.constant 11 : i32
      %add3A_278 = arith.addi %mul3A_276, %add3A_277 : i32
      %slice3A_279 = vector.extract_strided_slice %get3A_38 {offsets = [11], sizes = [1], strides = [1]} : vector<16xf32> to vector<1xf32>
      %squeeze3A_280 = vector.extract %slice3A_279[0] : f32 from vector<1xf32>
      %slice3A_281 = vector.extract_strided_slice %get3A_38 {offsets = [11], sizes = [1], strides = [1]} : vector<16xf32> to vector<1xf32>
      %squeeze3A_282 = vector.extract %slice3A_281[0] : f32 from vector<1xf32>
      %mul3A_283 = arith.mulf %squeeze3A_280, %squeeze3A_282 : f32
      %get3A_284 = arith.index_cast %add3A_278 : i32 to index
      %get3A_285 = arith.constant 0 : index
      %get3A_286 = tpu.vector_load %arg10[%get3A_284, %get3A_285] {strides = array<i32>} : memref<640x32xbf16, #tpu.memory_space<vmem>>, vector<32xbf16>,
      %unpack3A_287 = tpu.unpack_subelements %get3A_286, 0 {pack_format = #tpu.pack_format<interleaved>} : vector<32xbf16> -> vector<16xf32>
      %unpack3A_288 = tpu.unpack_subelements %get3A_286, 1 {pack_format = #tpu.pack_format<interleaved>} : vector<32xbf16> -> vector<16xf32>
      %mul3A_289 = vector.broadcast %mul3A_283 : f32 to vector<16xf32>
      %mul3A_290 = arith.mulf %unpack3A_287, %mul3A_289 : vector<16xf32>
      %mul3A_291 = vector.broadcast %mul3A_283 : f32 to vector<16xf32>
      %mul3A_292 = arith.mulf %unpack3A_288, %mul3A_291 : vector<16xf32>
      %pack3A_293 = tpu.pack_subelements %mul3A_290, %mul3A_292 {pack_format = #tpu.pack_format<interleaved>, positions = array<i32: 0, 1>} : vector<16xf32>, vector<16xf32> -> vector<32xbf16>
      %swap3A_294 = arith.index_cast %add3A_278 : i32 to index
      %swap3A_295 = arith.constant 0 : index
      %swap3A_296 = tpu.vector_load %arg10[%swap3A_294, %swap3A_295] {strides = array<i32>} : memref<640x32xbf16, #tpu.memory_space<vmem>>, vector<32xbf16>,
      tpu.vector_store %arg10[%swap3A_294, %swap3A_295], %pack3A_293 {strides = array<i32>} : memref<640x32xbf16, #tpu.memory_space<vmem>>, vector<32xbf16>,
      %mul3A_297 = arith.constant 16 : i32
      %mul3A_298 = arith.muli %scan3A_35, %mul3A_297 : i32
      %add3A_299 = arith.constant 12 : i32
      %add3A_300 = arith.addi %mul3A_298, %add3A_299 : i32
      %slice3A_301 = vector.extract_strided_slice %get3A_38 {offsets = [12], sizes = [1], strides = [1]} : vector<16xf32> to vector<1xf32>
      %squeeze3A_302 = vector.extract %slice3A_301[0] : f32 from vector<1xf32>
      %slice3A_303 = vector.extract_strided_slice %get3A_38 {offsets = [12], sizes = [1], strides = [1]} : vector<16xf32> to vector<1xf32>
      %squeeze3A_304 = vector.extract %slice3A_303[0] : f32 from vector<1xf32>
      %mul3A_305 = arith.mulf %squeeze3A_302, %squeeze3A_304 : f32
      %get3A_306 = arith.index_cast %add3A_300 : i32 to index
      %get3A_307 = arith.constant 0 : index
      %get3A_308 = tpu.vector_load %arg10[%get3A_306, %get3A_307] {strides = array<i32>} : memref<640x32xbf16, #tpu.memory_space<vmem>>, vector<32xbf16>,
      %unpack3A_309 = tpu.unpack_subelements %get3A_308, 0 {pack_format = #tpu.pack_format<interleaved>} : vector<32xbf16> -> vector<16xf32>
      %unpack3A_310 = tpu.unpack_subelements %get3A_308, 1 {pack_format = #tpu.pack_format<interleaved>} : vector<32xbf16> -> vector<16xf32>
      %mul3A_311 = vector.broadcast %mul3A_305 : f32 to vector<16xf32>
      %mul3A_312 = arith.mulf %unpack3A_309, %mul3A_311 : vector<16xf32>
      %mul3A_313 = vector.broadcast %mul3A_305 : f32 to vector<16xf32>
      %mul3A_314 = arith.mulf %unpack3A_310, %mul3A_313 : vector<16xf32>
      %pack3A_315 = tpu.pack_subelements %mul3A_312, %mul3A_314 {pack_format = #tpu.pack_format<interleaved>, positions = array<i32: 0, 1>} : vector<16xf32>, vector<16xf32> -> vector<32xbf16>
      %swap3A_316 = arith.index_cast %add3A_300 : i32 to index
      %swap3A_317 = arith.constant 0 : index
      %swap3A_318 = tpu.vector_load %arg10[%swap3A_316, %swap3A_317] {strides = array<i32>} : memref<640x32xbf16, #tpu.memory_space<vmem>>, vector<32xbf16>,
      tpu.vector_store %arg10[%swap3A_316, %swap3A_317], %pack3A_315 {strides = array<i32>} : memref<640x32xbf16, #tpu.memory_space<vmem>>, vector<32xbf16>,
      %mul3A_319 = arith.constant 16 : i32
      %mul3A_320 = arith.muli %scan3A_35, %mul3A_319 : i32
      %add3A_321 = arith.constant 13 : i32
      %add3A_322 = arith.addi %mul3A_320, %add3A_321 : i32
      %slice3A_323 = vector.extract_strided_slice %get3A_38 {offsets = [13], sizes = [1], strides = [1]} : vector<16xf32> to vector<1xf32>
      %squeeze3A_324 = vector.extract %slice3A_323[0] : f32 from vector<1xf32>
      %slice3A_325 = vector.extract_strided_slice %get3A_38 {offsets = [13], sizes = [1], strides = [1]} : vector<16xf32> to vector<1xf32>
      %squeeze3A_326 = vector.extract %slice3A_325[0] : f32 from vector<1xf32>
      %mul3A_327 = arith.mulf %squeeze3A_324, %squeeze3A_326 : f32
      %get3A_328 = arith.index_cast %add3A_322 : i32 to index
      %get3A_329 = arith.constant 0 : index
      %get3A_330 = tpu.vector_load %arg10[%get3A_328, %get3A_329] {strides = array<i32>} : memref<640x32xbf16, #tpu.memory_space<vmem>>, vector<32xbf16>,
      %unpack3A_331 = tpu.unpack_subelements %get3A_330, 0 {pack_format = #tpu.pack_format<interleaved>} : vector<32xbf16> -> vector<16xf32>
      %unpack3A_332 = tpu.unpack_subelements %get3A_330, 1 {pack_format = #tpu.pack_format<interleaved>} : vector<32xbf16> -> vector<16xf32>
      %mul3A_333 = vector.broadcast %mul3A_327 : f32 to vector<16xf32>
      %mul3A_334 = arith.mulf %unpack3A_331, %mul3A_333 : vector<16xf32>
      %mul3A_335 = vector.broadcast %mul3A_327 : f32 to vector<16xf32>
      %mul3A_336 = arith.mulf %unpack3A_332, %mul3A_335 : vector<16xf32>
      %pack3A_337 = tpu.pack_subelements %mul3A_334, %mul3A_336 {pack_format = #tpu.pack_format<interleaved>, positions = array<i32: 0, 1>} : vector<16xf32>, vector<16xf32> -> vector<32xbf16>
      %swap3A_338 = arith.index_cast %add3A_322 : i32 to index
      %swap3A_339 = arith.constant 0 : index
      %swap3A_340 = tpu.vector_load %arg10[%swap3A_338, %swap3A_339] {strides = array<i32>} : memref<640x32xbf16, #tpu.memory_space<vmem>>, vector<32xbf16>,
      tpu.vector_store %arg10[%swap3A_338, %swap3A_339], %pack3A_337 {strides = array<i32>} : memref<640x32xbf16, #tpu.memory_space<vmem>>, vector<32xbf16>,
      %mul3A_341 = arith.constant 16 : i32
      %mul3A_342 = arith.muli %scan3A_35, %mul3A_341 : i32
      %add3A_343 = arith.constant 14 : i32
      %add3A_344 = arith.addi %mul3A_342, %add3A_343 : i32
      %slice3A_345 = vector.extract_strided_slice %get3A_38 {offsets = [14], sizes = [1], strides = [1]} : vector<16xf32> to vector<1xf32>
      %squeeze3A_346 = vector.extract %slice3A_345[0] : f32 from vector<1xf32>
      %slice3A_347 = vector.extract_strided_slice %get3A_38 {offsets = [14], sizes = [1], strides = [1]} : vector<16xf32> to vector<1xf32>
      %squeeze3A_348 = vector.extract %slice3A_347[0] : f32 from vector<1xf32>
      %mul3A_349 = arith.mulf %squeeze3A_346, %squeeze3A_348 : f32
      %get3A_350 = arith.index_cast %add3A_344 : i32 to index
      %get3A_351 = arith.constant 0 : index
      %get3A_352 = tpu.vector_load %arg10[%get3A_350, %get3A_351] {strides = array<i32>} : memref<640x32xbf16, #tpu.memory_space<vmem>>, vector<32xbf16>,
      %unpack3A_353 = tpu.unpack_subelements %get3A_352, 0 {pack_format = #tpu.pack_format<interleaved>} : vector<32xbf16> -> vector<16xf32>
      %unpack3A_354 = tpu.unpack_subelements %get3A_352, 1 {pack_format = #tpu.pack_format<interleaved>} : vector<32xbf16> -> vector<16xf32>
      %mul3A_355 = vector.broadcast %mul3A_349 : f32 to vector<16xf32>
      %mul3A_356 = arith.mulf %unpack3A_353, %mul3A_355 : vector<16xf32>
      %mul3A_357 = vector.broadcast %mul3A_349 : f32 to vector<16xf32>
      %mul3A_358 = arith.mulf %unpack3A_354, %mul3A_357 : vector<16xf32>
      %pack3A_359 = tpu.pack_subelements %mul3A_356, %mul3A_358 {pack_format = #tpu.pack_format<interleaved>, positions = array<i32: 0, 1>} : vector<16xf32>, vector<16xf32> -> vector<32xbf16>
      %swap3A_360 = arith.index_cast %add3A_344 : i32 to index
      %swap3A_361 = arith.constant 0 : index
      %swap3A_362 = tpu.vector_load %arg10[%swap3A_360, %swap3A_361] {strides = array<i32>} : memref<640x32xbf16, #tpu.memory_space<vmem>>, vector<32xbf16>,
      tpu.vector_store %arg10[%swap3A_360, %swap3A_361], %pack3A_359 {strides = array<i32>} : memref<640x32xbf16, #tpu.memory_space<vmem>>, vector<32xbf16>,
      %mul3A_363 = arith.constant 16 : i32
      %mul3A_364 = arith.muli %scan3A_35, %mul3A_363 : i32
      %add3A_365 = arith.constant 15 : i32
      %add3A_366 = arith.addi %mul3A_364, %add3A_365 : i32
      %slice3A_367 = vector.extract_strided_slice %get3A_38 {offsets = [15], sizes = [1], strides = [1]} : vector<16xf32> to vector<1xf32>
      %squeeze3A_368 = vector.extract %slice3A_367[0] : f32 from vector<1xf32>
      %slice3A_369 = vector.extract_strided_slice %get3A_38 {offsets = [15], sizes = [1], strides = [1]} : vector<16xf32> to vector<1xf32>
      %squeeze3A_370 = vector.extract %slice3A_369[0] : f32 from vector<1xf32>
      %mul3A_371 = arith.mulf %squeeze3A_368, %squeeze3A_370 : f32
      %get3A_372 = arith.index_cast %add3A_366 : i32 to index
      %get3A_373 = arith.constant 0 : index
      %get3A_374 = tpu.vector_load %arg10[%get3A_372, %get3A_373] {strides = array<i32>} : memref<640x32xbf16, #tpu.memory_space<vmem>>, vector<32xbf16>,
      %unpack3A_375 = tpu.unpack_subelements %get3A_374, 0 {pack_format = #tpu.pack_format<interleaved>} : vector<32xbf16> -> vector<16xf32>
      %unpack3A_376 = tpu.unpack_subelements %get3A_374, 1 {pack_format = #tpu.pack_format<interleaved>} : vector<32xbf16> -> vector<16xf32>
      %mul3A_377 = vector.broadcast %mul3A_371 : f32 to vector<16xf32>
      %mul3A_378 = arith.mulf %unpack3A_375, %mul3A_377 : vector<16xf32>
      %mul3A_379 = vector.broadcast %mul3A_371 : f32 to vector<16xf32>
      %mul3A_380 = arith.mulf %unpack3A_376, %mul3A_379 : vector<16xf32>
      %pack3A_381 = tpu.pack_subelements %mul3A_378, %mul3A_380 {pack_format = #tpu.pack_format<interleaved>, positions = array<i32: 0, 1>} : vector<16xf32>, vector<16xf32> -> vector<32xbf16>
      %swap3A_382 = arith.index_cast %add3A_366 : i32 to index
      %swap3A_383 = arith.constant 0 : index
      %swap3A_384 = tpu.vector_load %arg10[%swap3A_382, %swap3A_383] {strides = array<i32>} : memref<640x32xbf16, #tpu.memory_space<vmem>>, vector<32xbf16>,
      tpu.vector_store %arg10[%swap3A_382, %swap3A_383], %pack3A_381 {strides = array<i32>} : memref<640x32xbf16, #tpu.memory_space<vmem>>, vector<32xbf16>,
    }
    %scan3A_22 = arith.constant 40 : i32
    "tpu.region"() ({
      %run_scoped3A = tpu.sem_alloc : memref<!tpu.dma_semaphore, #tpu.memory_space<semaphore_mem>>
      %dma_start3A = arith.constant 0 : i32
      %dma_start3A_35 = tpu.memref_slice %arg12[%mul3A_0, %dma_start3A] : memref<10240x32xbf16, #tpu.memory_space<vmem_shared>> -> memref<640x32xbf16, #tpu.memory_space<vmem_shared>>
      %dma_start3A_36 = arith.constant 0 : i32
      %dma_start3A_37 = tpu.memref_slice %arg12[%mul3A_0, %dma_start3A_36] : memref<10240x32xbf16, #tpu.memory_space<vmem_shared>> -> memref<640x32xbf16, #tpu.memory_space<vmem_shared>>
      tpu.enqueue_dma source(%arg10 : memref<640x32xbf16, #tpu.memory_space<vmem>>) target(%dma_start3A_37 : memref<640x32xbf16, #tpu.memory_space<vmem_shared>>) target_semaphore(%run_scoped3A : memref<!tpu.dma_semaphore, #tpu.memory_space<semaphore_mem>>)
      %dma_wait3A = arith.constant 0 : i32
      %dma_wait3A_38 = tpu.memref_slice %arg12[%mul3A_0, %dma_wait3A] : memref<10240x32xbf16, #tpu.memory_space<vmem_shared>> -> memref<640x32xbf16, #tpu.memory_space<vmem_shared>>
      %dma_wait3A_39 = arith.constant 0 : i32
      %dma_wait3A_40 = tpu.memref_slice %arg12[%mul3A_0, %dma_wait3A_39] : memref<10240x32xbf16, #tpu.memory_space<vmem_shared>> -> memref<640x32xbf16, #tpu.memory_space<vmem_shared>>
      tpu.wait_dma2 semaphore(%run_scoped3A : memref<!tpu.dma_semaphore, #tpu.memory_space<semaphore_mem>>) src(%arg10 : memref<640x32xbf16, #tpu.memory_space<vmem>>) dst(%dma_wait3A_40 : memref<640x32xbf16, #tpu.memory_space<vmem_shared>>)
      tpu.yield
    }) : () -> ()
    "tpu.region"() ({
      %run_scoped3A = tpu.sem_alloc : memref<!tpu.dma_semaphore, #tpu.memory_space<semaphore_mem>>
      %dma_start3A = arith.constant 0 : i32
      %dma_start3A_35 = tpu.memref_slice %arg13[%mul3A_0, %dma_start3A] : memref<10240x32xbf16, #tpu.memory_space<vmem_shared>> -> memref<640x32xbf16, #tpu.memory_space<vmem_shared>>
      %dma_start3A_36 = arith.constant 0 : i32
      %dma_start3A_37 = tpu.memref_slice %arg13[%mul3A_0, %dma_start3A_36] : memref<10240x32xbf16, #tpu.memory_space<vmem_shared>> -> memref<640x32xbf16, #tpu.memory_space<vmem_shared>>
      tpu.enqueue_dma source(%arg10 : memref<640x32xbf16, #tpu.memory_space<vmem>>) target(%dma_start3A_37 : memref<640x32xbf16, #tpu.memory_space<vmem_shared>>) target_semaphore(%run_scoped3A : memref<!tpu.dma_semaphore, #tpu.memory_space<semaphore_mem>>)
      %dma_wait3A = arith.constant 0 : i32
      %dma_wait3A_38 = tpu.memref_slice %arg13[%mul3A_0, %dma_wait3A] : memref<10240x32xbf16, #tpu.memory_space<vmem_shared>> -> memref<640x32xbf16, #tpu.memory_space<vmem_shared>>
      %dma_wait3A_39 = arith.constant 0 : i32
      %dma_wait3A_40 = tpu.memref_slice %arg13[%mul3A_0, %dma_wait3A_39] : memref<10240x32xbf16, #tpu.memory_space<vmem_shared>> -> memref<640x32xbf16, #tpu.memory_space<vmem_shared>>
      tpu.wait_dma2 semaphore(%run_scoped3A : memref<!tpu.dma_semaphore, #tpu.memory_space<semaphore_mem>>) src(%arg10 : memref<640x32xbf16, #tpu.memory_space<vmem>>) dst(%dma_wait3A_40 : memref<640x32xbf16, #tpu.memory_space<vmem_shared>>)
      tpu.yield
    }) : () -> ()
    %barrier3A_23 = arith.constant 0 : index
    tpu.barrier barrier_id(%barrier3A_23)
    %lt3A_24 = arith.constant 15 : i32
    %lt3A_25 = arith.cmpi slt, %arg1, %lt3A_24 : i32
    %convert_element_type3A_26 = arith.extui %lt3A_25 : i1 to i32
    %cond3A_27 = arith.constant 0 : i32
    %cond3A_28 = arith.cmpi ne, %convert_element_type3A_26, %cond3A_27 : i32
    scf.if %cond3A_28 {
      %dma_start3A = arith.constant 0 : i32
      %dma_start3A_35 = arith.constant 0 : i32
      %dma_start3A_36 = tpu.memref_slice %arg6[%dma_start3A, %dma_start3A_35] : memref<160x128xi32, #tpu.memory_space<vmem>> -> memref<1x128xi32, #tpu.memory_space<vmem>>
      %dma_start3A_37 = tpu.memref_squeeze %dma_start3A_36 : memref<1x128xi32, #tpu.memory_space<vmem>> -> memref<128xi32, #tpu.memory_space<vmem>>
      %dma_start3A_38 = arith.constant 0 : i32
      %dma_start3A_39 = arith.constant 0 : i32
      %dma_start3A_40 = tpu.memref_slice %arg12[%dma_start3A_38, %dma_start3A_39] : memref<10240x32xbf16, #tpu.memory_space<vmem_shared>> -> memref<10240x32xbf16, #tpu.memory_space<vmem_shared>>
      tpu.enqueue_indirect_dma source(%dma_start3A_40 : memref<10240x32xbf16, #tpu.memory_space<vmem_shared>>) target(%arg8 : memref<128x32xbf16, #tpu.memory_space<vmem>>) offsets(%dma_start3A_37 : memref<128xi32, #tpu.memory_space<vmem>>) semaphore(%arg14 : memref<!tpu.dma_semaphore, #tpu.memory_space<semaphore_mem>>)
      %dma_start3A_41 = arith.constant 1 : i32
      %dma_start3A_42 = arith.constant 0 : i32
      %dma_start3A_43 = tpu.memref_slice %arg6[%dma_start3A_41, %dma_start3A_42] : memref<160x128xi32, #tpu.memory_space<vmem>> -> memref<1x128xi32, #tpu.memory_space<vmem>>
      %dma_start3A_44 = tpu.memref_squeeze %dma_start3A_43 : memref<1x128xi32, #tpu.memory_space<vmem>> -> memref<128xi32, #tpu.memory_space<vmem>>
      %dma_start3A_45 = arith.constant 0 : i32
      %dma_start3A_46 = arith.constant 0 : i32
      %dma_start3A_47 = tpu.memref_slice %arg12[%dma_start3A_45, %dma_start3A_46] : memref<10240x32xbf16, #tpu.memory_space<vmem_shared>> -> memref<10240x32xbf16, #tpu.memory_space<vmem_shared>>
      tpu.enqueue_indirect_dma source(%dma_start3A_47 : memref<10240x32xbf16, #tpu.memory_space<vmem_shared>>) target(%arg9 : memref<128x32xbf16, #tpu.memory_space<vmem>>) offsets(%dma_start3A_44 : memref<128xi32, #tpu.memory_space<vmem>>) semaphore(%arg15 : memref<!tpu.dma_semaphore, #tpu.memory_space<semaphore_mem>>)
      %scan3A_48 = arith.constant 0 : i32
      %scan3A_49 = arith.constant 0 : i32
      %scan3A_50 = arith.constant 77 : i32
      %scan3A_51 = arith.addi %scan3A_49, %scan3A_50 : i32
      %scan3A_52 = arith.constant 1 : i32
      scf.for %scan3A_68 = %scan3A_49 to %scan3A_51 step %scan3A_52  : i32 {
        %dma_wait3A_69 = arith.constant 0 : i32
        %dma_wait3A_70 = arith.constant 0 : i32
        %dma_wait3A_71 = tpu.memref_slice %arg6[%dma_wait3A_69, %dma_wait3A_70] : memref<160x128xi32, #tpu.memory_space<vmem>> -> memref<1x128xi32, #tpu.memory_space<vmem>>
        %dma_wait3A_72 = tpu.memref_squeeze %dma_wait3A_71 : memref<1x128xi32, #tpu.memory_space<vmem>> -> memref<128xi32, #tpu.memory_space<vmem>>
        %dma_wait3A_73 = arith.constant 0 : i32
        %dma_wait3A_74 = arith.constant 0 : i32
        %dma_wait3A_75 = tpu.memref_slice %arg12[%dma_wait3A_73, %dma_wait3A_74] : memref<10240x32xbf16, #tpu.memory_space<vmem_shared>> -> memref<10240x32xbf16, #tpu.memory_space<vmem_shared>>
        tpu.wait_indirect_dma semaphore(%arg14 : memref<!tpu.dma_semaphore, #tpu.memory_space<semaphore_mem>>) src(%dma_wait3A_75 : memref<10240x32xbf16, #tpu.memory_space<vmem_shared>>) dst(%arg8 : memref<128x32xbf16, #tpu.memory_space<vmem>>)
        %mul3A_76 = arith.constant 2 : i32
        %mul3A_77 = arith.muli %mul3A_76, %scan3A_68 : i32
        "tpu.region"() ({
          %run_scoped3A_108 = tpu.sem_alloc : memref<!tpu.dma_semaphore, #tpu.memory_space<semaphore_mem>>
          %dma_start3A_109 = arith.constant 0 : i32
          %dma_start3A_110 = tpu.memref_slice %arg7[%mul3A_77, %dma_start3A_109] : memref<160x128xi32, #tpu.memory_space<vmem>> -> memref<1x128xi32, #tpu.memory_space<vmem>>
          %dma_start3A_111 = tpu.memref_squeeze %dma_start3A_110 : memref<1x128xi32, #tpu.memory_space<vmem>> -> memref<128xi32, #tpu.memory_space<vmem>>
          %dma_start3A_112 = arith.constant 0 : i32
          %dma_start3A_113 = arith.constant 0 : i32
          %dma_start3A_114 = tpu.memref_slice %arg13[%dma_start3A_112, %dma_start3A_113] : memref<10240x32xbf16, #tpu.memory_space<vmem_shared>> -> memref<10240x32xbf16, #tpu.memory_space<vmem_shared>>
          tpu.enqueue_indirect_dma source(%arg8 : memref<128x32xbf16, #tpu.memory_space<vmem>>) target(%dma_start3A_114 : memref<10240x32xbf16, #tpu.memory_space<vmem_shared>>) offsets(%dma_start3A_111 : memref<128xi32, #tpu.memory_space<vmem>>) semaphore(%run_scoped3A_108 : memref<!tpu.dma_semaphore, #tpu.memory_space<semaphore_mem>>) {add = true}
          %dma_wait3A_115 = arith.constant 0 : i32
          %dma_wait3A_116 = tpu.memref_slice %arg7[%mul3A_77, %dma_wait3A_115] : memref<160x128xi32, #tpu.memory_space<vmem>> -> memref<1x128xi32, #tpu.memory_space<vmem>>
          %dma_wait3A_117 = tpu.memref_squeeze %dma_wait3A_116 : memref<1x128xi32, #tpu.memory_space<vmem>> -> memref<128xi32, #tpu.memory_space<vmem>>
          %dma_wait3A_118 = arith.constant 0 : i32
          %dma_wait3A_119 = arith.constant 0 : i32
          %dma_wait3A_120 = tpu.memref_slice %arg13[%dma_wait3A_118, %dma_wait3A_119] : memref<10240x32xbf16, #tpu.memory_space<vmem_shared>> -> memref<10240x32xbf16, #tpu.memory_space<vmem_shared>>
          tpu.wait_indirect_dma semaphore(%run_scoped3A_108 : memref<!tpu.dma_semaphore, #tpu.memory_space<semaphore_mem>>) src(%arg8 : memref<128x32xbf16, #tpu.memory_space<vmem>>) dst(%dma_wait3A_120 : memref<10240x32xbf16, #tpu.memory_space<vmem_shared>>)
          tpu.yield
        }) : () -> ()
        %mul3A_78 = arith.constant 2 : i32
        %mul3A_79 = arith.muli %mul3A_78, %scan3A_68 : i32
        %add3A = arith.constant 2 : i32
        %add3A_80 = arith.addi %mul3A_79, %add3A : i32
        %dma_start3A_81 = arith.constant 0 : i32
        %dma_start3A_82 = tpu.memref_slice %arg6[%add3A_80, %dma_start3A_81] : memref<160x128xi32, #tpu.memory_space<vmem>> -> memref<1x128xi32, #tpu.memory_space<vmem>>
        %dma_start3A_83 = tpu.memref_squeeze %dma_start3A_82 : memref<1x128xi32, #tpu.memory_space<vmem>> -> memref<128xi32, #tpu.memory_space<vmem>>
        %dma_start3A_84 = arith.constant 0 : i32
        %dma_start3A_85 = arith.constant 0 : i32
        %dma_start3A_86 = tpu.memref_slice %arg12[%dma_start3A_84, %dma_start3A_85] : memref<10240x32xbf16, #tpu.memory_space<vmem_shared>> -> memref<10240x32xbf16, #tpu.memory_space<vmem_shared>>
        tpu.enqueue_indirect_dma source(%dma_start3A_86 : memref<10240x32xbf16, #tpu.memory_space<vmem_shared>>) target(%arg8 : memref<128x32xbf16, #tpu.memory_space<vmem>>) offsets(%dma_start3A_83 : memref<128xi32, #tpu.memory_space<vmem>>) semaphore(%arg14 : memref<!tpu.dma_semaphore, #tpu.memory_space<semaphore_mem>>)
        %dma_wait3A_87 = arith.constant 1 : i32
        %dma_wait3A_88 = arith.constant 0 : i32
        %dma_wait3A_89 = tpu.memref_slice %arg6[%dma_wait3A_87, %dma_wait3A_88] : memref<160x128xi32, #tpu.memory_space<vmem>> -> memref<1x128xi32, #tpu.memory_space<vmem>>
        %dma_wait3A_90 = tpu.memref_squeeze %dma_wait3A_89 : memref<1x128xi32, #tpu.memory_space<vmem>> -> memref<128xi32, #tpu.memory_space<vmem>>
        %dma_wait3A_91 = arith.constant 0 : i32
        %dma_wait3A_92 = arith.constant 0 : i32
        %dma_wait3A_93 = tpu.memref_slice %arg12[%dma_wait3A_91, %dma_wait3A_92] : memref<10240x32xbf16, #tpu.memory_space<vmem_shared>> -> memref<10240x32xbf16, #tpu.memory_space<vmem_shared>>
        tpu.wait_indirect_dma semaphore(%arg15 : memref<!tpu.dma_semaphore, #tpu.memory_space<semaphore_mem>>) src(%dma_wait3A_93 : memref<10240x32xbf16, #tpu.memory_space<vmem_shared>>) dst(%arg9 : memref<128x32xbf16, #tpu.memory_space<vmem>>)
        %mul3A_94 = arith.constant 2 : i32
        %mul3A_95 = arith.muli %mul3A_94, %scan3A_68 : i32
        %add3A_96 = arith.constant 1 : i32
        %add3A_97 = arith.addi %mul3A_95, %add3A_96 : i32
        "tpu.region"() ({
          %run_scoped3A_108 = tpu.sem_alloc : memref<!tpu.dma_semaphore, #tpu.memory_space<semaphore_mem>>
          %dma_start3A_109 = arith.constant 0 : i32
          %dma_start3A_110 = tpu.memref_slice %arg7[%add3A_97, %dma_start3A_109] : memref<160x128xi32, #tpu.memory_space<vmem>> -> memref<1x128xi32, #tpu.memory_space<vmem>>
          %dma_start3A_111 = tpu.memref_squeeze %dma_start3A_110 : memref<1x128xi32, #tpu.memory_space<vmem>> -> memref<128xi32, #tpu.memory_space<vmem>>
          %dma_start3A_112 = arith.constant 0 : i32
          %dma_start3A_113 = arith.constant 0 : i32
          %dma_start3A_114 = tpu.memref_slice %arg13[%dma_start3A_112, %dma_start3A_113] : memref<10240x32xbf16, #tpu.memory_space<vmem_shared>> -> memref<10240x32xbf16, #tpu.memory_space<vmem_shared>>
          tpu.enqueue_indirect_dma source(%arg9 : memref<128x32xbf16, #tpu.memory_space<vmem>>) target(%dma_start3A_114 : memref<10240x32xbf16, #tpu.memory_space<vmem_shared>>) offsets(%dma_start3A_111 : memref<128xi32, #tpu.memory_space<vmem>>) semaphore(%run_scoped3A_108 : memref<!tpu.dma_semaphore, #tpu.memory_space<semaphore_mem>>) {add = true}
          %dma_wait3A_115 = arith.constant 0 : i32
          %dma_wait3A_116 = tpu.memref_slice %arg7[%add3A_97, %dma_wait3A_115] : memref<160x128xi32, #tpu.memory_space<vmem>> -> memref<1x128xi32, #tpu.memory_space<vmem>>
          %dma_wait3A_117 = tpu.memref_squeeze %dma_wait3A_116 : memref<1x128xi32, #tpu.memory_space<vmem>> -> memref<128xi32, #tpu.memory_space<vmem>>
          %dma_wait3A_118 = arith.constant 0 : i32
          %dma_wait3A_119 = arith.constant 0 : i32
          %dma_wait3A_120 = tpu.memref_slice %arg13[%dma_wait3A_118, %dma_wait3A_119] : memref<10240x32xbf16, #tpu.memory_space<vmem_shared>> -> memref<10240x32xbf16, #tpu.memory_space<vmem_shared>>
          tpu.wait_indirect_dma semaphore(%run_scoped3A_108 : memref<!tpu.dma_semaphore, #tpu.memory_space<semaphore_mem>>) src(%arg9 : memref<128x32xbf16, #tpu.memory_space<vmem>>) dst(%dma_wait3A_120 : memref<10240x32xbf16, #tpu.memory_space<vmem_shared>>)
          tpu.yield
        }) : () -> ()
        %mul3A_98 = arith.constant 2 : i32
        %mul3A_99 = arith.muli %mul3A_98, %scan3A_68 : i32
        %add3A_100 = arith.constant 3 : i32
        %add3A_101 = arith.addi %mul3A_99, %add3A_100 : i32
        %dma_start3A_102 = arith.constant 0 : i32
        %dma_start3A_103 = tpu.memref_slice %arg6[%add3A_101, %dma_start3A_102] : memref<160x128xi32, #tpu.memory_space<vmem>> -> memref<1x128xi32, #tpu.memory_space<vmem>>
        %dma_start3A_104 = tpu.memref_squeeze %dma_start3A_103 : memref<1x128xi32, #tpu.memory_space<vmem>> -> memref<128xi32, #tpu.memory_space<vmem>>
        %dma_start3A_105 = arith.constant 0 : i32
        %dma_start3A_106 = arith.constant 0 : i32
        %dma_start3A_107 = tpu.memref_slice %arg12[%dma_start3A_105, %dma_start3A_106] : memref<10240x32xbf16, #tpu.memory_space<vmem_shared>> -> memref<10240x32xbf16, #tpu.memory_space<vmem_shared>>
        tpu.enqueue_indirect_dma source(%dma_start3A_107 : memref<10240x32xbf16, #tpu.memory_space<vmem_shared>>) target(%arg9 : memref<128x32xbf16, #tpu.memory_space<vmem>>) offsets(%dma_start3A_104 : memref<128xi32, #tpu.memory_space<vmem>>) semaphore(%arg15 : memref<!tpu.dma_semaphore, #tpu.memory_space<semaphore_mem>>)
      }
      %scan3A_53 = arith.constant 77 : i32
      %dma_wait3A = arith.constant 0 : i32
      %dma_wait3A_54 = arith.constant 0 : i32
      %dma_wait3A_55 = tpu.memref_slice %arg6[%dma_wait3A, %dma_wait3A_54] : memref<160x128xi32, #tpu.memory_space<vmem>> -> memref<1x128xi32, #tpu.memory_space<vmem>>
      %dma_wait3A_56 = tpu.memref_squeeze %dma_wait3A_55 : memref<1x128xi32, #tpu.memory_space<vmem>> -> memref<128xi32, #tpu.memory_space<vmem>>
      %dma_wait3A_57 = arith.constant 0 : i32
      %dma_wait3A_58 = arith.constant 0 : i32
      %dma_wait3A_59 = tpu.memref_slice %arg12[%dma_wait3A_57, %dma_wait3A_58] : memref<10240x32xbf16, #tpu.memory_space<vmem_shared>> -> memref<10240x32xbf16, #tpu.memory_space<vmem_shared>>
      tpu.wait_indirect_dma semaphore(%arg14 : memref<!tpu.dma_semaphore, #tpu.memory_space<semaphore_mem>>) src(%dma_wait3A_59 : memref<10240x32xbf16, #tpu.memory_space<vmem_shared>>) dst(%arg8 : memref<128x32xbf16, #tpu.memory_space<vmem>>)
      %run_scoped3A = arith.constant 154 : i32
      "tpu.region"() ({
        %run_scoped3A_68 = tpu.sem_alloc : memref<!tpu.dma_semaphore, #tpu.memory_space<semaphore_mem>>
        %dma_start3A_69 = arith.constant 0 : i32
        %dma_start3A_70 = tpu.memref_slice %arg7[%run_scoped3A, %dma_start3A_69] : memref<160x128xi32, #tpu.memory_space<vmem>> -> memref<1x128xi32, #tpu.memory_space<vmem>>
        %dma_start3A_71 = tpu.memref_squeeze %dma_start3A_70 : memref<1x128xi32, #tpu.memory_space<vmem>> -> memref<128xi32, #tpu.memory_space<vmem>>
        %dma_start3A_72 = arith.constant 0 : i32
        %dma_start3A_73 = arith.constant 0 : i32
        %dma_start3A_74 = tpu.memref_slice %arg13[%dma_start3A_72, %dma_start3A_73] : memref<10240x32xbf16, #tpu.memory_space<vmem_shared>> -> memref<10240x32xbf16, #tpu.memory_space<vmem_shared>>
        tpu.enqueue_indirect_dma source(%arg8 : memref<128x32xbf16, #tpu.memory_space<vmem>>) target(%dma_start3A_74 : memref<10240x32xbf16, #tpu.memory_space<vmem_shared>>) offsets(%dma_start3A_71 : memref<128xi32, #tpu.memory_space<vmem>>) semaphore(%run_scoped3A_68 : memref<!tpu.dma_semaphore, #tpu.memory_space<semaphore_mem>>) {add = true}
        %dma_wait3A_75 = arith.constant 0 : i32
        %dma_wait3A_76 = tpu.memref_slice %arg7[%run_scoped3A, %dma_wait3A_75] : memref<160x128xi32, #tpu.memory_space<vmem>> -> memref<1x128xi32, #tpu.memory_space<vmem>>
        %dma_wait3A_77 = tpu.memref_squeeze %dma_wait3A_76 : memref<1x128xi32, #tpu.memory_space<vmem>> -> memref<128xi32, #tpu.memory_space<vmem>>
        %dma_wait3A_78 = arith.constant 0 : i32
        %dma_wait3A_79 = arith.constant 0 : i32
        %dma_wait3A_80 = tpu.memref_slice %arg13[%dma_wait3A_78, %dma_wait3A_79] : memref<10240x32xbf16, #tpu.memory_space<vmem_shared>> -> memref<10240x32xbf16, #tpu.memory_space<vmem_shared>>
        tpu.wait_indirect_dma semaphore(%run_scoped3A_68 : memref<!tpu.dma_semaphore, #tpu.memory_space<semaphore_mem>>) src(%arg8 : memref<128x32xbf16, #tpu.memory_space<vmem>>) dst(%dma_wait3A_80 : memref<10240x32xbf16, #tpu.memory_space<vmem_shared>>)
        tpu.yield
      }) : () -> ()
      %dma_wait3A_60 = arith.constant 1 : i32
      %dma_wait3A_61 = arith.constant 0 : i32
      %dma_wait3A_62 = tpu.memref_slice %arg6[%dma_wait3A_60, %dma_wait3A_61] : memref<160x128xi32, #tpu.memory_space<vmem>> -> memref<1x128xi32, #tpu.memory_space<vmem>>
      %dma_wait3A_63 = tpu.memref_squeeze %dma_wait3A_62 : memref<1x128xi32, #tpu.memory_space<vmem>> -> memref<128xi32, #tpu.memory_space<vmem>>
      %dma_wait3A_64 = arith.constant 0 : i32
      %dma_wait3A_65 = arith.constant 0 : i32
      %dma_wait3A_66 = tpu.memref_slice %arg12[%dma_wait3A_64, %dma_wait3A_65] : memref<10240x32xbf16, #tpu.memory_space<vmem_shared>> -> memref<10240x32xbf16, #tpu.memory_space<vmem_shared>>
      tpu.wait_indirect_dma semaphore(%arg15 : memref<!tpu.dma_semaphore, #tpu.memory_space<semaphore_mem>>) src(%dma_wait3A_66 : memref<10240x32xbf16, #tpu.memory_space<vmem_shared>>) dst(%arg9 : memref<128x32xbf16, #tpu.memory_space<vmem>>)
      %run_scoped3A_67 = arith.constant 155 : i32
      "tpu.region"() ({
        %run_scoped3A_68 = tpu.sem_alloc : memref<!tpu.dma_semaphore, #tpu.memory_space<semaphore_mem>>
        %dma_start3A_69 = arith.constant 0 : i32
        %dma_start3A_70 = tpu.memref_slice %arg7[%run_scoped3A_67, %dma_start3A_69] : memref<160x128xi32, #tpu.memory_space<vmem>> -> memref<1x128xi32, #tpu.memory_space<vmem>>
        %dma_start3A_71 = tpu.memref_squeeze %dma_start3A_70 : memref<1x128xi32, #tpu.memory_space<vmem>> -> memref<128xi32, #tpu.memory_space<vmem>>
        %dma_start3A_72 = arith.constant 0 : i32
        %dma_start3A_73 = arith.constant 0 : i32
        %dma_start3A_74 = tpu.memref_slice %arg13[%dma_start3A_72, %dma_start3A_73] : memref<10240x32xbf16, #tpu.memory_space<vmem_shared>> -> memref<10240x32xbf16, #tpu.memory_space<vmem_shared>>
        tpu.enqueue_indirect_dma source(%arg9 : memref<128x32xbf16, #tpu.memory_space<vmem>>) target(%dma_start3A_74 : memref<10240x32xbf16, #tpu.memory_space<vmem_shared>>) offsets(%dma_start3A_71 : memref<128xi32, #tpu.memory_space<vmem>>) semaphore(%run_scoped3A_68 : memref<!tpu.dma_semaphore, #tpu.memory_space<semaphore_mem>>) {add = true}
        %dma_wait3A_75 = arith.constant 0 : i32
        %dma_wait3A_76 = tpu.memref_slice %arg7[%run_scoped3A_67, %dma_wait3A_75] : memref<160x128xi32, #tpu.memory_space<vmem>> -> memref<1x128xi32, #tpu.memory_space<vmem>>
        %dma_wait3A_77 = tpu.memref_squeeze %dma_wait3A_76 : memref<1x128xi32, #tpu.memory_space<vmem>> -> memref<128xi32, #tpu.memory_space<vmem>>
        %dma_wait3A_78 = arith.constant 0 : i32
        %dma_wait3A_79 = arith.constant 0 : i32
        %dma_wait3A_80 = tpu.memref_slice %arg13[%dma_wait3A_78, %dma_wait3A_79] : memref<10240x32xbf16, #tpu.memory_space<vmem_shared>> -> memref<10240x32xbf16, #tpu.memory_space<vmem_shared>>
        tpu.wait_indirect_dma semaphore(%run_scoped3A_68 : memref<!tpu.dma_semaphore, #tpu.memory_space<semaphore_mem>>) src(%arg9 : memref<128x32xbf16, #tpu.memory_space<vmem>>) dst(%dma_wait3A_80 : memref<10240x32xbf16, #tpu.memory_space<vmem_shared>>)
        tpu.yield
      }) : () -> ()
    } else {
    }
    %eq3A_29 = arith.constant 15 : i32
    %eq3A_30 = arith.cmpi eq, %arg1, %eq3A_29 : i32
    %convert_element_type3A_31 = arith.extui %eq3A_30 : i1 to i32
    %cond3A_32 = arith.constant 0 : i32
    %cond3A_33 = arith.cmpi ne, %convert_element_type3A_31, %cond3A_32 : i32
    scf.if %cond3A_33 {
      %dma_start3A = arith.constant 0 : i32
      %dma_start3A_35 = arith.constant 0 : i32
      %dma_start3A_36 = tpu.memref_slice %arg6[%dma_start3A, %dma_start3A_35] : memref<160x128xi32, #tpu.memory_space<vmem>> -> memref<1x128xi32, #tpu.memory_space<vmem>>
      %dma_start3A_37 = tpu.memref_squeeze %dma_start3A_36 : memref<1x128xi32, #tpu.memory_space<vmem>> -> memref<128xi32, #tpu.memory_space<vmem>>
      %dma_start3A_38 = arith.constant 0 : i32
      %dma_start3A_39 = arith.constant 0 : i32
      %dma_start3A_40 = tpu.memref_slice %arg12[%dma_start3A_38, %dma_start3A_39] : memref<10240x32xbf16, #tpu.memory_space<vmem_shared>> -> memref<10240x32xbf16, #tpu.memory_space<vmem_shared>>
      tpu.enqueue_indirect_dma source(%dma_start3A_40 : memref<10240x32xbf16, #tpu.memory_space<vmem_shared>>) target(%arg8 : memref<128x32xbf16, #tpu.memory_space<vmem>>) offsets(%dma_start3A_37 : memref<128xi32, #tpu.memory_space<vmem>>) semaphore(%arg14 : memref<!tpu.dma_semaphore, #tpu.memory_space<semaphore_mem>>)
      %dma_start3A_41 = arith.constant 1 : i32
      %dma_start3A_42 = arith.constant 0 : i32
      %dma_start3A_43 = tpu.memref_slice %arg6[%dma_start3A_41, %dma_start3A_42] : memref<160x128xi32, #tpu.memory_space<vmem>> -> memref<1x128xi32, #tpu.memory_space<vmem>>
      %dma_start3A_44 = tpu.memref_squeeze %dma_start3A_43 : memref<1x128xi32, #tpu.memory_space<vmem>> -> memref<128xi32, #tpu.memory_space<vmem>>
      %dma_start3A_45 = arith.constant 0 : i32
      %dma_start3A_46 = arith.constant 0 : i32
      %dma_start3A_47 = tpu.memref_slice %arg12[%dma_start3A_45, %dma_start3A_46] : memref<10240x32xbf16, #tpu.memory_space<vmem_shared>> -> memref<10240x32xbf16, #tpu.memory_space<vmem_shared>>
      tpu.enqueue_indirect_dma source(%dma_start3A_47 : memref<10240x32xbf16, #tpu.memory_space<vmem_shared>>) target(%arg9 : memref<128x32xbf16, #tpu.memory_space<vmem>>) offsets(%dma_start3A_44 : memref<128xi32, #tpu.memory_space<vmem>>) semaphore(%arg15 : memref<!tpu.dma_semaphore, #tpu.memory_space<semaphore_mem>>)
      %scan3A_48 = arith.constant 0 : i32
      %scan3A_49 = arith.constant 0 : i32
      %scan3A_50 = arith.constant 79 : i32
      %scan3A_51 = arith.addi %scan3A_49, %scan3A_50 : i32
      %scan3A_52 = arith.constant 1 : i32
      scf.for %scan3A_68 = %scan3A_49 to %scan3A_51 step %scan3A_52  : i32 {
        %dma_wait3A_69 = arith.constant 0 : i32
        %dma_wait3A_70 = arith.constant 0 : i32
        %dma_wait3A_71 = tpu.memref_slice %arg6[%dma_wait3A_69, %dma_wait3A_70] : memref<160x128xi32, #tpu.memory_space<vmem>> -> memref<1x128xi32, #tpu.memory_space<vmem>>
        %dma_wait3A_72 = tpu.memref_squeeze %dma_wait3A_71 : memref<1x128xi32, #tpu.memory_space<vmem>> -> memref<128xi32, #tpu.memory_space<vmem>>
        %dma_wait3A_73 = arith.constant 0 : i32
        %dma_wait3A_74 = arith.constant 0 : i32
        %dma_wait3A_75 = tpu.memref_slice %arg12[%dma_wait3A_73, %dma_wait3A_74] : memref<10240x32xbf16, #tpu.memory_space<vmem_shared>> -> memref<10240x32xbf16, #tpu.memory_space<vmem_shared>>
        tpu.wait_indirect_dma semaphore(%arg14 : memref<!tpu.dma_semaphore, #tpu.memory_space<semaphore_mem>>) src(%dma_wait3A_75 : memref<10240x32xbf16, #tpu.memory_space<vmem_shared>>) dst(%arg8 : memref<128x32xbf16, #tpu.memory_space<vmem>>)
        %mul3A_76 = arith.constant 2 : i32
        %mul3A_77 = arith.muli %mul3A_76, %scan3A_68 : i32
        "tpu.region"() ({
          %run_scoped3A_108 = tpu.sem_alloc : memref<!tpu.dma_semaphore, #tpu.memory_space<semaphore_mem>>
          %dma_start3A_109 = arith.constant 0 : i32
          %dma_start3A_110 = tpu.memref_slice %arg7[%mul3A_77, %dma_start3A_109] : memref<160x128xi32, #tpu.memory_space<vmem>> -> memref<1x128xi32, #tpu.memory_space<vmem>>
          %dma_start3A_111 = tpu.memref_squeeze %dma_start3A_110 : memref<1x128xi32, #tpu.memory_space<vmem>> -> memref<128xi32, #tpu.memory_space<vmem>>
          %dma_start3A_112 = arith.constant 0 : i32
          %dma_start3A_113 = arith.constant 0 : i32
          %dma_start3A_114 = tpu.memref_slice %arg13[%dma_start3A_112, %dma_start3A_113] : memref<10240x32xbf16, #tpu.memory_space<vmem_shared>> -> memref<10240x32xbf16, #tpu.memory_space<vmem_shared>>
          tpu.enqueue_indirect_dma source(%arg8 : memref<128x32xbf16, #tpu.memory_space<vmem>>) target(%dma_start3A_114 : memref<10240x32xbf16, #tpu.memory_space<vmem_shared>>) offsets(%dma_start3A_111 : memref<128xi32, #tpu.memory_space<vmem>>) semaphore(%run_scoped3A_108 : memref<!tpu.dma_semaphore, #tpu.memory_space<semaphore_mem>>) {add = true}
          %dma_wait3A_115 = arith.constant 0 : i32
          %dma_wait3A_116 = tpu.memref_slice %arg7[%mul3A_77, %dma_wait3A_115] : memref<160x128xi32, #tpu.memory_space<vmem>> -> memref<1x128xi32, #tpu.memory_space<vmem>>
          %dma_wait3A_117 = tpu.memref_squeeze %dma_wait3A_116 : memref<1x128xi32, #tpu.memory_space<vmem>> -> memref<128xi32, #tpu.memory_space<vmem>>
          %dma_wait3A_118 = arith.constant 0 : i32
          %dma_wait3A_119 = arith.constant 0 : i32
          %dma_wait3A_120 = tpu.memref_slice %arg13[%dma_wait3A_118, %dma_wait3A_119] : memref<10240x32xbf16, #tpu.memory_space<vmem_shared>> -> memref<10240x32xbf16, #tpu.memory_space<vmem_shared>>
          tpu.wait_indirect_dma semaphore(%run_scoped3A_108 : memref<!tpu.dma_semaphore, #tpu.memory_space<semaphore_mem>>) src(%arg8 : memref<128x32xbf16, #tpu.memory_space<vmem>>) dst(%dma_wait3A_120 : memref<10240x32xbf16, #tpu.memory_space<vmem_shared>>)
          tpu.yield
        }) : () -> ()
        %mul3A_78 = arith.constant 2 : i32
        %mul3A_79 = arith.muli %mul3A_78, %scan3A_68 : i32
        %add3A = arith.constant 2 : i32
        %add3A_80 = arith.addi %mul3A_79, %add3A : i32
        %dma_start3A_81 = arith.constant 0 : i32
        %dma_start3A_82 = tpu.memref_slice %arg6[%add3A_80, %dma_start3A_81] : memref<160x128xi32, #tpu.memory_space<vmem>> -> memref<1x128xi32, #tpu.memory_space<vmem>>
        %dma_start3A_83 = tpu.memref_squeeze %dma_start3A_82 : memref<1x128xi32, #tpu.memory_space<vmem>> -> memref<128xi32, #tpu.memory_space<vmem>>
        %dma_start3A_84 = arith.constant 0 : i32
        %dma_start3A_85 = arith.constant 0 : i32
        %dma_start3A_86 = tpu.memref_slice %arg12[%dma_start3A_84, %dma_start3A_85] : memref<10240x32xbf16, #tpu.memory_space<vmem_shared>> -> memref<10240x32xbf16, #tpu.memory_space<vmem_shared>>
        tpu.enqueue_indirect_dma source(%dma_start3A_86 : memref<10240x32xbf16, #tpu.memory_space<vmem_shared>>) target(%arg8 : memref<128x32xbf16, #tpu.memory_space<vmem>>) offsets(%dma_start3A_83 : memref<128xi32, #tpu.memory_space<vmem>>) semaphore(%arg14 : memref<!tpu.dma_semaphore, #tpu.memory_space<semaphore_mem>>)
        %dma_wait3A_87 = arith.constant 1 : i32
        %dma_wait3A_88 = arith.constant 0 : i32
        %dma_wait3A_89 = tpu.memref_slice %arg6[%dma_wait3A_87, %dma_wait3A_88] : memref<160x128xi32, #tpu.memory_space<vmem>> -> memref<1x128xi32, #tpu.memory_space<vmem>>
        %dma_wait3A_90 = tpu.memref_squeeze %dma_wait3A_89 : memref<1x128xi32, #tpu.memory_space<vmem>> -> memref<128xi32, #tpu.memory_space<vmem>>
        %dma_wait3A_91 = arith.constant 0 : i32
        %dma_wait3A_92 = arith.constant 0 : i32
        %dma_wait3A_93 = tpu.memref_slice %arg12[%dma_wait3A_91, %dma_wait3A_92] : memref<10240x32xbf16, #tpu.memory_space<vmem_shared>> -> memref<10240x32xbf16, #tpu.memory_space<vmem_shared>>
        tpu.wait_indirect_dma semaphore(%arg15 : memref<!tpu.dma_semaphore, #tpu.memory_space<semaphore_mem>>) src(%dma_wait3A_93 : memref<10240x32xbf16, #tpu.memory_space<vmem_shared>>) dst(%arg9 : memref<128x32xbf16, #tpu.memory_space<vmem>>)
        %mul3A_94 = arith.constant 2 : i32
        %mul3A_95 = arith.muli %mul3A_94, %scan3A_68 : i32
        %add3A_96 = arith.constant 1 : i32
        %add3A_97 = arith.addi %mul3A_95, %add3A_96 : i32
        "tpu.region"() ({
          %run_scoped3A_108 = tpu.sem_alloc : memref<!tpu.dma_semaphore, #tpu.memory_space<semaphore_mem>>
          %dma_start3A_109 = arith.constant 0 : i32
          %dma_start3A_110 = tpu.memref_slice %arg7[%add3A_97, %dma_start3A_109] : memref<160x128xi32, #tpu.memory_space<vmem>> -> memref<1x128xi32, #tpu.memory_space<vmem>>
          %dma_start3A_111 = tpu.memref_squeeze %dma_start3A_110 : memref<1x128xi32, #tpu.memory_space<vmem>> -> memref<128xi32, #tpu.memory_space<vmem>>
          %dma_start3A_112 = arith.constant 0 : i32
          %dma_start3A_113 = arith.constant 0 : i32
          %dma_start3A_114 = tpu.memref_slice %arg13[%dma_start3A_112, %dma_start3A_113] : memref<10240x32xbf16, #tpu.memory_space<vmem_shared>> -> memref<10240x32xbf16, #tpu.memory_space<vmem_shared>>
          tpu.enqueue_indirect_dma source(%arg9 : memref<128x32xbf16, #tpu.memory_space<vmem>>) target(%dma_start3A_114 : memref<10240x32xbf16, #tpu.memory_space<vmem_shared>>) offsets(%dma_start3A_111 : memref<128xi32, #tpu.memory_space<vmem>>) semaphore(%run_scoped3A_108 : memref<!tpu.dma_semaphore, #tpu.memory_space<semaphore_mem>>) {add = true}
          %dma_wait3A_115 = arith.constant 0 : i32
          %dma_wait3A_116 = tpu.memref_slice %arg7[%add3A_97, %dma_wait3A_115] : memref<160x128xi32, #tpu.memory_space<vmem>> -> memref<1x128xi32, #tpu.memory_space<vmem>>
          %dma_wait3A_117 = tpu.memref_squeeze %dma_wait3A_116 : memref<1x128xi32, #tpu.memory_space<vmem>> -> memref<128xi32, #tpu.memory_space<vmem>>
          %dma_wait3A_118 = arith.constant 0 : i32
          %dma_wait3A_119 = arith.constant 0 : i32
          %dma_wait3A_120 = tpu.memref_slice %arg13[%dma_wait3A_118, %dma_wait3A_119] : memref<10240x32xbf16, #tpu.memory_space<vmem_shared>> -> memref<10240x32xbf16, #tpu.memory_space<vmem_shared>>
          tpu.wait_indirect_dma semaphore(%run_scoped3A_108 : memref<!tpu.dma_semaphore, #tpu.memory_space<semaphore_mem>>) src(%arg9 : memref<128x32xbf16, #tpu.memory_space<vmem>>) dst(%dma_wait3A_120 : memref<10240x32xbf16, #tpu.memory_space<vmem_shared>>)
          tpu.yield
        }) : () -> ()
        %mul3A_98 = arith.constant 2 : i32
        %mul3A_99 = arith.muli %mul3A_98, %scan3A_68 : i32
        %add3A_100 = arith.constant 3 : i32
        %add3A_101 = arith.addi %mul3A_99, %add3A_100 : i32
        %dma_start3A_102 = arith.constant 0 : i32
        %dma_start3A_103 = tpu.memref_slice %arg6[%add3A_101, %dma_start3A_102] : memref<160x128xi32, #tpu.memory_space<vmem>> -> memref<1x128xi32, #tpu.memory_space<vmem>>
        %dma_start3A_104 = tpu.memref_squeeze %dma_start3A_103 : memref<1x128xi32, #tpu.memory_space<vmem>> -> memref<128xi32, #tpu.memory_space<vmem>>
        %dma_start3A_105 = arith.constant 0 : i32
        %dma_start3A_106 = arith.constant 0 : i32
        %dma_start3A_107 = tpu.memref_slice %arg12[%dma_start3A_105, %dma_start3A_106] : memref<10240x32xbf16, #tpu.memory_space<vmem_shared>> -> memref<10240x32xbf16, #tpu.memory_space<vmem_shared>>
        tpu.enqueue_indirect_dma source(%dma_start3A_107 : memref<10240x32xbf16, #tpu.memory_space<vmem_shared>>) target(%arg9 : memref<128x32xbf16, #tpu.memory_space<vmem>>) offsets(%dma_start3A_104 : memref<128xi32, #tpu.memory_space<vmem>>) semaphore(%arg15 : memref<!tpu.dma_semaphore, #tpu.memory_space<semaphore_mem>>)
      }
      %scan3A_53 = arith.constant 79 : i32
      %dma_wait3A = arith.constant 0 : i32
      %dma_wait3A_54 = arith.constant 0 : i32
      %dma_wait3A_55 = tpu.memref_slice %arg6[%dma_wait3A, %dma_wait3A_54] : memref<160x128xi32, #tpu.memory_space<vmem>> -> memref<1x128xi32, #tpu.memory_space<vmem>>
      %dma_wait3A_56 = tpu.memref_squeeze %dma_wait3A_55 : memref<1x128xi32, #tpu.memory_space<vmem>> -> memref<128xi32, #tpu.memory_space<vmem>>
      %dma_wait3A_57 = arith.constant 0 : i32
      %dma_wait3A_58 = arith.constant 0 : i32
      %dma_wait3A_59 = tpu.memref_slice %arg12[%dma_wait3A_57, %dma_wait3A_58] : memref<10240x32xbf16, #tpu.memory_space<vmem_shared>> -> memref<10240x32xbf16, #tpu.memory_space<vmem_shared>>
      tpu.wait_indirect_dma semaphore(%arg14 : memref<!tpu.dma_semaphore, #tpu.memory_space<semaphore_mem>>) src(%dma_wait3A_59 : memref<10240x32xbf16, #tpu.memory_space<vmem_shared>>) dst(%arg8 : memref<128x32xbf16, #tpu.memory_space<vmem>>)
      %run_scoped3A = arith.constant 158 : i32
      "tpu.region"() ({
        %run_scoped3A_68 = tpu.sem_alloc : memref<!tpu.dma_semaphore, #tpu.memory_space<semaphore_mem>>
        %dma_start3A_69 = arith.constant 0 : i32
        %dma_start3A_70 = tpu.memref_slice %arg7[%run_scoped3A, %dma_start3A_69] : memref<160x128xi32, #tpu.memory_space<vmem>> -> memref<1x128xi32, #tpu.memory_space<vmem>>
        %dma_start3A_71 = tpu.memref_squeeze %dma_start3A_70 : memref<1x128xi32, #tpu.memory_space<vmem>> -> memref<128xi32, #tpu.memory_space<vmem>>
        %dma_start3A_72 = arith.constant 0 : i32
        %dma_start3A_73 = arith.constant 0 : i32
        %dma_start3A_74 = tpu.memref_slice %arg13[%dma_start3A_72, %dma_start3A_73] : memref<10240x32xbf16, #tpu.memory_space<vmem_shared>> -> memref<10240x32xbf16, #tpu.memory_space<vmem_shared>>
        tpu.enqueue_indirect_dma source(%arg8 : memref<128x32xbf16, #tpu.memory_space<vmem>>) target(%dma_start3A_74 : memref<10240x32xbf16, #tpu.memory_space<vmem_shared>>) offsets(%dma_start3A_71 : memref<128xi32, #tpu.memory_space<vmem>>) semaphore(%run_scoped3A_68 : memref<!tpu.dma_semaphore, #tpu.memory_space<semaphore_mem>>) {add = true}
        %dma_wait3A_75 = arith.constant 0 : i32
        %dma_wait3A_76 = tpu.memref_slice %arg7[%run_scoped3A, %dma_wait3A_75] : memref<160x128xi32, #tpu.memory_space<vmem>> -> memref<1x128xi32, #tpu.memory_space<vmem>>
        %dma_wait3A_77 = tpu.memref_squeeze %dma_wait3A_76 : memref<1x128xi32, #tpu.memory_space<vmem>> -> memref<128xi32, #tpu.memory_space<vmem>>
        %dma_wait3A_78 = arith.constant 0 : i32
        %dma_wait3A_79 = arith.constant 0 : i32
        %dma_wait3A_80 = tpu.memref_slice %arg13[%dma_wait3A_78, %dma_wait3A_79] : memref<10240x32xbf16, #tpu.memory_space<vmem_shared>> -> memref<10240x32xbf16, #tpu.memory_space<vmem_shared>>
        tpu.wait_indirect_dma semaphore(%run_scoped3A_68 : memref<!tpu.dma_semaphore, #tpu.memory_space<semaphore_mem>>) src(%arg8 : memref<128x32xbf16, #tpu.memory_space<vmem>>) dst(%dma_wait3A_80 : memref<10240x32xbf16, #tpu.memory_space<vmem_shared>>)
        tpu.yield
      }) : () -> ()
      %dma_wait3A_60 = arith.constant 1 : i32
      %dma_wait3A_61 = arith.constant 0 : i32
      %dma_wait3A_62 = tpu.memref_slice %arg6[%dma_wait3A_60, %dma_wait3A_61] : memref<160x128xi32, #tpu.memory_space<vmem>> -> memref<1x128xi32, #tpu.memory_space<vmem>>
      %dma_wait3A_63 = tpu.memref_squeeze %dma_wait3A_62 : memref<1x128xi32, #tpu.memory_space<vmem>> -> memref<128xi32, #tpu.memory_space<vmem>>
      %dma_wait3A_64 = arith.constant 0 : i32
      %dma_wait3A_65 = arith.constant 0 : i32
      %dma_wait3A_66 = tpu.memref_slice %arg12[%dma_wait3A_64, %dma_wait3A_65] : memref<10240x32xbf16, #tpu.memory_space<vmem_shared>> -> memref<10240x32xbf16, #tpu.memory_space<vmem_shared>>
      tpu.wait_indirect_dma semaphore(%arg15 : memref<!tpu.dma_semaphore, #tpu.memory_space<semaphore_mem>>) src(%dma_wait3A_66 : memref<10240x32xbf16, #tpu.memory_space<vmem_shared>>) dst(%arg9 : memref<128x32xbf16, #tpu.memory_space<vmem>>)
      %run_scoped3A_67 = arith.constant 159 : i32
      "tpu.region"() ({
        %run_scoped3A_68 = tpu.sem_alloc : memref<!tpu.dma_semaphore, #tpu.memory_space<semaphore_mem>>
        %dma_start3A_69 = arith.constant 0 : i32
        %dma_start3A_70 = tpu.memref_slice %arg7[%run_scoped3A_67, %dma_start3A_69] : memref<160x128xi32, #tpu.memory_space<vmem>> -> memref<1x128xi32, #tpu.memory_space<vmem>>
        %dma_start3A_71 = tpu.memref_squeeze %dma_start3A_70 : memref<1x128xi32, #tpu.memory_space<vmem>> -> memref<128xi32, #tpu.memory_space<vmem>>
        %dma_start3A_72 = arith.constant 0 : i32
        %dma_start3A_73 = arith.constant 0 : i32
        %dma_start3A_74 = tpu.memref_slice %arg13[%dma_start3A_72, %dma_start3A_73] : memref<10240x32xbf16, #tpu.memory_space<vmem_shared>> -> memref<10240x32xbf16, #tpu.memory_space<vmem_shared>>
        tpu.enqueue_indirect_dma source(%arg9 : memref<128x32xbf16, #tpu.memory_space<vmem>>) target(%dma_start3A_74 : memref<10240x32xbf16, #tpu.memory_space<vmem_shared>>) offsets(%dma_start3A_71 : memref<128xi32, #tpu.memory_space<vmem>>) semaphore(%run_scoped3A_68 : memref<!tpu.dma_semaphore, #tpu.memory_space<semaphore_mem>>) {add = true}
        %dma_wait3A_75 = arith.constant 0 : i32
        %dma_wait3A_76 = tpu.memref_slice %arg7[%run_scoped3A_67, %dma_wait3A_75] : memref<160x128xi32, #tpu.memory_space<vmem>> -> memref<1x128xi32, #tpu.memory_space<vmem>>
        %dma_wait3A_77 = tpu.memref_squeeze %dma_wait3A_76 : memref<1x128xi32, #tpu.memory_space<vmem>> -> memref<128xi32, #tpu.memory_space<vmem>>
        %dma_wait3A_78 = arith.constant 0 : i32
        %dma_wait3A_79 = arith.constant 0 : i32
        %dma_wait3A_80 = tpu.memref_slice %arg13[%dma_wait3A_78, %dma_wait3A_79] : memref<10240x32xbf16, #tpu.memory_space<vmem_shared>> -> memref<10240x32xbf16, #tpu.memory_space<vmem_shared>>
        tpu.wait_indirect_dma semaphore(%run_scoped3A_68 : memref<!tpu.dma_semaphore, #tpu.memory_space<semaphore_mem>>) src(%arg9 : memref<128x32xbf16, #tpu.memory_space<vmem>>) dst(%dma_wait3A_80 : memref<10240x32xbf16, #tpu.memory_space<vmem_shared>>)
        tpu.yield
      }) : () -> ()
    } else {
    }
    %barrier3A_34 = arith.constant 0 : index
    tpu.barrier barrier_id(%barrier3A_34)
    "tpu.region"() ({
      %run_scoped3A = tpu.sem_alloc : memref<!tpu.dma_semaphore, #tpu.memory_space<semaphore_mem>>
      %dma_start3A = arith.constant 0 : i32
      %dma_start3A_35 = tpu.memref_slice %arg5[%arg0, %mul3A_0, %dma_start3A] : memref<2x10240x32xbf16, #tpu.memory_space<hbm>> -> memref<1x640x32xbf16, #tpu.memory_space<hbm>>
      %dma_start3A_36 = tpu.memref_squeeze %dma_start3A_35 : memref<1x640x32xbf16, #tpu.memory_space<hbm>> -> memref<640x32xbf16, #tpu.memory_space<hbm>>
      %dma_start3A_37 = arith.constant 0 : i32
      %dma_start3A_38 = tpu.memref_slice %arg13[%mul3A_0, %dma_start3A_37] : memref<10240x32xbf16, #tpu.memory_space<vmem_shared>> -> memref<640x32xbf16, #tpu.memory_space<vmem_shared>>
      tpu.enqueue_dma source(%dma_start3A_38 : memref<640x32xbf16, #tpu.memory_space<vmem_shared>>) target(%dma_start3A_36 : memref<640x32xbf16, #tpu.memory_space<hbm>>) target_semaphore(%run_scoped3A : memref<!tpu.dma_semaphore, #tpu.memory_space<semaphore_mem>>)
      %dma_wait3A = arith.constant 0 : i32
      %dma_wait3A_39 = tpu.memref_slice %arg5[%arg0, %mul3A_0, %dma_wait3A] : memref<2x10240x32xbf16, #tpu.memory_space<hbm>> -> memref<1x640x32xbf16, #tpu.memory_space<hbm>>
      %dma_wait3A_40 = tpu.memref_squeeze %dma_wait3A_39 : memref<1x640x32xbf16, #tpu.memory_space<hbm>> -> memref<640x32xbf16, #tpu.memory_space<hbm>>
      %dma_wait3A_41 = arith.constant 0 : i32
      %dma_wait3A_42 = tpu.memref_slice %arg13[%mul3A_0, %dma_wait3A_41] : memref<10240x32xbf16, #tpu.memory_space<vmem_shared>> -> memref<640x32xbf16, #tpu.memory_space<vmem_shared>>
      tpu.wait_dma2 semaphore(%run_scoped3A : memref<!tpu.dma_semaphore, #tpu.memory_space<semaphore_mem>>) src(%dma_wait3A_42 : memref<640x32xbf16, #tpu.memory_space<vmem_shared>>) dst(%dma_wait3A_40 : memref<640x32xbf16, #tpu.memory_space<hbm>>)
      tpu.yield
    }) : () -> ()
    return
  }
}

#map = affine_map<(d0, d1) -> (0, 0)>
#map1 = affine_map<(d0, d1) -> (0, 0, 0)>
module attributes {stable_mosaic.version = 14 : i64} {
  func.func @_degrees(%arg0: i32, %arg1: i32, %arg2: memref<10240x16xf32, #tpu.memory_space<hbm>>, %arg3: memref<2x2500x128xi32, #tpu.memory_space<hbm>>, %arg4: memref<2x10240x16xf32, #tpu.memory_space<hbm>>, %arg5: memref<82x128xi32, #tpu.memory_space<vmem>>, %arg6: memref<128x16xf32, #tpu.memory_space<vmem>>, %arg7: memref<10240x16xf32, #tpu.memory_space<vmem_shared>>) attributes {dimension_semantics = [#tpu.dimension_semantics<core_parallel>, #tpu.dimension_semantics<subcore_parallel>], iteration_bounds = array<i64: 2, 16>, scalar_prefetch = 0 : i64, scratch_operands = 3 : i64, tpu.core_type = #tpu.core_type<sc_vector_subcore>, window_params = [{transform_indices = #map}, {transform_indices = #map1}, {transform_indices = #map1}]} {
    %mul3A = arith.constant 16 : i32
    %mul3A_0 = arith.muli %arg0, %mul3A : i32
    %add3A = arith.addi %mul3A_0, %arg1 : i32
    %mul3A_1 = arith.constant 640 : i32
    %mul3A_2 = arith.muli %arg1, %mul3A_1 : i32
    %mul3A_3 = arith.constant 640 : i32
    %mul3A_4 = arith.muli %arg1, %mul3A_3 : i32
    "tpu.region"() ({
      %run_scoped3A = tpu.sem_alloc : memref<!tpu.dma_semaphore, #tpu.memory_space<semaphore_mem>>
      %dma_start3A = arith.constant 0 : i32
      %dma_start3A_26 = tpu.memref_slice %arg7[%mul3A_4, %dma_start3A] : memref<10240x16xf32, #tpu.memory_space<vmem_shared>> -> memref<640x16xf32, #tpu.memory_space<vmem_shared>>
      %dma_start3A_27 = arith.constant 0 : i32
      %dma_start3A_28 = tpu.memref_slice %arg2[%mul3A_2, %dma_start3A_27] : memref<10240x16xf32, #tpu.memory_space<hbm>> -> memref<640x16xf32, #tpu.memory_space<hbm>>
      tpu.enqueue_dma source(%dma_start3A_28 : memref<640x16xf32, #tpu.memory_space<hbm>>) target(%dma_start3A_26 : memref<640x16xf32, #tpu.memory_space<vmem_shared>>) target_semaphore(%run_scoped3A : memref<!tpu.dma_semaphore, #tpu.memory_space<semaphore_mem>>)
      %dma_wait3A = arith.constant 0 : i32
      %dma_wait3A_29 = tpu.memref_slice %arg7[%mul3A_4, %dma_wait3A] : memref<10240x16xf32, #tpu.memory_space<vmem_shared>> -> memref<640x16xf32, #tpu.memory_space<vmem_shared>>
      %dma_wait3A_30 = arith.constant 0 : i32
      %dma_wait3A_31 = tpu.memref_slice %arg2[%mul3A_2, %dma_wait3A_30] : memref<10240x16xf32, #tpu.memory_space<hbm>> -> memref<640x16xf32, #tpu.memory_space<hbm>>
      tpu.wait_dma2 semaphore(%run_scoped3A : memref<!tpu.dma_semaphore, #tpu.memory_space<semaphore_mem>>) src(%dma_wait3A_31 : memref<640x16xf32, #tpu.memory_space<hbm>>) dst(%dma_wait3A_29 : memref<640x16xf32, #tpu.memory_space<vmem_shared>>)
      tpu.yield
    }) : () -> ()
    "tpu.region"() ({
      %run_scoped3A = tpu.sem_alloc : memref<!tpu.dma_semaphore, #tpu.memory_space<semaphore_mem>>
      %dma_start3A = arith.constant 0 : i32
      %dma_start3A_26 = arith.constant 0 : i32
      %dma_start3A_27 = tpu.memref_slice %arg2[%dma_start3A, %dma_start3A_26] : memref<10240x16xf32, #tpu.memory_space<hbm>> -> memref<128x16xf32, #tpu.memory_space<hbm>>
      %dma_start3A_28 = arith.constant 0 : i32
      %dma_start3A_29 = arith.constant 0 : i32
      %dma_start3A_30 = tpu.memref_slice %arg2[%dma_start3A_28, %dma_start3A_29] : memref<10240x16xf32, #tpu.memory_space<hbm>> -> memref<128x16xf32, #tpu.memory_space<hbm>>
      tpu.enqueue_dma source(%dma_start3A_30 : memref<128x16xf32, #tpu.memory_space<hbm>>) target(%arg6 : memref<128x16xf32, #tpu.memory_space<vmem>>) target_semaphore(%run_scoped3A : memref<!tpu.dma_semaphore, #tpu.memory_space<semaphore_mem>>)
      %dma_wait3A = arith.constant 0 : i32
      %dma_wait3A_31 = arith.constant 0 : i32
      %dma_wait3A_32 = tpu.memref_slice %arg2[%dma_wait3A, %dma_wait3A_31] : memref<10240x16xf32, #tpu.memory_space<hbm>> -> memref<128x16xf32, #tpu.memory_space<hbm>>
      %dma_wait3A_33 = arith.constant 0 : i32
      %dma_wait3A_34 = arith.constant 0 : i32
      %dma_wait3A_35 = tpu.memref_slice %arg2[%dma_wait3A_33, %dma_wait3A_34] : memref<10240x16xf32, #tpu.memory_space<hbm>> -> memref<128x16xf32, #tpu.memory_space<hbm>>
      tpu.wait_dma2 semaphore(%run_scoped3A : memref<!tpu.dma_semaphore, #tpu.memory_space<semaphore_mem>>) src(%dma_wait3A_35 : memref<128x16xf32, #tpu.memory_space<hbm>>) dst(%arg6 : memref<128x16xf32, #tpu.memory_space<vmem>>)
      tpu.yield
    }) : () -> ()
    %lt3A = arith.constant 31 : i32
    %lt3A_5 = arith.cmpi slt, %add3A, %lt3A : i32
    %convert_element_type3A = arith.extui %lt3A_5 : i1 to i32
    %cond3A = arith.constant 0 : i32
    %cond3A_6 = arith.cmpi ne, %convert_element_type3A, %cond3A : i32
    scf.if %cond3A_6 {
      %mul3A_26 = arith.constant 78 : i32
      %mul3A_27 = arith.muli %add3A, %mul3A_26 : i32
      %run_scoped3A = arith.constant 1 : i32
      "tpu.region"() ({
        %run_scoped3A_28 = tpu.sem_alloc : memref<!tpu.dma_semaphore, #tpu.memory_space<semaphore_mem>>
        %dma_start3A = arith.constant 0 : i32
        %dma_start3A_29 = arith.constant 0 : i32
        %dma_start3A_30 = tpu.memref_slice %arg5[%dma_start3A, %dma_start3A_29] : memref<82x128xi32, #tpu.memory_space<vmem>> -> memref<78x128xi32, #tpu.memory_space<vmem>>
        %dma_start3A_31 = arith.constant 0 : i32
        %dma_start3A_32 = tpu.memref_slice %arg3[%run_scoped3A, %mul3A_27, %dma_start3A_31] : memref<2x2500x128xi32, #tpu.memory_space<hbm>> -> memref<1x78x128xi32, #tpu.memory_space<hbm>>
        %dma_start3A_33 = tpu.memref_squeeze %dma_start3A_32 : memref<1x78x128xi32, #tpu.memory_space<hbm>> -> memref<78x128xi32, #tpu.memory_space<hbm>>
        %dma_start3A_34 = arith.constant 0 : i32
        %dma_start3A_35 = arith.constant 0 : i32
        %dma_start3A_36 = tpu.memref_slice %arg5[%dma_start3A_34, %dma_start3A_35] : memref<82x128xi32, #tpu.memory_space<vmem>> -> memref<78x128xi32, #tpu.memory_space<vmem>>
        %dma_start3A_37 = arith.constant 0 : i32
        %dma_start3A_38 = tpu.memref_slice %arg3[%run_scoped3A, %mul3A_27, %dma_start3A_37] : memref<2x2500x128xi32, #tpu.memory_space<hbm>> -> memref<1x78x128xi32, #tpu.memory_space<hbm>>
        %dma_start3A_39 = tpu.memref_squeeze %dma_start3A_38 : memref<1x78x128xi32, #tpu.memory_space<hbm>> -> memref<78x128xi32, #tpu.memory_space<hbm>>
        tpu.enqueue_dma source(%dma_start3A_39 : memref<78x128xi32, #tpu.memory_space<hbm>>) target(%dma_start3A_36 : memref<78x128xi32, #tpu.memory_space<vmem>>) target_semaphore(%run_scoped3A_28 : memref<!tpu.dma_semaphore, #tpu.memory_space<semaphore_mem>>)
        %dma_wait3A = arith.constant 0 : i32
        %dma_wait3A_40 = arith.constant 0 : i32
        %dma_wait3A_41 = tpu.memref_slice %arg5[%dma_wait3A, %dma_wait3A_40] : memref<82x128xi32, #tpu.memory_space<vmem>> -> memref<78x128xi32, #tpu.memory_space<vmem>>
        %dma_wait3A_42 = arith.constant 0 : i32
        %dma_wait3A_43 = tpu.memref_slice %arg3[%run_scoped3A, %mul3A_27, %dma_wait3A_42] : memref<2x2500x128xi32, #tpu.memory_space<hbm>> -> memref<1x78x128xi32, #tpu.memory_space<hbm>>
        %dma_wait3A_44 = tpu.memref_squeeze %dma_wait3A_43 : memref<1x78x128xi32, #tpu.memory_space<hbm>> -> memref<78x128xi32, #tpu.memory_space<hbm>>
        %dma_wait3A_45 = arith.constant 0 : i32
        %dma_wait3A_46 = arith.constant 0 : i32
        %dma_wait3A_47 = tpu.memref_slice %arg5[%dma_wait3A_45, %dma_wait3A_46] : memref<82x128xi32, #tpu.memory_space<vmem>> -> memref<78x128xi32, #tpu.memory_space<vmem>>
        %dma_wait3A_48 = arith.constant 0 : i32
        %dma_wait3A_49 = tpu.memref_slice %arg3[%run_scoped3A, %mul3A_27, %dma_wait3A_48] : memref<2x2500x128xi32, #tpu.memory_space<hbm>> -> memref<1x78x128xi32, #tpu.memory_space<hbm>>
        %dma_wait3A_50 = tpu.memref_squeeze %dma_wait3A_49 : memref<1x78x128xi32, #tpu.memory_space<hbm>> -> memref<78x128xi32, #tpu.memory_space<hbm>>
        tpu.wait_dma2 semaphore(%run_scoped3A_28 : memref<!tpu.dma_semaphore, #tpu.memory_space<semaphore_mem>>) src(%dma_wait3A_50 : memref<78x128xi32, #tpu.memory_space<hbm>>) dst(%dma_wait3A_47 : memref<78x128xi32, #tpu.memory_space<vmem>>)
        tpu.yield
      }) : () -> ()
    } else {
    }
    %eq3A = arith.constant 31 : i32
    %eq3A_7 = arith.cmpi eq, %add3A, %eq3A : i32
    %convert_element_type3A_8 = arith.extui %eq3A_7 : i1 to i32
    %cond3A_9 = arith.constant 0 : i32
    %cond3A_10 = arith.cmpi ne, %convert_element_type3A_8, %cond3A_9 : i32
    scf.if %cond3A_10 {
      %mul3A_26 = arith.constant 78 : i32
      %mul3A_27 = arith.muli %add3A, %mul3A_26 : i32
      %run_scoped3A = arith.constant 1 : i32
      "tpu.region"() ({
        %run_scoped3A_28 = tpu.sem_alloc : memref<!tpu.dma_semaphore, #tpu.memory_space<semaphore_mem>>
        %dma_start3A = arith.constant 0 : i32
        %dma_start3A_29 = arith.constant 0 : i32
        %dma_start3A_30 = tpu.memref_slice %arg5[%dma_start3A, %dma_start3A_29] : memref<82x128xi32, #tpu.memory_space<vmem>> -> memref<82x128xi32, #tpu.memory_space<vmem>>
        %dma_start3A_31 = arith.constant 0 : i32
        %dma_start3A_32 = tpu.memref_slice %arg3[%run_scoped3A, %mul3A_27, %dma_start3A_31] : memref<2x2500x128xi32, #tpu.memory_space<hbm>> -> memref<1x82x128xi32, #tpu.memory_space<hbm>>
        %dma_start3A_33 = tpu.memref_squeeze %dma_start3A_32 : memref<1x82x128xi32, #tpu.memory_space<hbm>> -> memref<82x128xi32, #tpu.memory_space<hbm>>
        %dma_start3A_34 = arith.constant 0 : i32
        %dma_start3A_35 = arith.constant 0 : i32
        %dma_start3A_36 = tpu.memref_slice %arg5[%dma_start3A_34, %dma_start3A_35] : memref<82x128xi32, #tpu.memory_space<vmem>> -> memref<82x128xi32, #tpu.memory_space<vmem>>
        %dma_start3A_37 = arith.constant 0 : i32
        %dma_start3A_38 = tpu.memref_slice %arg3[%run_scoped3A, %mul3A_27, %dma_start3A_37] : memref<2x2500x128xi32, #tpu.memory_space<hbm>> -> memref<1x82x128xi32, #tpu.memory_space<hbm>>
        %dma_start3A_39 = tpu.memref_squeeze %dma_start3A_38 : memref<1x82x128xi32, #tpu.memory_space<hbm>> -> memref<82x128xi32, #tpu.memory_space<hbm>>
        tpu.enqueue_dma source(%dma_start3A_39 : memref<82x128xi32, #tpu.memory_space<hbm>>) target(%dma_start3A_36 : memref<82x128xi32, #tpu.memory_space<vmem>>) target_semaphore(%run_scoped3A_28 : memref<!tpu.dma_semaphore, #tpu.memory_space<semaphore_mem>>)
        %dma_wait3A = arith.constant 0 : i32
        %dma_wait3A_40 = arith.constant 0 : i32
        %dma_wait3A_41 = tpu.memref_slice %arg5[%dma_wait3A, %dma_wait3A_40] : memref<82x128xi32, #tpu.memory_space<vmem>> -> memref<82x128xi32, #tpu.memory_space<vmem>>
        %dma_wait3A_42 = arith.constant 0 : i32
        %dma_wait3A_43 = tpu.memref_slice %arg3[%run_scoped3A, %mul3A_27, %dma_wait3A_42] : memref<2x2500x128xi32, #tpu.memory_space<hbm>> -> memref<1x82x128xi32, #tpu.memory_space<hbm>>
        %dma_wait3A_44 = tpu.memref_squeeze %dma_wait3A_43 : memref<1x82x128xi32, #tpu.memory_space<hbm>> -> memref<82x128xi32, #tpu.memory_space<hbm>>
        %dma_wait3A_45 = arith.constant 0 : i32
        %dma_wait3A_46 = arith.constant 0 : i32
        %dma_wait3A_47 = tpu.memref_slice %arg5[%dma_wait3A_45, %dma_wait3A_46] : memref<82x128xi32, #tpu.memory_space<vmem>> -> memref<82x128xi32, #tpu.memory_space<vmem>>
        %dma_wait3A_48 = arith.constant 0 : i32
        %dma_wait3A_49 = tpu.memref_slice %arg3[%run_scoped3A, %mul3A_27, %dma_wait3A_48] : memref<2x2500x128xi32, #tpu.memory_space<hbm>> -> memref<1x82x128xi32, #tpu.memory_space<hbm>>
        %dma_wait3A_50 = tpu.memref_squeeze %dma_wait3A_49 : memref<1x82x128xi32, #tpu.memory_space<hbm>> -> memref<82x128xi32, #tpu.memory_space<hbm>>
        tpu.wait_dma2 semaphore(%run_scoped3A_28 : memref<!tpu.dma_semaphore, #tpu.memory_space<semaphore_mem>>) src(%dma_wait3A_50 : memref<82x128xi32, #tpu.memory_space<hbm>>) dst(%dma_wait3A_47 : memref<82x128xi32, #tpu.memory_space<vmem>>)
        tpu.yield
      }) : () -> ()
    } else {
    }
    %barrier3A = arith.constant 0 : index
    tpu.barrier barrier_id(%barrier3A)
    %lt3A_11 = arith.constant 31 : i32
    %lt3A_12 = arith.cmpi slt, %add3A, %lt3A_11 : i32
    %convert_element_type3A_13 = arith.extui %lt3A_12 : i1 to i32
    %cond3A_14 = arith.constant 0 : i32
    %cond3A_15 = arith.cmpi ne, %convert_element_type3A_13, %cond3A_14 : i32
    scf.if %cond3A_15 {
      %scan3A = arith.constant 0 : i32
      %scan3A_26 = arith.constant 0 : i32
      %scan3A_27 = arith.constant 78 : i32
      %scan3A_28 = arith.addi %scan3A_26, %scan3A_27 : i32
      %scan3A_29 = arith.constant 1 : i32
      scf.for %scan3A_31 = %scan3A_26 to %scan3A_28 step %scan3A_29  : i32 {
        "tpu.region"() ({
          %run_scoped3A = tpu.sem_alloc : memref<!tpu.dma_semaphore, #tpu.memory_space<semaphore_mem>>
          %dma_start3A = arith.constant 0 : i32
          %dma_start3A_32 = tpu.memref_slice %arg5[%scan3A_31, %dma_start3A] : memref<82x128xi32, #tpu.memory_space<vmem>> -> memref<1x128xi32, #tpu.memory_space<vmem>>
          %dma_start3A_33 = tpu.memref_squeeze %dma_start3A_32 : memref<1x128xi32, #tpu.memory_space<vmem>> -> memref<128xi32, #tpu.memory_space<vmem>>
          %dma_start3A_34 = arith.constant 0 : i32
          %dma_start3A_35 = arith.constant 0 : i32
          %dma_start3A_36 = tpu.memref_slice %arg7[%dma_start3A_34, %dma_start3A_35] : memref<10240x16xf32, #tpu.memory_space<vmem_shared>> -> memref<10240x16xf32, #tpu.memory_space<vmem_shared>>
          tpu.enqueue_indirect_dma source(%arg6 : memref<128x16xf32, #tpu.memory_space<vmem>>) target(%dma_start3A_36 : memref<10240x16xf32, #tpu.memory_space<vmem_shared>>) offsets(%dma_start3A_33 : memref<128xi32, #tpu.memory_space<vmem>>) semaphore(%run_scoped3A : memref<!tpu.dma_semaphore, #tpu.memory_space<semaphore_mem>>) {add = true}
          %dma_wait3A = arith.constant 0 : i32
          %dma_wait3A_37 = tpu.memref_slice %arg5[%scan3A_31, %dma_wait3A] : memref<82x128xi32, #tpu.memory_space<vmem>> -> memref<1x128xi32, #tpu.memory_space<vmem>>
          %dma_wait3A_38 = tpu.memref_squeeze %dma_wait3A_37 : memref<1x128xi32, #tpu.memory_space<vmem>> -> memref<128xi32, #tpu.memory_space<vmem>>
          %dma_wait3A_39 = arith.constant 0 : i32
          %dma_wait3A_40 = arith.constant 0 : i32
          %dma_wait3A_41 = tpu.memref_slice %arg7[%dma_wait3A_39, %dma_wait3A_40] : memref<10240x16xf32, #tpu.memory_space<vmem_shared>> -> memref<10240x16xf32, #tpu.memory_space<vmem_shared>>
          tpu.wait_indirect_dma semaphore(%run_scoped3A : memref<!tpu.dma_semaphore, #tpu.memory_space<semaphore_mem>>) src(%arg6 : memref<128x16xf32, #tpu.memory_space<vmem>>) dst(%dma_wait3A_41 : memref<10240x16xf32, #tpu.memory_space<vmem_shared>>)
          tpu.yield
        }) : () -> ()
      }
      %scan3A_30 = arith.constant 78 : i32
    } else {
    }
    %eq3A_16 = arith.constant 31 : i32
    %eq3A_17 = arith.cmpi eq, %add3A, %eq3A_16 : i32
    %convert_element_type3A_18 = arith.extui %eq3A_17 : i1 to i32
    %cond3A_19 = arith.constant 0 : i32
    %cond3A_20 = arith.cmpi ne, %convert_element_type3A_18, %cond3A_19 : i32
    scf.if %cond3A_20 {
      %scan3A = arith.constant 0 : i32
      %scan3A_26 = arith.constant 0 : i32
      %scan3A_27 = arith.constant 82 : i32
      %scan3A_28 = arith.addi %scan3A_26, %scan3A_27 : i32
      %scan3A_29 = arith.constant 1 : i32
      scf.for %scan3A_31 = %scan3A_26 to %scan3A_28 step %scan3A_29  : i32 {
        "tpu.region"() ({
          %run_scoped3A = tpu.sem_alloc : memref<!tpu.dma_semaphore, #tpu.memory_space<semaphore_mem>>
          %dma_start3A = arith.constant 0 : i32
          %dma_start3A_32 = tpu.memref_slice %arg5[%scan3A_31, %dma_start3A] : memref<82x128xi32, #tpu.memory_space<vmem>> -> memref<1x128xi32, #tpu.memory_space<vmem>>
          %dma_start3A_33 = tpu.memref_squeeze %dma_start3A_32 : memref<1x128xi32, #tpu.memory_space<vmem>> -> memref<128xi32, #tpu.memory_space<vmem>>
          %dma_start3A_34 = arith.constant 0 : i32
          %dma_start3A_35 = arith.constant 0 : i32
          %dma_start3A_36 = tpu.memref_slice %arg7[%dma_start3A_34, %dma_start3A_35] : memref<10240x16xf32, #tpu.memory_space<vmem_shared>> -> memref<10240x16xf32, #tpu.memory_space<vmem_shared>>
          tpu.enqueue_indirect_dma source(%arg6 : memref<128x16xf32, #tpu.memory_space<vmem>>) target(%dma_start3A_36 : memref<10240x16xf32, #tpu.memory_space<vmem_shared>>) offsets(%dma_start3A_33 : memref<128xi32, #tpu.memory_space<vmem>>) semaphore(%run_scoped3A : memref<!tpu.dma_semaphore, #tpu.memory_space<semaphore_mem>>) {add = true}
          %dma_wait3A = arith.constant 0 : i32
          %dma_wait3A_37 = tpu.memref_slice %arg5[%scan3A_31, %dma_wait3A] : memref<82x128xi32, #tpu.memory_space<vmem>> -> memref<1x128xi32, #tpu.memory_space<vmem>>
          %dma_wait3A_38 = tpu.memref_squeeze %dma_wait3A_37 : memref<1x128xi32, #tpu.memory_space<vmem>> -> memref<128xi32, #tpu.memory_space<vmem>>
          %dma_wait3A_39 = arith.constant 0 : i32
          %dma_wait3A_40 = arith.constant 0 : i32
          %dma_wait3A_41 = tpu.memref_slice %arg7[%dma_wait3A_39, %dma_wait3A_40] : memref<10240x16xf32, #tpu.memory_space<vmem_shared>> -> memref<10240x16xf32, #tpu.memory_space<vmem_shared>>
          tpu.wait_indirect_dma semaphore(%run_scoped3A : memref<!tpu.dma_semaphore, #tpu.memory_space<semaphore_mem>>) src(%arg6 : memref<128x16xf32, #tpu.memory_space<vmem>>) dst(%dma_wait3A_41 : memref<10240x16xf32, #tpu.memory_space<vmem_shared>>)
          tpu.yield
        }) : () -> ()
      }
      %scan3A_30 = arith.constant 82 : i32
    } else {
    }
    %barrier3A_21 = arith.constant 0 : index
    tpu.barrier barrier_id(%barrier3A_21)
    %mul3A_22 = arith.constant 640 : i32
    %mul3A_23 = arith.muli %arg1, %mul3A_22 : i32
    %mul3A_24 = arith.constant 640 : i32
    %mul3A_25 = arith.muli %arg1, %mul3A_24 : i32
    "tpu.region"() ({
      %run_scoped3A = tpu.sem_alloc : memref<!tpu.dma_semaphore, #tpu.memory_space<semaphore_mem>>
      %dma_start3A = arith.constant 0 : i32
      %dma_start3A_26 = tpu.memref_slice %arg4[%arg0, %mul3A_25, %dma_start3A] : memref<2x10240x16xf32, #tpu.memory_space<hbm>> -> memref<1x640x16xf32, #tpu.memory_space<hbm>>
      %dma_start3A_27 = tpu.memref_squeeze %dma_start3A_26 : memref<1x640x16xf32, #tpu.memory_space<hbm>> -> memref<640x16xf32, #tpu.memory_space<hbm>>
      %dma_start3A_28 = arith.constant 0 : i32
      %dma_start3A_29 = tpu.memref_slice %arg7[%mul3A_23, %dma_start3A_28] : memref<10240x16xf32, #tpu.memory_space<vmem_shared>> -> memref<640x16xf32, #tpu.memory_space<vmem_shared>>
      tpu.enqueue_dma source(%dma_start3A_29 : memref<640x16xf32, #tpu.memory_space<vmem_shared>>) target(%dma_start3A_27 : memref<640x16xf32, #tpu.memory_space<hbm>>) target_semaphore(%run_scoped3A : memref<!tpu.dma_semaphore, #tpu.memory_space<semaphore_mem>>)
      %dma_wait3A = arith.constant 0 : i32
      %dma_wait3A_30 = tpu.memref_slice %arg4[%arg0, %mul3A_25, %dma_wait3A] : memref<2x10240x16xf32, #tpu.memory_space<hbm>> -> memref<1x640x16xf32, #tpu.memory_space<hbm>>
      %dma_wait3A_31 = tpu.memref_squeeze %dma_wait3A_30 : memref<1x640x16xf32, #tpu.memory_space<hbm>> -> memref<640x16xf32, #tpu.memory_space<hbm>>
      %dma_wait3A_32 = arith.constant 0 : i32
      %dma_wait3A_33 = tpu.memref_slice %arg7[%mul3A_23, %dma_wait3A_32] : memref<10240x16xf32, #tpu.memory_space<vmem_shared>> -> memref<640x16xf32, #tpu.memory_space<vmem_shared>>
      tpu.wait_dma2 semaphore(%run_scoped3A : memref<!tpu.dma_semaphore, #tpu.memory_space<semaphore_mem>>) src(%dma_wait3A_33 : memref<640x16xf32, #tpu.memory_space<vmem_shared>>) dst(%dma_wait3A_31 : memref<640x16xf32, #tpu.memory_space<hbm>>)
      tpu.yield
    }) : () -> ()
    return
  }
}

#map = affine_map<(d0, d1) -> (0, 0, 0)>
#map1 = affine_map<(d0, d1) -> (0)>
module attributes {stable_mosaic.version = 14 : i64} {
  func.func @_layer(%arg0: i32, %arg1: i32, %arg2: memref<2x10240x32xbf16, #tpu.memory_space<hbm>>, %arg3: memref<10240xf32, #tpu.memory_space<hbm>>, %arg4: memref<2x2500x128xi32, #tpu.memory_space<hbm>>, %arg5: memref<2x10240x32xbf16, #tpu.memory_space<hbm>>, %arg6: memref<160x128xi32, #tpu.memory_space<vmem>>, %arg7: memref<160x128xi32, #tpu.memory_space<vmem>>, %arg8: memref<128x32xbf16, #tpu.memory_space<vmem>>, %arg9: memref<128x32xbf16, #tpu.memory_space<vmem>>, %arg10: memref<640x32xbf16, #tpu.memory_space<vmem>>, %arg11: memref<640xf32, #tpu.memory_space<vmem>>, %arg12: memref<10240x32xbf16, #tpu.memory_space<vmem_shared>>, %arg13: memref<10240x32xbf16, #tpu.memory_space<vmem_shared>>, %arg14: memref<!tpu.dma_semaphore, #tpu.memory_space<semaphore_mem>>, %arg15: memref<!tpu.dma_semaphore, #tpu.memory_space<semaphore_mem>>) attributes {dimension_semantics = [#tpu.dimension_semantics<core_parallel>, #tpu.dimension_semantics<subcore_parallel>], iteration_bounds = array<i64: 2, 16>, scalar_prefetch = 0 : i64, scratch_operands = 10 : i64, tpu.core_type = #tpu.core_type<sc_vector_subcore>, window_params = [{transform_indices = #map}, {transform_indices = #map1}, {transform_indices = #map}, {transform_indices = #map}]} {
    %mul3A = arith.constant 640 : i32
    %mul3A_0 = arith.muli %arg1, %mul3A : i32
    "tpu.region"() ({
      %run_scoped3A = tpu.sem_alloc : memref<!tpu.dma_semaphore, #tpu.memory_space<semaphore_mem>>
      %dma_start3A = arith.constant 0 : i32
      %dma_start3A_35 = tpu.memref_slice %arg12[%mul3A_0, %dma_start3A] : memref<10240x32xbf16, #tpu.memory_space<vmem_shared>> -> memref<640x32xbf16, #tpu.memory_space<vmem_shared>>
      %dma_start3A_36 = arith.constant 0 : i32
      %dma_start3A_37 = tpu.memref_slice %arg2[%arg0, %mul3A_0, %dma_start3A_36] : memref<2x10240x32xbf16, #tpu.memory_space<hbm>> -> memref<1x640x32xbf16, #tpu.memory_space<hbm>>
      %dma_start3A_38 = tpu.memref_squeeze %dma_start3A_37 : memref<1x640x32xbf16, #tpu.memory_space<hbm>> -> memref<640x32xbf16, #tpu.memory_space<hbm>>
      tpu.enqueue_dma source(%dma_start3A_38 : memref<640x32xbf16, #tpu.memory_space<hbm>>) target(%dma_start3A_35 : memref<640x32xbf16, #tpu.memory_space<vmem_shared>>) target_semaphore(%run_scoped3A : memref<!tpu.dma_semaphore, #tpu.memory_space<semaphore_mem>>)
      %dma_wait3A = arith.constant 0 : i32
      %dma_wait3A_39 = tpu.memref_slice %arg12[%mul3A_0, %dma_wait3A] : memref<10240x32xbf16, #tpu.memory_space<vmem_shared>> -> memref<640x32xbf16, #tpu.memory_space<vmem_shared>>
      %dma_wait3A_40 = arith.constant 0 : i32
      %dma_wait3A_41 = tpu.memref_slice %arg2[%arg0, %mul3A_0, %dma_wait3A_40] : memref<2x10240x32xbf16, #tpu.memory_space<hbm>> -> memref<1x640x32xbf16, #tpu.memory_space<hbm>>
      %dma_wait3A_42 = tpu.memref_squeeze %dma_wait3A_41 : memref<1x640x32xbf16, #tpu.memory_space<hbm>> -> memref<640x32xbf16, #tpu.memory_space<hbm>>
      tpu.wait_dma2 semaphore(%run_scoped3A : memref<!tpu.dma_semaphore, #tpu.memory_space<semaphore_mem>>) src(%dma_wait3A_42 : memref<640x32xbf16, #tpu.memory_space<hbm>>) dst(%dma_wait3A_39 : memref<640x32xbf16, #tpu.memory_space<vmem_shared>>)
      tpu.yield
    }) : () -> ()
    %lt3A = arith.constant 15 : i32
    %lt3A_1 = arith.cmpi slt, %arg1, %lt3A : i32
    %convert_element_type3A = arith.extui %lt3A_1 : i1 to i32
    %cond3A = arith.constant 0 : i32
    %cond3A_2 = arith.cmpi ne, %convert_element_type3A, %cond3A : i32
    scf.if %cond3A_2 {
      %mul3A_35 = arith.constant 156 : i32
      %mul3A_36 = arith.muli %arg1, %mul3A_35 : i32
      %run_scoped3A = arith.constant 0 : i32
      "tpu.region"() ({
        %run_scoped3A_40 = tpu.sem_alloc : memref<!tpu.dma_semaphore, #tpu.memory_space<semaphore_mem>>
        %dma_start3A = arith.constant 0 : i32
        %dma_start3A_41 = arith.constant 0 : i32
        %dma_start3A_42 = tpu.memref_slice %arg6[%dma_start3A, %dma_start3A_41] : memref<160x128xi32, #tpu.memory_space<vmem>> -> memref<156x128xi32, #tpu.memory_space<vmem>>
        %dma_start3A_43 = arith.constant 0 : i32
        %dma_start3A_44 = tpu.memref_slice %arg4[%run_scoped3A, %mul3A_36, %dma_start3A_43] : memref<2x2500x128xi32, #tpu.memory_space<hbm>> -> memref<1x156x128xi32, #tpu.memory_space<hbm>>
        %dma_start3A_45 = tpu.memref_squeeze %dma_start3A_44 : memref<1x156x128xi32, #tpu.memory_space<hbm>> -> memref<156x128xi32, #tpu.memory_space<hbm>>
        %dma_start3A_46 = arith.constant 0 : i32
        %dma_start3A_47 = arith.constant 0 : i32
        %dma_start3A_48 = tpu.memref_slice %arg6[%dma_start3A_46, %dma_start3A_47] : memref<160x128xi32, #tpu.memory_space<vmem>> -> memref<156x128xi32, #tpu.memory_space<vmem>>
        %dma_start3A_49 = arith.constant 0 : i32
        %dma_start3A_50 = tpu.memref_slice %arg4[%run_scoped3A, %mul3A_36, %dma_start3A_49] : memref<2x2500x128xi32, #tpu.memory_space<hbm>> -> memref<1x156x128xi32, #tpu.memory_space<hbm>>
        %dma_start3A_51 = tpu.memref_squeeze %dma_start3A_50 : memref<1x156x128xi32, #tpu.memory_space<hbm>> -> memref<156x128xi32, #tpu.memory_space<hbm>>
        tpu.enqueue_dma source(%dma_start3A_51 : memref<156x128xi32, #tpu.memory_space<hbm>>) target(%dma_start3A_48 : memref<156x128xi32, #tpu.memory_space<vmem>>) target_semaphore(%run_scoped3A_40 : memref<!tpu.dma_semaphore, #tpu.memory_space<semaphore_mem>>)
        %dma_wait3A = arith.constant 0 : i32
        %dma_wait3A_52 = arith.constant 0 : i32
        %dma_wait3A_53 = tpu.memref_slice %arg6[%dma_wait3A, %dma_wait3A_52] : memref<160x128xi32, #tpu.memory_space<vmem>> -> memref<156x128xi32, #tpu.memory_space<vmem>>
        %dma_wait3A_54 = arith.constant 0 : i32
        %dma_wait3A_55 = tpu.memref_slice %arg4[%run_scoped3A, %mul3A_36, %dma_wait3A_54] : memref<2x2500x128xi32, #tpu.memory_space<hbm>> -> memref<1x156x128xi32, #tpu.memory_space<hbm>>
        %dma_wait3A_56 = tpu.memref_squeeze %dma_wait3A_55 : memref<1x156x128xi32, #tpu.memory_space<hbm>> -> memref<156x128xi32, #tpu.memory_space<hbm>>
        %dma_wait3A_57 = arith.constant 0 : i32
        %dma_wait3A_58 = arith.constant 0 : i32
        %dma_wait3A_59 = tpu.memref_slice %arg6[%dma_wait3A_57, %dma_wait3A_58] : memref<160x128xi32, #tpu.memory_space<vmem>> -> memref<156x128xi32, #tpu.memory_space<vmem>>
        %dma_wait3A_60 = arith.constant 0 : i32
        %dma_wait3A_61 = tpu.memref_slice %arg4[%run_scoped3A, %mul3A_36, %dma_wait3A_60] : memref<2x2500x128xi32, #tpu.memory_space<hbm>> -> memref<1x156x128xi32, #tpu.memory_space<hbm>>
        %dma_wait3A_62 = tpu.memref_squeeze %dma_wait3A_61 : memref<1x156x128xi32, #tpu.memory_space<hbm>> -> memref<156x128xi32, #tpu.memory_space<hbm>>
        tpu.wait_dma2 semaphore(%run_scoped3A_40 : memref<!tpu.dma_semaphore, #tpu.memory_space<semaphore_mem>>) src(%dma_wait3A_62 : memref<156x128xi32, #tpu.memory_space<hbm>>) dst(%dma_wait3A_59 : memref<156x128xi32, #tpu.memory_space<vmem>>)
        tpu.yield
      }) : () -> ()
      %mul3A_37 = arith.constant 156 : i32
      %mul3A_38 = arith.muli %arg1, %mul3A_37 : i32
      %run_scoped3A_39 = arith.constant 1 : i32
      "tpu.region"() ({
        %run_scoped3A_40 = tpu.sem_alloc : memref<!tpu.dma_semaphore, #tpu.memory_space<semaphore_mem>>
        %dma_start3A = arith.constant 0 : i32
        %dma_start3A_41 = arith.constant 0 : i32
        %dma_start3A_42 = tpu.memref_slice %arg7[%dma_start3A, %dma_start3A_41] : memref<160x128xi32, #tpu.memory_space<vmem>> -> memref<156x128xi32, #tpu.memory_space<vmem>>
        %dma_start3A_43 = arith.constant 0 : i32
        %dma_start3A_44 = tpu.memref_slice %arg4[%run_scoped3A_39, %mul3A_38, %dma_start3A_43] : memref<2x2500x128xi32, #tpu.memory_space<hbm>> -> memref<1x156x128xi32, #tpu.memory_space<hbm>>
        %dma_start3A_45 = tpu.memref_squeeze %dma_start3A_44 : memref<1x156x128xi32, #tpu.memory_space<hbm>> -> memref<156x128xi32, #tpu.memory_space<hbm>>
        %dma_start3A_46 = arith.constant 0 : i32
        %dma_start3A_47 = arith.constant 0 : i32
        %dma_start3A_48 = tpu.memref_slice %arg7[%dma_start3A_46, %dma_start3A_47] : memref<160x128xi32, #tpu.memory_space<vmem>> -> memref<156x128xi32, #tpu.memory_space<vmem>>
        %dma_start3A_49 = arith.constant 0 : i32
        %dma_start3A_50 = tpu.memref_slice %arg4[%run_scoped3A_39, %mul3A_38, %dma_start3A_49] : memref<2x2500x128xi32, #tpu.memory_space<hbm>> -> memref<1x156x128xi32, #tpu.memory_space<hbm>>
        %dma_start3A_51 = tpu.memref_squeeze %dma_start3A_50 : memref<1x156x128xi32, #tpu.memory_space<hbm>> -> memref<156x128xi32, #tpu.memory_space<hbm>>
        tpu.enqueue_dma source(%dma_start3A_51 : memref<156x128xi32, #tpu.memory_space<hbm>>) target(%dma_start3A_48 : memref<156x128xi32, #tpu.memory_space<vmem>>) target_semaphore(%run_scoped3A_40 : memref<!tpu.dma_semaphore, #tpu.memory_space<semaphore_mem>>)
        %dma_wait3A = arith.constant 0 : i32
        %dma_wait3A_52 = arith.constant 0 : i32
        %dma_wait3A_53 = tpu.memref_slice %arg7[%dma_wait3A, %dma_wait3A_52] : memref<160x128xi32, #tpu.memory_space<vmem>> -> memref<156x128xi32, #tpu.memory_space<vmem>>
        %dma_wait3A_54 = arith.constant 0 : i32
        %dma_wait3A_55 = tpu.memref_slice %arg4[%run_scoped3A_39, %mul3A_38, %dma_wait3A_54] : memref<2x2500x128xi32, #tpu.memory_space<hbm>> -> memref<1x156x128xi32, #tpu.memory_space<hbm>>
        %dma_wait3A_56 = tpu.memref_squeeze %dma_wait3A_55 : memref<1x156x128xi32, #tpu.memory_space<hbm>> -> memref<156x128xi32, #tpu.memory_space<hbm>>
        %dma_wait3A_57 = arith.constant 0 : i32
        %dma_wait3A_58 = arith.constant 0 : i32
        %dma_wait3A_59 = tpu.memref_slice %arg7[%dma_wait3A_57, %dma_wait3A_58] : memref<160x128xi32, #tpu.memory_space<vmem>> -> memref<156x128xi32, #tpu.memory_space<vmem>>
        %dma_wait3A_60 = arith.constant 0 : i32
        %dma_wait3A_61 = tpu.memref_slice %arg4[%run_scoped3A_39, %mul3A_38, %dma_wait3A_60] : memref<2x2500x128xi32, #tpu.memory_space<hbm>> -> memref<1x156x128xi32, #tpu.memory_space<hbm>>
        %dma_wait3A_62 = tpu.memref_squeeze %dma_wait3A_61 : memref<1x156x128xi32, #tpu.memory_space<hbm>> -> memref<156x128xi32, #tpu.memory_space<hbm>>
        tpu.wait_dma2 semaphore(%run_scoped3A_40 : memref<!tpu.dma_semaphore, #tpu.memory_space<semaphore_mem>>) src(%dma_wait3A_62 : memref<156x128xi32, #tpu.memory_space<hbm>>) dst(%dma_wait3A_59 : memref<156x128xi32, #tpu.memory_space<vmem>>)
        tpu.yield
      }) : () -> ()
    } else {
    }
    %eq3A = arith.constant 15 : i32
    %eq3A_3 = arith.cmpi eq, %arg1, %eq3A : i32
    %convert_element_type3A_4 = arith.extui %eq3A_3 : i1 to i32
    %cond3A_5 = arith.constant 0 : i32
    %cond3A_6 = arith.cmpi ne, %convert_element_type3A_4, %cond3A_5 : i32
    scf.if %cond3A_6 {
      %mul3A_35 = arith.constant 156 : i32
      %mul3A_36 = arith.muli %arg1, %mul3A_35 : i32
      %run_scoped3A = arith.constant 0 : i32
      "tpu.region"() ({
        %run_scoped3A_40 = tpu.sem_alloc : memref<!tpu.dma_semaphore, #tpu.memory_space<semaphore_mem>>
        %dma_start3A = arith.constant 0 : i32
        %dma_start3A_41 = arith.constant 0 : i32
        %dma_start3A_42 = tpu.memref_slice %arg6[%dma_start3A, %dma_start3A_41] : memref<160x128xi32, #tpu.memory_space<vmem>> -> memref<160x128xi32, #tpu.memory_space<vmem>>
        %dma_start3A_43 = arith.constant 0 : i32
        %dma_start3A_44 = tpu.memref_slice %arg4[%run_scoped3A, %mul3A_36, %dma_start3A_43] : memref<2x2500x128xi32, #tpu.memory_space<hbm>> -> memref<1x160x128xi32, #tpu.memory_space<hbm>>
        %dma_start3A_45 = tpu.memref_squeeze %dma_start3A_44 : memref<1x160x128xi32, #tpu.memory_space<hbm>> -> memref<160x128xi32, #tpu.memory_space<hbm>>
        %dma_start3A_46 = arith.constant 0 : i32
        %dma_start3A_47 = arith.constant 0 : i32
        %dma_start3A_48 = tpu.memref_slice %arg6[%dma_start3A_46, %dma_start3A_47] : memref<160x128xi32, #tpu.memory_space<vmem>> -> memref<160x128xi32, #tpu.memory_space<vmem>>
        %dma_start3A_49 = arith.constant 0 : i32
        %dma_start3A_50 = tpu.memref_slice %arg4[%run_scoped3A, %mul3A_36, %dma_start3A_49] : memref<2x2500x128xi32, #tpu.memory_space<hbm>> -> memref<1x160x128xi32, #tpu.memory_space<hbm>>
        %dma_start3A_51 = tpu.memref_squeeze %dma_start3A_50 : memref<1x160x128xi32, #tpu.memory_space<hbm>> -> memref<160x128xi32, #tpu.memory_space<hbm>>
        tpu.enqueue_dma source(%dma_start3A_51 : memref<160x128xi32, #tpu.memory_space<hbm>>) target(%dma_start3A_48 : memref<160x128xi32, #tpu.memory_space<vmem>>) target_semaphore(%run_scoped3A_40 : memref<!tpu.dma_semaphore, #tpu.memory_space<semaphore_mem>>)
        %dma_wait3A = arith.constant 0 : i32
        %dma_wait3A_52 = arith.constant 0 : i32
        %dma_wait3A_53 = tpu.memref_slice %arg6[%dma_wait3A, %dma_wait3A_52] : memref<160x128xi32, #tpu.memory_space<vmem>> -> memref<160x128xi32, #tpu.memory_space<vmem>>
        %dma_wait3A_54 = arith.constant 0 : i32
        %dma_wait3A_55 = tpu.memref_slice %arg4[%run_scoped3A, %mul3A_36, %dma_wait3A_54] : memref<2x2500x128xi32, #tpu.memory_space<hbm>> -> memref<1x160x128xi32, #tpu.memory_space<hbm>>
        %dma_wait3A_56 = tpu.memref_squeeze %dma_wait3A_55 : memref<1x160x128xi32, #tpu.memory_space<hbm>> -> memref<160x128xi32, #tpu.memory_space<hbm>>
        %dma_wait3A_57 = arith.constant 0 : i32
        %dma_wait3A_58 = arith.constant 0 : i32
        %dma_wait3A_59 = tpu.memref_slice %arg6[%dma_wait3A_57, %dma_wait3A_58] : memref<160x128xi32, #tpu.memory_space<vmem>> -> memref<160x128xi32, #tpu.memory_space<vmem>>
        %dma_wait3A_60 = arith.constant 0 : i32
        %dma_wait3A_61 = tpu.memref_slice %arg4[%run_scoped3A, %mul3A_36, %dma_wait3A_60] : memref<2x2500x128xi32, #tpu.memory_space<hbm>> -> memref<1x160x128xi32, #tpu.memory_space<hbm>>
        %dma_wait3A_62 = tpu.memref_squeeze %dma_wait3A_61 : memref<1x160x128xi32, #tpu.memory_space<hbm>> -> memref<160x128xi32, #tpu.memory_space<hbm>>
        tpu.wait_dma2 semaphore(%run_scoped3A_40 : memref<!tpu.dma_semaphore, #tpu.memory_space<semaphore_mem>>) src(%dma_wait3A_62 : memref<160x128xi32, #tpu.memory_space<hbm>>) dst(%dma_wait3A_59 : memref<160x128xi32, #tpu.memory_space<vmem>>)
        tpu.yield
      }) : () -> ()
      %mul3A_37 = arith.constant 156 : i32
      %mul3A_38 = arith.muli %arg1, %mul3A_37 : i32
      %run_scoped3A_39 = arith.constant 1 : i32
      "tpu.region"() ({
        %run_scoped3A_40 = tpu.sem_alloc : memref<!tpu.dma_semaphore, #tpu.memory_space<semaphore_mem>>
        %dma_start3A = arith.constant 0 : i32
        %dma_start3A_41 = arith.constant 0 : i32
        %dma_start3A_42 = tpu.memref_slice %arg7[%dma_start3A, %dma_start3A_41] : memref<160x128xi32, #tpu.memory_space<vmem>> -> memref<160x128xi32, #tpu.memory_space<vmem>>
        %dma_start3A_43 = arith.constant 0 : i32
        %dma_start3A_44 = tpu.memref_slice %arg4[%run_scoped3A_39, %mul3A_38, %dma_start3A_43] : memref<2x2500x128xi32, #tpu.memory_space<hbm>> -> memref<1x160x128xi32, #tpu.memory_space<hbm>>
        %dma_start3A_45 = tpu.memref_squeeze %dma_start3A_44 : memref<1x160x128xi32, #tpu.memory_space<hbm>> -> memref<160x128xi32, #tpu.memory_space<hbm>>
        %dma_start3A_46 = arith.constant 0 : i32
        %dma_start3A_47 = arith.constant 0 : i32
        %dma_start3A_48 = tpu.memref_slice %arg7[%dma_start3A_46, %dma_start3A_47] : memref<160x128xi32, #tpu.memory_space<vmem>> -> memref<160x128xi32, #tpu.memory_space<vmem>>
        %dma_start3A_49 = arith.constant 0 : i32
        %dma_start3A_50 = tpu.memref_slice %arg4[%run_scoped3A_39, %mul3A_38, %dma_start3A_49] : memref<2x2500x128xi32, #tpu.memory_space<hbm>> -> memref<1x160x128xi32, #tpu.memory_space<hbm>>
        %dma_start3A_51 = tpu.memref_squeeze %dma_start3A_50 : memref<1x160x128xi32, #tpu.memory_space<hbm>> -> memref<160x128xi32, #tpu.memory_space<hbm>>
        tpu.enqueue_dma source(%dma_start3A_51 : memref<160x128xi32, #tpu.memory_space<hbm>>) target(%dma_start3A_48 : memref<160x128xi32, #tpu.memory_space<vmem>>) target_semaphore(%run_scoped3A_40 : memref<!tpu.dma_semaphore, #tpu.memory_space<semaphore_mem>>)
        %dma_wait3A = arith.constant 0 : i32
        %dma_wait3A_52 = arith.constant 0 : i32
        %dma_wait3A_53 = tpu.memref_slice %arg7[%dma_wait3A, %dma_wait3A_52] : memref<160x128xi32, #tpu.memory_space<vmem>> -> memref<160x128xi32, #tpu.memory_space<vmem>>
        %dma_wait3A_54 = arith.constant 0 : i32
        %dma_wait3A_55 = tpu.memref_slice %arg4[%run_scoped3A_39, %mul3A_38, %dma_wait3A_54] : memref<2x2500x128xi32, #tpu.memory_space<hbm>> -> memref<1x160x128xi32, #tpu.memory_space<hbm>>
        %dma_wait3A_56 = tpu.memref_squeeze %dma_wait3A_55 : memref<1x160x128xi32, #tpu.memory_space<hbm>> -> memref<160x128xi32, #tpu.memory_space<hbm>>
        %dma_wait3A_57 = arith.constant 0 : i32
        %dma_wait3A_58 = arith.constant 0 : i32
        %dma_wait3A_59 = tpu.memref_slice %arg7[%dma_wait3A_57, %dma_wait3A_58] : memref<160x128xi32, #tpu.memory_space<vmem>> -> memref<160x128xi32, #tpu.memory_space<vmem>>
        %dma_wait3A_60 = arith.constant 0 : i32
        %dma_wait3A_61 = tpu.memref_slice %arg4[%run_scoped3A_39, %mul3A_38, %dma_wait3A_60] : memref<2x2500x128xi32, #tpu.memory_space<hbm>> -> memref<1x160x128xi32, #tpu.memory_space<hbm>>
        %dma_wait3A_62 = tpu.memref_squeeze %dma_wait3A_61 : memref<1x160x128xi32, #tpu.memory_space<hbm>> -> memref<160x128xi32, #tpu.memory_space<hbm>>
        tpu.wait_dma2 semaphore(%run_scoped3A_40 : memref<!tpu.dma_semaphore, #tpu.memory_space<semaphore_mem>>) src(%dma_wait3A_62 : memref<160x128xi32, #tpu.memory_space<hbm>>) dst(%dma_wait3A_59 : memref<160x128xi32, #tpu.memory_space<vmem>>)
        tpu.yield
      }) : () -> ()
    } else {
    }
    %barrier3A = arith.constant 0 : index
    tpu.barrier barrier_id(%barrier3A)
    %lt3A_7 = arith.constant 15 : i32
    %lt3A_8 = arith.cmpi slt, %arg1, %lt3A_7 : i32
    %convert_element_type3A_9 = arith.extui %lt3A_8 : i1 to i32
    %cond3A_10 = arith.constant 0 : i32
    %cond3A_11 = arith.cmpi ne, %convert_element_type3A_9, %cond3A_10 : i32
    scf.if %cond3A_11 {
      %dma_start3A = arith.constant 0 : i32
      %dma_start3A_35 = arith.constant 0 : i32
      %dma_start3A_36 = tpu.memref_slice %arg6[%dma_start3A, %dma_start3A_35] : memref<160x128xi32, #tpu.memory_space<vmem>> -> memref<1x128xi32, #tpu.memory_space<vmem>>
      %dma_start3A_37 = tpu.memref_squeeze %dma_start3A_36 : memref<1x128xi32, #tpu.memory_space<vmem>> -> memref<128xi32, #tpu.memory_space<vmem>>
      %dma_start3A_38 = arith.constant 0 : i32
      %dma_start3A_39 = arith.constant 0 : i32
      %dma_start3A_40 = tpu.memref_slice %arg2[%arg0, %dma_start3A_38, %dma_start3A_39] : memref<2x10240x32xbf16, #tpu.memory_space<hbm>> -> memref<1x10240x32xbf16, #tpu.memory_space<hbm>>
      %dma_start3A_41 = tpu.memref_squeeze %dma_start3A_40 : memref<1x10240x32xbf16, #tpu.memory_space<hbm>> -> memref<10240x32xbf16, #tpu.memory_space<hbm>>
      %dma_start3A_42 = arith.constant 0 : i32
      %dma_start3A_43 = arith.constant 0 : i32
      %dma_start3A_44 = tpu.memref_slice %dma_start3A_41[%dma_start3A_42, %dma_start3A_43] : memref<10240x32xbf16, #tpu.memory_space<hbm>> -> memref<10240x32xbf16, #tpu.memory_space<hbm>>
      tpu.enqueue_indirect_dma source(%dma_start3A_44 : memref<10240x32xbf16, #tpu.memory_space<hbm>>) target(%arg8 : memref<128x32xbf16, #tpu.memory_space<vmem>>) offsets(%dma_start3A_37 : memref<128xi32, #tpu.memory_space<vmem>>) semaphore(%arg14 : memref<!tpu.dma_semaphore, #tpu.memory_space<semaphore_mem>>)
      %dma_start3A_45 = arith.constant 1 : i32
      %dma_start3A_46 = arith.constant 0 : i32
      %dma_start3A_47 = tpu.memref_slice %arg6[%dma_start3A_45, %dma_start3A_46] : memref<160x128xi32, #tpu.memory_space<vmem>> -> memref<1x128xi32, #tpu.memory_space<vmem>>
      %dma_start3A_48 = tpu.memref_squeeze %dma_start3A_47 : memref<1x128xi32, #tpu.memory_space<vmem>> -> memref<128xi32, #tpu.memory_space<vmem>>
      %dma_start3A_49 = arith.constant 0 : i32
      %dma_start3A_50 = arith.constant 0 : i32
      %dma_start3A_51 = tpu.memref_slice %arg2[%arg0, %dma_start3A_49, %dma_start3A_50] : memref<2x10240x32xbf16, #tpu.memory_space<hbm>> -> memref<1x10240x32xbf16, #tpu.memory_space<hbm>>
      %dma_start3A_52 = tpu.memref_squeeze %dma_start3A_51 : memref<1x10240x32xbf16, #tpu.memory_space<hbm>> -> memref<10240x32xbf16, #tpu.memory_space<hbm>>
      %dma_start3A_53 = arith.constant 0 : i32
      %dma_start3A_54 = arith.constant 0 : i32
      %dma_start3A_55 = tpu.memref_slice %dma_start3A_52[%dma_start3A_53, %dma_start3A_54] : memref<10240x32xbf16, #tpu.memory_space<hbm>> -> memref<10240x32xbf16, #tpu.memory_space<hbm>>
      tpu.enqueue_indirect_dma source(%dma_start3A_55 : memref<10240x32xbf16, #tpu.memory_space<hbm>>) target(%arg9 : memref<128x32xbf16, #tpu.memory_space<vmem>>) offsets(%dma_start3A_48 : memref<128xi32, #tpu.memory_space<vmem>>) semaphore(%arg15 : memref<!tpu.dma_semaphore, #tpu.memory_space<semaphore_mem>>)
      %scan3A_56 = arith.constant 0 : i32
      %scan3A_57 = arith.constant 0 : i32
      %scan3A_58 = arith.constant 77 : i32
      %scan3A_59 = arith.addi %scan3A_57, %scan3A_58 : i32
      %scan3A_60 = arith.constant 1 : i32
      scf.for %scan3A_84 = %scan3A_57 to %scan3A_59 step %scan3A_60  : i32 {
        %dma_wait3A_85 = arith.constant 0 : i32
        %dma_wait3A_86 = arith.constant 0 : i32
        %dma_wait3A_87 = tpu.memref_slice %arg6[%dma_wait3A_85, %dma_wait3A_86] : memref<160x128xi32, #tpu.memory_space<vmem>> -> memref<1x128xi32, #tpu.memory_space<vmem>>
        %dma_wait3A_88 = tpu.memref_squeeze %dma_wait3A_87 : memref<1x128xi32, #tpu.memory_space<vmem>> -> memref<128xi32, #tpu.memory_space<vmem>>
        %dma_wait3A_89 = arith.constant 0 : i32
        %dma_wait3A_90 = arith.constant 0 : i32
        %dma_wait3A_91 = tpu.memref_slice %arg2[%arg0, %dma_wait3A_89, %dma_wait3A_90] : memref<2x10240x32xbf16, #tpu.memory_space<hbm>> -> memref<1x10240x32xbf16, #tpu.memory_space<hbm>>
        %dma_wait3A_92 = tpu.memref_squeeze %dma_wait3A_91 : memref<1x10240x32xbf16, #tpu.memory_space<hbm>> -> memref<10240x32xbf16, #tpu.memory_space<hbm>>
        %dma_wait3A_93 = arith.constant 0 : i32
        %dma_wait3A_94 = arith.constant 0 : i32
        %dma_wait3A_95 = tpu.memref_slice %dma_wait3A_92[%dma_wait3A_93, %dma_wait3A_94] : memref<10240x32xbf16, #tpu.memory_space<hbm>> -> memref<10240x32xbf16, #tpu.memory_space<hbm>>
        tpu.wait_indirect_dma semaphore(%arg14 : memref<!tpu.dma_semaphore, #tpu.memory_space<semaphore_mem>>) src(%dma_wait3A_95 : memref<10240x32xbf16, #tpu.memory_space<hbm>>) dst(%arg8 : memref<128x32xbf16, #tpu.memory_space<vmem>>)
        %mul3A_96 = arith.constant 2 : i32
        %mul3A_97 = arith.muli %mul3A_96, %scan3A_84 : i32
        "tpu.region"() ({
          %run_scoped3A_140 = tpu.sem_alloc : memref<!tpu.dma_semaphore, #tpu.memory_space<semaphore_mem>>
          %dma_start3A_141 = arith.constant 0 : i32
          %dma_start3A_142 = tpu.memref_slice %arg7[%mul3A_97, %dma_start3A_141] : memref<160x128xi32, #tpu.memory_space<vmem>> -> memref<1x128xi32, #tpu.memory_space<vmem>>
          %dma_start3A_143 = tpu.memref_squeeze %dma_start3A_142 : memref<1x128xi32, #tpu.memory_space<vmem>> -> memref<128xi32, #tpu.memory_space<vmem>>
          %dma_start3A_144 = arith.constant 0 : i32
          %dma_start3A_145 = arith.constant 0 : i32
          %dma_start3A_146 = tpu.memref_slice %arg12[%dma_start3A_144, %dma_start3A_145] : memref<10240x32xbf16, #tpu.memory_space<vmem_shared>> -> memref<10240x32xbf16, #tpu.memory_space<vmem_shared>>
          tpu.enqueue_indirect_dma source(%arg8 : memref<128x32xbf16, #tpu.memory_space<vmem>>) target(%dma_start3A_146 : memref<10240x32xbf16, #tpu.memory_space<vmem_shared>>) offsets(%dma_start3A_143 : memref<128xi32, #tpu.memory_space<vmem>>) semaphore(%run_scoped3A_140 : memref<!tpu.dma_semaphore, #tpu.memory_space<semaphore_mem>>) {add = true}
          %dma_wait3A_147 = arith.constant 0 : i32
          %dma_wait3A_148 = tpu.memref_slice %arg7[%mul3A_97, %dma_wait3A_147] : memref<160x128xi32, #tpu.memory_space<vmem>> -> memref<1x128xi32, #tpu.memory_space<vmem>>
          %dma_wait3A_149 = tpu.memref_squeeze %dma_wait3A_148 : memref<1x128xi32, #tpu.memory_space<vmem>> -> memref<128xi32, #tpu.memory_space<vmem>>
          %dma_wait3A_150 = arith.constant 0 : i32
          %dma_wait3A_151 = arith.constant 0 : i32
          %dma_wait3A_152 = tpu.memref_slice %arg12[%dma_wait3A_150, %dma_wait3A_151] : memref<10240x32xbf16, #tpu.memory_space<vmem_shared>> -> memref<10240x32xbf16, #tpu.memory_space<vmem_shared>>
          tpu.wait_indirect_dma semaphore(%run_scoped3A_140 : memref<!tpu.dma_semaphore, #tpu.memory_space<semaphore_mem>>) src(%arg8 : memref<128x32xbf16, #tpu.memory_space<vmem>>) dst(%dma_wait3A_152 : memref<10240x32xbf16, #tpu.memory_space<vmem_shared>>)
          tpu.yield
        }) : () -> ()
        %mul3A_98 = arith.constant 2 : i32
        %mul3A_99 = arith.muli %mul3A_98, %scan3A_84 : i32
        %add3A = arith.constant 2 : i32
        %add3A_100 = arith.addi %mul3A_99, %add3A : i32
        %dma_start3A_101 = arith.constant 0 : i32
        %dma_start3A_102 = tpu.memref_slice %arg6[%add3A_100, %dma_start3A_101] : memref<160x128xi32, #tpu.memory_space<vmem>> -> memref<1x128xi32, #tpu.memory_space<vmem>>
        %dma_start3A_103 = tpu.memref_squeeze %dma_start3A_102 : memref<1x128xi32, #tpu.memory_space<vmem>> -> memref<128xi32, #tpu.memory_space<vmem>>
        %dma_start3A_104 = arith.constant 0 : i32
        %dma_start3A_105 = arith.constant 0 : i32
        %dma_start3A_106 = tpu.memref_slice %arg2[%arg0, %dma_start3A_104, %dma_start3A_105] : memref<2x10240x32xbf16, #tpu.memory_space<hbm>> -> memref<1x10240x32xbf16, #tpu.memory_space<hbm>>
        %dma_start3A_107 = tpu.memref_squeeze %dma_start3A_106 : memref<1x10240x32xbf16, #tpu.memory_space<hbm>> -> memref<10240x32xbf16, #tpu.memory_space<hbm>>
        %dma_start3A_108 = arith.constant 0 : i32
        %dma_start3A_109 = arith.constant 0 : i32
        %dma_start3A_110 = tpu.memref_slice %dma_start3A_107[%dma_start3A_108, %dma_start3A_109] : memref<10240x32xbf16, #tpu.memory_space<hbm>> -> memref<10240x32xbf16, #tpu.memory_space<hbm>>
        tpu.enqueue_indirect_dma source(%dma_start3A_110 : memref<10240x32xbf16, #tpu.memory_space<hbm>>) target(%arg8 : memref<128x32xbf16, #tpu.memory_space<vmem>>) offsets(%dma_start3A_103 : memref<128xi32, #tpu.memory_space<vmem>>) semaphore(%arg14 : memref<!tpu.dma_semaphore, #tpu.memory_space<semaphore_mem>>)
        %dma_wait3A_111 = arith.constant 1 : i32
        %dma_wait3A_112 = arith.constant 0 : i32
        %dma_wait3A_113 = tpu.memref_slice %arg6[%dma_wait3A_111, %dma_wait3A_112] : memref<160x128xi32, #tpu.memory_space<vmem>> -> memref<1x128xi32, #tpu.memory_space<vmem>>
        %dma_wait3A_114 = tpu.memref_squeeze %dma_wait3A_113 : memref<1x128xi32, #tpu.memory_space<vmem>> -> memref<128xi32, #tpu.memory_space<vmem>>
        %dma_wait3A_115 = arith.constant 0 : i32
        %dma_wait3A_116 = arith.constant 0 : i32
        %dma_wait3A_117 = tpu.memref_slice %arg2[%arg0, %dma_wait3A_115, %dma_wait3A_116] : memref<2x10240x32xbf16, #tpu.memory_space<hbm>> -> memref<1x10240x32xbf16, #tpu.memory_space<hbm>>
        %dma_wait3A_118 = tpu.memref_squeeze %dma_wait3A_117 : memref<1x10240x32xbf16, #tpu.memory_space<hbm>> -> memref<10240x32xbf16, #tpu.memory_space<hbm>>
        %dma_wait3A_119 = arith.constant 0 : i32
        %dma_wait3A_120 = arith.constant 0 : i32
        %dma_wait3A_121 = tpu.memref_slice %dma_wait3A_118[%dma_wait3A_119, %dma_wait3A_120] : memref<10240x32xbf16, #tpu.memory_space<hbm>> -> memref<10240x32xbf16, #tpu.memory_space<hbm>>
        tpu.wait_indirect_dma semaphore(%arg15 : memref<!tpu.dma_semaphore, #tpu.memory_space<semaphore_mem>>) src(%dma_wait3A_121 : memref<10240x32xbf16, #tpu.memory_space<hbm>>) dst(%arg9 : memref<128x32xbf16, #tpu.memory_space<vmem>>)
        %mul3A_122 = arith.constant 2 : i32
        %mul3A_123 = arith.muli %mul3A_122, %scan3A_84 : i32
        %add3A_124 = arith.constant 1 : i32
        %add3A_125 = arith.addi %mul3A_123, %add3A_124 : i32
        "tpu.region"() ({
          %run_scoped3A_140 = tpu.sem_alloc : memref<!tpu.dma_semaphore, #tpu.memory_space<semaphore_mem>>
          %dma_start3A_141 = arith.constant 0 : i32
          %dma_start3A_142 = tpu.memref_slice %arg7[%add3A_125, %dma_start3A_141] : memref<160x128xi32, #tpu.memory_space<vmem>> -> memref<1x128xi32, #tpu.memory_space<vmem>>
          %dma_start3A_143 = tpu.memref_squeeze %dma_start3A_142 : memref<1x128xi32, #tpu.memory_space<vmem>> -> memref<128xi32, #tpu.memory_space<vmem>>
          %dma_start3A_144 = arith.constant 0 : i32
          %dma_start3A_145 = arith.constant 0 : i32
          %dma_start3A_146 = tpu.memref_slice %arg12[%dma_start3A_144, %dma_start3A_145] : memref<10240x32xbf16, #tpu.memory_space<vmem_shared>> -> memref<10240x32xbf16, #tpu.memory_space<vmem_shared>>
          tpu.enqueue_indirect_dma source(%arg9 : memref<128x32xbf16, #tpu.memory_space<vmem>>) target(%dma_start3A_146 : memref<10240x32xbf16, #tpu.memory_space<vmem_shared>>) offsets(%dma_start3A_143 : memref<128xi32, #tpu.memory_space<vmem>>) semaphore(%run_scoped3A_140 : memref<!tpu.dma_semaphore, #tpu.memory_space<semaphore_mem>>) {add = true}
          %dma_wait3A_147 = arith.constant 0 : i32
          %dma_wait3A_148 = tpu.memref_slice %arg7[%add3A_125, %dma_wait3A_147] : memref<160x128xi32, #tpu.memory_space<vmem>> -> memref<1x128xi32, #tpu.memory_space<vmem>>
          %dma_wait3A_149 = tpu.memref_squeeze %dma_wait3A_148 : memref<1x128xi32, #tpu.memory_space<vmem>> -> memref<128xi32, #tpu.memory_space<vmem>>
          %dma_wait3A_150 = arith.constant 0 : i32
          %dma_wait3A_151 = arith.constant 0 : i32
          %dma_wait3A_152 = tpu.memref_slice %arg12[%dma_wait3A_150, %dma_wait3A_151] : memref<10240x32xbf16, #tpu.memory_space<vmem_shared>> -> memref<10240x32xbf16, #tpu.memory_space<vmem_shared>>
          tpu.wait_indirect_dma semaphore(%run_scoped3A_140 : memref<!tpu.dma_semaphore, #tpu.memory_space<semaphore_mem>>) src(%arg9 : memref<128x32xbf16, #tpu.memory_space<vmem>>) dst(%dma_wait3A_152 : memref<10240x32xbf16, #tpu.memory_space<vmem_shared>>)
          tpu.yield
        }) : () -> ()
        %mul3A_126 = arith.constant 2 : i32
        %mul3A_127 = arith.muli %mul3A_126, %scan3A_84 : i32
        %add3A_128 = arith.constant 3 : i32
        %add3A_129 = arith.addi %mul3A_127, %add3A_128 : i32
        %dma_start3A_130 = arith.constant 0 : i32
        %dma_start3A_131 = tpu.memref_slice %arg6[%add3A_129, %dma_start3A_130] : memref<160x128xi32, #tpu.memory_space<vmem>> -> memref<1x128xi32, #tpu.memory_space<vmem>>
        %dma_start3A_132 = tpu.memref_squeeze %dma_start3A_131 : memref<1x128xi32, #tpu.memory_space<vmem>> -> memref<128xi32, #tpu.memory_space<vmem>>
        %dma_start3A_133 = arith.constant 0 : i32
        %dma_start3A_134 = arith.constant 0 : i32
        %dma_start3A_135 = tpu.memref_slice %arg2[%arg0, %dma_start3A_133, %dma_start3A_134] : memref<2x10240x32xbf16, #tpu.memory_space<hbm>> -> memref<1x10240x32xbf16, #tpu.memory_space<hbm>>
        %dma_start3A_136 = tpu.memref_squeeze %dma_start3A_135 : memref<1x10240x32xbf16, #tpu.memory_space<hbm>> -> memref<10240x32xbf16, #tpu.memory_space<hbm>>
        %dma_start3A_137 = arith.constant 0 : i32
        %dma_start3A_138 = arith.constant 0 : i32
        %dma_start3A_139 = tpu.memref_slice %dma_start3A_136[%dma_start3A_137, %dma_start3A_138] : memref<10240x32xbf16, #tpu.memory_space<hbm>> -> memref<10240x32xbf16, #tpu.memory_space<hbm>>
        tpu.enqueue_indirect_dma source(%dma_start3A_139 : memref<10240x32xbf16, #tpu.memory_space<hbm>>) target(%arg9 : memref<128x32xbf16, #tpu.memory_space<vmem>>) offsets(%dma_start3A_132 : memref<128xi32, #tpu.memory_space<vmem>>) semaphore(%arg15 : memref<!tpu.dma_semaphore, #tpu.memory_space<semaphore_mem>>)
      }
      %scan3A_61 = arith.constant 77 : i32
      %dma_wait3A = arith.constant 0 : i32
      %dma_wait3A_62 = arith.constant 0 : i32
      %dma_wait3A_63 = tpu.memref_slice %arg6[%dma_wait3A, %dma_wait3A_62] : memref<160x128xi32, #tpu.memory_space<vmem>> -> memref<1x128xi32, #tpu.memory_space<vmem>>
      %dma_wait3A_64 = tpu.memref_squeeze %dma_wait3A_63 : memref<1x128xi32, #tpu.memory_space<vmem>> -> memref<128xi32, #tpu.memory_space<vmem>>
      %dma_wait3A_65 = arith.constant 0 : i32
      %dma_wait3A_66 = arith.constant 0 : i32
      %dma_wait3A_67 = tpu.memref_slice %arg2[%arg0, %dma_wait3A_65, %dma_wait3A_66] : memref<2x10240x32xbf16, #tpu.memory_space<hbm>> -> memref<1x10240x32xbf16, #tpu.memory_space<hbm>>
      %dma_wait3A_68 = tpu.memref_squeeze %dma_wait3A_67 : memref<1x10240x32xbf16, #tpu.memory_space<hbm>> -> memref<10240x32xbf16, #tpu.memory_space<hbm>>
      %dma_wait3A_69 = arith.constant 0 : i32
      %dma_wait3A_70 = arith.constant 0 : i32
      %dma_wait3A_71 = tpu.memref_slice %dma_wait3A_68[%dma_wait3A_69, %dma_wait3A_70] : memref<10240x32xbf16, #tpu.memory_space<hbm>> -> memref<10240x32xbf16, #tpu.memory_space<hbm>>
      tpu.wait_indirect_dma semaphore(%arg14 : memref<!tpu.dma_semaphore, #tpu.memory_space<semaphore_mem>>) src(%dma_wait3A_71 : memref<10240x32xbf16, #tpu.memory_space<hbm>>) dst(%arg8 : memref<128x32xbf16, #tpu.memory_space<vmem>>)
      %run_scoped3A = arith.constant 154 : i32
      "tpu.region"() ({
        %run_scoped3A_84 = tpu.sem_alloc : memref<!tpu.dma_semaphore, #tpu.memory_space<semaphore_mem>>
        %dma_start3A_85 = arith.constant 0 : i32
        %dma_start3A_86 = tpu.memref_slice %arg7[%run_scoped3A, %dma_start3A_85] : memref<160x128xi32, #tpu.memory_space<vmem>> -> memref<1x128xi32, #tpu.memory_space<vmem>>
        %dma_start3A_87 = tpu.memref_squeeze %dma_start3A_86 : memref<1x128xi32, #tpu.memory_space<vmem>> -> memref<128xi32, #tpu.memory_space<vmem>>
        %dma_start3A_88 = arith.constant 0 : i32
        %dma_start3A_89 = arith.constant 0 : i32
        %dma_start3A_90 = tpu.memref_slice %arg12[%dma_start3A_88, %dma_start3A_89] : memref<10240x32xbf16, #tpu.memory_space<vmem_shared>> -> memref<10240x32xbf16, #tpu.memory_space<vmem_shared>>
        tpu.enqueue_indirect_dma source(%arg8 : memref<128x32xbf16, #tpu.memory_space<vmem>>) target(%dma_start3A_90 : memref<10240x32xbf16, #tpu.memory_space<vmem_shared>>) offsets(%dma_start3A_87 : memref<128xi32, #tpu.memory_space<vmem>>) semaphore(%run_scoped3A_84 : memref<!tpu.dma_semaphore, #tpu.memory_space<semaphore_mem>>) {add = true}
        %dma_wait3A_91 = arith.constant 0 : i32
        %dma_wait3A_92 = tpu.memref_slice %arg7[%run_scoped3A, %dma_wait3A_91] : memref<160x128xi32, #tpu.memory_space<vmem>> -> memref<1x128xi32, #tpu.memory_space<vmem>>
        %dma_wait3A_93 = tpu.memref_squeeze %dma_wait3A_92 : memref<1x128xi32, #tpu.memory_space<vmem>> -> memref<128xi32, #tpu.memory_space<vmem>>
        %dma_wait3A_94 = arith.constant 0 : i32
        %dma_wait3A_95 = arith.constant 0 : i32
        %dma_wait3A_96 = tpu.memref_slice %arg12[%dma_wait3A_94, %dma_wait3A_95] : memref<10240x32xbf16, #tpu.memory_space<vmem_shared>> -> memref<10240x32xbf16, #tpu.memory_space<vmem_shared>>
        tpu.wait_indirect_dma semaphore(%run_scoped3A_84 : memref<!tpu.dma_semaphore, #tpu.memory_space<semaphore_mem>>) src(%arg8 : memref<128x32xbf16, #tpu.memory_space<vmem>>) dst(%dma_wait3A_96 : memref<10240x32xbf16, #tpu.memory_space<vmem_shared>>)
        tpu.yield
      }) : () -> ()
      %dma_wait3A_72 = arith.constant 1 : i32
      %dma_wait3A_73 = arith.constant 0 : i32
      %dma_wait3A_74 = tpu.memref_slice %arg6[%dma_wait3A_72, %dma_wait3A_73] : memref<160x128xi32, #tpu.memory_space<vmem>> -> memref<1x128xi32, #tpu.memory_space<vmem>>
      %dma_wait3A_75 = tpu.memref_squeeze %dma_wait3A_74 : memref<1x128xi32, #tpu.memory_space<vmem>> -> memref<128xi32, #tpu.memory_space<vmem>>
      %dma_wait3A_76 = arith.constant 0 : i32
      %dma_wait3A_77 = arith.constant 0 : i32
      %dma_wait3A_78 = tpu.memref_slice %arg2[%arg0, %dma_wait3A_76, %dma_wait3A_77] : memref<2x10240x32xbf16, #tpu.memory_space<hbm>> -> memref<1x10240x32xbf16, #tpu.memory_space<hbm>>
      %dma_wait3A_79 = tpu.memref_squeeze %dma_wait3A_78 : memref<1x10240x32xbf16, #tpu.memory_space<hbm>> -> memref<10240x32xbf16, #tpu.memory_space<hbm>>
      %dma_wait3A_80 = arith.constant 0 : i32
      %dma_wait3A_81 = arith.constant 0 : i32
      %dma_wait3A_82 = tpu.memref_slice %dma_wait3A_79[%dma_wait3A_80, %dma_wait3A_81] : memref<10240x32xbf16, #tpu.memory_space<hbm>> -> memref<10240x32xbf16, #tpu.memory_space<hbm>>
      tpu.wait_indirect_dma semaphore(%arg15 : memref<!tpu.dma_semaphore, #tpu.memory_space<semaphore_mem>>) src(%dma_wait3A_82 : memref<10240x32xbf16, #tpu.memory_space<hbm>>) dst(%arg9 : memref<128x32xbf16, #tpu.memory_space<vmem>>)
      %run_scoped3A_83 = arith.constant 155 : i32
      "tpu.region"() ({
        %run_scoped3A_84 = tpu.sem_alloc : memref<!tpu.dma_semaphore, #tpu.memory_space<semaphore_mem>>
        %dma_start3A_85 = arith.constant 0 : i32
        %dma_start3A_86 = tpu.memref_slice %arg7[%run_scoped3A_83, %dma_start3A_85] : memref<160x128xi32, #tpu.memory_space<vmem>> -> memref<1x128xi32, #tpu.memory_space<vmem>>
        %dma_start3A_87 = tpu.memref_squeeze %dma_start3A_86 : memref<1x128xi32, #tpu.memory_space<vmem>> -> memref<128xi32, #tpu.memory_space<vmem>>
        %dma_start3A_88 = arith.constant 0 : i32
        %dma_start3A_89 = arith.constant 0 : i32
        %dma_start3A_90 = tpu.memref_slice %arg12[%dma_start3A_88, %dma_start3A_89] : memref<10240x32xbf16, #tpu.memory_space<vmem_shared>> -> memref<10240x32xbf16, #tpu.memory_space<vmem_shared>>
        tpu.enqueue_indirect_dma source(%arg9 : memref<128x32xbf16, #tpu.memory_space<vmem>>) target(%dma_start3A_90 : memref<10240x32xbf16, #tpu.memory_space<vmem_shared>>) offsets(%dma_start3A_87 : memref<128xi32, #tpu.memory_space<vmem>>) semaphore(%run_scoped3A_84 : memref<!tpu.dma_semaphore, #tpu.memory_space<semaphore_mem>>) {add = true}
        %dma_wait3A_91 = arith.constant 0 : i32
        %dma_wait3A_92 = tpu.memref_slice %arg7[%run_scoped3A_83, %dma_wait3A_91] : memref<160x128xi32, #tpu.memory_space<vmem>> -> memref<1x128xi32, #tpu.memory_space<vmem>>
        %dma_wait3A_93 = tpu.memref_squeeze %dma_wait3A_92 : memref<1x128xi32, #tpu.memory_space<vmem>> -> memref<128xi32, #tpu.memory_space<vmem>>
        %dma_wait3A_94 = arith.constant 0 : i32
        %dma_wait3A_95 = arith.constant 0 : i32
        %dma_wait3A_96 = tpu.memref_slice %arg12[%dma_wait3A_94, %dma_wait3A_95] : memref<10240x32xbf16, #tpu.memory_space<vmem_shared>> -> memref<10240x32xbf16, #tpu.memory_space<vmem_shared>>
        tpu.wait_indirect_dma semaphore(%run_scoped3A_84 : memref<!tpu.dma_semaphore, #tpu.memory_space<semaphore_mem>>) src(%arg9 : memref<128x32xbf16, #tpu.memory_space<vmem>>) dst(%dma_wait3A_96 : memref<10240x32xbf16, #tpu.memory_space<vmem_shared>>)
        tpu.yield
      }) : () -> ()
    } else {
    }
    %eq3A_12 = arith.constant 15 : i32
    %eq3A_13 = arith.cmpi eq, %arg1, %eq3A_12 : i32
    %convert_element_type3A_14 = arith.extui %eq3A_13 : i1 to i32
    %cond3A_15 = arith.constant 0 : i32
    %cond3A_16 = arith.cmpi ne, %convert_element_type3A_14, %cond3A_15 : i32
    scf.if %cond3A_16 {
      %dma_start3A = arith.constant 0 : i32
      %dma_start3A_35 = arith.constant 0 : i32
      %dma_start3A_36 = tpu.memref_slice %arg6[%dma_start3A, %dma_start3A_35] : memref<160x128xi32, #tpu.memory_space<vmem>> -> memref<1x128xi32, #tpu.memory_space<vmem>>
      %dma_start3A_37 = tpu.memref_squeeze %dma_start3A_36 : memref<1x128xi32, #tpu.memory_space<vmem>> -> memref<128xi32, #tpu.memory_space<vmem>>
      %dma_start3A_38 = arith.constant 0 : i32
      %dma_start3A_39 = arith.constant 0 : i32
      %dma_start3A_40 = tpu.memref_slice %arg2[%arg0, %dma_start3A_38, %dma_start3A_39] : memref<2x10240x32xbf16, #tpu.memory_space<hbm>> -> memref<1x10240x32xbf16, #tpu.memory_space<hbm>>
      %dma_start3A_41 = tpu.memref_squeeze %dma_start3A_40 : memref<1x10240x32xbf16, #tpu.memory_space<hbm>> -> memref<10240x32xbf16, #tpu.memory_space<hbm>>
      %dma_start3A_42 = arith.constant 0 : i32
      %dma_start3A_43 = arith.constant 0 : i32
      %dma_start3A_44 = tpu.memref_slice %dma_start3A_41[%dma_start3A_42, %dma_start3A_43] : memref<10240x32xbf16, #tpu.memory_space<hbm>> -> memref<10240x32xbf16, #tpu.memory_space<hbm>>
      tpu.enqueue_indirect_dma source(%dma_start3A_44 : memref<10240x32xbf16, #tpu.memory_space<hbm>>) target(%arg8 : memref<128x32xbf16, #tpu.memory_space<vmem>>) offsets(%dma_start3A_37 : memref<128xi32, #tpu.memory_space<vmem>>) semaphore(%arg14 : memref<!tpu.dma_semaphore, #tpu.memory_space<semaphore_mem>>)
      %dma_start3A_45 = arith.constant 1 : i32
      %dma_start3A_46 = arith.constant 0 : i32
      %dma_start3A_47 = tpu.memref_slice %arg6[%dma_start3A_45, %dma_start3A_46] : memref<160x128xi32, #tpu.memory_space<vmem>> -> memref<1x128xi32, #tpu.memory_space<vmem>>
      %dma_start3A_48 = tpu.memref_squeeze %dma_start3A_47 : memref<1x128xi32, #tpu.memory_space<vmem>> -> memref<128xi32, #tpu.memory_space<vmem>>
      %dma_start3A_49 = arith.constant 0 : i32
      %dma_start3A_50 = arith.constant 0 : i32
      %dma_start3A_51 = tpu.memref_slice %arg2[%arg0, %dma_start3A_49, %dma_start3A_50] : memref<2x10240x32xbf16, #tpu.memory_space<hbm>> -> memref<1x10240x32xbf16, #tpu.memory_space<hbm>>
      %dma_start3A_52 = tpu.memref_squeeze %dma_start3A_51 : memref<1x10240x32xbf16, #tpu.memory_space<hbm>> -> memref<10240x32xbf16, #tpu.memory_space<hbm>>
      %dma_start3A_53 = arith.constant 0 : i32
      %dma_start3A_54 = arith.constant 0 : i32
      %dma_start3A_55 = tpu.memref_slice %dma_start3A_52[%dma_start3A_53, %dma_start3A_54] : memref<10240x32xbf16, #tpu.memory_space<hbm>> -> memref<10240x32xbf16, #tpu.memory_space<hbm>>
      tpu.enqueue_indirect_dma source(%dma_start3A_55 : memref<10240x32xbf16, #tpu.memory_space<hbm>>) target(%arg9 : memref<128x32xbf16, #tpu.memory_space<vmem>>) offsets(%dma_start3A_48 : memref<128xi32, #tpu.memory_space<vmem>>) semaphore(%arg15 : memref<!tpu.dma_semaphore, #tpu.memory_space<semaphore_mem>>)
      %scan3A_56 = arith.constant 0 : i32
      %scan3A_57 = arith.constant 0 : i32
      %scan3A_58 = arith.constant 79 : i32
      %scan3A_59 = arith.addi %scan3A_57, %scan3A_58 : i32
      %scan3A_60 = arith.constant 1 : i32
      scf.for %scan3A_84 = %scan3A_57 to %scan3A_59 step %scan3A_60  : i32 {
        %dma_wait3A_85 = arith.constant 0 : i32
        %dma_wait3A_86 = arith.constant 0 : i32
        %dma_wait3A_87 = tpu.memref_slice %arg6[%dma_wait3A_85, %dma_wait3A_86] : memref<160x128xi32, #tpu.memory_space<vmem>> -> memref<1x128xi32, #tpu.memory_space<vmem>>
        %dma_wait3A_88 = tpu.memref_squeeze %dma_wait3A_87 : memref<1x128xi32, #tpu.memory_space<vmem>> -> memref<128xi32, #tpu.memory_space<vmem>>
        %dma_wait3A_89 = arith.constant 0 : i32
        %dma_wait3A_90 = arith.constant 0 : i32
        %dma_wait3A_91 = tpu.memref_slice %arg2[%arg0, %dma_wait3A_89, %dma_wait3A_90] : memref<2x10240x32xbf16, #tpu.memory_space<hbm>> -> memref<1x10240x32xbf16, #tpu.memory_space<hbm>>
        %dma_wait3A_92 = tpu.memref_squeeze %dma_wait3A_91 : memref<1x10240x32xbf16, #tpu.memory_space<hbm>> -> memref<10240x32xbf16, #tpu.memory_space<hbm>>
        %dma_wait3A_93 = arith.constant 0 : i32
        %dma_wait3A_94 = arith.constant 0 : i32
        %dma_wait3A_95 = tpu.memref_slice %dma_wait3A_92[%dma_wait3A_93, %dma_wait3A_94] : memref<10240x32xbf16, #tpu.memory_space<hbm>> -> memref<10240x32xbf16, #tpu.memory_space<hbm>>
        tpu.wait_indirect_dma semaphore(%arg14 : memref<!tpu.dma_semaphore, #tpu.memory_space<semaphore_mem>>) src(%dma_wait3A_95 : memref<10240x32xbf16, #tpu.memory_space<hbm>>) dst(%arg8 : memref<128x32xbf16, #tpu.memory_space<vmem>>)
        %mul3A_96 = arith.constant 2 : i32
        %mul3A_97 = arith.muli %mul3A_96, %scan3A_84 : i32
        "tpu.region"() ({
          %run_scoped3A_140 = tpu.sem_alloc : memref<!tpu.dma_semaphore, #tpu.memory_space<semaphore_mem>>
          %dma_start3A_141 = arith.constant 0 : i32
          %dma_start3A_142 = tpu.memref_slice %arg7[%mul3A_97, %dma_start3A_141] : memref<160x128xi32, #tpu.memory_space<vmem>> -> memref<1x128xi32, #tpu.memory_space<vmem>>
          %dma_start3A_143 = tpu.memref_squeeze %dma_start3A_142 : memref<1x128xi32, #tpu.memory_space<vmem>> -> memref<128xi32, #tpu.memory_space<vmem>>
          %dma_start3A_144 = arith.constant 0 : i32
          %dma_start3A_145 = arith.constant 0 : i32
          %dma_start3A_146 = tpu.memref_slice %arg12[%dma_start3A_144, %dma_start3A_145] : memref<10240x32xbf16, #tpu.memory_space<vmem_shared>> -> memref<10240x32xbf16, #tpu.memory_space<vmem_shared>>
          tpu.enqueue_indirect_dma source(%arg8 : memref<128x32xbf16, #tpu.memory_space<vmem>>) target(%dma_start3A_146 : memref<10240x32xbf16, #tpu.memory_space<vmem_shared>>) offsets(%dma_start3A_143 : memref<128xi32, #tpu.memory_space<vmem>>) semaphore(%run_scoped3A_140 : memref<!tpu.dma_semaphore, #tpu.memory_space<semaphore_mem>>) {add = true}
          %dma_wait3A_147 = arith.constant 0 : i32
          %dma_wait3A_148 = tpu.memref_slice %arg7[%mul3A_97, %dma_wait3A_147] : memref<160x128xi32, #tpu.memory_space<vmem>> -> memref<1x128xi32, #tpu.memory_space<vmem>>
          %dma_wait3A_149 = tpu.memref_squeeze %dma_wait3A_148 : memref<1x128xi32, #tpu.memory_space<vmem>> -> memref<128xi32, #tpu.memory_space<vmem>>
          %dma_wait3A_150 = arith.constant 0 : i32
          %dma_wait3A_151 = arith.constant 0 : i32
          %dma_wait3A_152 = tpu.memref_slice %arg12[%dma_wait3A_150, %dma_wait3A_151] : memref<10240x32xbf16, #tpu.memory_space<vmem_shared>> -> memref<10240x32xbf16, #tpu.memory_space<vmem_shared>>
          tpu.wait_indirect_dma semaphore(%run_scoped3A_140 : memref<!tpu.dma_semaphore, #tpu.memory_space<semaphore_mem>>) src(%arg8 : memref<128x32xbf16, #tpu.memory_space<vmem>>) dst(%dma_wait3A_152 : memref<10240x32xbf16, #tpu.memory_space<vmem_shared>>)
          tpu.yield
        }) : () -> ()
        %mul3A_98 = arith.constant 2 : i32
        %mul3A_99 = arith.muli %mul3A_98, %scan3A_84 : i32
        %add3A = arith.constant 2 : i32
        %add3A_100 = arith.addi %mul3A_99, %add3A : i32
        %dma_start3A_101 = arith.constant 0 : i32
        %dma_start3A_102 = tpu.memref_slice %arg6[%add3A_100, %dma_start3A_101] : memref<160x128xi32, #tpu.memory_space<vmem>> -> memref<1x128xi32, #tpu.memory_space<vmem>>
        %dma_start3A_103 = tpu.memref_squeeze %dma_start3A_102 : memref<1x128xi32, #tpu.memory_space<vmem>> -> memref<128xi32, #tpu.memory_space<vmem>>
        %dma_start3A_104 = arith.constant 0 : i32
        %dma_start3A_105 = arith.constant 0 : i32
        %dma_start3A_106 = tpu.memref_slice %arg2[%arg0, %dma_start3A_104, %dma_start3A_105] : memref<2x10240x32xbf16, #tpu.memory_space<hbm>> -> memref<1x10240x32xbf16, #tpu.memory_space<hbm>>
        %dma_start3A_107 = tpu.memref_squeeze %dma_start3A_106 : memref<1x10240x32xbf16, #tpu.memory_space<hbm>> -> memref<10240x32xbf16, #tpu.memory_space<hbm>>
        %dma_start3A_108 = arith.constant 0 : i32
        %dma_start3A_109 = arith.constant 0 : i32
        %dma_start3A_110 = tpu.memref_slice %dma_start3A_107[%dma_start3A_108, %dma_start3A_109] : memref<10240x32xbf16, #tpu.memory_space<hbm>> -> memref<10240x32xbf16, #tpu.memory_space<hbm>>
        tpu.enqueue_indirect_dma source(%dma_start3A_110 : memref<10240x32xbf16, #tpu.memory_space<hbm>>) target(%arg8 : memref<128x32xbf16, #tpu.memory_space<vmem>>) offsets(%dma_start3A_103 : memref<128xi32, #tpu.memory_space<vmem>>) semaphore(%arg14 : memref<!tpu.dma_semaphore, #tpu.memory_space<semaphore_mem>>)
        %dma_wait3A_111 = arith.constant 1 : i32
        %dma_wait3A_112 = arith.constant 0 : i32
        %dma_wait3A_113 = tpu.memref_slice %arg6[%dma_wait3A_111, %dma_wait3A_112] : memref<160x128xi32, #tpu.memory_space<vmem>> -> memref<1x128xi32, #tpu.memory_space<vmem>>
        %dma_wait3A_114 = tpu.memref_squeeze %dma_wait3A_113 : memref<1x128xi32, #tpu.memory_space<vmem>> -> memref<128xi32, #tpu.memory_space<vmem>>
        %dma_wait3A_115 = arith.constant 0 : i32
        %dma_wait3A_116 = arith.constant 0 : i32
        %dma_wait3A_117 = tpu.memref_slice %arg2[%arg0, %dma_wait3A_115, %dma_wait3A_116] : memref<2x10240x32xbf16, #tpu.memory_space<hbm>> -> memref<1x10240x32xbf16, #tpu.memory_space<hbm>>
        %dma_wait3A_118 = tpu.memref_squeeze %dma_wait3A_117 : memref<1x10240x32xbf16, #tpu.memory_space<hbm>> -> memref<10240x32xbf16, #tpu.memory_space<hbm>>
        %dma_wait3A_119 = arith.constant 0 : i32
        %dma_wait3A_120 = arith.constant 0 : i32
        %dma_wait3A_121 = tpu.memref_slice %dma_wait3A_118[%dma_wait3A_119, %dma_wait3A_120] : memref<10240x32xbf16, #tpu.memory_space<hbm>> -> memref<10240x32xbf16, #tpu.memory_space<hbm>>
        tpu.wait_indirect_dma semaphore(%arg15 : memref<!tpu.dma_semaphore, #tpu.memory_space<semaphore_mem>>) src(%dma_wait3A_121 : memref<10240x32xbf16, #tpu.memory_space<hbm>>) dst(%arg9 : memref<128x32xbf16, #tpu.memory_space<vmem>>)
        %mul3A_122 = arith.constant 2 : i32
        %mul3A_123 = arith.muli %mul3A_122, %scan3A_84 : i32
        %add3A_124 = arith.constant 1 : i32
        %add3A_125 = arith.addi %mul3A_123, %add3A_124 : i32
        "tpu.region"() ({
          %run_scoped3A_140 = tpu.sem_alloc : memref<!tpu.dma_semaphore, #tpu.memory_space<semaphore_mem>>
          %dma_start3A_141 = arith.constant 0 : i32
          %dma_start3A_142 = tpu.memref_slice %arg7[%add3A_125, %dma_start3A_141] : memref<160x128xi32, #tpu.memory_space<vmem>> -> memref<1x128xi32, #tpu.memory_space<vmem>>
          %dma_start3A_143 = tpu.memref_squeeze %dma_start3A_142 : memref<1x128xi32, #tpu.memory_space<vmem>> -> memref<128xi32, #tpu.memory_space<vmem>>
          %dma_start3A_144 = arith.constant 0 : i32
          %dma_start3A_145 = arith.constant 0 : i32
          %dma_start3A_146 = tpu.memref_slice %arg12[%dma_start3A_144, %dma_start3A_145] : memref<10240x32xbf16, #tpu.memory_space<vmem_shared>> -> memref<10240x32xbf16, #tpu.memory_space<vmem_shared>>
          tpu.enqueue_indirect_dma source(%arg9 : memref<128x32xbf16, #tpu.memory_space<vmem>>) target(%dma_start3A_146 : memref<10240x32xbf16, #tpu.memory_space<vmem_shared>>) offsets(%dma_start3A_143 : memref<128xi32, #tpu.memory_space<vmem>>) semaphore(%run_scoped3A_140 : memref<!tpu.dma_semaphore, #tpu.memory_space<semaphore_mem>>) {add = true}
          %dma_wait3A_147 = arith.constant 0 : i32
          %dma_wait3A_148 = tpu.memref_slice %arg7[%add3A_125, %dma_wait3A_147] : memref<160x128xi32, #tpu.memory_space<vmem>> -> memref<1x128xi32, #tpu.memory_space<vmem>>
          %dma_wait3A_149 = tpu.memref_squeeze %dma_wait3A_148 : memref<1x128xi32, #tpu.memory_space<vmem>> -> memref<128xi32, #tpu.memory_space<vmem>>
          %dma_wait3A_150 = arith.constant 0 : i32
          %dma_wait3A_151 = arith.constant 0 : i32
          %dma_wait3A_152 = tpu.memref_slice %arg12[%dma_wait3A_150, %dma_wait3A_151] : memref<10240x32xbf16, #tpu.memory_space<vmem_shared>> -> memref<10240x32xbf16, #tpu.memory_space<vmem_shared>>
          tpu.wait_indirect_dma semaphore(%run_scoped3A_140 : memref<!tpu.dma_semaphore, #tpu.memory_space<semaphore_mem>>) src(%arg9 : memref<128x32xbf16, #tpu.memory_space<vmem>>) dst(%dma_wait3A_152 : memref<10240x32xbf16, #tpu.memory_space<vmem_shared>>)
          tpu.yield
        }) : () -> ()
        %mul3A_126 = arith.constant 2 : i32
        %mul3A_127 = arith.muli %mul3A_126, %scan3A_84 : i32
        %add3A_128 = arith.constant 3 : i32
        %add3A_129 = arith.addi %mul3A_127, %add3A_128 : i32
        %dma_start3A_130 = arith.constant 0 : i32
        %dma_start3A_131 = tpu.memref_slice %arg6[%add3A_129, %dma_start3A_130] : memref<160x128xi32, #tpu.memory_space<vmem>> -> memref<1x128xi32, #tpu.memory_space<vmem>>
        %dma_start3A_132 = tpu.memref_squeeze %dma_start3A_131 : memref<1x128xi32, #tpu.memory_space<vmem>> -> memref<128xi32, #tpu.memory_space<vmem>>
        %dma_start3A_133 = arith.constant 0 : i32
        %dma_start3A_134 = arith.constant 0 : i32
        %dma_start3A_135 = tpu.memref_slice %arg2[%arg0, %dma_start3A_133, %dma_start3A_134] : memref<2x10240x32xbf16, #tpu.memory_space<hbm>> -> memref<1x10240x32xbf16, #tpu.memory_space<hbm>>
        %dma_start3A_136 = tpu.memref_squeeze %dma_start3A_135 : memref<1x10240x32xbf16, #tpu.memory_space<hbm>> -> memref<10240x32xbf16, #tpu.memory_space<hbm>>
        %dma_start3A_137 = arith.constant 0 : i32
        %dma_start3A_138 = arith.constant 0 : i32
        %dma_start3A_139 = tpu.memref_slice %dma_start3A_136[%dma_start3A_137, %dma_start3A_138] : memref<10240x32xbf16, #tpu.memory_space<hbm>> -> memref<10240x32xbf16, #tpu.memory_space<hbm>>
        tpu.enqueue_indirect_dma source(%dma_start3A_139 : memref<10240x32xbf16, #tpu.memory_space<hbm>>) target(%arg9 : memref<128x32xbf16, #tpu.memory_space<vmem>>) offsets(%dma_start3A_132 : memref<128xi32, #tpu.memory_space<vmem>>) semaphore(%arg15 : memref<!tpu.dma_semaphore, #tpu.memory_space<semaphore_mem>>)
      }
      %scan3A_61 = arith.constant 79 : i32
      %dma_wait3A = arith.constant 0 : i32
      %dma_wait3A_62 = arith.constant 0 : i32
      %dma_wait3A_63 = tpu.memref_slice %arg6[%dma_wait3A, %dma_wait3A_62] : memref<160x128xi32, #tpu.memory_space<vmem>> -> memref<1x128xi32, #tpu.memory_space<vmem>>
      %dma_wait3A_64 = tpu.memref_squeeze %dma_wait3A_63 : memref<1x128xi32, #tpu.memory_space<vmem>> -> memref<128xi32, #tpu.memory_space<vmem>>
      %dma_wait3A_65 = arith.constant 0 : i32
      %dma_wait3A_66 = arith.constant 0 : i32
      %dma_wait3A_67 = tpu.memref_slice %arg2[%arg0, %dma_wait3A_65, %dma_wait3A_66] : memref<2x10240x32xbf16, #tpu.memory_space<hbm>> -> memref<1x10240x32xbf16, #tpu.memory_space<hbm>>
      %dma_wait3A_68 = tpu.memref_squeeze %dma_wait3A_67 : memref<1x10240x32xbf16, #tpu.memory_space<hbm>> -> memref<10240x32xbf16, #tpu.memory_space<hbm>>
      %dma_wait3A_69 = arith.constant 0 : i32
      %dma_wait3A_70 = arith.constant 0 : i32
      %dma_wait3A_71 = tpu.memref_slice %dma_wait3A_68[%dma_wait3A_69, %dma_wait3A_70] : memref<10240x32xbf16, #tpu.memory_space<hbm>> -> memref<10240x32xbf16, #tpu.memory_space<hbm>>
      tpu.wait_indirect_dma semaphore(%arg14 : memref<!tpu.dma_semaphore, #tpu.memory_space<semaphore_mem>>) src(%dma_wait3A_71 : memref<10240x32xbf16, #tpu.memory_space<hbm>>) dst(%arg8 : memref<128x32xbf16, #tpu.memory_space<vmem>>)
      %run_scoped3A = arith.constant 158 : i32
      "tpu.region"() ({
        %run_scoped3A_84 = tpu.sem_alloc : memref<!tpu.dma_semaphore, #tpu.memory_space<semaphore_mem>>
        %dma_start3A_85 = arith.constant 0 : i32
        %dma_start3A_86 = tpu.memref_slice %arg7[%run_scoped3A, %dma_start3A_85] : memref<160x128xi32, #tpu.memory_space<vmem>> -> memref<1x128xi32, #tpu.memory_space<vmem>>
        %dma_start3A_87 = tpu.memref_squeeze %dma_start3A_86 : memref<1x128xi32, #tpu.memory_space<vmem>> -> memref<128xi32, #tpu.memory_space<vmem>>
        %dma_start3A_88 = arith.constant 0 : i32
        %dma_start3A_89 = arith.constant 0 : i32
        %dma_start3A_90 = tpu.memref_slice %arg12[%dma_start3A_88, %dma_start3A_89] : memref<10240x32xbf16, #tpu.memory_space<vmem_shared>> -> memref<10240x32xbf16, #tpu.memory_space<vmem_shared>>
        tpu.enqueue_indirect_dma source(%arg8 : memref<128x32xbf16, #tpu.memory_space<vmem>>) target(%dma_start3A_90 : memref<10240x32xbf16, #tpu.memory_space<vmem_shared>>) offsets(%dma_start3A_87 : memref<128xi32, #tpu.memory_space<vmem>>) semaphore(%run_scoped3A_84 : memref<!tpu.dma_semaphore, #tpu.memory_space<semaphore_mem>>) {add = true}
        %dma_wait3A_91 = arith.constant 0 : i32
        %dma_wait3A_92 = tpu.memref_slice %arg7[%run_scoped3A, %dma_wait3A_91] : memref<160x128xi32, #tpu.memory_space<vmem>> -> memref<1x128xi32, #tpu.memory_space<vmem>>
        %dma_wait3A_93 = tpu.memref_squeeze %dma_wait3A_92 : memref<1x128xi32, #tpu.memory_space<vmem>> -> memref<128xi32, #tpu.memory_space<vmem>>
        %dma_wait3A_94 = arith.constant 0 : i32
        %dma_wait3A_95 = arith.constant 0 : i32
        %dma_wait3A_96 = tpu.memref_slice %arg12[%dma_wait3A_94, %dma_wait3A_95] : memref<10240x32xbf16, #tpu.memory_space<vmem_shared>> -> memref<10240x32xbf16, #tpu.memory_space<vmem_shared>>
        tpu.wait_indirect_dma semaphore(%run_scoped3A_84 : memref<!tpu.dma_semaphore, #tpu.memory_space<semaphore_mem>>) src(%arg8 : memref<128x32xbf16, #tpu.memory_space<vmem>>) dst(%dma_wait3A_96 : memref<10240x32xbf16, #tpu.memory_space<vmem_shared>>)
        tpu.yield
      }) : () -> ()
      %dma_wait3A_72 = arith.constant 1 : i32
      %dma_wait3A_73 = arith.constant 0 : i32
      %dma_wait3A_74 = tpu.memref_slice %arg6[%dma_wait3A_72, %dma_wait3A_73] : memref<160x128xi32, #tpu.memory_space<vmem>> -> memref<1x128xi32, #tpu.memory_space<vmem>>
      %dma_wait3A_75 = tpu.memref_squeeze %dma_wait3A_74 : memref<1x128xi32, #tpu.memory_space<vmem>> -> memref<128xi32, #tpu.memory_space<vmem>>
      %dma_wait3A_76 = arith.constant 0 : i32
      %dma_wait3A_77 = arith.constant 0 : i32
      %dma_wait3A_78 = tpu.memref_slice %arg2[%arg0, %dma_wait3A_76, %dma_wait3A_77] : memref<2x10240x32xbf16, #tpu.memory_space<hbm>> -> memref<1x10240x32xbf16, #tpu.memory_space<hbm>>
      %dma_wait3A_79 = tpu.memref_squeeze %dma_wait3A_78 : memref<1x10240x32xbf16, #tpu.memory_space<hbm>> -> memref<10240x32xbf16, #tpu.memory_space<hbm>>
      %dma_wait3A_80 = arith.constant 0 : i32
      %dma_wait3A_81 = arith.constant 0 : i32
      %dma_wait3A_82 = tpu.memref_slice %dma_wait3A_79[%dma_wait3A_80, %dma_wait3A_81] : memref<10240x32xbf16, #tpu.memory_space<hbm>> -> memref<10240x32xbf16, #tpu.memory_space<hbm>>
      tpu.wait_indirect_dma semaphore(%arg15 : memref<!tpu.dma_semaphore, #tpu.memory_space<semaphore_mem>>) src(%dma_wait3A_82 : memref<10240x32xbf16, #tpu.memory_space<hbm>>) dst(%arg9 : memref<128x32xbf16, #tpu.memory_space<vmem>>)
      %run_scoped3A_83 = arith.constant 159 : i32
      "tpu.region"() ({
        %run_scoped3A_84 = tpu.sem_alloc : memref<!tpu.dma_semaphore, #tpu.memory_space<semaphore_mem>>
        %dma_start3A_85 = arith.constant 0 : i32
        %dma_start3A_86 = tpu.memref_slice %arg7[%run_scoped3A_83, %dma_start3A_85] : memref<160x128xi32, #tpu.memory_space<vmem>> -> memref<1x128xi32, #tpu.memory_space<vmem>>
        %dma_start3A_87 = tpu.memref_squeeze %dma_start3A_86 : memref<1x128xi32, #tpu.memory_space<vmem>> -> memref<128xi32, #tpu.memory_space<vmem>>
        %dma_start3A_88 = arith.constant 0 : i32
        %dma_start3A_89 = arith.constant 0 : i32
        %dma_start3A_90 = tpu.memref_slice %arg12[%dma_start3A_88, %dma_start3A_89] : memref<10240x32xbf16, #tpu.memory_space<vmem_shared>> -> memref<10240x32xbf16, #tpu.memory_space<vmem_shared>>
        tpu.enqueue_indirect_dma source(%arg9 : memref<128x32xbf16, #tpu.memory_space<vmem>>) target(%dma_start3A_90 : memref<10240x32xbf16, #tpu.memory_space<vmem_shared>>) offsets(%dma_start3A_87 : memref<128xi32, #tpu.memory_space<vmem>>) semaphore(%run_scoped3A_84 : memref<!tpu.dma_semaphore, #tpu.memory_space<semaphore_mem>>) {add = true}
        %dma_wait3A_91 = arith.constant 0 : i32
        %dma_wait3A_92 = tpu.memref_slice %arg7[%run_scoped3A_83, %dma_wait3A_91] : memref<160x128xi32, #tpu.memory_space<vmem>> -> memref<1x128xi32, #tpu.memory_space<vmem>>
        %dma_wait3A_93 = tpu.memref_squeeze %dma_wait3A_92 : memref<1x128xi32, #tpu.memory_space<vmem>> -> memref<128xi32, #tpu.memory_space<vmem>>
        %dma_wait3A_94 = arith.constant 0 : i32
        %dma_wait3A_95 = arith.constant 0 : i32
        %dma_wait3A_96 = tpu.memref_slice %arg12[%dma_wait3A_94, %dma_wait3A_95] : memref<10240x32xbf16, #tpu.memory_space<vmem_shared>> -> memref<10240x32xbf16, #tpu.memory_space<vmem_shared>>
        tpu.wait_indirect_dma semaphore(%run_scoped3A_84 : memref<!tpu.dma_semaphore, #tpu.memory_space<semaphore_mem>>) src(%arg9 : memref<128x32xbf16, #tpu.memory_space<vmem>>) dst(%dma_wait3A_96 : memref<10240x32xbf16, #tpu.memory_space<vmem_shared>>)
        tpu.yield
      }) : () -> ()
    } else {
    }
    %barrier3A_17 = arith.constant 0 : index
    tpu.barrier barrier_id(%barrier3A_17)
    "tpu.region"() ({
      %run_scoped3A = tpu.sem_alloc : memref<!tpu.dma_semaphore, #tpu.memory_space<semaphore_mem>>
      %dma_start3A = tpu.memref_slice %arg3[%mul3A_0] : memref<10240xf32, #tpu.memory_space<hbm>> -> memref<640xf32, #tpu.memory_space<hbm>>
      %dma_start3A_35 = tpu.memref_slice %arg3[%mul3A_0] : memref<10240xf32, #tpu.memory_space<hbm>> -> memref<640xf32, #tpu.memory_space<hbm>>
      tpu.enqueue_dma source(%dma_start3A_35 : memref<640xf32, #tpu.memory_space<hbm>>) target(%arg11 : memref<640xf32, #tpu.memory_space<vmem>>) target_semaphore(%run_scoped3A : memref<!tpu.dma_semaphore, #tpu.memory_space<semaphore_mem>>)
      %dma_wait3A = tpu.memref_slice %arg3[%mul3A_0] : memref<10240xf32, #tpu.memory_space<hbm>> -> memref<640xf32, #tpu.memory_space<hbm>>
      %dma_wait3A_36 = tpu.memref_slice %arg3[%mul3A_0] : memref<10240xf32, #tpu.memory_space<hbm>> -> memref<640xf32, #tpu.memory_space<hbm>>
      tpu.wait_dma2 semaphore(%run_scoped3A : memref<!tpu.dma_semaphore, #tpu.memory_space<semaphore_mem>>) src(%dma_wait3A_36 : memref<640xf32, #tpu.memory_space<hbm>>) dst(%arg11 : memref<640xf32, #tpu.memory_space<vmem>>)
      tpu.yield
    }) : () -> ()
    "tpu.region"() ({
      %run_scoped3A = tpu.sem_alloc : memref<!tpu.dma_semaphore, #tpu.memory_space<semaphore_mem>>
      %dma_start3A = arith.constant 0 : i32
      %dma_start3A_35 = tpu.memref_slice %arg12[%mul3A_0, %dma_start3A] : memref<10240x32xbf16, #tpu.memory_space<vmem_shared>> -> memref<640x32xbf16, #tpu.memory_space<vmem_shared>>
      %dma_start3A_36 = arith.constant 0 : i32
      %dma_start3A_37 = tpu.memref_slice %arg12[%mul3A_0, %dma_start3A_36] : memref<10240x32xbf16, #tpu.memory_space<vmem_shared>> -> memref<640x32xbf16, #tpu.memory_space<vmem_shared>>
      tpu.enqueue_dma source(%dma_start3A_37 : memref<640x32xbf16, #tpu.memory_space<vmem_shared>>) target(%arg10 : memref<640x32xbf16, #tpu.memory_space<vmem>>) target_semaphore(%run_scoped3A : memref<!tpu.dma_semaphore, #tpu.memory_space<semaphore_mem>>)
      %dma_wait3A = arith.constant 0 : i32
      %dma_wait3A_38 = tpu.memref_slice %arg12[%mul3A_0, %dma_wait3A] : memref<10240x32xbf16, #tpu.memory_space<vmem_shared>> -> memref<640x32xbf16, #tpu.memory_space<vmem_shared>>
      %dma_wait3A_39 = arith.constant 0 : i32
      %dma_wait3A_40 = tpu.memref_slice %arg12[%mul3A_0, %dma_wait3A_39] : memref<10240x32xbf16, #tpu.memory_space<vmem_shared>> -> memref<640x32xbf16, #tpu.memory_space<vmem_shared>>
      tpu.wait_dma2 semaphore(%run_scoped3A : memref<!tpu.dma_semaphore, #tpu.memory_space<semaphore_mem>>) src(%dma_wait3A_40 : memref<640x32xbf16, #tpu.memory_space<vmem_shared>>) dst(%arg10 : memref<640x32xbf16, #tpu.memory_space<vmem>>)
      tpu.yield
    }) : () -> ()
    %scan3A = arith.constant 0 : i32
    %scan3A_18 = arith.constant 0 : i32
    %scan3A_19 = arith.constant 40 : i32
    %scan3A_20 = arith.addi %scan3A_18, %scan3A_19 : i32
    %scan3A_21 = arith.constant 1 : i32
    scf.for %scan3A_35 = %scan3A_18 to %scan3A_20 step %scan3A_21  : i32 {
      %mul3A_36 = arith.constant 16 : i32
      %mul3A_37 = arith.muli %scan3A_35, %mul3A_36 : i32
      %get3A = arith.index_cast %mul3A_37 : i32 to index
      %get3A_38 = tpu.vector_load %arg11[%get3A] {strides = array<i32>} : memref<640xf32, #tpu.memory_space<vmem>>, vector<16xf32>,
      %mul3A_39 = arith.constant 16 : i32
      %mul3A_40 = arith.muli %scan3A_35, %mul3A_39 : i32
      %add3A = arith.constant 0 : i32
      %add3A_41 = arith.addi %mul3A_40, %add3A : i32
      %slice3A = vector.extract_strided_slice %get3A_38 {offsets = [0], sizes = [1], strides = [1]} : vector<16xf32> to vector<1xf32>
      %squeeze3A = vector.extract %slice3A[0] : f32 from vector<1xf32>
      %slice3A_42 = vector.extract_strided_slice %get3A_38 {offsets = [0], sizes = [1], strides = [1]} : vector<16xf32> to vector<1xf32>
      %squeeze3A_43 = vector.extract %slice3A_42[0] : f32 from vector<1xf32>
      %mul3A_44 = arith.mulf %squeeze3A, %squeeze3A_43 : f32
      %get3A_45 = arith.index_cast %add3A_41 : i32 to index
      %get3A_46 = arith.constant 0 : index
      %get3A_47 = tpu.vector_load %arg10[%get3A_45, %get3A_46] {strides = array<i32>} : memref<640x32xbf16, #tpu.memory_space<vmem>>, vector<32xbf16>,
      %unpack3A = tpu.unpack_subelements %get3A_47, 0 {pack_format = #tpu.pack_format<interleaved>} : vector<32xbf16> -> vector<16xf32>
      %unpack3A_48 = tpu.unpack_subelements %get3A_47, 1 {pack_format = #tpu.pack_format<interleaved>} : vector<32xbf16> -> vector<16xf32>
      %mul3A_49 = vector.broadcast %mul3A_44 : f32 to vector<16xf32>
      %mul3A_50 = arith.mulf %unpack3A, %mul3A_49 : vector<16xf32>
      %mul3A_51 = vector.broadcast %mul3A_44 : f32 to vector<16xf32>
      %mul3A_52 = arith.mulf %unpack3A_48, %mul3A_51 : vector<16xf32>
      %pack3A = tpu.pack_subelements %mul3A_50, %mul3A_52 {pack_format = #tpu.pack_format<interleaved>, positions = array<i32: 0, 1>} : vector<16xf32>, vector<16xf32> -> vector<32xbf16>
      %swap3A = arith.index_cast %add3A_41 : i32 to index
      %swap3A_53 = arith.constant 0 : index
      %swap3A_54 = tpu.vector_load %arg10[%swap3A, %swap3A_53] {strides = array<i32>} : memref<640x32xbf16, #tpu.memory_space<vmem>>, vector<32xbf16>,
      tpu.vector_store %arg10[%swap3A, %swap3A_53], %pack3A {strides = array<i32>} : memref<640x32xbf16, #tpu.memory_space<vmem>>, vector<32xbf16>,
      %mul3A_55 = arith.constant 16 : i32
      %mul3A_56 = arith.muli %scan3A_35, %mul3A_55 : i32
      %add3A_57 = arith.constant 1 : i32
      %add3A_58 = arith.addi %mul3A_56, %add3A_57 : i32
      %slice3A_59 = vector.extract_strided_slice %get3A_38 {offsets = [1], sizes = [1], strides = [1]} : vector<16xf32> to vector<1xf32>
      %squeeze3A_60 = vector.extract %slice3A_59[0] : f32 from vector<1xf32>
      %slice3A_61 = vector.extract_strided_slice %get3A_38 {offsets = [1], sizes = [1], strides = [1]} : vector<16xf32> to vector<1xf32>
      %squeeze3A_62 = vector.extract %slice3A_61[0] : f32 from vector<1xf32>
      %mul3A_63 = arith.mulf %squeeze3A_60, %squeeze3A_62 : f32
      %get3A_64 = arith.index_cast %add3A_58 : i32 to index
      %get3A_65 = arith.constant 0 : index
      %get3A_66 = tpu.vector_load %arg10[%get3A_64, %get3A_65] {strides = array<i32>} : memref<640x32xbf16, #tpu.memory_space<vmem>>, vector<32xbf16>,
      %unpack3A_67 = tpu.unpack_subelements %get3A_66, 0 {pack_format = #tpu.pack_format<interleaved>} : vector<32xbf16> -> vector<16xf32>
      %unpack3A_68 = tpu.unpack_subelements %get3A_66, 1 {pack_format = #tpu.pack_format<interleaved>} : vector<32xbf16> -> vector<16xf32>
      %mul3A_69 = vector.broadcast %mul3A_63 : f32 to vector<16xf32>
      %mul3A_70 = arith.mulf %unpack3A_67, %mul3A_69 : vector<16xf32>
      %mul3A_71 = vector.broadcast %mul3A_63 : f32 to vector<16xf32>
      %mul3A_72 = arith.mulf %unpack3A_68, %mul3A_71 : vector<16xf32>
      %pack3A_73 = tpu.pack_subelements %mul3A_70, %mul3A_72 {pack_format = #tpu.pack_format<interleaved>, positions = array<i32: 0, 1>} : vector<16xf32>, vector<16xf32> -> vector<32xbf16>
      %swap3A_74 = arith.index_cast %add3A_58 : i32 to index
      %swap3A_75 = arith.constant 0 : index
      %swap3A_76 = tpu.vector_load %arg10[%swap3A_74, %swap3A_75] {strides = array<i32>} : memref<640x32xbf16, #tpu.memory_space<vmem>>, vector<32xbf16>,
      tpu.vector_store %arg10[%swap3A_74, %swap3A_75], %pack3A_73 {strides = array<i32>} : memref<640x32xbf16, #tpu.memory_space<vmem>>, vector<32xbf16>,
      %mul3A_77 = arith.constant 16 : i32
      %mul3A_78 = arith.muli %scan3A_35, %mul3A_77 : i32
      %add3A_79 = arith.constant 2 : i32
      %add3A_80 = arith.addi %mul3A_78, %add3A_79 : i32
      %slice3A_81 = vector.extract_strided_slice %get3A_38 {offsets = [2], sizes = [1], strides = [1]} : vector<16xf32> to vector<1xf32>
      %squeeze3A_82 = vector.extract %slice3A_81[0] : f32 from vector<1xf32>
      %slice3A_83 = vector.extract_strided_slice %get3A_38 {offsets = [2], sizes = [1], strides = [1]} : vector<16xf32> to vector<1xf32>
      %squeeze3A_84 = vector.extract %slice3A_83[0] : f32 from vector<1xf32>
      %mul3A_85 = arith.mulf %squeeze3A_82, %squeeze3A_84 : f32
      %get3A_86 = arith.index_cast %add3A_80 : i32 to index
      %get3A_87 = arith.constant 0 : index
      %get3A_88 = tpu.vector_load %arg10[%get3A_86, %get3A_87] {strides = array<i32>} : memref<640x32xbf16, #tpu.memory_space<vmem>>, vector<32xbf16>,
      %unpack3A_89 = tpu.unpack_subelements %get3A_88, 0 {pack_format = #tpu.pack_format<interleaved>} : vector<32xbf16> -> vector<16xf32>
      %unpack3A_90 = tpu.unpack_subelements %get3A_88, 1 {pack_format = #tpu.pack_format<interleaved>} : vector<32xbf16> -> vector<16xf32>
      %mul3A_91 = vector.broadcast %mul3A_85 : f32 to vector<16xf32>
      %mul3A_92 = arith.mulf %unpack3A_89, %mul3A_91 : vector<16xf32>
      %mul3A_93 = vector.broadcast %mul3A_85 : f32 to vector<16xf32>
      %mul3A_94 = arith.mulf %unpack3A_90, %mul3A_93 : vector<16xf32>
      %pack3A_95 = tpu.pack_subelements %mul3A_92, %mul3A_94 {pack_format = #tpu.pack_format<interleaved>, positions = array<i32: 0, 1>} : vector<16xf32>, vector<16xf32> -> vector<32xbf16>
      %swap3A_96 = arith.index_cast %add3A_80 : i32 to index
      %swap3A_97 = arith.constant 0 : index
      %swap3A_98 = tpu.vector_load %arg10[%swap3A_96, %swap3A_97] {strides = array<i32>} : memref<640x32xbf16, #tpu.memory_space<vmem>>, vector<32xbf16>,
      tpu.vector_store %arg10[%swap3A_96, %swap3A_97], %pack3A_95 {strides = array<i32>} : memref<640x32xbf16, #tpu.memory_space<vmem>>, vector<32xbf16>,
      %mul3A_99 = arith.constant 16 : i32
      %mul3A_100 = arith.muli %scan3A_35, %mul3A_99 : i32
      %add3A_101 = arith.constant 3 : i32
      %add3A_102 = arith.addi %mul3A_100, %add3A_101 : i32
      %slice3A_103 = vector.extract_strided_slice %get3A_38 {offsets = [3], sizes = [1], strides = [1]} : vector<16xf32> to vector<1xf32>
      %squeeze3A_104 = vector.extract %slice3A_103[0] : f32 from vector<1xf32>
      %slice3A_105 = vector.extract_strided_slice %get3A_38 {offsets = [3], sizes = [1], strides = [1]} : vector<16xf32> to vector<1xf32>
      %squeeze3A_106 = vector.extract %slice3A_105[0] : f32 from vector<1xf32>
      %mul3A_107 = arith.mulf %squeeze3A_104, %squeeze3A_106 : f32
      %get3A_108 = arith.index_cast %add3A_102 : i32 to index
      %get3A_109 = arith.constant 0 : index
      %get3A_110 = tpu.vector_load %arg10[%get3A_108, %get3A_109] {strides = array<i32>} : memref<640x32xbf16, #tpu.memory_space<vmem>>, vector<32xbf16>,
      %unpack3A_111 = tpu.unpack_subelements %get3A_110, 0 {pack_format = #tpu.pack_format<interleaved>} : vector<32xbf16> -> vector<16xf32>
      %unpack3A_112 = tpu.unpack_subelements %get3A_110, 1 {pack_format = #tpu.pack_format<interleaved>} : vector<32xbf16> -> vector<16xf32>
      %mul3A_113 = vector.broadcast %mul3A_107 : f32 to vector<16xf32>
      %mul3A_114 = arith.mulf %unpack3A_111, %mul3A_113 : vector<16xf32>
      %mul3A_115 = vector.broadcast %mul3A_107 : f32 to vector<16xf32>
      %mul3A_116 = arith.mulf %unpack3A_112, %mul3A_115 : vector<16xf32>
      %pack3A_117 = tpu.pack_subelements %mul3A_114, %mul3A_116 {pack_format = #tpu.pack_format<interleaved>, positions = array<i32: 0, 1>} : vector<16xf32>, vector<16xf32> -> vector<32xbf16>
      %swap3A_118 = arith.index_cast %add3A_102 : i32 to index
      %swap3A_119 = arith.constant 0 : index
      %swap3A_120 = tpu.vector_load %arg10[%swap3A_118, %swap3A_119] {strides = array<i32>} : memref<640x32xbf16, #tpu.memory_space<vmem>>, vector<32xbf16>,
      tpu.vector_store %arg10[%swap3A_118, %swap3A_119], %pack3A_117 {strides = array<i32>} : memref<640x32xbf16, #tpu.memory_space<vmem>>, vector<32xbf16>,
      %mul3A_121 = arith.constant 16 : i32
      %mul3A_122 = arith.muli %scan3A_35, %mul3A_121 : i32
      %add3A_123 = arith.constant 4 : i32
      %add3A_124 = arith.addi %mul3A_122, %add3A_123 : i32
      %slice3A_125 = vector.extract_strided_slice %get3A_38 {offsets = [4], sizes = [1], strides = [1]} : vector<16xf32> to vector<1xf32>
      %squeeze3A_126 = vector.extract %slice3A_125[0] : f32 from vector<1xf32>
      %slice3A_127 = vector.extract_strided_slice %get3A_38 {offsets = [4], sizes = [1], strides = [1]} : vector<16xf32> to vector<1xf32>
      %squeeze3A_128 = vector.extract %slice3A_127[0] : f32 from vector<1xf32>
      %mul3A_129 = arith.mulf %squeeze3A_126, %squeeze3A_128 : f32
      %get3A_130 = arith.index_cast %add3A_124 : i32 to index
      %get3A_131 = arith.constant 0 : index
      %get3A_132 = tpu.vector_load %arg10[%get3A_130, %get3A_131] {strides = array<i32>} : memref<640x32xbf16, #tpu.memory_space<vmem>>, vector<32xbf16>,
      %unpack3A_133 = tpu.unpack_subelements %get3A_132, 0 {pack_format = #tpu.pack_format<interleaved>} : vector<32xbf16> -> vector<16xf32>
      %unpack3A_134 = tpu.unpack_subelements %get3A_132, 1 {pack_format = #tpu.pack_format<interleaved>} : vector<32xbf16> -> vector<16xf32>
      %mul3A_135 = vector.broadcast %mul3A_129 : f32 to vector<16xf32>
      %mul3A_136 = arith.mulf %unpack3A_133, %mul3A_135 : vector<16xf32>
      %mul3A_137 = vector.broadcast %mul3A_129 : f32 to vector<16xf32>
      %mul3A_138 = arith.mulf %unpack3A_134, %mul3A_137 : vector<16xf32>
      %pack3A_139 = tpu.pack_subelements %mul3A_136, %mul3A_138 {pack_format = #tpu.pack_format<interleaved>, positions = array<i32: 0, 1>} : vector<16xf32>, vector<16xf32> -> vector<32xbf16>
      %swap3A_140 = arith.index_cast %add3A_124 : i32 to index
      %swap3A_141 = arith.constant 0 : index
      %swap3A_142 = tpu.vector_load %arg10[%swap3A_140, %swap3A_141] {strides = array<i32>} : memref<640x32xbf16, #tpu.memory_space<vmem>>, vector<32xbf16>,
      tpu.vector_store %arg10[%swap3A_140, %swap3A_141], %pack3A_139 {strides = array<i32>} : memref<640x32xbf16, #tpu.memory_space<vmem>>, vector<32xbf16>,
      %mul3A_143 = arith.constant 16 : i32
      %mul3A_144 = arith.muli %scan3A_35, %mul3A_143 : i32
      %add3A_145 = arith.constant 5 : i32
      %add3A_146 = arith.addi %mul3A_144, %add3A_145 : i32
      %slice3A_147 = vector.extract_strided_slice %get3A_38 {offsets = [5], sizes = [1], strides = [1]} : vector<16xf32> to vector<1xf32>
      %squeeze3A_148 = vector.extract %slice3A_147[0] : f32 from vector<1xf32>
      %slice3A_149 = vector.extract_strided_slice %get3A_38 {offsets = [5], sizes = [1], strides = [1]} : vector<16xf32> to vector<1xf32>
      %squeeze3A_150 = vector.extract %slice3A_149[0] : f32 from vector<1xf32>
      %mul3A_151 = arith.mulf %squeeze3A_148, %squeeze3A_150 : f32
      %get3A_152 = arith.index_cast %add3A_146 : i32 to index
      %get3A_153 = arith.constant 0 : index
      %get3A_154 = tpu.vector_load %arg10[%get3A_152, %get3A_153] {strides = array<i32>} : memref<640x32xbf16, #tpu.memory_space<vmem>>, vector<32xbf16>,
      %unpack3A_155 = tpu.unpack_subelements %get3A_154, 0 {pack_format = #tpu.pack_format<interleaved>} : vector<32xbf16> -> vector<16xf32>
      %unpack3A_156 = tpu.unpack_subelements %get3A_154, 1 {pack_format = #tpu.pack_format<interleaved>} : vector<32xbf16> -> vector<16xf32>
      %mul3A_157 = vector.broadcast %mul3A_151 : f32 to vector<16xf32>
      %mul3A_158 = arith.mulf %unpack3A_155, %mul3A_157 : vector<16xf32>
      %mul3A_159 = vector.broadcast %mul3A_151 : f32 to vector<16xf32>
      %mul3A_160 = arith.mulf %unpack3A_156, %mul3A_159 : vector<16xf32>
      %pack3A_161 = tpu.pack_subelements %mul3A_158, %mul3A_160 {pack_format = #tpu.pack_format<interleaved>, positions = array<i32: 0, 1>} : vector<16xf32>, vector<16xf32> -> vector<32xbf16>
      %swap3A_162 = arith.index_cast %add3A_146 : i32 to index
      %swap3A_163 = arith.constant 0 : index
      %swap3A_164 = tpu.vector_load %arg10[%swap3A_162, %swap3A_163] {strides = array<i32>} : memref<640x32xbf16, #tpu.memory_space<vmem>>, vector<32xbf16>,
      tpu.vector_store %arg10[%swap3A_162, %swap3A_163], %pack3A_161 {strides = array<i32>} : memref<640x32xbf16, #tpu.memory_space<vmem>>, vector<32xbf16>,
      %mul3A_165 = arith.constant 16 : i32
      %mul3A_166 = arith.muli %scan3A_35, %mul3A_165 : i32
      %add3A_167 = arith.constant 6 : i32
      %add3A_168 = arith.addi %mul3A_166, %add3A_167 : i32
      %slice3A_169 = vector.extract_strided_slice %get3A_38 {offsets = [6], sizes = [1], strides = [1]} : vector<16xf32> to vector<1xf32>
      %squeeze3A_170 = vector.extract %slice3A_169[0] : f32 from vector<1xf32>
      %slice3A_171 = vector.extract_strided_slice %get3A_38 {offsets = [6], sizes = [1], strides = [1]} : vector<16xf32> to vector<1xf32>
      %squeeze3A_172 = vector.extract %slice3A_171[0] : f32 from vector<1xf32>
      %mul3A_173 = arith.mulf %squeeze3A_170, %squeeze3A_172 : f32
      %get3A_174 = arith.index_cast %add3A_168 : i32 to index
      %get3A_175 = arith.constant 0 : index
      %get3A_176 = tpu.vector_load %arg10[%get3A_174, %get3A_175] {strides = array<i32>} : memref<640x32xbf16, #tpu.memory_space<vmem>>, vector<32xbf16>,
      %unpack3A_177 = tpu.unpack_subelements %get3A_176, 0 {pack_format = #tpu.pack_format<interleaved>} : vector<32xbf16> -> vector<16xf32>
      %unpack3A_178 = tpu.unpack_subelements %get3A_176, 1 {pack_format = #tpu.pack_format<interleaved>} : vector<32xbf16> -> vector<16xf32>
      %mul3A_179 = vector.broadcast %mul3A_173 : f32 to vector<16xf32>
      %mul3A_180 = arith.mulf %unpack3A_177, %mul3A_179 : vector<16xf32>
      %mul3A_181 = vector.broadcast %mul3A_173 : f32 to vector<16xf32>
      %mul3A_182 = arith.mulf %unpack3A_178, %mul3A_181 : vector<16xf32>
      %pack3A_183 = tpu.pack_subelements %mul3A_180, %mul3A_182 {pack_format = #tpu.pack_format<interleaved>, positions = array<i32: 0, 1>} : vector<16xf32>, vector<16xf32> -> vector<32xbf16>
      %swap3A_184 = arith.index_cast %add3A_168 : i32 to index
      %swap3A_185 = arith.constant 0 : index
      %swap3A_186 = tpu.vector_load %arg10[%swap3A_184, %swap3A_185] {strides = array<i32>} : memref<640x32xbf16, #tpu.memory_space<vmem>>, vector<32xbf16>,
      tpu.vector_store %arg10[%swap3A_184, %swap3A_185], %pack3A_183 {strides = array<i32>} : memref<640x32xbf16, #tpu.memory_space<vmem>>, vector<32xbf16>,
      %mul3A_187 = arith.constant 16 : i32
      %mul3A_188 = arith.muli %scan3A_35, %mul3A_187 : i32
      %add3A_189 = arith.constant 7 : i32
      %add3A_190 = arith.addi %mul3A_188, %add3A_189 : i32
      %slice3A_191 = vector.extract_strided_slice %get3A_38 {offsets = [7], sizes = [1], strides = [1]} : vector<16xf32> to vector<1xf32>
      %squeeze3A_192 = vector.extract %slice3A_191[0] : f32 from vector<1xf32>
      %slice3A_193 = vector.extract_strided_slice %get3A_38 {offsets = [7], sizes = [1], strides = [1]} : vector<16xf32> to vector<1xf32>
      %squeeze3A_194 = vector.extract %slice3A_193[0] : f32 from vector<1xf32>
      %mul3A_195 = arith.mulf %squeeze3A_192, %squeeze3A_194 : f32
      %get3A_196 = arith.index_cast %add3A_190 : i32 to index
      %get3A_197 = arith.constant 0 : index
      %get3A_198 = tpu.vector_load %arg10[%get3A_196, %get3A_197] {strides = array<i32>} : memref<640x32xbf16, #tpu.memory_space<vmem>>, vector<32xbf16>,
      %unpack3A_199 = tpu.unpack_subelements %get3A_198, 0 {pack_format = #tpu.pack_format<interleaved>} : vector<32xbf16> -> vector<16xf32>
      %unpack3A_200 = tpu.unpack_subelements %get3A_198, 1 {pack_format = #tpu.pack_format<interleaved>} : vector<32xbf16> -> vector<16xf32>
      %mul3A_201 = vector.broadcast %mul3A_195 : f32 to vector<16xf32>
      %mul3A_202 = arith.mulf %unpack3A_199, %mul3A_201 : vector<16xf32>
      %mul3A_203 = vector.broadcast %mul3A_195 : f32 to vector<16xf32>
      %mul3A_204 = arith.mulf %unpack3A_200, %mul3A_203 : vector<16xf32>
      %pack3A_205 = tpu.pack_subelements %mul3A_202, %mul3A_204 {pack_format = #tpu.pack_format<interleaved>, positions = array<i32: 0, 1>} : vector<16xf32>, vector<16xf32> -> vector<32xbf16>
      %swap3A_206 = arith.index_cast %add3A_190 : i32 to index
      %swap3A_207 = arith.constant 0 : index
      %swap3A_208 = tpu.vector_load %arg10[%swap3A_206, %swap3A_207] {strides = array<i32>} : memref<640x32xbf16, #tpu.memory_space<vmem>>, vector<32xbf16>,
      tpu.vector_store %arg10[%swap3A_206, %swap3A_207], %pack3A_205 {strides = array<i32>} : memref<640x32xbf16, #tpu.memory_space<vmem>>, vector<32xbf16>,
      %mul3A_209 = arith.constant 16 : i32
      %mul3A_210 = arith.muli %scan3A_35, %mul3A_209 : i32
      %add3A_211 = arith.constant 8 : i32
      %add3A_212 = arith.addi %mul3A_210, %add3A_211 : i32
      %slice3A_213 = vector.extract_strided_slice %get3A_38 {offsets = [8], sizes = [1], strides = [1]} : vector<16xf32> to vector<1xf32>
      %squeeze3A_214 = vector.extract %slice3A_213[0] : f32 from vector<1xf32>
      %slice3A_215 = vector.extract_strided_slice %get3A_38 {offsets = [8], sizes = [1], strides = [1]} : vector<16xf32> to vector<1xf32>
      %squeeze3A_216 = vector.extract %slice3A_215[0] : f32 from vector<1xf32>
      %mul3A_217 = arith.mulf %squeeze3A_214, %squeeze3A_216 : f32
      %get3A_218 = arith.index_cast %add3A_212 : i32 to index
      %get3A_219 = arith.constant 0 : index
      %get3A_220 = tpu.vector_load %arg10[%get3A_218, %get3A_219] {strides = array<i32>} : memref<640x32xbf16, #tpu.memory_space<vmem>>, vector<32xbf16>,
      %unpack3A_221 = tpu.unpack_subelements %get3A_220, 0 {pack_format = #tpu.pack_format<interleaved>} : vector<32xbf16> -> vector<16xf32>
      %unpack3A_222 = tpu.unpack_subelements %get3A_220, 1 {pack_format = #tpu.pack_format<interleaved>} : vector<32xbf16> -> vector<16xf32>
      %mul3A_223 = vector.broadcast %mul3A_217 : f32 to vector<16xf32>
      %mul3A_224 = arith.mulf %unpack3A_221, %mul3A_223 : vector<16xf32>
      %mul3A_225 = vector.broadcast %mul3A_217 : f32 to vector<16xf32>
      %mul3A_226 = arith.mulf %unpack3A_222, %mul3A_225 : vector<16xf32>
      %pack3A_227 = tpu.pack_subelements %mul3A_224, %mul3A_226 {pack_format = #tpu.pack_format<interleaved>, positions = array<i32: 0, 1>} : vector<16xf32>, vector<16xf32> -> vector<32xbf16>
      %swap3A_228 = arith.index_cast %add3A_212 : i32 to index
      %swap3A_229 = arith.constant 0 : index
      %swap3A_230 = tpu.vector_load %arg10[%swap3A_228, %swap3A_229] {strides = array<i32>} : memref<640x32xbf16, #tpu.memory_space<vmem>>, vector<32xbf16>,
      tpu.vector_store %arg10[%swap3A_228, %swap3A_229], %pack3A_227 {strides = array<i32>} : memref<640x32xbf16, #tpu.memory_space<vmem>>, vector<32xbf16>,
      %mul3A_231 = arith.constant 16 : i32
      %mul3A_232 = arith.muli %scan3A_35, %mul3A_231 : i32
      %add3A_233 = arith.constant 9 : i32
      %add3A_234 = arith.addi %mul3A_232, %add3A_233 : i32
      %slice3A_235 = vector.extract_strided_slice %get3A_38 {offsets = [9], sizes = [1], strides = [1]} : vector<16xf32> to vector<1xf32>
      %squeeze3A_236 = vector.extract %slice3A_235[0] : f32 from vector<1xf32>
      %slice3A_237 = vector.extract_strided_slice %get3A_38 {offsets = [9], sizes = [1], strides = [1]} : vector<16xf32> to vector<1xf32>
      %squeeze3A_238 = vector.extract %slice3A_237[0] : f32 from vector<1xf32>
      %mul3A_239 = arith.mulf %squeeze3A_236, %squeeze3A_238 : f32
      %get3A_240 = arith.index_cast %add3A_234 : i32 to index
      %get3A_241 = arith.constant 0 : index
      %get3A_242 = tpu.vector_load %arg10[%get3A_240, %get3A_241] {strides = array<i32>} : memref<640x32xbf16, #tpu.memory_space<vmem>>, vector<32xbf16>,
      %unpack3A_243 = tpu.unpack_subelements %get3A_242, 0 {pack_format = #tpu.pack_format<interleaved>} : vector<32xbf16> -> vector<16xf32>
      %unpack3A_244 = tpu.unpack_subelements %get3A_242, 1 {pack_format = #tpu.pack_format<interleaved>} : vector<32xbf16> -> vector<16xf32>
      %mul3A_245 = vector.broadcast %mul3A_239 : f32 to vector<16xf32>
      %mul3A_246 = arith.mulf %unpack3A_243, %mul3A_245 : vector<16xf32>
      %mul3A_247 = vector.broadcast %mul3A_239 : f32 to vector<16xf32>
      %mul3A_248 = arith.mulf %unpack3A_244, %mul3A_247 : vector<16xf32>
      %pack3A_249 = tpu.pack_subelements %mul3A_246, %mul3A_248 {pack_format = #tpu.pack_format<interleaved>, positions = array<i32: 0, 1>} : vector<16xf32>, vector<16xf32> -> vector<32xbf16>
      %swap3A_250 = arith.index_cast %add3A_234 : i32 to index
      %swap3A_251 = arith.constant 0 : index
      %swap3A_252 = tpu.vector_load %arg10[%swap3A_250, %swap3A_251] {strides = array<i32>} : memref<640x32xbf16, #tpu.memory_space<vmem>>, vector<32xbf16>,
      tpu.vector_store %arg10[%swap3A_250, %swap3A_251], %pack3A_249 {strides = array<i32>} : memref<640x32xbf16, #tpu.memory_space<vmem>>, vector<32xbf16>,
      %mul3A_253 = arith.constant 16 : i32
      %mul3A_254 = arith.muli %scan3A_35, %mul3A_253 : i32
      %add3A_255 = arith.constant 10 : i32
      %add3A_256 = arith.addi %mul3A_254, %add3A_255 : i32
      %slice3A_257 = vector.extract_strided_slice %get3A_38 {offsets = [10], sizes = [1], strides = [1]} : vector<16xf32> to vector<1xf32>
      %squeeze3A_258 = vector.extract %slice3A_257[0] : f32 from vector<1xf32>
      %slice3A_259 = vector.extract_strided_slice %get3A_38 {offsets = [10], sizes = [1], strides = [1]} : vector<16xf32> to vector<1xf32>
      %squeeze3A_260 = vector.extract %slice3A_259[0] : f32 from vector<1xf32>
      %mul3A_261 = arith.mulf %squeeze3A_258, %squeeze3A_260 : f32
      %get3A_262 = arith.index_cast %add3A_256 : i32 to index
      %get3A_263 = arith.constant 0 : index
      %get3A_264 = tpu.vector_load %arg10[%get3A_262, %get3A_263] {strides = array<i32>} : memref<640x32xbf16, #tpu.memory_space<vmem>>, vector<32xbf16>,
      %unpack3A_265 = tpu.unpack_subelements %get3A_264, 0 {pack_format = #tpu.pack_format<interleaved>} : vector<32xbf16> -> vector<16xf32>
      %unpack3A_266 = tpu.unpack_subelements %get3A_264, 1 {pack_format = #tpu.pack_format<interleaved>} : vector<32xbf16> -> vector<16xf32>
      %mul3A_267 = vector.broadcast %mul3A_261 : f32 to vector<16xf32>
      %mul3A_268 = arith.mulf %unpack3A_265, %mul3A_267 : vector<16xf32>
      %mul3A_269 = vector.broadcast %mul3A_261 : f32 to vector<16xf32>
      %mul3A_270 = arith.mulf %unpack3A_266, %mul3A_269 : vector<16xf32>
      %pack3A_271 = tpu.pack_subelements %mul3A_268, %mul3A_270 {pack_format = #tpu.pack_format<interleaved>, positions = array<i32: 0, 1>} : vector<16xf32>, vector<16xf32> -> vector<32xbf16>
      %swap3A_272 = arith.index_cast %add3A_256 : i32 to index
      %swap3A_273 = arith.constant 0 : index
      %swap3A_274 = tpu.vector_load %arg10[%swap3A_272, %swap3A_273] {strides = array<i32>} : memref<640x32xbf16, #tpu.memory_space<vmem>>, vector<32xbf16>,
      tpu.vector_store %arg10[%swap3A_272, %swap3A_273], %pack3A_271 {strides = array<i32>} : memref<640x32xbf16, #tpu.memory_space<vmem>>, vector<32xbf16>,
      %mul3A_275 = arith.constant 16 : i32
      %mul3A_276 = arith.muli %scan3A_35, %mul3A_275 : i32
      %add3A_277 = arith.constant 11 : i32
      %add3A_278 = arith.addi %mul3A_276, %add3A_277 : i32
      %slice3A_279 = vector.extract_strided_slice %get3A_38 {offsets = [11], sizes = [1], strides = [1]} : vector<16xf32> to vector<1xf32>
      %squeeze3A_280 = vector.extract %slice3A_279[0] : f32 from vector<1xf32>
      %slice3A_281 = vector.extract_strided_slice %get3A_38 {offsets = [11], sizes = [1], strides = [1]} : vector<16xf32> to vector<1xf32>
      %squeeze3A_282 = vector.extract %slice3A_281[0] : f32 from vector<1xf32>
      %mul3A_283 = arith.mulf %squeeze3A_280, %squeeze3A_282 : f32
      %get3A_284 = arith.index_cast %add3A_278 : i32 to index
      %get3A_285 = arith.constant 0 : index
      %get3A_286 = tpu.vector_load %arg10[%get3A_284, %get3A_285] {strides = array<i32>} : memref<640x32xbf16, #tpu.memory_space<vmem>>, vector<32xbf16>,
      %unpack3A_287 = tpu.unpack_subelements %get3A_286, 0 {pack_format = #tpu.pack_format<interleaved>} : vector<32xbf16> -> vector<16xf32>
      %unpack3A_288 = tpu.unpack_subelements %get3A_286, 1 {pack_format = #tpu.pack_format<interleaved>} : vector<32xbf16> -> vector<16xf32>
      %mul3A_289 = vector.broadcast %mul3A_283 : f32 to vector<16xf32>
      %mul3A_290 = arith.mulf %unpack3A_287, %mul3A_289 : vector<16xf32>
      %mul3A_291 = vector.broadcast %mul3A_283 : f32 to vector<16xf32>
      %mul3A_292 = arith.mulf %unpack3A_288, %mul3A_291 : vector<16xf32>
      %pack3A_293 = tpu.pack_subelements %mul3A_290, %mul3A_292 {pack_format = #tpu.pack_format<interleaved>, positions = array<i32: 0, 1>} : vector<16xf32>, vector<16xf32> -> vector<32xbf16>
      %swap3A_294 = arith.index_cast %add3A_278 : i32 to index
      %swap3A_295 = arith.constant 0 : index
      %swap3A_296 = tpu.vector_load %arg10[%swap3A_294, %swap3A_295] {strides = array<i32>} : memref<640x32xbf16, #tpu.memory_space<vmem>>, vector<32xbf16>,
      tpu.vector_store %arg10[%swap3A_294, %swap3A_295], %pack3A_293 {strides = array<i32>} : memref<640x32xbf16, #tpu.memory_space<vmem>>, vector<32xbf16>,
      %mul3A_297 = arith.constant 16 : i32
      %mul3A_298 = arith.muli %scan3A_35, %mul3A_297 : i32
      %add3A_299 = arith.constant 12 : i32
      %add3A_300 = arith.addi %mul3A_298, %add3A_299 : i32
      %slice3A_301 = vector.extract_strided_slice %get3A_38 {offsets = [12], sizes = [1], strides = [1]} : vector<16xf32> to vector<1xf32>
      %squeeze3A_302 = vector.extract %slice3A_301[0] : f32 from vector<1xf32>
      %slice3A_303 = vector.extract_strided_slice %get3A_38 {offsets = [12], sizes = [1], strides = [1]} : vector<16xf32> to vector<1xf32>
      %squeeze3A_304 = vector.extract %slice3A_303[0] : f32 from vector<1xf32>
      %mul3A_305 = arith.mulf %squeeze3A_302, %squeeze3A_304 : f32
      %get3A_306 = arith.index_cast %add3A_300 : i32 to index
      %get3A_307 = arith.constant 0 : index
      %get3A_308 = tpu.vector_load %arg10[%get3A_306, %get3A_307] {strides = array<i32>} : memref<640x32xbf16, #tpu.memory_space<vmem>>, vector<32xbf16>,
      %unpack3A_309 = tpu.unpack_subelements %get3A_308, 0 {pack_format = #tpu.pack_format<interleaved>} : vector<32xbf16> -> vector<16xf32>
      %unpack3A_310 = tpu.unpack_subelements %get3A_308, 1 {pack_format = #tpu.pack_format<interleaved>} : vector<32xbf16> -> vector<16xf32>
      %mul3A_311 = vector.broadcast %mul3A_305 : f32 to vector<16xf32>
      %mul3A_312 = arith.mulf %unpack3A_309, %mul3A_311 : vector<16xf32>
      %mul3A_313 = vector.broadcast %mul3A_305 : f32 to vector<16xf32>
      %mul3A_314 = arith.mulf %unpack3A_310, %mul3A_313 : vector<16xf32>
      %pack3A_315 = tpu.pack_subelements %mul3A_312, %mul3A_314 {pack_format = #tpu.pack_format<interleaved>, positions = array<i32: 0, 1>} : vector<16xf32>, vector<16xf32> -> vector<32xbf16>
      %swap3A_316 = arith.index_cast %add3A_300 : i32 to index
      %swap3A_317 = arith.constant 0 : index
      %swap3A_318 = tpu.vector_load %arg10[%swap3A_316, %swap3A_317] {strides = array<i32>} : memref<640x32xbf16, #tpu.memory_space<vmem>>, vector<32xbf16>,
      tpu.vector_store %arg10[%swap3A_316, %swap3A_317], %pack3A_315 {strides = array<i32>} : memref<640x32xbf16, #tpu.memory_space<vmem>>, vector<32xbf16>,
      %mul3A_319 = arith.constant 16 : i32
      %mul3A_320 = arith.muli %scan3A_35, %mul3A_319 : i32
      %add3A_321 = arith.constant 13 : i32
      %add3A_322 = arith.addi %mul3A_320, %add3A_321 : i32
      %slice3A_323 = vector.extract_strided_slice %get3A_38 {offsets = [13], sizes = [1], strides = [1]} : vector<16xf32> to vector<1xf32>
      %squeeze3A_324 = vector.extract %slice3A_323[0] : f32 from vector<1xf32>
      %slice3A_325 = vector.extract_strided_slice %get3A_38 {offsets = [13], sizes = [1], strides = [1]} : vector<16xf32> to vector<1xf32>
      %squeeze3A_326 = vector.extract %slice3A_325[0] : f32 from vector<1xf32>
      %mul3A_327 = arith.mulf %squeeze3A_324, %squeeze3A_326 : f32
      %get3A_328 = arith.index_cast %add3A_322 : i32 to index
      %get3A_329 = arith.constant 0 : index
      %get3A_330 = tpu.vector_load %arg10[%get3A_328, %get3A_329] {strides = array<i32>} : memref<640x32xbf16, #tpu.memory_space<vmem>>, vector<32xbf16>,
      %unpack3A_331 = tpu.unpack_subelements %get3A_330, 0 {pack_format = #tpu.pack_format<interleaved>} : vector<32xbf16> -> vector<16xf32>
      %unpack3A_332 = tpu.unpack_subelements %get3A_330, 1 {pack_format = #tpu.pack_format<interleaved>} : vector<32xbf16> -> vector<16xf32>
      %mul3A_333 = vector.broadcast %mul3A_327 : f32 to vector<16xf32>
      %mul3A_334 = arith.mulf %unpack3A_331, %mul3A_333 : vector<16xf32>
      %mul3A_335 = vector.broadcast %mul3A_327 : f32 to vector<16xf32>
      %mul3A_336 = arith.mulf %unpack3A_332, %mul3A_335 : vector<16xf32>
      %pack3A_337 = tpu.pack_subelements %mul3A_334, %mul3A_336 {pack_format = #tpu.pack_format<interleaved>, positions = array<i32: 0, 1>} : vector<16xf32>, vector<16xf32> -> vector<32xbf16>
      %swap3A_338 = arith.index_cast %add3A_322 : i32 to index
      %swap3A_339 = arith.constant 0 : index
      %swap3A_340 = tpu.vector_load %arg10[%swap3A_338, %swap3A_339] {strides = array<i32>} : memref<640x32xbf16, #tpu.memory_space<vmem>>, vector<32xbf16>,
      tpu.vector_store %arg10[%swap3A_338, %swap3A_339], %pack3A_337 {strides = array<i32>} : memref<640x32xbf16, #tpu.memory_space<vmem>>, vector<32xbf16>,
      %mul3A_341 = arith.constant 16 : i32
      %mul3A_342 = arith.muli %scan3A_35, %mul3A_341 : i32
      %add3A_343 = arith.constant 14 : i32
      %add3A_344 = arith.addi %mul3A_342, %add3A_343 : i32
      %slice3A_345 = vector.extract_strided_slice %get3A_38 {offsets = [14], sizes = [1], strides = [1]} : vector<16xf32> to vector<1xf32>
      %squeeze3A_346 = vector.extract %slice3A_345[0] : f32 from vector<1xf32>
      %slice3A_347 = vector.extract_strided_slice %get3A_38 {offsets = [14], sizes = [1], strides = [1]} : vector<16xf32> to vector<1xf32>
      %squeeze3A_348 = vector.extract %slice3A_347[0] : f32 from vector<1xf32>
      %mul3A_349 = arith.mulf %squeeze3A_346, %squeeze3A_348 : f32
      %get3A_350 = arith.index_cast %add3A_344 : i32 to index
      %get3A_351 = arith.constant 0 : index
      %get3A_352 = tpu.vector_load %arg10[%get3A_350, %get3A_351] {strides = array<i32>} : memref<640x32xbf16, #tpu.memory_space<vmem>>, vector<32xbf16>,
      %unpack3A_353 = tpu.unpack_subelements %get3A_352, 0 {pack_format = #tpu.pack_format<interleaved>} : vector<32xbf16> -> vector<16xf32>
      %unpack3A_354 = tpu.unpack_subelements %get3A_352, 1 {pack_format = #tpu.pack_format<interleaved>} : vector<32xbf16> -> vector<16xf32>
      %mul3A_355 = vector.broadcast %mul3A_349 : f32 to vector<16xf32>
      %mul3A_356 = arith.mulf %unpack3A_353, %mul3A_355 : vector<16xf32>
      %mul3A_357 = vector.broadcast %mul3A_349 : f32 to vector<16xf32>
      %mul3A_358 = arith.mulf %unpack3A_354, %mul3A_357 : vector<16xf32>
      %pack3A_359 = tpu.pack_subelements %mul3A_356, %mul3A_358 {pack_format = #tpu.pack_format<interleaved>, positions = array<i32: 0, 1>} : vector<16xf32>, vector<16xf32> -> vector<32xbf16>
      %swap3A_360 = arith.index_cast %add3A_344 : i32 to index
      %swap3A_361 = arith.constant 0 : index
      %swap3A_362 = tpu.vector_load %arg10[%swap3A_360, %swap3A_361] {strides = array<i32>} : memref<640x32xbf16, #tpu.memory_space<vmem>>, vector<32xbf16>,
      tpu.vector_store %arg10[%swap3A_360, %swap3A_361], %pack3A_359 {strides = array<i32>} : memref<640x32xbf16, #tpu.memory_space<vmem>>, vector<32xbf16>,
      %mul3A_363 = arith.constant 16 : i32
      %mul3A_364 = arith.muli %scan3A_35, %mul3A_363 : i32
      %add3A_365 = arith.constant 15 : i32
      %add3A_366 = arith.addi %mul3A_364, %add3A_365 : i32
      %slice3A_367 = vector.extract_strided_slice %get3A_38 {offsets = [15], sizes = [1], strides = [1]} : vector<16xf32> to vector<1xf32>
      %squeeze3A_368 = vector.extract %slice3A_367[0] : f32 from vector<1xf32>
      %slice3A_369 = vector.extract_strided_slice %get3A_38 {offsets = [15], sizes = [1], strides = [1]} : vector<16xf32> to vector<1xf32>
      %squeeze3A_370 = vector.extract %slice3A_369[0] : f32 from vector<1xf32>
      %mul3A_371 = arith.mulf %squeeze3A_368, %squeeze3A_370 : f32
      %get3A_372 = arith.index_cast %add3A_366 : i32 to index
      %get3A_373 = arith.constant 0 : index
      %get3A_374 = tpu.vector_load %arg10[%get3A_372, %get3A_373] {strides = array<i32>} : memref<640x32xbf16, #tpu.memory_space<vmem>>, vector<32xbf16>,
      %unpack3A_375 = tpu.unpack_subelements %get3A_374, 0 {pack_format = #tpu.pack_format<interleaved>} : vector<32xbf16> -> vector<16xf32>
      %unpack3A_376 = tpu.unpack_subelements %get3A_374, 1 {pack_format = #tpu.pack_format<interleaved>} : vector<32xbf16> -> vector<16xf32>
      %mul3A_377 = vector.broadcast %mul3A_371 : f32 to vector<16xf32>
      %mul3A_378 = arith.mulf %unpack3A_375, %mul3A_377 : vector<16xf32>
      %mul3A_379 = vector.broadcast %mul3A_371 : f32 to vector<16xf32>
      %mul3A_380 = arith.mulf %unpack3A_376, %mul3A_379 : vector<16xf32>
      %pack3A_381 = tpu.pack_subelements %mul3A_378, %mul3A_380 {pack_format = #tpu.pack_format<interleaved>, positions = array<i32: 0, 1>} : vector<16xf32>, vector<16xf32> -> vector<32xbf16>
      %swap3A_382 = arith.index_cast %add3A_366 : i32 to index
      %swap3A_383 = arith.constant 0 : index
      %swap3A_384 = tpu.vector_load %arg10[%swap3A_382, %swap3A_383] {strides = array<i32>} : memref<640x32xbf16, #tpu.memory_space<vmem>>, vector<32xbf16>,
      tpu.vector_store %arg10[%swap3A_382, %swap3A_383], %pack3A_381 {strides = array<i32>} : memref<640x32xbf16, #tpu.memory_space<vmem>>, vector<32xbf16>,
    }
    %scan3A_22 = arith.constant 40 : i32
    "tpu.region"() ({
      %run_scoped3A = tpu.sem_alloc : memref<!tpu.dma_semaphore, #tpu.memory_space<semaphore_mem>>
      %dma_start3A = arith.constant 0 : i32
      %dma_start3A_35 = tpu.memref_slice %arg12[%mul3A_0, %dma_start3A] : memref<10240x32xbf16, #tpu.memory_space<vmem_shared>> -> memref<640x32xbf16, #tpu.memory_space<vmem_shared>>
      %dma_start3A_36 = arith.constant 0 : i32
      %dma_start3A_37 = tpu.memref_slice %arg12[%mul3A_0, %dma_start3A_36] : memref<10240x32xbf16, #tpu.memory_space<vmem_shared>> -> memref<640x32xbf16, #tpu.memory_space<vmem_shared>>
      tpu.enqueue_dma source(%arg10 : memref<640x32xbf16, #tpu.memory_space<vmem>>) target(%dma_start3A_37 : memref<640x32xbf16, #tpu.memory_space<vmem_shared>>) target_semaphore(%run_scoped3A : memref<!tpu.dma_semaphore, #tpu.memory_space<semaphore_mem>>)
      %dma_wait3A = arith.constant 0 : i32
      %dma_wait3A_38 = tpu.memref_slice %arg12[%mul3A_0, %dma_wait3A] : memref<10240x32xbf16, #tpu.memory_space<vmem_shared>> -> memref<640x32xbf16, #tpu.memory_space<vmem_shared>>
      %dma_wait3A_39 = arith.constant 0 : i32
      %dma_wait3A_40 = tpu.memref_slice %arg12[%mul3A_0, %dma_wait3A_39] : memref<10240x32xbf16, #tpu.memory_space<vmem_shared>> -> memref<640x32xbf16, #tpu.memory_space<vmem_shared>>
      tpu.wait_dma2 semaphore(%run_scoped3A : memref<!tpu.dma_semaphore, #tpu.memory_space<semaphore_mem>>) src(%arg10 : memref<640x32xbf16, #tpu.memory_space<vmem>>) dst(%dma_wait3A_40 : memref<640x32xbf16, #tpu.memory_space<vmem_shared>>)
      tpu.yield
    }) : () -> ()
    "tpu.region"() ({
      %run_scoped3A = tpu.sem_alloc : memref<!tpu.dma_semaphore, #tpu.memory_space<semaphore_mem>>
      %dma_start3A = arith.constant 0 : i32
      %dma_start3A_35 = tpu.memref_slice %arg13[%mul3A_0, %dma_start3A] : memref<10240x32xbf16, #tpu.memory_space<vmem_shared>> -> memref<640x32xbf16, #tpu.memory_space<vmem_shared>>
      %dma_start3A_36 = arith.constant 0 : i32
      %dma_start3A_37 = tpu.memref_slice %arg13[%mul3A_0, %dma_start3A_36] : memref<10240x32xbf16, #tpu.memory_space<vmem_shared>> -> memref<640x32xbf16, #tpu.memory_space<vmem_shared>>
      tpu.enqueue_dma source(%arg10 : memref<640x32xbf16, #tpu.memory_space<vmem>>) target(%dma_start3A_37 : memref<640x32xbf16, #tpu.memory_space<vmem_shared>>) target_semaphore(%run_scoped3A : memref<!tpu.dma_semaphore, #tpu.memory_space<semaphore_mem>>)
      %dma_wait3A = arith.constant 0 : i32
      %dma_wait3A_38 = tpu.memref_slice %arg13[%mul3A_0, %dma_wait3A] : memref<10240x32xbf16, #tpu.memory_space<vmem_shared>> -> memref<640x32xbf16, #tpu.memory_space<vmem_shared>>
      %dma_wait3A_39 = arith.constant 0 : i32
      %dma_wait3A_40 = tpu.memref_slice %arg13[%mul3A_0, %dma_wait3A_39] : memref<10240x32xbf16, #tpu.memory_space<vmem_shared>> -> memref<640x32xbf16, #tpu.memory_space<vmem_shared>>
      tpu.wait_dma2 semaphore(%run_scoped3A : memref<!tpu.dma_semaphore, #tpu.memory_space<semaphore_mem>>) src(%arg10 : memref<640x32xbf16, #tpu.memory_space<vmem>>) dst(%dma_wait3A_40 : memref<640x32xbf16, #tpu.memory_space<vmem_shared>>)
      tpu.yield
    }) : () -> ()
    %barrier3A_23 = arith.constant 0 : index
    tpu.barrier barrier_id(%barrier3A_23)
    %lt3A_24 = arith.constant 15 : i32
    %lt3A_25 = arith.cmpi slt, %arg1, %lt3A_24 : i32
    %convert_element_type3A_26 = arith.extui %lt3A_25 : i1 to i32
    %cond3A_27 = arith.constant 0 : i32
    %cond3A_28 = arith.cmpi ne, %convert_element_type3A_26, %cond3A_27 : i32
    scf.if %cond3A_28 {
      %dma_start3A = arith.constant 0 : i32
      %dma_start3A_35 = arith.constant 0 : i32
      %dma_start3A_36 = tpu.memref_slice %arg6[%dma_start3A, %dma_start3A_35] : memref<160x128xi32, #tpu.memory_space<vmem>> -> memref<1x128xi32, #tpu.memory_space<vmem>>
      %dma_start3A_37 = tpu.memref_squeeze %dma_start3A_36 : memref<1x128xi32, #tpu.memory_space<vmem>> -> memref<128xi32, #tpu.memory_space<vmem>>
      %dma_start3A_38 = arith.constant 0 : i32
      %dma_start3A_39 = arith.constant 0 : i32
      %dma_start3A_40 = tpu.memref_slice %arg12[%dma_start3A_38, %dma_start3A_39] : memref<10240x32xbf16, #tpu.memory_space<vmem_shared>> -> memref<10240x32xbf16, #tpu.memory_space<vmem_shared>>
      tpu.enqueue_indirect_dma source(%dma_start3A_40 : memref<10240x32xbf16, #tpu.memory_space<vmem_shared>>) target(%arg8 : memref<128x32xbf16, #tpu.memory_space<vmem>>) offsets(%dma_start3A_37 : memref<128xi32, #tpu.memory_space<vmem>>) semaphore(%arg14 : memref<!tpu.dma_semaphore, #tpu.memory_space<semaphore_mem>>)
      %dma_start3A_41 = arith.constant 1 : i32
      %dma_start3A_42 = arith.constant 0 : i32
      %dma_start3A_43 = tpu.memref_slice %arg6[%dma_start3A_41, %dma_start3A_42] : memref<160x128xi32, #tpu.memory_space<vmem>> -> memref<1x128xi32, #tpu.memory_space<vmem>>
      %dma_start3A_44 = tpu.memref_squeeze %dma_start3A_43 : memref<1x128xi32, #tpu.memory_space<vmem>> -> memref<128xi32, #tpu.memory_space<vmem>>
      %dma_start3A_45 = arith.constant 0 : i32
      %dma_start3A_46 = arith.constant 0 : i32
      %dma_start3A_47 = tpu.memref_slice %arg12[%dma_start3A_45, %dma_start3A_46] : memref<10240x32xbf16, #tpu.memory_space<vmem_shared>> -> memref<10240x32xbf16, #tpu.memory_space<vmem_shared>>
      tpu.enqueue_indirect_dma source(%dma_start3A_47 : memref<10240x32xbf16, #tpu.memory_space<vmem_shared>>) target(%arg9 : memref<128x32xbf16, #tpu.memory_space<vmem>>) offsets(%dma_start3A_44 : memref<128xi32, #tpu.memory_space<vmem>>) semaphore(%arg15 : memref<!tpu.dma_semaphore, #tpu.memory_space<semaphore_mem>>)
      %scan3A_48 = arith.constant 0 : i32
      %scan3A_49 = arith.constant 0 : i32
      %scan3A_50 = arith.constant 77 : i32
      %scan3A_51 = arith.addi %scan3A_49, %scan3A_50 : i32
      %scan3A_52 = arith.constant 1 : i32
      scf.for %scan3A_68 = %scan3A_49 to %scan3A_51 step %scan3A_52  : i32 {
        %dma_wait3A_69 = arith.constant 0 : i32
        %dma_wait3A_70 = arith.constant 0 : i32
        %dma_wait3A_71 = tpu.memref_slice %arg6[%dma_wait3A_69, %dma_wait3A_70] : memref<160x128xi32, #tpu.memory_space<vmem>> -> memref<1x128xi32, #tpu.memory_space<vmem>>
        %dma_wait3A_72 = tpu.memref_squeeze %dma_wait3A_71 : memref<1x128xi32, #tpu.memory_space<vmem>> -> memref<128xi32, #tpu.memory_space<vmem>>
        %dma_wait3A_73 = arith.constant 0 : i32
        %dma_wait3A_74 = arith.constant 0 : i32
        %dma_wait3A_75 = tpu.memref_slice %arg12[%dma_wait3A_73, %dma_wait3A_74] : memref<10240x32xbf16, #tpu.memory_space<vmem_shared>> -> memref<10240x32xbf16, #tpu.memory_space<vmem_shared>>
        tpu.wait_indirect_dma semaphore(%arg14 : memref<!tpu.dma_semaphore, #tpu.memory_space<semaphore_mem>>) src(%dma_wait3A_75 : memref<10240x32xbf16, #tpu.memory_space<vmem_shared>>) dst(%arg8 : memref<128x32xbf16, #tpu.memory_space<vmem>>)
        %mul3A_76 = arith.constant 2 : i32
        %mul3A_77 = arith.muli %mul3A_76, %scan3A_68 : i32
        "tpu.region"() ({
          %run_scoped3A_108 = tpu.sem_alloc : memref<!tpu.dma_semaphore, #tpu.memory_space<semaphore_mem>>
          %dma_start3A_109 = arith.constant 0 : i32
          %dma_start3A_110 = tpu.memref_slice %arg7[%mul3A_77, %dma_start3A_109] : memref<160x128xi32, #tpu.memory_space<vmem>> -> memref<1x128xi32, #tpu.memory_space<vmem>>
          %dma_start3A_111 = tpu.memref_squeeze %dma_start3A_110 : memref<1x128xi32, #tpu.memory_space<vmem>> -> memref<128xi32, #tpu.memory_space<vmem>>
          %dma_start3A_112 = arith.constant 0 : i32
          %dma_start3A_113 = arith.constant 0 : i32
          %dma_start3A_114 = tpu.memref_slice %arg13[%dma_start3A_112, %dma_start3A_113] : memref<10240x32xbf16, #tpu.memory_space<vmem_shared>> -> memref<10240x32xbf16, #tpu.memory_space<vmem_shared>>
          tpu.enqueue_indirect_dma source(%arg8 : memref<128x32xbf16, #tpu.memory_space<vmem>>) target(%dma_start3A_114 : memref<10240x32xbf16, #tpu.memory_space<vmem_shared>>) offsets(%dma_start3A_111 : memref<128xi32, #tpu.memory_space<vmem>>) semaphore(%run_scoped3A_108 : memref<!tpu.dma_semaphore, #tpu.memory_space<semaphore_mem>>) {add = true}
          %dma_wait3A_115 = arith.constant 0 : i32
          %dma_wait3A_116 = tpu.memref_slice %arg7[%mul3A_77, %dma_wait3A_115] : memref<160x128xi32, #tpu.memory_space<vmem>> -> memref<1x128xi32, #tpu.memory_space<vmem>>
          %dma_wait3A_117 = tpu.memref_squeeze %dma_wait3A_116 : memref<1x128xi32, #tpu.memory_space<vmem>> -> memref<128xi32, #tpu.memory_space<vmem>>
          %dma_wait3A_118 = arith.constant 0 : i32
          %dma_wait3A_119 = arith.constant 0 : i32
          %dma_wait3A_120 = tpu.memref_slice %arg13[%dma_wait3A_118, %dma_wait3A_119] : memref<10240x32xbf16, #tpu.memory_space<vmem_shared>> -> memref<10240x32xbf16, #tpu.memory_space<vmem_shared>>
          tpu.wait_indirect_dma semaphore(%run_scoped3A_108 : memref<!tpu.dma_semaphore, #tpu.memory_space<semaphore_mem>>) src(%arg8 : memref<128x32xbf16, #tpu.memory_space<vmem>>) dst(%dma_wait3A_120 : memref<10240x32xbf16, #tpu.memory_space<vmem_shared>>)
          tpu.yield
        }) : () -> ()
        %mul3A_78 = arith.constant 2 : i32
        %mul3A_79 = arith.muli %mul3A_78, %scan3A_68 : i32
        %add3A = arith.constant 2 : i32
        %add3A_80 = arith.addi %mul3A_79, %add3A : i32
        %dma_start3A_81 = arith.constant 0 : i32
        %dma_start3A_82 = tpu.memref_slice %arg6[%add3A_80, %dma_start3A_81] : memref<160x128xi32, #tpu.memory_space<vmem>> -> memref<1x128xi32, #tpu.memory_space<vmem>>
        %dma_start3A_83 = tpu.memref_squeeze %dma_start3A_82 : memref<1x128xi32, #tpu.memory_space<vmem>> -> memref<128xi32, #tpu.memory_space<vmem>>
        %dma_start3A_84 = arith.constant 0 : i32
        %dma_start3A_85 = arith.constant 0 : i32
        %dma_start3A_86 = tpu.memref_slice %arg12[%dma_start3A_84, %dma_start3A_85] : memref<10240x32xbf16, #tpu.memory_space<vmem_shared>> -> memref<10240x32xbf16, #tpu.memory_space<vmem_shared>>
        tpu.enqueue_indirect_dma source(%dma_start3A_86 : memref<10240x32xbf16, #tpu.memory_space<vmem_shared>>) target(%arg8 : memref<128x32xbf16, #tpu.memory_space<vmem>>) offsets(%dma_start3A_83 : memref<128xi32, #tpu.memory_space<vmem>>) semaphore(%arg14 : memref<!tpu.dma_semaphore, #tpu.memory_space<semaphore_mem>>)
        %dma_wait3A_87 = arith.constant 1 : i32
        %dma_wait3A_88 = arith.constant 0 : i32
        %dma_wait3A_89 = tpu.memref_slice %arg6[%dma_wait3A_87, %dma_wait3A_88] : memref<160x128xi32, #tpu.memory_space<vmem>> -> memref<1x128xi32, #tpu.memory_space<vmem>>
        %dma_wait3A_90 = tpu.memref_squeeze %dma_wait3A_89 : memref<1x128xi32, #tpu.memory_space<vmem>> -> memref<128xi32, #tpu.memory_space<vmem>>
        %dma_wait3A_91 = arith.constant 0 : i32
        %dma_wait3A_92 = arith.constant 0 : i32
        %dma_wait3A_93 = tpu.memref_slice %arg12[%dma_wait3A_91, %dma_wait3A_92] : memref<10240x32xbf16, #tpu.memory_space<vmem_shared>> -> memref<10240x32xbf16, #tpu.memory_space<vmem_shared>>
        tpu.wait_indirect_dma semaphore(%arg15 : memref<!tpu.dma_semaphore, #tpu.memory_space<semaphore_mem>>) src(%dma_wait3A_93 : memref<10240x32xbf16, #tpu.memory_space<vmem_shared>>) dst(%arg9 : memref<128x32xbf16, #tpu.memory_space<vmem>>)
        %mul3A_94 = arith.constant 2 : i32
        %mul3A_95 = arith.muli %mul3A_94, %scan3A_68 : i32
        %add3A_96 = arith.constant 1 : i32
        %add3A_97 = arith.addi %mul3A_95, %add3A_96 : i32
        "tpu.region"() ({
          %run_scoped3A_108 = tpu.sem_alloc : memref<!tpu.dma_semaphore, #tpu.memory_space<semaphore_mem>>
          %dma_start3A_109 = arith.constant 0 : i32
          %dma_start3A_110 = tpu.memref_slice %arg7[%add3A_97, %dma_start3A_109] : memref<160x128xi32, #tpu.memory_space<vmem>> -> memref<1x128xi32, #tpu.memory_space<vmem>>
          %dma_start3A_111 = tpu.memref_squeeze %dma_start3A_110 : memref<1x128xi32, #tpu.memory_space<vmem>> -> memref<128xi32, #tpu.memory_space<vmem>>
          %dma_start3A_112 = arith.constant 0 : i32
          %dma_start3A_113 = arith.constant 0 : i32
          %dma_start3A_114 = tpu.memref_slice %arg13[%dma_start3A_112, %dma_start3A_113] : memref<10240x32xbf16, #tpu.memory_space<vmem_shared>> -> memref<10240x32xbf16, #tpu.memory_space<vmem_shared>>
          tpu.enqueue_indirect_dma source(%arg9 : memref<128x32xbf16, #tpu.memory_space<vmem>>) target(%dma_start3A_114 : memref<10240x32xbf16, #tpu.memory_space<vmem_shared>>) offsets(%dma_start3A_111 : memref<128xi32, #tpu.memory_space<vmem>>) semaphore(%run_scoped3A_108 : memref<!tpu.dma_semaphore, #tpu.memory_space<semaphore_mem>>) {add = true}
          %dma_wait3A_115 = arith.constant 0 : i32
          %dma_wait3A_116 = tpu.memref_slice %arg7[%add3A_97, %dma_wait3A_115] : memref<160x128xi32, #tpu.memory_space<vmem>> -> memref<1x128xi32, #tpu.memory_space<vmem>>
          %dma_wait3A_117 = tpu.memref_squeeze %dma_wait3A_116 : memref<1x128xi32, #tpu.memory_space<vmem>> -> memref<128xi32, #tpu.memory_space<vmem>>
          %dma_wait3A_118 = arith.constant 0 : i32
          %dma_wait3A_119 = arith.constant 0 : i32
          %dma_wait3A_120 = tpu.memref_slice %arg13[%dma_wait3A_118, %dma_wait3A_119] : memref<10240x32xbf16, #tpu.memory_space<vmem_shared>> -> memref<10240x32xbf16, #tpu.memory_space<vmem_shared>>
          tpu.wait_indirect_dma semaphore(%run_scoped3A_108 : memref<!tpu.dma_semaphore, #tpu.memory_space<semaphore_mem>>) src(%arg9 : memref<128x32xbf16, #tpu.memory_space<vmem>>) dst(%dma_wait3A_120 : memref<10240x32xbf16, #tpu.memory_space<vmem_shared>>)
          tpu.yield
        }) : () -> ()
        %mul3A_98 = arith.constant 2 : i32
        %mul3A_99 = arith.muli %mul3A_98, %scan3A_68 : i32
        %add3A_100 = arith.constant 3 : i32
        %add3A_101 = arith.addi %mul3A_99, %add3A_100 : i32
        %dma_start3A_102 = arith.constant 0 : i32
        %dma_start3A_103 = tpu.memref_slice %arg6[%add3A_101, %dma_start3A_102] : memref<160x128xi32, #tpu.memory_space<vmem>> -> memref<1x128xi32, #tpu.memory_space<vmem>>
        %dma_start3A_104 = tpu.memref_squeeze %dma_start3A_103 : memref<1x128xi32, #tpu.memory_space<vmem>> -> memref<128xi32, #tpu.memory_space<vmem>>
        %dma_start3A_105 = arith.constant 0 : i32
        %dma_start3A_106 = arith.constant 0 : i32
        %dma_start3A_107 = tpu.memref_slice %arg12[%dma_start3A_105, %dma_start3A_106] : memref<10240x32xbf16, #tpu.memory_space<vmem_shared>> -> memref<10240x32xbf16, #tpu.memory_space<vmem_shared>>
        tpu.enqueue_indirect_dma source(%dma_start3A_107 : memref<10240x32xbf16, #tpu.memory_space<vmem_shared>>) target(%arg9 : memref<128x32xbf16, #tpu.memory_space<vmem>>) offsets(%dma_start3A_104 : memref<128xi32, #tpu.memory_space<vmem>>) semaphore(%arg15 : memref<!tpu.dma_semaphore, #tpu.memory_space<semaphore_mem>>)
      }
      %scan3A_53 = arith.constant 77 : i32
      %dma_wait3A = arith.constant 0 : i32
      %dma_wait3A_54 = arith.constant 0 : i32
      %dma_wait3A_55 = tpu.memref_slice %arg6[%dma_wait3A, %dma_wait3A_54] : memref<160x128xi32, #tpu.memory_space<vmem>> -> memref<1x128xi32, #tpu.memory_space<vmem>>
      %dma_wait3A_56 = tpu.memref_squeeze %dma_wait3A_55 : memref<1x128xi32, #tpu.memory_space<vmem>> -> memref<128xi32, #tpu.memory_space<vmem>>
      %dma_wait3A_57 = arith.constant 0 : i32
      %dma_wait3A_58 = arith.constant 0 : i32
      %dma_wait3A_59 = tpu.memref_slice %arg12[%dma_wait3A_57, %dma_wait3A_58] : memref<10240x32xbf16, #tpu.memory_space<vmem_shared>> -> memref<10240x32xbf16, #tpu.memory_space<vmem_shared>>
      tpu.wait_indirect_dma semaphore(%arg14 : memref<!tpu.dma_semaphore, #tpu.memory_space<semaphore_mem>>) src(%dma_wait3A_59 : memref<10240x32xbf16, #tpu.memory_space<vmem_shared>>) dst(%arg8 : memref<128x32xbf16, #tpu.memory_space<vmem>>)
      %run_scoped3A = arith.constant 154 : i32
      "tpu.region"() ({
        %run_scoped3A_68 = tpu.sem_alloc : memref<!tpu.dma_semaphore, #tpu.memory_space<semaphore_mem>>
        %dma_start3A_69 = arith.constant 0 : i32
        %dma_start3A_70 = tpu.memref_slice %arg7[%run_scoped3A, %dma_start3A_69] : memref<160x128xi32, #tpu.memory_space<vmem>> -> memref<1x128xi32, #tpu.memory_space<vmem>>
        %dma_start3A_71 = tpu.memref_squeeze %dma_start3A_70 : memref<1x128xi32, #tpu.memory_space<vmem>> -> memref<128xi32, #tpu.memory_space<vmem>>
        %dma_start3A_72 = arith.constant 0 : i32
        %dma_start3A_73 = arith.constant 0 : i32
        %dma_start3A_74 = tpu.memref_slice %arg13[%dma_start3A_72, %dma_start3A_73] : memref<10240x32xbf16, #tpu.memory_space<vmem_shared>> -> memref<10240x32xbf16, #tpu.memory_space<vmem_shared>>
        tpu.enqueue_indirect_dma source(%arg8 : memref<128x32xbf16, #tpu.memory_space<vmem>>) target(%dma_start3A_74 : memref<10240x32xbf16, #tpu.memory_space<vmem_shared>>) offsets(%dma_start3A_71 : memref<128xi32, #tpu.memory_space<vmem>>) semaphore(%run_scoped3A_68 : memref<!tpu.dma_semaphore, #tpu.memory_space<semaphore_mem>>) {add = true}
        %dma_wait3A_75 = arith.constant 0 : i32
        %dma_wait3A_76 = tpu.memref_slice %arg7[%run_scoped3A, %dma_wait3A_75] : memref<160x128xi32, #tpu.memory_space<vmem>> -> memref<1x128xi32, #tpu.memory_space<vmem>>
        %dma_wait3A_77 = tpu.memref_squeeze %dma_wait3A_76 : memref<1x128xi32, #tpu.memory_space<vmem>> -> memref<128xi32, #tpu.memory_space<vmem>>
        %dma_wait3A_78 = arith.constant 0 : i32
        %dma_wait3A_79 = arith.constant 0 : i32
        %dma_wait3A_80 = tpu.memref_slice %arg13[%dma_wait3A_78, %dma_wait3A_79] : memref<10240x32xbf16, #tpu.memory_space<vmem_shared>> -> memref<10240x32xbf16, #tpu.memory_space<vmem_shared>>
        tpu.wait_indirect_dma semaphore(%run_scoped3A_68 : memref<!tpu.dma_semaphore, #tpu.memory_space<semaphore_mem>>) src(%arg8 : memref<128x32xbf16, #tpu.memory_space<vmem>>) dst(%dma_wait3A_80 : memref<10240x32xbf16, #tpu.memory_space<vmem_shared>>)
        tpu.yield
      }) : () -> ()
      %dma_wait3A_60 = arith.constant 1 : i32
      %dma_wait3A_61 = arith.constant 0 : i32
      %dma_wait3A_62 = tpu.memref_slice %arg6[%dma_wait3A_60, %dma_wait3A_61] : memref<160x128xi32, #tpu.memory_space<vmem>> -> memref<1x128xi32, #tpu.memory_space<vmem>>
      %dma_wait3A_63 = tpu.memref_squeeze %dma_wait3A_62 : memref<1x128xi32, #tpu.memory_space<vmem>> -> memref<128xi32, #tpu.memory_space<vmem>>
      %dma_wait3A_64 = arith.constant 0 : i32
      %dma_wait3A_65 = arith.constant 0 : i32
      %dma_wait3A_66 = tpu.memref_slice %arg12[%dma_wait3A_64, %dma_wait3A_65] : memref<10240x32xbf16, #tpu.memory_space<vmem_shared>> -> memref<10240x32xbf16, #tpu.memory_space<vmem_shared>>
      tpu.wait_indirect_dma semaphore(%arg15 : memref<!tpu.dma_semaphore, #tpu.memory_space<semaphore_mem>>) src(%dma_wait3A_66 : memref<10240x32xbf16, #tpu.memory_space<vmem_shared>>) dst(%arg9 : memref<128x32xbf16, #tpu.memory_space<vmem>>)
      %run_scoped3A_67 = arith.constant 155 : i32
      "tpu.region"() ({
        %run_scoped3A_68 = tpu.sem_alloc : memref<!tpu.dma_semaphore, #tpu.memory_space<semaphore_mem>>
        %dma_start3A_69 = arith.constant 0 : i32
        %dma_start3A_70 = tpu.memref_slice %arg7[%run_scoped3A_67, %dma_start3A_69] : memref<160x128xi32, #tpu.memory_space<vmem>> -> memref<1x128xi32, #tpu.memory_space<vmem>>
        %dma_start3A_71 = tpu.memref_squeeze %dma_start3A_70 : memref<1x128xi32, #tpu.memory_space<vmem>> -> memref<128xi32, #tpu.memory_space<vmem>>
        %dma_start3A_72 = arith.constant 0 : i32
        %dma_start3A_73 = arith.constant 0 : i32
        %dma_start3A_74 = tpu.memref_slice %arg13[%dma_start3A_72, %dma_start3A_73] : memref<10240x32xbf16, #tpu.memory_space<vmem_shared>> -> memref<10240x32xbf16, #tpu.memory_space<vmem_shared>>
        tpu.enqueue_indirect_dma source(%arg9 : memref<128x32xbf16, #tpu.memory_space<vmem>>) target(%dma_start3A_74 : memref<10240x32xbf16, #tpu.memory_space<vmem_shared>>) offsets(%dma_start3A_71 : memref<128xi32, #tpu.memory_space<vmem>>) semaphore(%run_scoped3A_68 : memref<!tpu.dma_semaphore, #tpu.memory_space<semaphore_mem>>) {add = true}
        %dma_wait3A_75 = arith.constant 0 : i32
        %dma_wait3A_76 = tpu.memref_slice %arg7[%run_scoped3A_67, %dma_wait3A_75] : memref<160x128xi32, #tpu.memory_space<vmem>> -> memref<1x128xi32, #tpu.memory_space<vmem>>
        %dma_wait3A_77 = tpu.memref_squeeze %dma_wait3A_76 : memref<1x128xi32, #tpu.memory_space<vmem>> -> memref<128xi32, #tpu.memory_space<vmem>>
        %dma_wait3A_78 = arith.constant 0 : i32
        %dma_wait3A_79 = arith.constant 0 : i32
        %dma_wait3A_80 = tpu.memref_slice %arg13[%dma_wait3A_78, %dma_wait3A_79] : memref<10240x32xbf16, #tpu.memory_space<vmem_shared>> -> memref<10240x32xbf16, #tpu.memory_space<vmem_shared>>
        tpu.wait_indirect_dma semaphore(%run_scoped3A_68 : memref<!tpu.dma_semaphore, #tpu.memory_space<semaphore_mem>>) src(%arg9 : memref<128x32xbf16, #tpu.memory_space<vmem>>) dst(%dma_wait3A_80 : memref<10240x32xbf16, #tpu.memory_space<vmem_shared>>)
        tpu.yield
      }) : () -> ()
    } else {
    }
    %eq3A_29 = arith.constant 15 : i32
    %eq3A_30 = arith.cmpi eq, %arg1, %eq3A_29 : i32
    %convert_element_type3A_31 = arith.extui %eq3A_30 : i1 to i32
    %cond3A_32 = arith.constant 0 : i32
    %cond3A_33 = arith.cmpi ne, %convert_element_type3A_31, %cond3A_32 : i32
    scf.if %cond3A_33 {
      %dma_start3A = arith.constant 0 : i32
      %dma_start3A_35 = arith.constant 0 : i32
      %dma_start3A_36 = tpu.memref_slice %arg6[%dma_start3A, %dma_start3A_35] : memref<160x128xi32, #tpu.memory_space<vmem>> -> memref<1x128xi32, #tpu.memory_space<vmem>>
      %dma_start3A_37 = tpu.memref_squeeze %dma_start3A_36 : memref<1x128xi32, #tpu.memory_space<vmem>> -> memref<128xi32, #tpu.memory_space<vmem>>
      %dma_start3A_38 = arith.constant 0 : i32
      %dma_start3A_39 = arith.constant 0 : i32
      %dma_start3A_40 = tpu.memref_slice %arg12[%dma_start3A_38, %dma_start3A_39] : memref<10240x32xbf16, #tpu.memory_space<vmem_shared>> -> memref<10240x32xbf16, #tpu.memory_space<vmem_shared>>
      tpu.enqueue_indirect_dma source(%dma_start3A_40 : memref<10240x32xbf16, #tpu.memory_space<vmem_shared>>) target(%arg8 : memref<128x32xbf16, #tpu.memory_space<vmem>>) offsets(%dma_start3A_37 : memref<128xi32, #tpu.memory_space<vmem>>) semaphore(%arg14 : memref<!tpu.dma_semaphore, #tpu.memory_space<semaphore_mem>>)
      %dma_start3A_41 = arith.constant 1 : i32
      %dma_start3A_42 = arith.constant 0 : i32
      %dma_start3A_43 = tpu.memref_slice %arg6[%dma_start3A_41, %dma_start3A_42] : memref<160x128xi32, #tpu.memory_space<vmem>> -> memref<1x128xi32, #tpu.memory_space<vmem>>
      %dma_start3A_44 = tpu.memref_squeeze %dma_start3A_43 : memref<1x128xi32, #tpu.memory_space<vmem>> -> memref<128xi32, #tpu.memory_space<vmem>>
      %dma_start3A_45 = arith.constant 0 : i32
      %dma_start3A_46 = arith.constant 0 : i32
      %dma_start3A_47 = tpu.memref_slice %arg12[%dma_start3A_45, %dma_start3A_46] : memref<10240x32xbf16, #tpu.memory_space<vmem_shared>> -> memref<10240x32xbf16, #tpu.memory_space<vmem_shared>>
      tpu.enqueue_indirect_dma source(%dma_start3A_47 : memref<10240x32xbf16, #tpu.memory_space<vmem_shared>>) target(%arg9 : memref<128x32xbf16, #tpu.memory_space<vmem>>) offsets(%dma_start3A_44 : memref<128xi32, #tpu.memory_space<vmem>>) semaphore(%arg15 : memref<!tpu.dma_semaphore, #tpu.memory_space<semaphore_mem>>)
      %scan3A_48 = arith.constant 0 : i32
      %scan3A_49 = arith.constant 0 : i32
      %scan3A_50 = arith.constant 79 : i32
      %scan3A_51 = arith.addi %scan3A_49, %scan3A_50 : i32
      %scan3A_52 = arith.constant 1 : i32
      scf.for %scan3A_68 = %scan3A_49 to %scan3A_51 step %scan3A_52  : i32 {
        %dma_wait3A_69 = arith.constant 0 : i32
        %dma_wait3A_70 = arith.constant 0 : i32
        %dma_wait3A_71 = tpu.memref_slice %arg6[%dma_wait3A_69, %dma_wait3A_70] : memref<160x128xi32, #tpu.memory_space<vmem>> -> memref<1x128xi32, #tpu.memory_space<vmem>>
        %dma_wait3A_72 = tpu.memref_squeeze %dma_wait3A_71 : memref<1x128xi32, #tpu.memory_space<vmem>> -> memref<128xi32, #tpu.memory_space<vmem>>
        %dma_wait3A_73 = arith.constant 0 : i32
        %dma_wait3A_74 = arith.constant 0 : i32
        %dma_wait3A_75 = tpu.memref_slice %arg12[%dma_wait3A_73, %dma_wait3A_74] : memref<10240x32xbf16, #tpu.memory_space<vmem_shared>> -> memref<10240x32xbf16, #tpu.memory_space<vmem_shared>>
        tpu.wait_indirect_dma semaphore(%arg14 : memref<!tpu.dma_semaphore, #tpu.memory_space<semaphore_mem>>) src(%dma_wait3A_75 : memref<10240x32xbf16, #tpu.memory_space<vmem_shared>>) dst(%arg8 : memref<128x32xbf16, #tpu.memory_space<vmem>>)
        %mul3A_76 = arith.constant 2 : i32
        %mul3A_77 = arith.muli %mul3A_76, %scan3A_68 : i32
        "tpu.region"() ({
          %run_scoped3A_108 = tpu.sem_alloc : memref<!tpu.dma_semaphore, #tpu.memory_space<semaphore_mem>>
          %dma_start3A_109 = arith.constant 0 : i32
          %dma_start3A_110 = tpu.memref_slice %arg7[%mul3A_77, %dma_start3A_109] : memref<160x128xi32, #tpu.memory_space<vmem>> -> memref<1x128xi32, #tpu.memory_space<vmem>>
          %dma_start3A_111 = tpu.memref_squeeze %dma_start3A_110 : memref<1x128xi32, #tpu.memory_space<vmem>> -> memref<128xi32, #tpu.memory_space<vmem>>
          %dma_start3A_112 = arith.constant 0 : i32
          %dma_start3A_113 = arith.constant 0 : i32
          %dma_start3A_114 = tpu.memref_slice %arg13[%dma_start3A_112, %dma_start3A_113] : memref<10240x32xbf16, #tpu.memory_space<vmem_shared>> -> memref<10240x32xbf16, #tpu.memory_space<vmem_shared>>
          tpu.enqueue_indirect_dma source(%arg8 : memref<128x32xbf16, #tpu.memory_space<vmem>>) target(%dma_start3A_114 : memref<10240x32xbf16, #tpu.memory_space<vmem_shared>>) offsets(%dma_start3A_111 : memref<128xi32, #tpu.memory_space<vmem>>) semaphore(%run_scoped3A_108 : memref<!tpu.dma_semaphore, #tpu.memory_space<semaphore_mem>>) {add = true}
          %dma_wait3A_115 = arith.constant 0 : i32
          %dma_wait3A_116 = tpu.memref_slice %arg7[%mul3A_77, %dma_wait3A_115] : memref<160x128xi32, #tpu.memory_space<vmem>> -> memref<1x128xi32, #tpu.memory_space<vmem>>
          %dma_wait3A_117 = tpu.memref_squeeze %dma_wait3A_116 : memref<1x128xi32, #tpu.memory_space<vmem>> -> memref<128xi32, #tpu.memory_space<vmem>>
          %dma_wait3A_118 = arith.constant 0 : i32
          %dma_wait3A_119 = arith.constant 0 : i32
          %dma_wait3A_120 = tpu.memref_slice %arg13[%dma_wait3A_118, %dma_wait3A_119] : memref<10240x32xbf16, #tpu.memory_space<vmem_shared>> -> memref<10240x32xbf16, #tpu.memory_space<vmem_shared>>
          tpu.wait_indirect_dma semaphore(%run_scoped3A_108 : memref<!tpu.dma_semaphore, #tpu.memory_space<semaphore_mem>>) src(%arg8 : memref<128x32xbf16, #tpu.memory_space<vmem>>) dst(%dma_wait3A_120 : memref<10240x32xbf16, #tpu.memory_space<vmem_shared>>)
          tpu.yield
        }) : () -> ()
        %mul3A_78 = arith.constant 2 : i32
        %mul3A_79 = arith.muli %mul3A_78, %scan3A_68 : i32
        %add3A = arith.constant 2 : i32
        %add3A_80 = arith.addi %mul3A_79, %add3A : i32
        %dma_start3A_81 = arith.constant 0 : i32
        %dma_start3A_82 = tpu.memref_slice %arg6[%add3A_80, %dma_start3A_81] : memref<160x128xi32, #tpu.memory_space<vmem>> -> memref<1x128xi32, #tpu.memory_space<vmem>>
        %dma_start3A_83 = tpu.memref_squeeze %dma_start3A_82 : memref<1x128xi32, #tpu.memory_space<vmem>> -> memref<128xi32, #tpu.memory_space<vmem>>
        %dma_start3A_84 = arith.constant 0 : i32
        %dma_start3A_85 = arith.constant 0 : i32
        %dma_start3A_86 = tpu.memref_slice %arg12[%dma_start3A_84, %dma_start3A_85] : memref<10240x32xbf16, #tpu.memory_space<vmem_shared>> -> memref<10240x32xbf16, #tpu.memory_space<vmem_shared>>
        tpu.enqueue_indirect_dma source(%dma_start3A_86 : memref<10240x32xbf16, #tpu.memory_space<vmem_shared>>) target(%arg8 : memref<128x32xbf16, #tpu.memory_space<vmem>>) offsets(%dma_start3A_83 : memref<128xi32, #tpu.memory_space<vmem>>) semaphore(%arg14 : memref<!tpu.dma_semaphore, #tpu.memory_space<semaphore_mem>>)
        %dma_wait3A_87 = arith.constant 1 : i32
        %dma_wait3A_88 = arith.constant 0 : i32
        %dma_wait3A_89 = tpu.memref_slice %arg6[%dma_wait3A_87, %dma_wait3A_88] : memref<160x128xi32, #tpu.memory_space<vmem>> -> memref<1x128xi32, #tpu.memory_space<vmem>>
        %dma_wait3A_90 = tpu.memref_squeeze %dma_wait3A_89 : memref<1x128xi32, #tpu.memory_space<vmem>> -> memref<128xi32, #tpu.memory_space<vmem>>
        %dma_wait3A_91 = arith.constant 0 : i32
        %dma_wait3A_92 = arith.constant 0 : i32
        %dma_wait3A_93 = tpu.memref_slice %arg12[%dma_wait3A_91, %dma_wait3A_92] : memref<10240x32xbf16, #tpu.memory_space<vmem_shared>> -> memref<10240x32xbf16, #tpu.memory_space<vmem_shared>>
        tpu.wait_indirect_dma semaphore(%arg15 : memref<!tpu.dma_semaphore, #tpu.memory_space<semaphore_mem>>) src(%dma_wait3A_93 : memref<10240x32xbf16, #tpu.memory_space<vmem_shared>>) dst(%arg9 : memref<128x32xbf16, #tpu.memory_space<vmem>>)
        %mul3A_94 = arith.constant 2 : i32
        %mul3A_95 = arith.muli %mul3A_94, %scan3A_68 : i32
        %add3A_96 = arith.constant 1 : i32
        %add3A_97 = arith.addi %mul3A_95, %add3A_96 : i32
        "tpu.region"() ({
          %run_scoped3A_108 = tpu.sem_alloc : memref<!tpu.dma_semaphore, #tpu.memory_space<semaphore_mem>>
          %dma_start3A_109 = arith.constant 0 : i32
          %dma_start3A_110 = tpu.memref_slice %arg7[%add3A_97, %dma_start3A_109] : memref<160x128xi32, #tpu.memory_space<vmem>> -> memref<1x128xi32, #tpu.memory_space<vmem>>
          %dma_start3A_111 = tpu.memref_squeeze %dma_start3A_110 : memref<1x128xi32, #tpu.memory_space<vmem>> -> memref<128xi32, #tpu.memory_space<vmem>>
          %dma_start3A_112 = arith.constant 0 : i32
          %dma_start3A_113 = arith.constant 0 : i32
          %dma_start3A_114 = tpu.memref_slice %arg13[%dma_start3A_112, %dma_start3A_113] : memref<10240x32xbf16, #tpu.memory_space<vmem_shared>> -> memref<10240x32xbf16, #tpu.memory_space<vmem_shared>>
          tpu.enqueue_indirect_dma source(%arg9 : memref<128x32xbf16, #tpu.memory_space<vmem>>) target(%dma_start3A_114 : memref<10240x32xbf16, #tpu.memory_space<vmem_shared>>) offsets(%dma_start3A_111 : memref<128xi32, #tpu.memory_space<vmem>>) semaphore(%run_scoped3A_108 : memref<!tpu.dma_semaphore, #tpu.memory_space<semaphore_mem>>) {add = true}
          %dma_wait3A_115 = arith.constant 0 : i32
          %dma_wait3A_116 = tpu.memref_slice %arg7[%add3A_97, %dma_wait3A_115] : memref<160x128xi32, #tpu.memory_space<vmem>> -> memref<1x128xi32, #tpu.memory_space<vmem>>
          %dma_wait3A_117 = tpu.memref_squeeze %dma_wait3A_116 : memref<1x128xi32, #tpu.memory_space<vmem>> -> memref<128xi32, #tpu.memory_space<vmem>>
          %dma_wait3A_118 = arith.constant 0 : i32
          %dma_wait3A_119 = arith.constant 0 : i32
          %dma_wait3A_120 = tpu.memref_slice %arg13[%dma_wait3A_118, %dma_wait3A_119] : memref<10240x32xbf16, #tpu.memory_space<vmem_shared>> -> memref<10240x32xbf16, #tpu.memory_space<vmem_shared>>
          tpu.wait_indirect_dma semaphore(%run_scoped3A_108 : memref<!tpu.dma_semaphore, #tpu.memory_space<semaphore_mem>>) src(%arg9 : memref<128x32xbf16, #tpu.memory_space<vmem>>) dst(%dma_wait3A_120 : memref<10240x32xbf16, #tpu.memory_space<vmem_shared>>)
          tpu.yield
        }) : () -> ()
        %mul3A_98 = arith.constant 2 : i32
        %mul3A_99 = arith.muli %mul3A_98, %scan3A_68 : i32
        %add3A_100 = arith.constant 3 : i32
        %add3A_101 = arith.addi %mul3A_99, %add3A_100 : i32
        %dma_start3A_102 = arith.constant 0 : i32
        %dma_start3A_103 = tpu.memref_slice %arg6[%add3A_101, %dma_start3A_102] : memref<160x128xi32, #tpu.memory_space<vmem>> -> memref<1x128xi32, #tpu.memory_space<vmem>>
        %dma_start3A_104 = tpu.memref_squeeze %dma_start3A_103 : memref<1x128xi32, #tpu.memory_space<vmem>> -> memref<128xi32, #tpu.memory_space<vmem>>
        %dma_start3A_105 = arith.constant 0 : i32
        %dma_start3A_106 = arith.constant 0 : i32
        %dma_start3A_107 = tpu.memref_slice %arg12[%dma_start3A_105, %dma_start3A_106] : memref<10240x32xbf16, #tpu.memory_space<vmem_shared>> -> memref<10240x32xbf16, #tpu.memory_space<vmem_shared>>
        tpu.enqueue_indirect_dma source(%dma_start3A_107 : memref<10240x32xbf16, #tpu.memory_space<vmem_shared>>) target(%arg9 : memref<128x32xbf16, #tpu.memory_space<vmem>>) offsets(%dma_start3A_104 : memref<128xi32, #tpu.memory_space<vmem>>) semaphore(%arg15 : memref<!tpu.dma_semaphore, #tpu.memory_space<semaphore_mem>>)
      }
      %scan3A_53 = arith.constant 79 : i32
      %dma_wait3A = arith.constant 0 : i32
      %dma_wait3A_54 = arith.constant 0 : i32
      %dma_wait3A_55 = tpu.memref_slice %arg6[%dma_wait3A, %dma_wait3A_54] : memref<160x128xi32, #tpu.memory_space<vmem>> -> memref<1x128xi32, #tpu.memory_space<vmem>>
      %dma_wait3A_56 = tpu.memref_squeeze %dma_wait3A_55 : memref<1x128xi32, #tpu.memory_space<vmem>> -> memref<128xi32, #tpu.memory_space<vmem>>
      %dma_wait3A_57 = arith.constant 0 : i32
      %dma_wait3A_58 = arith.constant 0 : i32
      %dma_wait3A_59 = tpu.memref_slice %arg12[%dma_wait3A_57, %dma_wait3A_58] : memref<10240x32xbf16, #tpu.memory_space<vmem_shared>> -> memref<10240x32xbf16, #tpu.memory_space<vmem_shared>>
      tpu.wait_indirect_dma semaphore(%arg14 : memref<!tpu.dma_semaphore, #tpu.memory_space<semaphore_mem>>) src(%dma_wait3A_59 : memref<10240x32xbf16, #tpu.memory_space<vmem_shared>>) dst(%arg8 : memref<128x32xbf16, #tpu.memory_space<vmem>>)
      %run_scoped3A = arith.constant 158 : i32
      "tpu.region"() ({
        %run_scoped3A_68 = tpu.sem_alloc : memref<!tpu.dma_semaphore, #tpu.memory_space<semaphore_mem>>
        %dma_start3A_69 = arith.constant 0 : i32
        %dma_start3A_70 = tpu.memref_slice %arg7[%run_scoped3A, %dma_start3A_69] : memref<160x128xi32, #tpu.memory_space<vmem>> -> memref<1x128xi32, #tpu.memory_space<vmem>>
        %dma_start3A_71 = tpu.memref_squeeze %dma_start3A_70 : memref<1x128xi32, #tpu.memory_space<vmem>> -> memref<128xi32, #tpu.memory_space<vmem>>
        %dma_start3A_72 = arith.constant 0 : i32
        %dma_start3A_73 = arith.constant 0 : i32
        %dma_start3A_74 = tpu.memref_slice %arg13[%dma_start3A_72, %dma_start3A_73] : memref<10240x32xbf16, #tpu.memory_space<vmem_shared>> -> memref<10240x32xbf16, #tpu.memory_space<vmem_shared>>
        tpu.enqueue_indirect_dma source(%arg8 : memref<128x32xbf16, #tpu.memory_space<vmem>>) target(%dma_start3A_74 : memref<10240x32xbf16, #tpu.memory_space<vmem_shared>>) offsets(%dma_start3A_71 : memref<128xi32, #tpu.memory_space<vmem>>) semaphore(%run_scoped3A_68 : memref<!tpu.dma_semaphore, #tpu.memory_space<semaphore_mem>>) {add = true}
        %dma_wait3A_75 = arith.constant 0 : i32
        %dma_wait3A_76 = tpu.memref_slice %arg7[%run_scoped3A, %dma_wait3A_75] : memref<160x128xi32, #tpu.memory_space<vmem>> -> memref<1x128xi32, #tpu.memory_space<vmem>>
        %dma_wait3A_77 = tpu.memref_squeeze %dma_wait3A_76 : memref<1x128xi32, #tpu.memory_space<vmem>> -> memref<128xi32, #tpu.memory_space<vmem>>
        %dma_wait3A_78 = arith.constant 0 : i32
        %dma_wait3A_79 = arith.constant 0 : i32
        %dma_wait3A_80 = tpu.memref_slice %arg13[%dma_wait3A_78, %dma_wait3A_79] : memref<10240x32xbf16, #tpu.memory_space<vmem_shared>> -> memref<10240x32xbf16, #tpu.memory_space<vmem_shared>>
        tpu.wait_indirect_dma semaphore(%run_scoped3A_68 : memref<!tpu.dma_semaphore, #tpu.memory_space<semaphore_mem>>) src(%arg8 : memref<128x32xbf16, #tpu.memory_space<vmem>>) dst(%dma_wait3A_80 : memref<10240x32xbf16, #tpu.memory_space<vmem_shared>>)
        tpu.yield
      }) : () -> ()
      %dma_wait3A_60 = arith.constant 1 : i32
      %dma_wait3A_61 = arith.constant 0 : i32
      %dma_wait3A_62 = tpu.memref_slice %arg6[%dma_wait3A_60, %dma_wait3A_61] : memref<160x128xi32, #tpu.memory_space<vmem>> -> memref<1x128xi32, #tpu.memory_space<vmem>>
      %dma_wait3A_63 = tpu.memref_squeeze %dma_wait3A_62 : memref<1x128xi32, #tpu.memory_space<vmem>> -> memref<128xi32, #tpu.memory_space<vmem>>
      %dma_wait3A_64 = arith.constant 0 : i32
      %dma_wait3A_65 = arith.constant 0 : i32
      %dma_wait3A_66 = tpu.memref_slice %arg12[%dma_wait3A_64, %dma_wait3A_65] : memref<10240x32xbf16, #tpu.memory_space<vmem_shared>> -> memref<10240x32xbf16, #tpu.memory_space<vmem_shared>>
      tpu.wait_indirect_dma semaphore(%arg15 : memref<!tpu.dma_semaphore, #tpu.memory_space<semaphore_mem>>) src(%dma_wait3A_66 : memref<10240x32xbf16, #tpu.memory_space<vmem_shared>>) dst(%arg9 : memref<128x32xbf16, #tpu.memory_space<vmem>>)
      %run_scoped3A_67 = arith.constant 159 : i32
      "tpu.region"() ({
        %run_scoped3A_68 = tpu.sem_alloc : memref<!tpu.dma_semaphore, #tpu.memory_space<semaphore_mem>>
        %dma_start3A_69 = arith.constant 0 : i32
        %dma_start3A_70 = tpu.memref_slice %arg7[%run_scoped3A_67, %dma_start3A_69] : memref<160x128xi32, #tpu.memory_space<vmem>> -> memref<1x128xi32, #tpu.memory_space<vmem>>
        %dma_start3A_71 = tpu.memref_squeeze %dma_start3A_70 : memref<1x128xi32, #tpu.memory_space<vmem>> -> memref<128xi32, #tpu.memory_space<vmem>>
        %dma_start3A_72 = arith.constant 0 : i32
        %dma_start3A_73 = arith.constant 0 : i32
        %dma_start3A_74 = tpu.memref_slice %arg13[%dma_start3A_72, %dma_start3A_73] : memref<10240x32xbf16, #tpu.memory_space<vmem_shared>> -> memref<10240x32xbf16, #tpu.memory_space<vmem_shared>>
        tpu.enqueue_indirect_dma source(%arg9 : memref<128x32xbf16, #tpu.memory_space<vmem>>) target(%dma_start3A_74 : memref<10240x32xbf16, #tpu.memory_space<vmem_shared>>) offsets(%dma_start3A_71 : memref<128xi32, #tpu.memory_space<vmem>>) semaphore(%run_scoped3A_68 : memref<!tpu.dma_semaphore, #tpu.memory_space<semaphore_mem>>) {add = true}
        %dma_wait3A_75 = arith.constant 0 : i32
        %dma_wait3A_76 = tpu.memref_slice %arg7[%run_scoped3A_67, %dma_wait3A_75] : memref<160x128xi32, #tpu.memory_space<vmem>> -> memref<1x128xi32, #tpu.memory_space<vmem>>
        %dma_wait3A_77 = tpu.memref_squeeze %dma_wait3A_76 : memref<1x128xi32, #tpu.memory_space<vmem>> -> memref<128xi32, #tpu.memory_space<vmem>>
        %dma_wait3A_78 = arith.constant 0 : i32
        %dma_wait3A_79 = arith.constant 0 : i32
        %dma_wait3A_80 = tpu.memref_slice %arg13[%dma_wait3A_78, %dma_wait3A_79] : memref<10240x32xbf16, #tpu.memory_space<vmem_shared>> -> memref<10240x32xbf16, #tpu.memory_space<vmem_shared>>
        tpu.wait_indirect_dma semaphore(%run_scoped3A_68 : memref<!tpu.dma_semaphore, #tpu.memory_space<semaphore_mem>>) src(%arg9 : memref<128x32xbf16, #tpu.memory_space<vmem>>) dst(%dma_wait3A_80 : memref<10240x32xbf16, #tpu.memory_space<vmem_shared>>)
        tpu.yield
      }) : () -> ()
    } else {
    }
    %barrier3A_34 = arith.constant 0 : index
    tpu.barrier barrier_id(%barrier3A_34)
    "tpu.region"() ({
      %run_scoped3A = tpu.sem_alloc : memref<!tpu.dma_semaphore, #tpu.memory_space<semaphore_mem>>
      %dma_start3A = arith.constant 0 : i32
      %dma_start3A_35 = tpu.memref_slice %arg5[%arg0, %mul3A_0, %dma_start3A] : memref<2x10240x32xbf16, #tpu.memory_space<hbm>> -> memref<1x640x32xbf16, #tpu.memory_space<hbm>>
      %dma_start3A_36 = tpu.memref_squeeze %dma_start3A_35 : memref<1x640x32xbf16, #tpu.memory_space<hbm>> -> memref<640x32xbf16, #tpu.memory_space<hbm>>
      %dma_start3A_37 = arith.constant 0 : i32
      %dma_start3A_38 = tpu.memref_slice %arg13[%mul3A_0, %dma_start3A_37] : memref<10240x32xbf16, #tpu.memory_space<vmem_shared>> -> memref<640x32xbf16, #tpu.memory_space<vmem_shared>>
      tpu.enqueue_dma source(%dma_start3A_38 : memref<640x32xbf16, #tpu.memory_space<vmem_shared>>) target(%dma_start3A_36 : memref<640x32xbf16, #tpu.memory_space<hbm>>) target_semaphore(%run_scoped3A : memref<!tpu.dma_semaphore, #tpu.memory_space<semaphore_mem>>)
      %dma_wait3A = arith.constant 0 : i32
      %dma_wait3A_39 = tpu.memref_slice %arg5[%arg0, %mul3A_0, %dma_wait3A] : memref<2x10240x32xbf16, #tpu.memory_space<hbm>> -> memref<1x640x32xbf16, #tpu.memory_space<hbm>>
      %dma_wait3A_40 = tpu.memref_squeeze %dma_wait3A_39 : memref<1x640x32xbf16, #tpu.memory_space<hbm>> -> memref<640x32xbf16, #tpu.memory_space<hbm>>
      %dma_wait3A_41 = arith.constant 0 : i32
      %dma_wait3A_42 = tpu.memref_slice %arg13[%mul3A_0, %dma_wait3A_41] : memref<10240x32xbf16, #tpu.memory_space<vmem_shared>> -> memref<640x32xbf16, #tpu.memory_space<vmem_shared>>
      tpu.wait_dma2 semaphore(%run_scoped3A : memref<!tpu.dma_semaphore, #tpu.memory_space<semaphore_mem>>) src(%dma_wait3A_42 : memref<640x32xbf16, #tpu.memory_space<vmem_shared>>) dst(%dma_wait3A_40 : memref<640x32xbf16, #tpu.memory_space<hbm>>)
      tpu.yield
    }) : () -> ()
    return
  }
}

module attributes {stable_mosaic.version = 14 : i64} {
  func.func @_entry_body(%arg0: i32, %arg1: memref<1x1024x16xf32, #tpu.memory_space<vmem>>, %arg2: memref<1x1024x16xf32, #tpu.memory_space<vmem>>, %arg3: memref<1024x128xf32, #tpu.memory_space<vmem>>, %arg4: memref<2x128x32xf32, #tpu.memory_space<vmem>>, %arg5: memref<1024x1xf32, #tpu.memory_space<vmem>>, %arg6: memref<8x128xf32, #tpu.memory_space<vmem>>, %arg7: memref<2x1024x32xbf16, #tpu.memory_space<vmem>>) attributes {dimension_semantics = [#tpu.dimension_semantics<arbitrary>], iteration_bounds = array<i64: 10>, scalar_prefetch = 0 : i64, scratch_operands = 0 : i64, tpu.core_type = #tpu.core_type<tc>, window_params = [{transform_indices = @transform_0, window_bounds = array<i64: 1, 1024, 16>}, {transform_indices = @transform_1, window_bounds = array<i64: 1, 1024, 16>}, {transform_indices = @transform_2, window_bounds = array<i64: 1024, 128>}, {pipeline_mode = #tpu.pipeline_mode<synchronous>, transform_indices = @transform_3, window_bounds = array<i64: 2, 128, 32>}, {transform_indices = @transform_4, window_bounds = array<i64: 1024, 1>}, {transform_indices = @transform_5, window_bounds = array<i64: 8, 128>}, {transform_indices = @transform_6, window_bounds = array<i64: 2, 1024, 32>}]} {
    %get3A = arith.constant 0 : index
    %get3A_0 = arith.constant 0 : index
    %get3A_1 = arith.constant 0 : index
    %get3A_2 = vector.load %arg1[%get3A, %get3A_0, %get3A_1] : memref<1x1024x16xf32, #tpu.memory_space<vmem>>, vector<1x1024x1xf32>
    %get3A_3 = vector.shape_cast %get3A_2 : vector<1x1024x1xf32> to vector<1024x1xf32>
    %get3A_4 = arith.constant 0 : index
    %get3A_5 = arith.constant 0 : index
    %get3A_6 = arith.constant 0 : index
    %get3A_7 = vector.load %arg2[%get3A_4, %get3A_5, %get3A_6] : memref<1x1024x16xf32, #tpu.memory_space<vmem>>, vector<1x1024x1xf32>
    %get3A_8 = vector.shape_cast %get3A_7 : vector<1x1024x1xf32> to vector<1024x1xf32>
    %add3A = arith.addf %get3A_3, %get3A_8 : vector<1024x1xf32>
    %sub3A = arith.constant 1.000000e+00 : f32
    %sub3A_9 = vector.broadcast %sub3A : f32 to vector<1024x1xf32>
    %sub3A_10 = arith.subf %add3A, %sub3A_9 : vector<1024x1xf32>
    %rsqrt3A = math.rsqrt %sub3A_10 : vector<1024x1xf32>
    %swap3A = arith.constant 0 : index
    %swap3A_11 = arith.constant 0 : index
    %swap3A_12 = vector.load %arg5[%swap3A, %swap3A_11] : memref<1024x1xf32, #tpu.memory_space<vmem>>, vector<1024x1xf32>
    tpu.vector_store %arg5[%swap3A, %swap3A_11], %rsqrt3A {strides = array<i32>} : memref<1024x1xf32, #tpu.memory_space<vmem>>, vector<1024x1xf32>,
    %reshape3A = vector.shape_cast %rsqrt3A : vector<1024x1xf32> to vector<8x128xf32>
    %swap3A_13 = arith.constant 0 : index
    %swap3A_14 = arith.constant 0 : index
    %swap3A_15 = vector.load %arg6[%swap3A_13, %swap3A_14] : memref<8x128xf32, #tpu.memory_space<vmem>>, vector<8x128xf32>
    tpu.vector_store %arg6[%swap3A_13, %swap3A_14], %reshape3A {strides = array<i32>} : memref<8x128xf32, #tpu.memory_space<vmem>>, vector<8x128xf32>,
    %get3A_16 = arith.constant 0 : index
    %get3A_17 = arith.constant 0 : index
    %get3A_18 = vector.load %arg3[%get3A_16, %get3A_17] : memref<1024x128xf32, #tpu.memory_space<vmem>>, vector<1024x128xf32>
    %get3A_19 = arith.constant 0 : index
    %get3A_20 = arith.constant 0 : index
    %get3A_21 = arith.constant 0 : index
    %get3A_22 = vector.load %arg4[%get3A_19, %get3A_20, %get3A_21] : memref<2x128x32xf32, #tpu.memory_space<vmem>>, vector<1x128x32xf32>
    %get3A_23 = vector.shape_cast %get3A_22 : vector<1x128x32xf32> to vector<128x32xf32>
    %dot_general3A = arith.constant dense<0.000000e+00> : vector<1024x32xf32>
    %dot_general3A_24 = tpu.matmul %get3A_18, %get3A_23, %dot_general3A {dimension_numbers = #tpu.dot_dimension_numbers<[1], [0], [0], [1], [0, 0, 1, 1], [], []>, transpose_lhs_hint = false} : vector<1024x128xf32>, vector<128x32xf32>, vector<1024x32xf32> -> vector<1024x32xf32>
    %mul3A = vector.broadcast %rsqrt3A : vector<1024x1xf32> to vector<1024x32xf32>
    %mul3A_25 = arith.mulf %dot_general3A_24, %mul3A : vector<1024x32xf32>
    %convert_element_type3A = arith.truncf %mul3A_25 : vector<1024x32xf32> to vector<1024x32xbf16>
    %swap3A_26 = arith.constant 0 : index
    %swap3A_27 = arith.constant 0 : index
    %swap3A_28 = arith.constant 0 : index
    %swap3A_29 = vector.load %arg7[%swap3A_26, %swap3A_27, %swap3A_28] : memref<2x1024x32xbf16, #tpu.memory_space<vmem>>, vector<1x1024x32xbf16>
    %swap3A_30 = vector.shape_cast %swap3A_29 : vector<1x1024x32xbf16> to vector<1024x32xbf16>
    %swap3A_31 = vector.shape_cast %convert_element_type3A : vector<1024x32xbf16> to vector<1x1024x32xbf16>
    tpu.vector_store %arg7[%swap3A_26, %swap3A_27, %swap3A_28], %swap3A_31 {strides = array<i32>} : memref<2x1024x32xbf16, #tpu.memory_space<vmem>>, vector<1x1024x32xbf16>,
    %get3A_32 = arith.constant 0 : index
    %get3A_33 = arith.constant 0 : index
    %get3A_34 = vector.load %arg3[%get3A_32, %get3A_33] : memref<1024x128xf32, #tpu.memory_space<vmem>>, vector<1024x128xf32>
    %get3A_35 = arith.constant 1 : index
    %get3A_36 = arith.constant 0 : index
    %get3A_37 = arith.constant 0 : index
    %get3A_38 = vector.load %arg4[%get3A_35, %get3A_36, %get3A_37] : memref<2x128x32xf32, #tpu.memory_space<vmem>>, vector<1x128x32xf32>
    %get3A_39 = vector.shape_cast %get3A_38 : vector<1x128x32xf32> to vector<128x32xf32>
    %dot_general3A_40 = arith.constant dense<0.000000e+00> : vector<1024x32xf32>
    %dot_general3A_41 = tpu.matmul %get3A_34, %get3A_39, %dot_general3A_40 {dimension_numbers = #tpu.dot_dimension_numbers<[1], [0], [0], [1], [0, 0, 1, 1], [], []>, transpose_lhs_hint = false} : vector<1024x128xf32>, vector<128x32xf32>, vector<1024x32xf32> -> vector<1024x32xf32>
    %mul3A_42 = vector.broadcast %rsqrt3A : vector<1024x1xf32> to vector<1024x32xf32>
    %mul3A_43 = arith.mulf %dot_general3A_41, %mul3A_42 : vector<1024x32xf32>
    %convert_element_type3A_44 = arith.truncf %mul3A_43 : vector<1024x32xf32> to vector<1024x32xbf16>
    %swap3A_45 = arith.constant 1 : index
    %swap3A_46 = arith.constant 0 : index
    %swap3A_47 = arith.constant 0 : index
    %swap3A_48 = vector.load %arg7[%swap3A_45, %swap3A_46, %swap3A_47] : memref<2x1024x32xbf16, #tpu.memory_space<vmem>>, vector<1x1024x32xbf16>
    %swap3A_49 = vector.shape_cast %swap3A_48 : vector<1x1024x32xbf16> to vector<1024x32xbf16>
    %swap3A_50 = vector.shape_cast %convert_element_type3A_44 : vector<1024x32xbf16> to vector<1x1024x32xbf16>
    tpu.vector_store %arg7[%swap3A_45, %swap3A_46, %swap3A_47], %swap3A_50 {strides = array<i32>} : memref<2x1024x32xbf16, #tpu.memory_space<vmem>>, vector<1x1024x32xbf16>,
    return
  }
  func.func @transform_0(%arg0: i32) -> (i32, i32, i32) {
    %c0_i32 = arith.constant 0 : i32
    %c0_i32_0 = arith.constant 0 : i32
    %c0_i32_1 = arith.constant 0 : i32
    return %c0_i32, %arg0, %c0_i32_0 : i32, i32, i32
  }
  func.func @transform_1(%arg0: i32) -> (i32, i32, i32) {
    %c1_i32 = arith.constant 1 : i32
    %c0_i32 = arith.constant 0 : i32
    %c0_i32_0 = arith.constant 0 : i32
    return %c1_i32, %arg0, %c0_i32 : i32, i32, i32
  }
  func.func @transform_2(%arg0: i32) -> (i32, i32) {
    %c0_i32 = arith.constant 0 : i32
    %c0_i32_0 = arith.constant 0 : i32
    return %arg0, %c0_i32 : i32, i32
  }
  func.func @transform_3(%arg0: i32) -> (i32, i32, i32) {
    %c0_i32 = arith.constant 0 : i32
    %c0_i32_0 = arith.constant 0 : i32
    %c0_i32_1 = arith.constant 0 : i32
    %c0_i32_2 = arith.constant 0 : i32
    return %c0_i32, %c0_i32_0, %c0_i32_1 : i32, i32, i32
  }
  func.func @transform_4(%arg0: i32) -> (i32, i32) {
    %c0_i32 = arith.constant 0 : i32
    %c0_i32_0 = arith.constant 0 : i32
    return %arg0, %c0_i32 : i32, i32
  }
  func.func @transform_5(%arg0: i32) -> (i32, i32) {
    %c0_i32 = arith.constant 0 : i32
    %c0_i32_0 = arith.constant 0 : i32
    return %arg0, %c0_i32 : i32, i32
  }
  func.func @transform_6(%arg0: i32) -> (i32, i32, i32) {
    %c0_i32 = arith.constant 0 : i32
    %c0_i32_0 = arith.constant 0 : i32
    %c0_i32_1 = arith.constant 0 : i32
    return %c0_i32, %arg0, %c0_i32_0 : i32, i32, i32
  }
}

module attributes {stable_mosaic.version = 14 : i64} {
  func.func @_mid_body(%arg0: i32, %arg1: memref<2x1024x32xbf16, #tpu.memory_space<vmem>>, %arg2: memref<1024x1xf32, #tpu.memory_space<vmem>>, %arg3: memref<1x64xf32, #tpu.memory_space<vmem>>, %arg4: memref<2x64x32xf32, #tpu.memory_space<vmem>>, %arg5: memref<2x1024x32xbf16, #tpu.memory_space<vmem>>) attributes {dimension_semantics = [#tpu.dimension_semantics<arbitrary>], iteration_bounds = array<i64: 10>, scalar_prefetch = 0 : i64, scratch_operands = 0 : i64, tpu.core_type = #tpu.core_type<tc>, window_params = [{transform_indices = @transform_0, window_bounds = array<i64: 2, 1024, 32>}, {transform_indices = @transform_1, window_bounds = array<i64: 1024, 1>}, {pipeline_mode = #tpu.pipeline_mode<synchronous>, transform_indices = @transform_2, window_bounds = array<i64: 1, 64>}, {pipeline_mode = #tpu.pipeline_mode<synchronous>, transform_indices = @transform_3, window_bounds = array<i64: 2, 64, 32>}, {transform_indices = @transform_4, window_bounds = array<i64: 2, 1024, 32>}]} {
    %get3A = arith.constant 0 : index
    %get3A_0 = arith.constant 0 : index
    %get3A_1 = vector.load %arg2[%get3A, %get3A_0] : memref<1024x1xf32, #tpu.memory_space<vmem>>, vector<1024x1xf32>
    %get3A_2 = arith.constant 0 : index
    %get3A_3 = arith.constant 0 : index
    %get3A_4 = arith.constant 0 : index
    %get3A_5 = vector.load %arg1[%get3A_2, %get3A_3, %get3A_4] : memref<2x1024x32xbf16, #tpu.memory_space<vmem>>, vector<1x1024x32xbf16>
    %get3A_6 = vector.shape_cast %get3A_5 : vector<1x1024x32xbf16> to vector<1024x32xbf16>
    %get3A_7 = arith.constant 1 : index
    %get3A_8 = arith.constant 0 : index
    %get3A_9 = arith.constant 0 : index
    %get3A_10 = vector.load %arg1[%get3A_7, %get3A_8, %get3A_9] : memref<2x1024x32xbf16, #tpu.memory_space<vmem>>, vector<1x1024x32xbf16>
    %get3A_11 = vector.shape_cast %get3A_10 : vector<1x1024x32xbf16> to vector<1024x32xbf16>
    %concatenate3A = tpu.concatenate %get3A_6, %get3A_11 in 1 : vector<1024x32xbf16>, vector<1024x32xbf16> -> vector<1024x64xbf16>
    %convert_element_type3A = arith.extf %concatenate3A : vector<1024x64xbf16> to vector<1024x64xf32>
    %mul3A = vector.broadcast %get3A_1 : vector<1024x1xf32> to vector<1024x64xf32>
    %mul3A_12 = arith.mulf %convert_element_type3A, %mul3A : vector<1024x64xf32>
    %get3A_13 = arith.constant 0 : index
    %get3A_14 = arith.constant 0 : index
    %get3A_15 = vector.load %arg3[%get3A_13, %get3A_14] : memref<1x64xf32, #tpu.memory_space<vmem>>, vector<1x64xf32>
    %add3A = vector.broadcast %get3A_15 : vector<1x64xf32> to vector<1024x64xf32>
    %add3A_16 = arith.addf %mul3A_12, %add3A : vector<1024x64xf32>
    %max3A = arith.constant 0.000000e+00 : f32
    %max3A_17 = vector.broadcast %max3A : f32 to vector<1024x64xf32>
    %max3A_18 = arith.maximumf %add3A_16, %max3A_17 : vector<1024x64xf32>
    %get3A_19 = arith.constant 0 : index
    %get3A_20 = arith.constant 0 : index
    %get3A_21 = arith.constant 0 : index
    %get3A_22 = vector.load %arg4[%get3A_19, %get3A_20, %get3A_21] : memref<2x64x32xf32, #tpu.memory_space<vmem>>, vector<1x64x32xf32>
    %get3A_23 = vector.shape_cast %get3A_22 : vector<1x64x32xf32> to vector<64x32xf32>
    %dot_general3A = arith.constant dense<0.000000e+00> : vector<1024x32xf32>
    %dot_general3A_24 = tpu.matmul %max3A_18, %get3A_23, %dot_general3A {dimension_numbers = #tpu.dot_dimension_numbers<[1], [0], [0], [1], [0, 0, 1, 1], [], []>, transpose_lhs_hint = false} : vector<1024x64xf32>, vector<64x32xf32>, vector<1024x32xf32> -> vector<1024x32xf32>
    %mul3A_25 = vector.broadcast %get3A_1 : vector<1024x1xf32> to vector<1024x32xf32>
    %mul3A_26 = arith.mulf %dot_general3A_24, %mul3A_25 : vector<1024x32xf32>
    %convert_element_type3A_27 = arith.truncf %mul3A_26 : vector<1024x32xf32> to vector<1024x32xbf16>
    %swap3A = arith.constant 0 : index
    %swap3A_28 = arith.constant 0 : index
    %swap3A_29 = arith.constant 0 : index
    %swap3A_30 = vector.load %arg5[%swap3A, %swap3A_28, %swap3A_29] : memref<2x1024x32xbf16, #tpu.memory_space<vmem>>, vector<1x1024x32xbf16>
    %swap3A_31 = vector.shape_cast %swap3A_30 : vector<1x1024x32xbf16> to vector<1024x32xbf16>
    %swap3A_32 = vector.shape_cast %convert_element_type3A_27 : vector<1024x32xbf16> to vector<1x1024x32xbf16>
    tpu.vector_store %arg5[%swap3A, %swap3A_28, %swap3A_29], %swap3A_32 {strides = array<i32>} : memref<2x1024x32xbf16, #tpu.memory_space<vmem>>, vector<1x1024x32xbf16>,
    %get3A_33 = arith.constant 1 : index
    %get3A_34 = arith.constant 0 : index
    %get3A_35 = arith.constant 0 : index
    %get3A_36 = vector.load %arg4[%get3A_33, %get3A_34, %get3A_35] : memref<2x64x32xf32, #tpu.memory_space<vmem>>, vector<1x64x32xf32>
    %get3A_37 = vector.shape_cast %get3A_36 : vector<1x64x32xf32> to vector<64x32xf32>
    %dot_general3A_38 = arith.constant dense<0.000000e+00> : vector<1024x32xf32>
    %dot_general3A_39 = tpu.matmul %max3A_18, %get3A_37, %dot_general3A_38 {dimension_numbers = #tpu.dot_dimension_numbers<[1], [0], [0], [1], [0, 0, 1, 1], [], []>, transpose_lhs_hint = false} : vector<1024x64xf32>, vector<64x32xf32>, vector<1024x32xf32> -> vector<1024x32xf32>
    %mul3A_40 = vector.broadcast %get3A_1 : vector<1024x1xf32> to vector<1024x32xf32>
    %mul3A_41 = arith.mulf %dot_general3A_39, %mul3A_40 : vector<1024x32xf32>
    %convert_element_type3A_42 = arith.truncf %mul3A_41 : vector<1024x32xf32> to vector<1024x32xbf16>
    %swap3A_43 = arith.constant 1 : index
    %swap3A_44 = arith.constant 0 : index
    %swap3A_45 = arith.constant 0 : index
    %swap3A_46 = vector.load %arg5[%swap3A_43, %swap3A_44, %swap3A_45] : memref<2x1024x32xbf16, #tpu.memory_space<vmem>>, vector<1x1024x32xbf16>
    %swap3A_47 = vector.shape_cast %swap3A_46 : vector<1x1024x32xbf16> to vector<1024x32xbf16>
    %swap3A_48 = vector.shape_cast %convert_element_type3A_42 : vector<1024x32xbf16> to vector<1x1024x32xbf16>
    tpu.vector_store %arg5[%swap3A_43, %swap3A_44, %swap3A_45], %swap3A_48 {strides = array<i32>} : memref<2x1024x32xbf16, #tpu.memory_space<vmem>>, vector<1x1024x32xbf16>,
    return
  }
  func.func @transform_0(%arg0: i32) -> (i32, i32, i32) {
    %c0_i32 = arith.constant 0 : i32
    %c0_i32_0 = arith.constant 0 : i32
    %c0_i32_1 = arith.constant 0 : i32
    return %c0_i32, %arg0, %c0_i32_0 : i32, i32, i32
  }
  func.func @transform_1(%arg0: i32) -> (i32, i32) {
    %c0_i32 = arith.constant 0 : i32
    %c0_i32_0 = arith.constant 0 : i32
    return %arg0, %c0_i32 : i32, i32
  }
  func.func @transform_2(%arg0: i32) -> (i32, i32) {
    %c0_i32 = arith.constant 0 : i32
    %c0_i32_0 = arith.constant 0 : i32
    %c0_i32_1 = arith.constant 0 : i32
    return %c0_i32, %c0_i32_0 : i32, i32
  }
  func.func @transform_3(%arg0: i32) -> (i32, i32, i32) {
    %c0_i32 = arith.constant 0 : i32
    %c0_i32_0 = arith.constant 0 : i32
    %c0_i32_1 = arith.constant 0 : i32
    %c0_i32_2 = arith.constant 0 : i32
    return %c0_i32, %c0_i32_0, %c0_i32_1 : i32, i32, i32
  }
  func.func @transform_4(%arg0: i32) -> (i32, i32, i32) {
    %c0_i32 = arith.constant 0 : i32
    %c0_i32_0 = arith.constant 0 : i32
    %c0_i32_1 = arith.constant 0 : i32
    return %c0_i32, %arg0, %c0_i32_0 : i32, i32, i32
  }
}

module attributes {stable_mosaic.version = 14 : i64} {
  func.func @_final_body(%arg0: i32, %arg1: memref<2x1024x32xbf16, #tpu.memory_space<vmem>>, %arg2: memref<1024x1xf32, #tpu.memory_space<vmem>>, %arg3: memref<1x64xf32, #tpu.memory_space<vmem>>, %arg4: memref<1024x40xf32, #tpu.memory_space<vmem>>) attributes {dimension_semantics = [#tpu.dimension_semantics<arbitrary>], iteration_bounds = array<i64: 10>, scalar_prefetch = 0 : i64, scratch_operands = 0 : i64, tpu.core_type = #tpu.core_type<tc>, window_params = [{transform_indices = @transform_0, window_bounds = array<i64: 2, 1024, 32>}, {transform_indices = @transform_1, window_bounds = array<i64: 1024, 1>}, {pipeline_mode = #tpu.pipeline_mode<synchronous>, transform_indices = @transform_2, window_bounds = array<i64: 1, 64>}, {transform_indices = @transform_3, window_bounds = array<i64: 1024, 40>}]} {
    %get3A = arith.constant 0 : index
    %get3A_0 = arith.constant 0 : index
    %get3A_1 = arith.constant 0 : index
    %get3A_2 = vector.load %arg1[%get3A, %get3A_0, %get3A_1] : memref<2x1024x32xbf16, #tpu.memory_space<vmem>>, vector<1x1024x32xbf16>
    %get3A_3 = vector.shape_cast %get3A_2 : vector<1x1024x32xbf16> to vector<1024x32xbf16>
    %get3A_4 = arith.constant 1 : index
    %get3A_5 = arith.constant 0 : index
    %get3A_6 = arith.constant 0 : index
    %get3A_7 = vector.load %arg1[%get3A_4, %get3A_5, %get3A_6] : memref<2x1024x32xbf16, #tpu.memory_space<vmem>>, vector<1x1024x32xbf16>
    %get3A_8 = vector.shape_cast %get3A_7 : vector<1x1024x32xbf16> to vector<1024x32xbf16>
    %concatenate3A = tpu.concatenate %get3A_3, %get3A_8 in 1 : vector<1024x32xbf16>, vector<1024x32xbf16> -> vector<1024x64xbf16>
    %convert_element_type3A = arith.extf %concatenate3A : vector<1024x64xbf16> to vector<1024x64xf32>
    %get3A_9 = arith.constant 0 : index
    %get3A_10 = arith.constant 0 : index
    %get3A_11 = vector.load %arg2[%get3A_9, %get3A_10] : memref<1024x1xf32, #tpu.memory_space<vmem>>, vector<1024x1xf32>
    %mul3A = vector.broadcast %get3A_11 : vector<1024x1xf32> to vector<1024x64xf32>
    %mul3A_12 = arith.mulf %convert_element_type3A, %mul3A : vector<1024x64xf32>
    %get3A_13 = arith.constant 0 : index
    %get3A_14 = arith.constant 0 : index
    %get3A_15 = vector.load %arg3[%get3A_13, %get3A_14] : memref<1x64xf32, #tpu.memory_space<vmem>>, vector<1x64xf32>
    %add3A = vector.broadcast %get3A_15 : vector<1x64xf32> to vector<1024x64xf32>
    %add3A_16 = arith.addf %mul3A_12, %add3A : vector<1024x64xf32>
    %slice3A = vector.extract_strided_slice %add3A_16 {offsets = [0, 0], sizes = [1024, 40], strides = [1, 1]} : vector<1024x64xf32> to vector<1024x40xf32>
    %reduce_max3A = arith.constant dense<0xFF800000> : vector<1024xf32>
    %reduce_max3A_17 = vector.multi_reduction <maximumf>, %slice3A, %reduce_max3A [1] : vector<1024x40xf32> to vector<1024xf32>
    %broadcast_in_dim3A = vector.shape_cast %reduce_max3A_17 : vector<1024xf32> to vector<1024x1xf32>
    %sub3A = vector.broadcast %broadcast_in_dim3A : vector<1024x1xf32> to vector<1024x40xf32>
    %sub3A_18 = arith.subf %slice3A, %sub3A : vector<1024x40xf32>
    %exp3A = math.exp %sub3A_18 : vector<1024x40xf32>
    %reduce_sum3A = arith.constant dense<0.000000e+00> : vector<1024xf32>
    %reduce_sum3A_19 = vector.multi_reduction <add>, %exp3A, %reduce_sum3A [1] : vector<1024x40xf32> to vector<1024xf32>
    %broadcast_in_dim3A_20 = vector.shape_cast %reduce_sum3A_19 : vector<1024xf32> to vector<1024x1xf32>
    %log3A = math.log %broadcast_in_dim3A_20 : vector<1024x1xf32>
    %sub3A_21 = vector.broadcast %log3A : vector<1024x1xf32> to vector<1024x40xf32>
    %sub3A_22 = arith.subf %sub3A_18, %sub3A_21 : vector<1024x40xf32>
    %swap3A = arith.constant 0 : index
    %swap3A_23 = arith.constant 0 : index
    %swap3A_24 = vector.load %arg4[%swap3A, %swap3A_23] : memref<1024x40xf32, #tpu.memory_space<vmem>>, vector<1024x40xf32>
    tpu.vector_store %arg4[%swap3A, %swap3A_23], %sub3A_22 {strides = array<i32>} : memref<1024x40xf32, #tpu.memory_space<vmem>>, vector<1024x40xf32>,
    return
  }
  func.func @transform_0(%arg0: i32) -> (i32, i32, i32) {
    %c0_i32 = arith.constant 0 : i32
    %c0_i32_0 = arith.constant 0 : i32
    %c0_i32_1 = arith.constant 0 : i32
    return %c0_i32, %arg0, %c0_i32_0 : i32, i32, i32
  }
  func.func @transform_1(%arg0: i32) -> (i32, i32) {
    %c0_i32 = arith.constant 0 : i32
    %c0_i32_0 = arith.constant 0 : i32
    return %arg0, %c0_i32 : i32, i32
  }
  func.func @transform_2(%arg0: i32) -> (i32, i32) {
    %c0_i32 = arith.constant 0 : i32
    %c0_i32_0 = arith.constant 0 : i32
    %c0_i32_1 = arith.constant 0 : i32
    return %c0_i32, %c0_i32_0 : i32, i32
  }
  func.func @transform_3(%arg0: i32) -> (i32, i32) {
    %c0_i32 = arith.constant 0 : i32
    %c0_i32_0 = arith.constant 0 : i32
    return %arg0, %c0_i32 : i32, i32
  }
}

</mosaic_0001>

<sc_bundles>
// kernel: kernel.11.cloned.1.call-start
scs
__scs_entry_jumppad:
0x0: {  	(pc) =	sbr.rel $0x88, $3  }
0x1: {  	(tag) =	ssettag $0x0;
	lr =	simm.s32 $0x1  }
0x2: {  	[smem:$0x3F9B] =	sst lr;
	_ =	strace $0xD0000000  }
0x3: {  	_ = 	snop  }
0x4: {  	_ = 	snop  }
0x5: {  	_ = 	snop  }
0x6: {  	_ = 	snop  }
0x7: {  	_ = 	snop  }
__scs_overlays_trampoline_lowered:
0x8: {  	[smem:$0x3FAA] =	sst s0  }
0x9: {  	[smem:$0x3FAB] =	sst s1  }
0xa: {  	[smem:$0x3FAC] =	sst s2  }
0xb: {  	[smem:$0x3FAD] =	sst s3  }
0xc: {  	[smem:$0x3FAE] =	sst s4  }
0xd: {  	[smem:$0x3FAF] =	sst s5  }
0xe: {  	[smem:$0x3FB0] =	sst s6  }
0xf: {  	[smem:$0x3FB1] =	sst s7  }
0x10: {  	[smem:$0x3FB2] =	sst s8  }
0x11: {  	[smem:$0x3FB3] =	sst s9;
	s0 =	simm.s32 @!p0 $0x0  }
0x12: {  	s1 =	sld [smem:$0x3F99];
	s0 =	simm.s32 @p0 $0x1  }
0x13: {  	[smem:$0x3FB4] =	sst s0;
	s0 =	simm.s32 @!p1 $0x0  }
0x14: {  	s2 =	sld [smem:$0x3F98];
	s0 =	simm.s32 @p1 $0x1  }
0x15: {  	[smem:$0x3FB5] =	sst s0;
	s0 =	simm.s32 @!p2 $0x0  }
0x16: {  	s3 =	sld [smem:$0x3FDB];
	s0 =	simm.s32 @p2 $0x1  }
0x17: {  	s4 =	simm.s32 $0x1BF5;
	[smem:$0x3FB7] =	sst s0  }
0x18: {  	s0 =	sld [smem:$0x3F9A];
	_ =	swait.ge [sflag:s4], $0x0  }
0x19: {  	s7 =	sld [smem:$0x3F9B]  }
0x1a: {  	s8 =	sadd.s32 $0xFFFFE003, lr  }
0x1b: {  	s9 =	sadd.s32 $0xFFFFFEF7, lr;
	s5 =	simm.s32 $0xFFFFFFFF;
	p2 =	slt.u32 s8, $0xFFFFF086  }
0x1c: {  	p1 =	slt.u32 s9, $0xF7A;
	s5 =	simm.s32 @!p2 $0x0  }
0x1d: {  	s5 =	simm.s32 @p1 $0x1;
	p0 =	seq.s32 s7, s2  }
0x1e: {  	s7 =	smul.u32 @!p0 $0xF7A, s2;
	p2 =	seq.s32 @!p0 s5, $0x0  }
0x1f: {  	s9 =	smul.u32 $0xF7A, s1;
	s8 =	simm.s32 @!p0 $0x1BF5;
	p2 =	por !p2, p0  }
0x20: {  	[sflag:s8] =	ssyncset.s32 @!p0 $0xFFFFF086;
	s6 =	sadd.s32 @!p0 s3, s7;
	s7 =	simm.s32 @!p0 $0x108  }
0x21: {  	s3 =	sadd.s32 s3, s9;
	s6 =	sadd.s32 @!p0 $0x88, s6;
	s7 =	simm.s32 @p2 $0x1082  }
0x22: {  	[simem:s7], [sflag:s8] =	dma.local @!p0 [hbm:s6], $0xF7A  }
0x23: {  	s9 =	sor.u32 $0xD0000000, s2;
	s6 =	simm.s32 $0x108;
	_ =	swait.ge @!p0 [sflag:s8], $0x0  }
0x24: {  	s3 =	sadd.s32 $0x88, s3;
	s6 =	simm.s32 @!p1 $0x1082;
	[sflag:s4] =	ssyncset.s32 $0xFFFFF086  }
0x25: {  	[simem:s6], [sflag:s4] =	dma.local [hbm:s3], $0xF7A  }
0x26: {  	[smem:$0x3F9B] =	sst s1;
	(tag) =	ssettag s2;
	_ =	strace s9  }
0x27: {  	s1 =	sld [smem:$0x3FAB]  }
0x28: {  	s2 =	sld [smem:$0x3FAC]  }
0x29: {  	s4 =	sld [smem:$0x3FAE]  }
0x2a: {  	p0 =	seq.s32 s5, $0x0;
	s5 =	sld [smem:$0x3FAF]  }
0x2b: {  	s6 =	sld [smem:$0x3FB0]  }
0x2c: {  	s7 =	sld [smem:$0x3FB1]  }
0x2d: {  	s3 =	simm.s32 $0x108;
	s8 =	sld [smem:$0x3FB2]  }
0x2e: {  	s3 =	simm.s32 @!p0 $0x1082;
	s9 =	sld [smem:$0x3FB3]  }
0x2f: {  	lr =	sadd.s32 s0, s3;
	s0 =	sld [smem:$0x3FAA]  }
0x30: {  	s3 =	sld [smem:$0x3FAD]  }
0x31: {  	[smem:$0x3FB6] =	sst s10  }
0x32: {  	s10 =	sld [smem:$0x3FB4];
	_ =	sdelay $0x3  }
0x33: {  	p0 =	seq.s32 s10, $0x1;
	s10 =	sld [smem:$0x3FB6];
	_ =	sdelay $0x3  }
0x34: {  	[smem:$0x3FB6] =	sst s10  }
0x35: {  	s10 =	sld [smem:$0x3FB5];
	_ =	sdelay $0x3  }
0x36: {  	p1 =	seq.s32 s10, $0x1;
	s10 =	sld [smem:$0x3FB6];
	_ =	sdelay $0x3  }
0x37: {  	[smem:$0x3FB6] =	sst s10  }
0x38: {  	s10 =	sld [smem:$0x3FB7]  }
0x39: {  	_ = 	snop;
	(pc) =	sbr.ind lr, $3  }
0x3a: {  	_ = 	snop  }
0x3b: {  	_ = 	snop  }
0x3c: {  	p2 =	seq.s32 s10, $0x1;
	s10 =	sld [smem:$0x3FB6]  }
0x3d: {  	_ =	shalt  }
0x3e: {  	_ =	shalt  }
0x3f: {  	_ =	shalt  }
0x40: {  	_ =	shalt  }
0x41: {  	_ =	shalt  }
0x42: {  	_ =	shalt  }
0x43: {  	_ =	shalt  }
0x44: {  	_ =	shalt  }
0x45: {  	_ =	shalt  }
0x46: {  	_ =	shalt  }
0x47: {  	_ =	shalt  }
0x48: {  	_ =	shalt  }
0x49: {  	_ =	shalt  }
0x4a: {  	_ =	shalt  }
0x4b: {  	_ =	shalt  }
0x4c: {  	_ =	shalt  }
0x4d: {  	_ =	shalt  }
0x4e: {  	_ =	shalt  }
0x4f: {  	_ =	shalt  }
0x50: {  	_ =	shalt  }
0x51: {  	_ =	shalt  }
0x52: {  	_ =	shalt  }
0x53: {  	_ =	shalt  }
0x54: {  	_ =	shalt  }
0x55: {  	_ =	shalt  }
0x56: {  	_ =	shalt  }
0x57: {  	_ =	shalt  }
0x58: {  	_ =	shalt  }
0x59: {  	_ =	shalt  }
0x5a: {  	_ =	shalt  }
0x5b: {  	_ =	shalt  }
0x5c: {  	_ =	shalt  }
0x5d: {  	_ =	shalt  }
0x5e: {  	_ =	shalt  }
0x5f: {  	_ =	shalt  }
0x60: {  	_ =	shalt  }
0x61: {  	_ =	shalt  }
0x62: {  	_ =	shalt  }
0x63: {  	_ =	shalt  }
0x64: {  	_ =	shalt  }
0x65: {  	_ =	shalt  }
0x66: {  	_ =	shalt  }
0x67: {  	_ =	shalt  }
0x68: {  	_ =	shalt  }
0x69: {  	_ =	shalt  }
0x6a: {  	_ =	shalt  }
0x6b: {  	_ =	shalt  }
0x6c: {  	_ =	shalt  }
0x6d: {  	_ =	shalt  }
0x6e: {  	_ =	shalt  }
0x6f: {  	_ =	shalt  }
0x70: {  	_ =	shalt  }
0x71: {  	_ =	shalt  }
0x72: {  	_ =	shalt  }
0x73: {  	_ =	shalt  }
0x74: {  	_ =	shalt  }
0x75: {  	_ =	shalt  }
0x76: {  	_ =	shalt  }
0x77: {  	_ =	shalt  }
0x78: {  	_ =	shalt  }
0x79: {  	_ =	shalt  }
0x7a: {  	_ =	shalt  }
0x7b: {  	_ =	shalt  }
0x7c: {  	_ =	shalt  }
0x7d: {  	_ =	shalt  }
0x7e: {  	_ =	shalt  }
0x7f: {  	_ =	shalt  }
0x80: {  	_ =	shalt  }
0x81: {  	_ =	shalt  }
0x82: {  	_ =	shalt  }
0x83: {  	_ =	shalt  }
0x84: {  	_ =	shalt  }
0x85: {  	_ =	shalt  }
0x86: {  	_ =	shalt  }
0x87: {  	_ =	shalt  }
.Lfunc_end0:
.L_simem_size_0:
called_computation.1_lowered:
.L_overlay_start_0:
0x88: {  	s2 =	sld [smem:$0x3FD9]  }
0x89: {  	s3 =	sld [smem:$0x3FFE];
	_ =	sdelay $0x1  }
0x8a: {  	s1 =	srdreg.scid  }
0x8b: {  	s0 =	sand.u32 $0x1, s1  }
0x8c: {  	s17 =	sshll.u32 s0, $0xA;
	s2 =	sadd.s32 s3, s2  }
0x8d: {  	s2 =	sadd.s32 s2, s17  }
0x8e: {  	[smem:$0x3FC2] =	sst s2  }
0x8f: {  	_ = 	snop  }
0x90: {  	s2 =	sld [smem:$0x3FD0];
	(tm) =	ssettm $0x1  }
0x91: {  	s18 =	sld [smem:$0x3FFB];
	_ =	sdelay $0x3  }
0x92: {  	_ =	strace s18  }
0x93: {  	s3 =	sld [smem:$0x3FFC];
	_ =	sdelay $0x3  }
0x94: {  	_ =	strace s3  }
0x95: {  	s3 =	sld [smem:$0x3FFD];
	_ =	sdelay $0x3  }
0x96: {  	_ =	strace s3  }
0x97: {  	_ =	strace $0x8FFFFFFF  }
0x98: {  	s19 =	sld [smem:$0x3FDB];
	_ =	sdelay $0x1  }
0x99: {  	s4 =	simm.s32 $_scs_section_size  }
0x9a: {  	s5 =	simm.s32 $_size__tile_overlayer_lowered;
	s6 =	simm.s32 $_tile_overlayer_lowered  }
0x9b: {  	s22 =	simm.s32 $0x1BFF;
	s21 =	sshll.u32 s6, $0x1;
	s3 =	sadd.s32 s4, s19  }
0x9c: {  	s7 =	simm.s32 $0x0;
	s20 =	sshll.u32 s5, $0x1;
	s5 =	sadd.s32 s21, s3  }
0x9d: {  	[timem:s7], [sflag:s22] =	dma.local [hbm:s5], s20  }
0x9e: {  	_ =	swait.ge [sflag:s22], s20  }
0x9f: {  	s4 =	ssub.s32 $0x0, s20;
	[sflag:s22] =	ssyncset.done $0x0  }
0xa0: {  	[sflag:s22] =	ssyncadd.s32 s4;
	_ =	sdelay $0x1  }
0xa1: {  	s23 =	simm.s32 $0x1B8B  }
0xa2: {  	_ =	swait.ge [sflag:s23], $0x1  }
0xa3: {  	[sflag:s23] =	ssyncset.done $0x0  }
0xa4: {  	s25 =	simm.s32 $0x1B8E;
	s24 =	sld [smem:$0x3FFE];
	[sflag:s23] =	ssyncadd.s32 $0xFFFFFFFF  }
0xa5: {  	s26 =	simm.s32 $execute0_lowered;
	[smem:$0x3FD2] =	sst s25  }
0xa6: {  	s5 =	sshll.u32 s26, $0x1;
	_ =	strace $0x80000049;
	[dreg:$0x1] =	wrdreg $0xFFFFFFFF  }
0xa7: {  	s28 =	simm.s32 $_size_execute0_lowered;
	s3 =	sadd.s32 s3, s5;
	[dreg:$0x0] =	wrdreg $0x0  }
0xa8: {  	s5 =	sshll.u32 s28, $0x1;
	[dreg:$0x2] =	wrdreg s3  }
0xa9: {  	[dreg:$0x3] =	wrdreg s5  }
0xaa: {  	[dreg:$0x4] =	wrdreg $0xC0  }
0xab: {  	_ =	task [dreg:s7], $0x5FFFF  }
0xac: {  	[dreg:$0x1] =	wrdreg $0xFFFFFFFF  }
0xad: {  	[dreg:$0x0] =	wrdreg $0x60  }
0xae: {  	[dreg:$0x2] =	wrdreg s2  }
0xaf: {  	[dreg:$0x3] =	wrdreg s24  }
0xb0: {  	[dreg:$0x4] =	wrdreg $0xDA800  }
0xb1: {  	[dreg:$0x5] =	wrdreg $0x102800  }
0xb2: {  	[dreg:$0x6] =	wrdreg $0x9  }
0xb3: {  	_ =	task.clear_ibuf [dreg:s7], $0x7FFFF;
	_ =	strace $0x90000049  }
0xb4: {  	s29 =	simm.s32 $0x9;
	_ =	strace $0x8000004B  }
0xb5: {  	_ =	swait.ge [sflag:s29], $0x1  }
0xb6: {  	[sflag:s29] =	ssyncadd.s32 $0xFFFFFFFF  }
0xb7: {  	_ =	strace $0x9000004B  }
0xb8: {  	_ =	sfence  }
0xb9: {  	s30 =	sld [smem:$0x0];
	_ =	sdelay $0x2  }
0xba: {  	s31 =	sshll.u32 s1, $0xD;
	s1 =	sshrl.u32 s1, $0x2  }
0xbb: {  	s3 =	sand.u32 $0x4000, s31;
	s1 =	sadd.s32 s1, s30  }
0xbc: {  	s0 =	sor.u32 s3, s0;
	s1 =	sshll.u32 s1, $0x11  }
0xbd: {  	s0 =	sor.u32 s1, s0  }
0xbe: {  	s0 =	sadd.s32 $0x8F2B, s0  }
0xbf: {  	[sflag:s0] =	ssyncadd.remote.s32 $0x1  }
0xc0: {  	_ =	sfence.sel $0xFFFF  }
0xc1: {  	[dreg:$0x0] =	wrdreg $0xFFFFFFFF;
	(pc) =	sbr.abs _section_cstart, $3  }
0xc2: {  	[dreg:$0x1] =	wrdreg $0xFFFFFFFF  }
0xc3: {  	_ =	task.clear_ibuf [dreg:s7], $0x2FFFF;
	_ =	strace $0x9FFFFFFF  }
0xc4: {  	(tm) =	ssettm $0x7FFFFFFF  }
0xc5: {  	_ =	shalt  }
tec
execute0_lowered:
.L_overlay_start_1:
0x0: {  	(tag) =	ssettag $0x1  }
0x1: {  	s0 =	rddreg [dreg:$0x0]  }
0x2: {  	s1 =	rddreg [dreg:$0x1]  }
0x3: {  	s2 =	rddreg [dreg:$0x2]  }
0x4: {  	s3 =	rddreg [dreg:$0x3];
	s19 =	stileid.u32  }
0x5: {  	s7 =	srdreg.scid;
	s4 =	simm.s32 $0x0;
	s18 =	simm.s32 $0x3  }
0x6: {  	s20 =	simm.s32 $0x80;
	s21 =	simm.s32 $0xA000;
	s5 =	smul.u32 $0x50, s19  }
0x7: {  	s22 =	simm.s32 $0xA800;
	s23 =	simm.s32 $0x1;
	s6 =	smul.u32 $0x4E00, s19  }
0x8: {  	s24 =	simm.s32 $0x2;
	s7 =	sand.u32 $0x1, s7;
	s8 =	smul.u32 $0x5000, s19  }
0x9: {  	[smem:$0x7FF] =	sst s4;
	s30 =	sshll.u32 s19, $0x6;
	s12 =	sadd.s32 $0x15280, s1  }
0xa: {  	p0 =	sne.s32 s19, $0xF;
	p1 =	seq.s32 s19, $0xF;
	s9 =	smul.u32 $0x50000, s7  }
0xb: {  	_ =	strace $0x8000004A;
	s29 =	ssub.s32 $0x2, s7;
	s13 =	sadd.s32 s5, s1  }
0xc: {  	s26 =	sshrl.u32 s6, $0x3;
	s7 =	sshrl.u32 s29, $0x1;
	s14 =	sshrl.u32 s8, $0x1  }
0xd: {  	s28 =	sadd.s32 s8, s9;
	s10 =	sadd.s32 s26, s1;
	s16 =	ssub.s32 s29, s7  }
0xe: {  	s5 =	sadd.s32 s14, s2;
	s7 =	sor.u32 $0x1C03, s30;
	s11 =	sshrl.u32 s9, $0x4  }
.Ltmp0:
0xf: {  	s13 =	sadd.s32 $0x15E00, s13;
	s14 =	sadd.s32 s14, s3;
	(pc) =	sbr.rel .LBB2_1-.Ltmp0, $4  }
0x10: {  	s26 =	simm.s32 $0xB000;
	s6 =	sshrl.u32 s28, $0x4;
	s31 =	sadd.s32 $0x2400, s10  }
0x11: {  	s9 =	sadd.s32 $0xC040, s10;
	s10 =	sadd.s32 s0, s11;
	s11 =	sadd.s32 $0xB640, s1  }
0x12: {  	s16 =	smax.u32 s16, $0x1;
	s17 =	sshrl.u32 s5, $0x3;
	s15 =	sadd.s32 s6, s1  }
0x13: {  	s6 =	sadd.s32 s0, s6;
	[dreg:$0x5] =	wrdreg s31;
	s15 =	sadd.s32 $0x16400, s15  }
.LBB2_13:
0x14: {  	[tilespmem:s22], [sflag:$0x2] =	stream.indirect.gather [spmem:s2], $0x10, s1, s20, $0xb8;
	[tilespmem:$0x12A80] =	vst v63  }
0x15: {  	s0 =	simm.s32 $0x9D80;
	s1 =	simm.s32 $0x9D00  }
.LBB2_17:
0x16: {  	_ =	swait.ge [sflag:s23], $0x800  }
0x17: {  	[sflag:s23] =	ssyncset.done $0x0  }
0x18: {  	[sflag:s23] =	ssyncadd.s32 $0xFFFFF800  }
0x19: {  	[spmem:s3] =	stream.indirect.scatter.add.bf16 [tilespmem:s21], [sflag:$0x3], $0x10, s1, s20, $0xb8;
	[tilespmem:$0x12A80] =	vst v63  }
0x1a: {  	_ =	swait.ge [sflag:s18], $0x800  }
0x1b: {  	[sflag:s18] =	ssyncset.done $0x0  }
0x1c: {  	[sflag:s18] =	ssyncadd.s32 $0xFFFFF800  }
0x1d: {  	_ =	swait.ge [sflag:s24], $0x800  }
0x1e: {  	[sflag:s24] =	ssyncset.done $0x0  }
0x1f: {  	[sflag:s24] =	ssyncadd.s32 $0xFFFFF800  }
0x20: {  	[spmem:s3] =	stream.indirect.scatter.add.bf16 [tilespmem:s22], [sflag:$0x3], $0x10, s0, s20, $0xb8;
	[tilespmem:$0x12A80] =	vst v63  }
0x21: {  	_ =	swait.ge [sflag:s18], $0x800  }
0x22: {  	s4 =	sadd.s32 $0x1, s4;
	[sflag:s18] =	ssyncset.done $0x0  }
0x23: {  	p2 =	sne.s32 s4, s16;
	[sflag:s18] =	ssyncadd.s32 $0xFFFFF800  }
.Ltmp1:
0x24: {  	s31 =	sshrl.u32 s14, $0x3;
	[bflag:$0x0] =	sbarrier.arrive $0xFFFF;
	(pc) =	sbr.rel @!p2 .LBB2_18-.Ltmp1, $4  }
0x25: {  	[hbm:s15], [sflag:s7] =	dma.local [spmem:s31], $0x500  }
0x26: {  	_ =	swait.ge [sflag:s18], $0x500  }
0x27: {  	[sflag:s18] =	ssyncset.done $0x0  }
0x28: {  	[sflag:s18] =	ssyncadd.s32 $0xFFFFFB00  }
.LBB2_1:
.Ltmp2:
0x29: {  	(pc) =	sbr.rel @p0 .LBB2_5-.Ltmp2, $4  }
0x2a: {  	[spmem:s17], [sflag:s7] =	dma.local [hbm:s6], $0x500  }
0x2b: {  	_ =	swait.ge [sflag:s18], $0x500  }
0x2c: {  	[sflag:s18] =	ssyncset.done $0x0  }
0x2d: {  	s0 =	simm.s32 $0x0;
	[sflag:s18] =	ssyncadd.s32 $0xFFFFFB00  }
0x2e: {  	[tilespmem:s0], [sflag:$0x3] =	stream.linear.gather [hbm4b:s11+s0], $0x5000, $0x38;
	[tilespmem:$0x12A80] =	vst v63  }
0x2f: {  	_ =	swait.ge [sflag:s18], $0x5000  }
0x30: {  	[sflag:s18] =	ssyncset.done $0x0  }
0x31: {  	s1 =	simm.s32 $0x5000;
	[sflag:s18] =	ssyncadd.s32 $0xFFFFB000  }
0x32: {  	[tilespmem:s1], [sflag:$0x3] =	stream.linear.gather [hbm4b:s12+s0], $0x5000, $0x38;
	[tilespmem:$0x12A80] =	vst v63  }
0x33: {  	_ =	swait.ge [sflag:s18], $0x5000  }
0x34: {  	[sflag:s18] =	ssyncset.done $0x0  }
0x35: {  	[sflag:s18] =	ssyncadd.s32 $0xFFFFB000  }
0x36: {  	[bflag:$0x0] =	sbarrier.arrive $0xFFFF  }
0x37: {  	[tilespmem:s21], [sflag:$0x1] =	stream.indirect.gather [hbm4b:s10+s20], $0x10, s0, s20, $0xb8;
	[tilespmem:$0x12A80] =	vst v63  }
0x38: {  	_ = 	snop  }
0x39: {  	[tilespmem:s22], [sflag:$0x2] =	stream.indirect.gather [hbm4b:s10+s20], $0x10, s20, s20, $0xb8;
	[tilespmem:$0x12A80] =	vst v63  }
0x3a: {  	_ =	swait.ge [sflag:s23], $0x800  }
0x3b: {  	[sflag:s23] =	ssyncset.done $0x0  }
0x3c: {  	s29 =	simm.s32 $0x5000;
	[sflag:s23] =	ssyncadd.s32 $0xFFFFF800  }
0x3d: {  	[spmem:s2] =	stream.indirect.scatter.add.bf16 [tilespmem:s21], [sflag:$0x3], $0x10, s29, s20, $0xb8;
	[tilespmem:$0x12A80] =	vst v63  }
0x3e: {  	_ =	swait.ge [sflag:s18], $0x800  }
0x3f: {  	[sflag:s18] =	ssyncset.done $0x0  }
0x40: {  	s30 =	simm.s32 $0x100;
	[sflag:s18] =	ssyncadd.s32 $0xFFFFF800  }
0x41: {  	[tilespmem:s21], [sflag:$0x1] =	stream.indirect.gather [hbm4b:s10+s20], $0x10, s30, s20, $0xb8;
	[tilespmem:$0x12A80] =	vst v63  }
0x42: {  	_ =	swait.ge [sflag:s24], $0x800  }
0x43: {  	[sflag:s24] =	ssyncset.done $0x0  }
0x44: {  	s31 =	simm.s32 $0x5080;
	[sflag:s24] =	ssyncadd.s32 $0xFFFFF800  }
0x45: {  	[spmem:s2] =	stream.indirect.scatter.add.bf16 [tilespmem:s22], [sflag:$0x3], $0x10, s31, s20, $0xb8;
	[tilespmem:$0x12A80] =	vst v63  }
0x46: {  	_ =	swait.ge [sflag:s18], $0x800  }
0x47: {  	[sflag:s18] =	ssyncset.done $0x0  }
0x48: {  	s1 =	simm.s32 $0x180;
	s0 =	simm.s32 $0x400;
	[sflag:s18] =	ssyncadd.s32 $0xFFFFF800  }
.LBB2_3:
0x49: {  	[tilespmem:s22], [sflag:$0x2] =	stream.indirect.gather [hbm4b:s10+s20], $0x10, s1, s20, $0xb8;
	[tilespmem:$0x12A80] =	vst v63  }
0x4a: {  	s1 =	smov.u32 s0  }
0x4b: {  	p2 =	sne.s32 s0, $0x13800;
	s0 =	sadd.s32 $0x400, s0;
	_ =	swait.ge [sflag:s23], $0x800  }
0x4c: {  	s1 =	sshra.s32 s1, $0x2;
	[sflag:s23] =	ssyncset.done $0x0  }
0x4d: {  	s28 =	sadd.s32 $0x5000, s1;
	[sflag:s23] =	ssyncadd.s32 $0xFFFFF800  }
0x4e: {  	[spmem:s2] =	stream.indirect.scatter.add.bf16 [tilespmem:s21], [sflag:$0x3], $0x10, s28, s20, $0xb8;
	[tilespmem:$0x12A80] =	vst v63  }
0x4f: {  	_ =	swait.ge [sflag:s18], $0x800  }
0x50: {  	[sflag:s18] =	ssyncset.done $0x0  }
0x51: {  	s28 =	sadd.s32 $0x100, s1;
	[sflag:s18] =	ssyncadd.s32 $0xFFFFF800  }
0x52: {  	[tilespmem:s21], [sflag:$0x1] =	stream.indirect.gather [hbm4b:s10+s20], $0x10, s28, s20, $0xb8;
	[tilespmem:$0x12A80] =	vst v63  }
0x53: {  	_ =	swait.ge [sflag:s24], $0x800  }
0x54: {  	[sflag:s24] =	ssyncset.done $0x0  }
.Ltmp3:
0x55: {  	s28 =	sadd.s32 $0x5080, s1;
	[sflag:s24] =	ssyncadd.s32 $0xFFFFF800;
	(pc) =	sbr.rel @p2 .LBB2_3-.Ltmp3, $4  }
0x56: {  	[spmem:s2] =	stream.indirect.scatter.add.bf16 [tilespmem:s22], [sflag:$0x3], $0x10, s28, s20, $0xb8;
	[tilespmem:$0x12A80] =	vst v63  }
0x57: {  	_ =	swait.ge [sflag:s18], $0x800  }
0x58: {  	[sflag:s18] =	ssyncset.done $0x0  }
0x59: {  	s1 =	sadd.s32 $0x180, s1;
	[sflag:s18] =	ssyncadd.s32 $0xFFFFF800  }
.Ltmp4:
0x5a: {  	(pc) =	sbr.rel .LBB2_8-.Ltmp4, $3  }
0x5b: {  	_ =	sdelay $0x1  }
0x5c: {  	[tilespmem:s22], [sflag:$0x2] =	stream.indirect.gather [hbm4b:s10+s20], $0x10, s1, s20, $0xb8;
	[tilespmem:$0x12A80] =	vst v63  }
0x5d: {  	s0 =	simm.s32 $0x9F80;
	s1 =	simm.s32 $0x9F00  }
.LBB2_5:
0x5e: {  	s1 =	rddreg [dreg:$0x5]  }
0x5f: {  	[tilespmem:s0], [sflag:$0x3] =	stream.linear.gather [hbm4b:s1+s0], $0x4E00, $0x38;
	[tilespmem:$0x12A80] =	vst v63  }
0x60: {  	_ =	swait.ge [sflag:s18], $0x4E00  }
0x61: {  	[sflag:s18] =	ssyncset.done $0x0  }
0x62: {  	s28 =	simm.s32 $0x5000;
	[sflag:s18] =	ssyncadd.s32 $0xFFFFB200  }
0x63: {  	[tilespmem:s28], [sflag:$0x3] =	stream.linear.gather [hbm4b:s9+s0], $0x4E00, $0x38;
	[tilespmem:$0x12A80] =	vst v63  }
0x64: {  	_ =	swait.ge [sflag:s18], $0x4E00  }
0x65: {  	[sflag:s18] =	ssyncset.done $0x0  }
0x66: {  	[sflag:s18] =	ssyncadd.s32 $0xFFFFB200  }
0x67: {  	[bflag:$0x0] =	sbarrier.arrive $0xFFFF  }
0x68: {  	[tilespmem:s21], [sflag:$0x1] =	stream.indirect.gather [hbm4b:s10+s20], $0x10, s0, s20, $0xb8;
	[tilespmem:$0x12A80] =	vst v63  }
0x69: {  	_ = 	snop  }
0x6a: {  	[tilespmem:s22], [sflag:$0x2] =	stream.indirect.gather [hbm4b:s10+s20], $0x10, s20, s20, $0xb8;
	[tilespmem:$0x12A80] =	vst v63  }
0x6b: {  	_ =	swait.ge [sflag:s23], $0x800  }
0x6c: {  	[sflag:s23] =	ssyncset.done $0x0  }
0x6d: {  	s29 =	simm.s32 $0x5000;
	[sflag:s23] =	ssyncadd.s32 $0xFFFFF800  }
0x6e: {  	[spmem:s2] =	stream.indirect.scatter.add.bf16 [tilespmem:s21], [sflag:$0x3], $0x10, s29, s20, $0xb8;
	[tilespmem:$0x12A80] =	vst v63  }
0x6f: {  	_ =	swait.ge [sflag:s18], $0x800  }
0x70: {  	[sflag:s18] =	ssyncset.done $0x0  }
0x71: {  	s30 =	simm.s32 $0x100;
	[sflag:s18] =	ssyncadd.s32 $0xFFFFF800  }
0x72: {  	[tilespmem:s21], [sflag:$0x1] =	stream.indirect.gather [hbm4b:s10+s20], $0x10, s30, s20, $0xb8;
	[tilespmem:$0x12A80] =	vst v63  }
0x73: {  	_ =	swait.ge [sflag:s24], $0x800  }
0x74: {  	p2 =	por $0x0, $0x0;
	[sflag:s24] =	ssyncset.done $0x0  }
.Ltmp5:
0x75: {  	s31 =	simm.s32 $0x5080;
	[sflag:s24] =	ssyncadd.s32 $0xFFFFF800;
	(pc) =	sbr.rel @p2 .LBB2_7-.Ltmp5, $4  }
0x76: {  	[spmem:s2] =	stream.indirect.scatter.add.bf16 [tilespmem:s22], [sflag:$0x3], $0x10, s31, s20, $0xb8;
	[tilespmem:$0x12A80] =	vst v63  }
0x77: {  	_ =	swait.ge [sflag:s18], $0x800  }
0x78: {  	[sflag:s18] =	ssyncset.done $0x0  }
0x79: {  	s1 =	simm.s32 $0x180;
	s0 =	simm.s32 $0x400;
	[sflag:s18] =	ssyncadd.s32 $0xFFFFF800  }
.LBB2_6:
0x7a: {  	[tilespmem:s22], [sflag:$0x2] =	stream.indirect.gather [hbm4b:s10+s20], $0x10, s1, s20, $0xb8;
	[tilespmem:$0x12A80] =	vst v63  }
0x7b: {  	s1 =	smov.u32 s0  }
0x7c: {  	p2 =	seq.s32 s0, $0x13000;
	s0 =	sadd.s32 $0x400, s0;
	_ =	swait.ge [sflag:s23], $0x800  }
0x7d: {  	s1 =	sshra.s32 s1, $0x2;
	[sflag:s23] =	ssyncset.done $0x0  }
0x7e: {  	s28 =	sadd.s32 $0x5000, s1;
	[sflag:s23] =	ssyncadd.s32 $0xFFFFF800  }
0x7f: {  	[spmem:s2] =	stream.indirect.scatter.add.bf16 [tilespmem:s21], [sflag:$0x3], $0x10, s28, s20, $0xb8;
	[tilespmem:$0x12A80] =	vst v63  }
0x80: {  	_ =	swait.ge [sflag:s18], $0x800  }
0x81: {  	[sflag:s18] =	ssyncset.done $0x0  }
0x82: {  	s28 =	sadd.s32 $0x100, s1;
	[sflag:s18] =	ssyncadd.s32 $0xFFFFF800  }
0x83: {  	[tilespmem:s21], [sflag:$0x1] =	stream.indirect.gather [hbm4b:s10+s20], $0x10, s28, s20, $0xb8;
	[tilespmem:$0x12A80] =	vst v63  }
0x84: {  	_ =	swait.ge [sflag:s24], $0x800  }
0x85: {  	[sflag:s24] =	ssyncset.done $0x0  }
.Ltmp6:
0x86: {  	s28 =	sadd.s32 $0x5080, s1;
	[sflag:s24] =	ssyncadd.s32 $0xFFFFF800;
	(pc) =	sbr.rel @!p2 .LBB2_6-.Ltmp6, $4  }
0x87: {  	[spmem:s2] =	stream.indirect.scatter.add.bf16 [tilespmem:s22], [sflag:$0x3], $0x10, s28, s20, $0xb8;
	[tilespmem:$0x12A80] =	vst v63  }
0x88: {  	_ =	swait.ge [sflag:s18], $0x800  }
0x89: {  	[sflag:s18] =	ssyncset.done $0x0  }
0x8a: {  	s1 =	sadd.s32 $0x180, s1;
	[sflag:s18] =	ssyncadd.s32 $0xFFFFF800  }
.LBB2_7:
0x8b: {  	[tilespmem:s22], [sflag:$0x2] =	stream.indirect.gather [hbm4b:s10+s20], $0x10, s1, s20, $0xb8;
	[tilespmem:$0x12A80] =	vst v63  }
0x8c: {  	s0 =	simm.s32 $0x9D80;
	s1 =	simm.s32 $0x9D00  }
.LBB2_8:
0x8d: {  	_ =	swait.ge [sflag:s23], $0x800  }
0x8e: {  	[sflag:s23] =	ssyncset.done $0x0  }
0x8f: {  	[sflag:s23] =	ssyncadd.s32 $0xFFFFF800  }
0x90: {  	[spmem:s2] =	stream.indirect.scatter.add.bf16 [tilespmem:s21], [sflag:$0x3], $0x10, s1, s20, $0xb8;
	[tilespmem:$0x12A80] =	vst v63  }
0x91: {  	_ =	swait.ge [sflag:s18], $0x800  }
0x92: {  	[sflag:s18] =	ssyncset.done $0x0  }
0x93: {  	[sflag:s18] =	ssyncadd.s32 $0xFFFFF800  }
0x94: {  	_ =	swait.ge [sflag:s24], $0x800  }
0x95: {  	[sflag:s24] =	ssyncset.done $0x0  }
0x96: {  	[sflag:s24] =	ssyncadd.s32 $0xFFFFF800  }
0x97: {  	[spmem:s2] =	stream.indirect.scatter.add.bf16 [tilespmem:s22], [sflag:$0x3], $0x10, s0, s20, $0xb8;
	[tilespmem:$0x12A80] =	vst v63  }
0x98: {  	_ =	swait.ge [sflag:s18], $0x800  }
0x99: {  	[sflag:s18] =	ssyncset.done $0x0  }
0x9a: {  	[sflag:s18] =	ssyncadd.s32 $0xFFFFF800  }
0x9b: {  	s19 =	simm.s32 $0x0;
	s25 =	simm.s32 $0xD800;
	[bflag:$0x0] =	sbarrier.arrive $0xFFFF  }
0x9c: {  	[tilespmem:s25], [sflag:$0x3] =	stream.linear.gather [hbm4b:s13+s19], $0x280, $0x38;
	[tilespmem:$0x12A80] =	vst v63  }
0x9d: {  	_ =	swait.ge [sflag:s18], $0x280  }
0x9e: {  	[sflag:s18] =	ssyncset.done $0x0  }
0x9f: {  	[sflag:s18] =	ssyncadd.s32 $0xFFFFFD80  }
0xa0: {  	[tilespmem:s26], [sflag:$0x3] =	stream.linear.gather [spmem:s5], $0x2800, $0x38;
	[tilespmem:$0x12A80] =	vst v63  }
0xa1: {  	_ =	swait.ge [sflag:s18], $0x2800  }
0xa2: {  	[sflag:s18] =	ssyncset.done $0x0  }
0xa3: {  	s29 =	simm.s32 $0xB080;
	[sflag:s18] =	ssyncadd.s32 $0xFFFFD800  }
0xa4: {  	v0 =	vld [tilespmem:s29+$0x70]  }
0xa5: {  	v6 =	vld [tilespmem:s29+$0x60]  }
0xa6: {  	v4 =	vld [tilespmem:s29+$0x40];
	_ =	sdelay $0x1  }
0xa7: {  	s31 =	simm.s32 $0x0  }
0xa8: {  	v14 =	vld [tilespmem:s31+$0xD800]  }
0xa9: {  	v2 =	vunpack.i.u.bf16.f32 v0  }
0xaa: {  	s30 =	simm.s32 $0x40;
	s28 =	simm.s32 $0xB080;
	v1 =	vld [tilespmem:s29+$0xFFFFFFF0];
	v3 =	vunpack.i.l.bf16.f32 v0;
	v8 =	vunpack.i.l.bf16.f32 v6;
	v0 =	vunpack.i.u.bf16.f32 v4  }
.LBB2_9:
0xab: {  	p2 =	sne.s32 s30, $0x9C0  }
0xac: {  	v4 =	vunpack.i.l.bf16.f32 v4;
	s29 =	sadd.s32 $0x100, s29;
	s0 =	smov.u32 s30;
	s30 =	sadd.s32 $0x40, s30  }
0xad: {  	v7 =	vld [tilespmem:s28+$0xFFFFFFB0];
	(v2sf) =	vpush v14, $0xE  }
0xae: {  	v10 =	vld [tilespmem:s28+$0xFFFFFFC0];
	(v2sf) =	vpush v14, $0xD  }
0xaf: {  	v11 =	vld [tilespmem:s29+$0xFFFFFFF0];
	(v2sf) =	vpush v14, $0x6  }
0xb0: {  	v12 =	vld [tilespmem:s28+$0x0];
	(v2sf) =	vpush v14, $0x0;
	_ =	sdelay $0x1  }
0xb1: {  	v5 =	vunpack.i.l.bf16.f32 v7;
	v15 =	vld [tilespmem:s28+$0x20];
	(v2sf) =	vpush v14, $0xC  }
0xb2: {  	v16 =	vld [tilespmem:s28+$0xFFFFFF90];
	v9 =	vunpack.i.u.bf16.f32 v10;
	(v2sf) =	vpush v14, $0x5  }
0xb3: {  	v7 =	vunpack.i.u.bf16.f32 v7;
	v13 =	vunpack.i.l.bf16.f32 v10;
	v17 =	vld [tilespmem:s28+$0x10];
	(v2sf) =	vpush v14, $0x2  }
0xb4: {  	v18 =	vunpack.i.u.bf16.f32 v12;
	(v2sf) =	vpush v14, $0xB  }
0xb5: {  	(v2sf) =	vpush v14, $0xA  }
0xb6: {  	v19 =	vunpack.i.l.bf16.f32 v12;
	v20 =	vunpack.i.u.bf16.f32 v15;
	(v2sf) =	vpush v14, $0x9  }
0xb7: {  	v15 =	vunpack.i.l.bf16.f32 v15;
	v21 =	vld [tilespmem:s28+$0xFFFFFF80];
	(v2sf) =	vpush v14, $0x8  }
0xb8: {  	v10 =	vunpack.i.u.bf16.f32 v16;
	v12 =	vunpack.i.l.bf16.f32 v16;
	v16 =	vld [tilespmem:s28+$0x50];
	(v2sf) =	vpush v14, $0x7  }
0xb9: {  	v22 =	vunpack.i.u.bf16.f32 v17;
	(v2sf) =	vpush v14, $0x4  }
0xba: {  	v17 =	vunpack.i.l.bf16.f32 v17;
	v23 =	vld [tilespmem:s28+$0xFFFFFFE0];
	(v2sf) =	vpush v14, $0x3  }
0xbb: {  	s1 =	spop (v2sf);
	(v2sf) =	vpush v14, $0xF  }
0xbc: {  	v24 =	vunpack.i.l.bf16.f32 v1;
	s1 =	smul.f32 s1, s1;
	(v2sf) =	vpush v14, $0x1;
	s31 =	spop (v2sf)  }
0xbd: {  	v6 =	vunpack.i.u.bf16.f32 v6;
	v14 =	vunpack.i.u.bf16.f32 v21;
	v25 =	vld [tilespmem:s28+$0xFFFFFFD0];
	s31 =	smul.f32 s31, s31;
	v26 =	vunpack.i.l.bf16.f32 v16;
	s19 =	spop (v2sf)  }
0xbe: {  	v16 =	vunpack.i.u.bf16.f32 v16;
	v27 =	vld [tilespmem:s28+$0xFFFFFFA0];
	s19 =	smul.f32 s19, s19;
	v8 =	vmul.f32 s1, v8;
	v6 =	vmul.f32 s1, v6;
	s1 =	spop (v2sf)  }
0xbf: {  	s1 =	smul.f32 s1, s1;
	v28 =	vunpack.i.u.bf16.f32 v23;
	v26 =	vmul.f32 s31, v26;
	v16 =	vmul.f32 s31, v16  }
0xc0: {  	v21 =	vunpack.i.l.bf16.f32 v21;
	s31 =	sshra.s32 s0, $0x2;
	v23 =	vunpack.i.l.bf16.f32 v23;
	v28 =	vmul.f32 s19, v28;
	v29 =	vld [tilespmem:s28+$0x30];
	s0 =	spop (v2sf)  }
0xc1: {  	v23 =	vmul.f32 s19, v23;
	v6 =	vpack.i.f32.bf16 v6, v8;
	v21 =	vmul.f32 s1, v21;
	s0 =	smul.f32 s0, s0;
	s19 =	spop (v2sf)  }
0xc2: {  	v8 =	vmul.f32 s1, v14;
	v16 =	vpack.i.f32.bf16 v16, v26;
	s1 =	smul.f32 s19, s19;
	v14 =	vunpack.i.u.bf16.f32 v25;
	[tilespmem:s28+$0x60] =	vst v6;
	s19 =	spop (v2sf)  }
0xc3: {  	v25 =	vunpack.i.l.bf16.f32 v25;
	v23 =	vpack.i.f32.bf16 v28, v23;
	s19 =	smul.f32 s19, s19;
	v6 =	vunpack.i.u.bf16.f32 v27;
	[tilespmem:s28+$0x50] =	vst v16;
	s25 =	spop (v2sf)  }
0xc4: {  	v16 =	vunpack.i.l.bf16.f32 v27;
	v25 =	vmul.f32 s1, v25;
	v14 =	vmul.f32 s1, v14;
	[tilespmem:s28+$0xFFFFFFE0] =	vst v23;
	s1 =	smul.f32 s25, s25;
	s25 =	spop (v2sf)  }
0xc5: {  	v8 =	vpack.i.f32.bf16 v8, v21;
	v16 =	vmul.f32 s19, v16;
	v6 =	vmul.f32 s19, v6;
	s19 =	smul.f32 s25, s25;
	s25 =	spop (v2sf)  }
0xc6: {  	v21 =	vunpack.i.l.bf16.f32 v29;
	[tilespmem:s28+$0xFFFFFF80] =	vst v8;
	v8 =	vpack.i.f32.bf16 v14, v25;
	s25 =	smul.f32 s25, s25;
	v14 =	vunpack.i.u.bf16.f32 v29;
	s8 =	spop (v2sf)  }
0xc7: {  	v6 =	vpack.i.f32.bf16 v6, v16;
	[tilespmem:s28+$0xFFFFFFD0] =	vst v8;
	s8 =	smul.f32 s8, s8;
	v8 =	vmul.f32 s19, v15;
	v15 =	vmul.f32 s19, v20;
	s19 =	spop (v2sf)  }
0xc8: {  	[tilespmem:s28+$0xFFFFFFA0] =	vst v6;
	s19 =	smul.f32 s19, s19;
	v6 =	vunpack.i.u.bf16.f32 v1;
	v16 =	vmul.f32 s25, v17;
	v17 =	vmul.f32 s25, v22;
	s25 =	spop (v2sf);
	v1 =	vmovc v11  }
0xc9: {  	s25 =	smul.f32 s25, s25;
	v11 =	vmul.f32 s8, v19;
	v18 =	vmul.f32 s8, v18;
	v8 =	vpack.i.f32.bf16 v15, v8;
	s8 =	spop (v2sf)  }
0xca: {  	s8 =	smul.f32 s8, s8;
	v15 =	vmul.f32 s19, v24;
	v6 =	vmul.f32 s19, v6;
	v16 =	vpack.i.f32.bf16 v17, v16;
	[tilespmem:s28+$0x20] =	vst v8;
	s19 =	spop (v2sf)  }
0xcb: {  	v8 =	vmul.f32 s25, v13;
	v9 =	vmul.f32 s25, v9;
	v11 =	vpack.i.f32.bf16 v18, v11;
	[tilespmem:s28+$0x10] =	vst v16;
	s19 =	smul.f32 s19, s19;
	s25 =	spop (v2sf)  }
0xcc: {  	s25 =	smul.f32 s25, s25;
	v5 =	vmul.f32 s8, v5;
	v7 =	vmul.f32 s8, v7;
	v6 =	vpack.i.f32.bf16 v6, v15;
	[tilespmem:s28+$0x0] =	vst v11  }
0xcd: {  	v8 =	vpack.i.f32.bf16 v9, v8;
	[tilespmem:s28+$0xFFFFFFF0] =	vst v6;
	v3 =	vmul.f32 s19, v3;
	v2 =	vmul.f32 s19, v2  }
0xce: {  	v6 =	vmul.f32 s25, v12;
	v9 =	vmul.f32 s25, v10;
	v5 =	vpack.i.f32.bf16 v7, v5;
	[tilespmem:s28+$0xFFFFFFC0] =	vst v8  }
0xcf: {  	v4 =	vmul.f32 s0, v4;
	v0 =	vmul.f32 s0, v0;
	[tilespmem:s28+$0xFFFFFFB0] =	vst v5;
	v2 =	vpack.i.f32.bf16 v2, v3  }
0xd0: {  	v5 =	vmul.f32 s1, v21;
	v3 =	vpack.i.f32.bf16 v9, v6;
	v6 =	vmul.f32 s1, v14;
	[tilespmem:s28+$0x70] =	vst v2  }
0xd1: {  	v0 =	vpack.i.f32.bf16 v0, v4;
	v7 =	vld [tilespmem:s29+$0x70];
	[tilespmem:s28+$0xFFFFFF90] =	vst v3  }
0xd2: {  	v2 =	vpack.i.f32.bf16 v6, v5;
	[tilespmem:s28+$0x40] =	vst v0  }
0xd3: {  	v6 =	vld [tilespmem:s29+$0x60];
	[tilespmem:s28+$0x30] =	vst v2;
	s28 =	smov.u32 s29;
	_ =	sdelay $0x1  }
0xd4: {  	v4 =	vld [tilespmem:s29+$0x40]  }
.Ltmp7:
0xd5: {  	v14 =	vld [tilespmem:s31+$0xD800];
	(pc) =	sbr.rel @p2 .LBB2_9-.Ltmp7, $3  }
0xd6: {  	v2 =	vunpack.i.u.bf16.f32 v7;
	v3 =	vunpack.i.l.bf16.f32 v7;
	_ =	sdelay $0x1  }
0xd7: {  	v8 =	vunpack.i.l.bf16.f32 v6  }
0xd8: {  	v0 =	vunpack.i.u.bf16.f32 v4  }
0xd9: {  	(v2sf) =	vpush v14, $0xE  }
0xda: {  	(v2sf) =	vpush v14, $0xD  }
0xdb: {  	(v2sf) =	vpush v14, $0x6  }
0xdc: {  	v5 =	vld [tilespmem:s28+$0xFFFFFFB0];
	(v2sf) =	vpush v14, $0x0  }
0xdd: {  	v7 =	vld [tilespmem:s28+$0xFFFFFFC0];
	(v2sf) =	vpush v14, $0xC  }
0xde: {  	v9 =	vld [tilespmem:s28+$0x0];
	(v2sf) =	vpush v14, $0x5  }
0xdf: {  	v10 =	vld [tilespmem:s28+$0x20];
	(v2sf) =	vpush v14, $0x2  }
0xe0: {  	v11 =	vld [tilespmem:s28+$0xFFFFFF90];
	v4 =	vunpack.i.l.bf16.f32 v4;
	(v2sf) =	vpush v14, $0xB  }
0xe1: {  	v13 =	vld [tilespmem:s28+$0x10];
	v23 =	vunpack.i.l.bf16.f32 v1;
	v6 =	vunpack.i.u.bf16.f32 v6;
	(v2sf) =	vpush v14, $0xA  }
0xe2: {  	v16 =	vld [tilespmem:s28+$0xFFFFFF80];
	v49 =	vunpack.i.u.bf16.f32 v1;
	v12 =	vunpack.i.l.bf16.f32 v5;
	(v2sf) =	vpush v14, $0x9  }
0xe3: {  	v18 =	vld [tilespmem:s28+$0x50];
	v15 =	vunpack.i.u.bf16.f32 v7;
	v5 =	vunpack.i.u.bf16.f32 v5;
	(v2sf) =	vpush v14, $0x8  }
0xe4: {  	v21 =	vld [tilespmem:s28+$0xFFFFFFE0];
	v7 =	vunpack.i.l.bf16.f32 v7;
	v17 =	vunpack.i.u.bf16.f32 v9;
	(v2sf) =	vpush v14, $0x7  }
0xe5: {  	v24 =	vld [tilespmem:s28+$0xFFFFFFD0];
	v9 =	vunpack.i.l.bf16.f32 v9;
	v19 =	vunpack.i.u.bf16.f32 v10;
	(v2sf) =	vpush v14, $0x4  }
0xe6: {  	v26 =	vld [tilespmem:s28+$0xFFFFFFA0];
	v10 =	vunpack.i.l.bf16.f32 v10;
	v20 =	vunpack.i.u.bf16.f32 v11;
	(v2sf) =	vpush v14, $0x3  }
0xe7: {  	v11 =	vunpack.i.l.bf16.f32 v11;
	v22 =	vunpack.i.u.bf16.f32 v13;
	v13 =	vunpack.i.l.bf16.f32 v13  }
0xe8: {  	v39 =	vunpack.i.u.bf16.f32 v16;
	v25 =	vunpack.i.l.bf16.f32 v18;
	(v2sf) =	vpush v14, $0xF;
	s0 =	spop (v2sf)  }
0xe9: {  	v28 =	vld [tilespmem:s28+$0x30];
	v18 =	vunpack.i.u.bf16.f32 v18;
	v27 =	vunpack.i.u.bf16.f32 v21;
	(v2sf) =	vpush v14, $0x1;
	s0 =	smul.f32 s0, s0;
	s1 =	spop (v2sf)  }
0xea: {  	v16 =	vunpack.i.l.bf16.f32 v16;
	v21 =	vunpack.i.l.bf16.f32 v21;
	v41 =	vunpack.i.u.bf16.f32 v24;
	s1 =	smul.f32 s1, s1;
	s8 =	spop (v2sf)  }
0xeb: {  	v42 =	vunpack.i.u.bf16.f32 v26;
	s8 =	smul.f32 s8, s8;
	v8 =	vmul.f32 s0, v8;
	v6 =	vmul.f32 s0, v6;
	s31 =	spop (v2sf)  }
0xec: {  	v24 =	vunpack.i.l.bf16.f32 v24;
	v25 =	vmul.f32 s1, v25;
	v18 =	vmul.f32 s1, v18;
	s0 =	spop (v2sf)  }
0xed: {  	v43 =	vunpack.i.l.bf16.f32 v26;
	s19 =	smul.f32 s31, s31;
	v27 =	vmul.f32 s8, v27;
	v21 =	vmul.f32 s8, v21;
	s8 =	spop (v2sf)  }
0xee: {  	v45 =	vunpack.i.u.bf16.f32 v28;
	v46 =	vunpack.i.l.bf16.f32 v28;
	v6 =	vpack.i.f32.bf16 v6, v8;
	s0 =	smul.f32 s0, s0;
	s25 =	spop (v2sf)  }
0xef: {  	v16 =	vmul.f32 s19, v16;
	v40 =	vmul.f32 s19, v39;
	s1 =	smul.f32 s8, s8;
	v18 =	vpack.i.f32.bf16 v18, v25;
	[tilespmem:s28+$0x60] =	vst v6;
	s19 =	spop (v2sf)  }
0xf0: {  	s8 =	smul.f32 s25, s25;
	v21 =	vpack.i.f32.bf16 v27, v21;
	[tilespmem:s28+$0x50] =	vst v18;
	v4 =	vmul.f32 s0, v4;
	v0 =	vmul.f32 s0, v0;
	s29 =	spop (v2sf)  }
0xf1: {  	v24 =	vmul.f32 s1, v24;
	v14 =	vmul.f32 s1, v41;
	v8 =	vpack.i.f32.bf16 v40, v16;
	[tilespmem:s28+$0xFFFFFFE0] =	vst v21;
	s1 =	smul.f32 s29, s29;
	s30 =	spop (v2sf)  }
0xf2: {  	v6 =	vmul.f32 s8, v43;
	v44 =	vmul.f32 s8, v42;
	[tilespmem:s28+$0xFFFFFF80] =	vst v8;
	v0 =	vpack.i.f32.bf16 v0, v4;
	s8 =	smul.f32 s30, s30;
	s25 =	spop (v2sf)  }
0xf3: {  	v14 =	vpack.i.f32.bf16 v14, v24;
	[tilespmem:s28+$0x40] =	vst v0;
	s25 =	smul.f32 s25, s25;
	v47 =	vmul.f32 s1, v10;
	v48 =	vmul.f32 s1, v19;
	s31 =	spop (v2sf)  }
0xf4: {  	v6 =	vpack.i.f32.bf16 v44, v6;
	[tilespmem:s28+$0xFFFFFFD0] =	vst v14;
	s1 =	smul.f32 s31, s31;
	v13 =	vmul.f32 s8, v13;
	v50 =	vmul.f32 s8, v22;
	s29 =	spop (v2sf)  }
0xf5: {  	[tilespmem:s28+$0xFFFFFFA0] =	vst v6;
	s8 =	smul.f32 s29, s29;
	v51 =	vmul.f32 s25, v9;
	v52 =	vmul.f32 s25, v17;
	v8 =	vpack.i.f32.bf16 v48, v47;
	s30 =	spop (v2sf)  }
0xf6: {  	s25 =	smul.f32 s30, s30;
	v53 =	vmul.f32 s1, v23;
	v1 =	vmul.f32 s1, v49;
	v13 =	vpack.i.f32.bf16 v50, v13;
	[tilespmem:s28+$0x20] =	vst v8  }
0xf7: {  	s31 =	spop (v2sf);
	s30 =	smul.f32 s19, s19;
	v7 =	vmul.f32 s8, v7;
	v54 =	vmul.f32 s8, v15;
	v6 =	vpack.i.f32.bf16 v52, v51;
	[tilespmem:s28+$0x10] =	vst v13  }
0xf8: {  	s1 =	smul.f32 s31, s31;
	s29 =	spop (v2sf);
	v55 =	vmul.f32 s25, v12;
	v5 =	vmul.f32 s25, v5;
	v1 =	vpack.i.f32.bf16 v1, v53;
	[tilespmem:s28+$0x0] =	vst v6  }
0xf9: {  	s8 =	smul.f32 s29, s29;
	v61 =	vmul.f32 s30, v46;
	v62 =	vmul.f32 s30, v45;
	v56 =	vpack.i.f32.bf16 v54, v7;
	[tilespmem:s28+$0xFFFFFFF0] =	vst v1  }
0xfa: {  	v57 =	vmul.f32 s1, v3;
	v2 =	vmul.f32 s1, v2;
	v5 =	vpack.i.f32.bf16 v5, v55;
	[tilespmem:s28+$0xFFFFFFC0] =	vst v56  }
0xfb: {  	v58 =	vmul.f32 s8, v11;
	v59 =	vmul.f32 s8, v20;
	v63 =	vpack.i.f32.bf16 v62, v61;
	[tilespmem:s28+$0xFFFFFFB0] =	vst v5  }
0xfc: {  	v1 =	vpack.i.f32.bf16 v2, v57;
	[tilespmem:s28+$0x30] =	vst v63  }
0xfd: {  	v60 =	vpack.i.f32.bf16 v59, v58;
	[tilespmem:s28+$0x70] =	vst v1  }
0xfe: {  	[tilespmem:s28+$0xFFFFFF90] =	vst v60  }
0xff: {  	[spmem:s5] =	stream.linear.scatter [tilespmem:s26], [sflag:$0x3], $0x2800, $0x38;
	[tilespmem:$0x12A80] =	vst v63  }
0x100: {  	_ =	swait.ge [sflag:s18], $0x2800  }
0x101: {  	[sflag:s18] =	ssyncset.done $0x0  }
0x102: {  	[sflag:s18] =	ssyncadd.s32 $0xFFFFD800  }
0x103: {  	[spmem:s14] =	stream.linear.scatter [tilespmem:s26], [sflag:$0x3], $0x2800, $0x38;
	[tilespmem:$0x12A80] =	vst v63  }
0x104: {  	_ =	swait.ge [sflag:s18], $0x2800  }
0x105: {  	[sflag:s18] =	ssyncset.done $0x0  }
.Ltmp8:
0x106: {  	[sflag:s18] =	ssyncadd.s32 $0xFFFFD800;
	(pc) =	sbr.rel @!p1 .LBB2_11-.Ltmp8, $4  }
0x107: {  	s31 =	simm.s32 $0x0;
	[bflag:$0x0] =	sbarrier.arrive $0xFFFF  }
0x108: {  	[tilespmem:s21], [sflag:$0x1] =	stream.indirect.gather [spmem:s2], $0x10, s31, s20, $0xb8;
	[tilespmem:$0x12A80] =	vst v63  }
0x109: {  	_ = 	snop  }
0x10a: {  	[tilespmem:s22], [sflag:$0x2] =	stream.indirect.gather [spmem:s2], $0x10, s20, s20, $0xb8;
	[tilespmem:$0x12A80] =	vst v63  }
0x10b: {  	_ =	swait.ge [sflag:s23], $0x800  }
0x10c: {  	[sflag:s23] =	ssyncset.done $0x0  }
0x10d: {  	s0 =	simm.s32 $0x5000;
	[sflag:s23] =	ssyncadd.s32 $0xFFFFF800  }
0x10e: {  	[spmem:s3] =	stream.indirect.scatter.add.bf16 [tilespmem:s21], [sflag:$0x3], $0x10, s0, s20, $0xb8;
	[tilespmem:$0x12A80] =	vst v63  }
0x10f: {  	_ =	swait.ge [sflag:s18], $0x800  }
0x110: {  	[sflag:s18] =	ssyncset.done $0x0  }
0x111: {  	s30 =	simm.s32 $0x100;
	[sflag:s18] =	ssyncadd.s32 $0xFFFFF800  }
0x112: {  	[tilespmem:s21], [sflag:$0x1] =	stream.indirect.gather [spmem:s2], $0x10, s30, s20, $0xb8;
	[tilespmem:$0x12A80] =	vst v63  }
0x113: {  	_ =	swait.ge [sflag:s24], $0x800  }
0x114: {  	[sflag:s24] =	ssyncset.done $0x0  }
0x115: {  	s31 =	simm.s32 $0x5080;
	[sflag:s24] =	ssyncadd.s32 $0xFFFFF800  }
0x116: {  	[spmem:s3] =	stream.indirect.scatter.add.bf16 [tilespmem:s22], [sflag:$0x3], $0x10, s31, s20, $0xb8;
	[tilespmem:$0x12A80] =	vst v63  }
0x117: {  	_ =	swait.ge [sflag:s18], $0x800  }
0x118: {  	[sflag:s18] =	ssyncset.done $0x0  }
0x119: {  	s1 =	simm.s32 $0x180;
	s0 =	simm.s32 $0x400;
	[sflag:s18] =	ssyncadd.s32 $0xFFFFF800  }
.LBB2_15:
0x11a: {  	[tilespmem:s22], [sflag:$0x2] =	stream.indirect.gather [spmem:s2], $0x10, s1, s20, $0xb8;
	[tilespmem:$0x12A80] =	vst v63  }
0x11b: {  	s1 =	smov.u32 s0  }
0x11c: {  	p2 =	sne.s32 s0, $0x13800;
	s0 =	sadd.s32 $0x400, s0;
	_ =	swait.ge [sflag:s23], $0x800  }
0x11d: {  	s1 =	sshra.s32 s1, $0x2;
	[sflag:s23] =	ssyncset.done $0x0  }
0x11e: {  	s8 =	sadd.s32 $0x5000, s1;
	[sflag:s23] =	ssyncadd.s32 $0xFFFFF800  }
0x11f: {  	[spmem:s3] =	stream.indirect.scatter.add.bf16 [tilespmem:s21], [sflag:$0x3], $0x10, s8, s20, $0xb8;
	[tilespmem:$0x12A80] =	vst v63  }
0x120: {  	_ =	swait.ge [sflag:s18], $0x800  }
0x121: {  	[sflag:s18] =	ssyncset.done $0x0  }
0x122: {  	s8 =	sadd.s32 $0x100, s1;
	[sflag:s18] =	ssyncadd.s32 $0xFFFFF800  }
0x123: {  	[tilespmem:s21], [sflag:$0x1] =	stream.indirect.gather [spmem:s2], $0x10, s8, s20, $0xb8;
	[tilespmem:$0x12A80] =	vst v63  }
0x124: {  	_ =	swait.ge [sflag:s24], $0x800  }
0x125: {  	[sflag:s24] =	ssyncset.done $0x0  }
.Ltmp9:
0x126: {  	s8 =	sadd.s32 $0x5080, s1;
	[sflag:s24] =	ssyncadd.s32 $0xFFFFF800;
	(pc) =	sbr.rel @p2 .LBB2_15-.Ltmp9, $4  }
0x127: {  	[spmem:s3] =	stream.indirect.scatter.add.bf16 [tilespmem:s22], [sflag:$0x3], $0x10, s8, s20, $0xb8;
	[tilespmem:$0x12A80] =	vst v63  }
0x128: {  	_ =	swait.ge [sflag:s18], $0x800  }
0x129: {  	[sflag:s18] =	ssyncset.done $0x0  }
0x12a: {  	s1 =	sadd.s32 $0x180, s1;
	[sflag:s18] =	ssyncadd.s32 $0xFFFFF800  }
.Ltmp10:
0x12b: {  	(pc) =	sbr.rel .LBB2_17-.Ltmp10, $3  }
0x12c: {  	_ =	sdelay $0x1  }
0x12d: {  	[tilespmem:s22], [sflag:$0x2] =	stream.indirect.gather [spmem:s2], $0x10, s1, s20, $0xb8;
	[tilespmem:$0x12A80] =	vst v63  }
0x12e: {  	s0 =	simm.s32 $0x9F80;
	s1 =	simm.s32 $0x9F00  }
.LBB2_11:
0x12f: {  	_ =	swait.ge [sflag:s23], $0x800  }
0x130: {  	[sflag:s23] =	ssyncset.done $0x0  }
0x131: {  	s0 =	simm.s32 $0x5000;
	[sflag:s23] =	ssyncadd.s32 $0xFFFFF800  }
0x132: {  	[spmem:s3] =	stream.indirect.scatter.add.bf16 [tilespmem:s21], [sflag:$0x3], $0x10, s0, s20, $0xb8;
	[tilespmem:$0x12A80] =	vst v63  }
0x133: {  	_ =	swait.ge [sflag:s18], $0x800  }
0x134: {  	[sflag:s18] =	ssyncset.done $0x0  }
0x135: {  	s30 =	simm.s32 $0x100;
	[sflag:s18] =	ssyncadd.s32 $0xFFFFF800  }
0x136: {  	[tilespmem:s21], [sflag:$0x1] =	stream.indirect.gather [spmem:s2], $0x10, s30, s20, $0xb8;
	[tilespmem:$0x12A80] =	vst v63  }
0x137: {  	_ =	swait.ge [sflag:s24], $0x800  }
0x138: {  	p2 =	por $0x0, $0x0;
	[sflag:s24] =	ssyncset.done $0x0  }
.Ltmp11:
0x139: {  	s31 =	simm.s32 $0x5080;
	[sflag:s24] =	ssyncadd.s32 $0xFFFFF800;
	(pc) =	sbr.rel @p2 .LBB2_13-.Ltmp11, $4  }
0x13a: {  	[spmem:s3] =	stream.indirect.scatter.add.bf16 [tilespmem:s22], [sflag:$0x3], $0x10, s31, s20, $0xb8;
	[tilespmem:$0x12A80] =	vst v63  }
0x13b: {  	_ =	swait.ge [sflag:s18], $0x800  }
0x13c: {  	[sflag:s18] =	ssyncset.done $0x0  }
0x13d: {  	s1 =	simm.s32 $0x180;
	s0 =	simm.s32 $0x400;
	[sflag:s18] =	ssyncadd.s32 $0xFFFFF800  }
.LBB2_12:
0x13e: {  	[tilespmem:s22], [sflag:$0x2] =	stream.indirect.gather [spmem:s2], $0x10, s1, s20, $0xb8;
	[tilespmem:$0x12A80] =	vst v63  }
0x13f: {  	s1 =	smov.u32 s0  }
0x140: {  	p2 =	seq.s32 s0, $0x13000;
	s0 =	sadd.s32 $0x400, s0;
	_ =	swait.ge [sflag:s23], $0x800  }
0x141: {  	s1 =	sshra.s32 s1, $0x2;
	[sflag:s23] =	ssyncset.done $0x0  }
0x142: {  	s8 =	sadd.s32 $0x5000, s1;
	[sflag:s23] =	ssyncadd.s32 $0xFFFFF800  }
0x143: {  	[spmem:s3] =	stream.indirect.scatter.add.bf16 [tilespmem:s21], [sflag:$0x3], $0x10, s8, s20, $0xb8;
	[tilespmem:$0x12A80] =	vst v63  }
0x144: {  	_ =	swait.ge [sflag:s18], $0x800  }
0x145: {  	[sflag:s18] =	ssyncset.done $0x0  }
0x146: {  	s8 =	sadd.s32 $0x100, s1;
	[sflag:s18] =	ssyncadd.s32 $0xFFFFF800  }
0x147: {  	[tilespmem:s21], [sflag:$0x1] =	stream.indirect.gather [spmem:s2], $0x10, s8, s20, $0xb8;
	[tilespmem:$0x12A80] =	vst v63  }
0x148: {  	_ =	swait.ge [sflag:s24], $0x800  }
0x149: {  	[sflag:s24] =	ssyncset.done $0x0  }
.Ltmp12:
0x14a: {  	s8 =	sadd.s32 $0x5080, s1;
	[sflag:s24] =	ssyncadd.s32 $0xFFFFF800;
	(pc) =	sbr.rel @!p2 .LBB2_12-.Ltmp12, $4  }
0x14b: {  	[spmem:s3] =	stream.indirect.scatter.add.bf16 [tilespmem:s22], [sflag:$0x3], $0x10, s8, s20, $0xb8;
	[tilespmem:$0x12A80] =	vst v63  }
0x14c: {  	_ =	swait.ge [sflag:s18], $0x800  }
0x14d: {  	[sflag:s18] =	ssyncset.done $0x0  }
0x14e: {  	s1 =	sadd.s32 $0x180, s1;
	[sflag:s18] =	ssyncadd.s32 $0xFFFFF800  }
.Ltmp13:
0x14f: {  	_ = 	snop;
	(pc) =	sbr.rel .LBB2_13-.Ltmp13, $1  }
0x150: {  	_ =	sdelay $0x3  }
.LBB2_18:
0x151: {  	_ =	sfence.sel $0x180000  }
0x152: {  	[bflag:$0x0] =	sbarrier.arrive $0xFFFF  }
0x153: {  	_ =	strace $0x9000004A  }
0x154: {  	s0 =	stileid.u32;
	[bflag:$0x2] =	sbarrier.arrive $0xFFFF  }
0x155: {  	p0 =	sne.s32 s0, $0x0;
	s0 =	rddreg [dreg:$0x4]  }
0x156: {  	s0 =	sadd.s32 @!p0 $0x100000, s0  }
0x157: {  	[sflag:s0] =	ssyncadd.tile.s32 @!p0 $0x1;
	_ =	shalt  }
.Lfunc_end2:
_tile_overlayer_lowered:
.L_overlay_start_2:
0x158: {  	(tag) =	ssettag $0x2  }
0x159: {  	s0 =	rddreg [dreg:$0x0];
	s2 =	stileid.u32  }
0x15a: {  	s1 =	rddreg [dreg:$0x1];
	p0 =	sne.s32 s2, $0x0  }
0x15b: {  	s3 =	rddreg [dreg:$0x2];
	[bflag:$0x3] =	sbarrier.arrive $0xFFFF;
	s2 =	simm.s32 @!p0 $0x1C03  }
0x15c: {  	[timem:s3], [sflag:s2] =	dma.local @!p0 [hbm:s0], s1  }
0x15d: {  	s0 =	simm.s32 @!p0 $0x3  }
0x15e: {  	_ =	swait.ge @!p0 [sflag:s0], s1  }
0x15f: {  	s1 =	ssub.s32 @!p0 $0x0, s1;
	[sflag:s0] =	ssyncset.done @!p0 $0x0  }
0x160: {  	[sflag:s0] =	ssyncadd.s32 @!p0 s1  }
0x161: {  	[bflag:$0x3] =	sbarrier.arrive $0xFFFF  }
0x162: {  	_ =	shalt  }

// kernel: kernel.14.cloned.1.call-start
scs
__scs_entry_jumppad:
0x0: {  	(pc) =	sbr.rel $0x88, $3  }
0x1: {  	(tag) =	ssettag $0x0;
	lr =	simm.s32 $0x1  }
0x2: {  	[smem:$0x3F9B] =	sst lr;
	_ =	strace $0xD0000000  }
0x3: {  	_ = 	snop  }
0x4: {  	_ = 	snop  }
0x5: {  	_ = 	snop  }
0x6: {  	_ = 	snop  }
0x7: {  	_ = 	snop  }
__scs_overlays_trampoline_lowered:
0x8: {  	[smem:$0x3FAA] =	sst s0  }
0x9: {  	[smem:$0x3FAB] =	sst s1  }
0xa: {  	[smem:$0x3FAC] =	sst s2  }
0xb: {  	[smem:$0x3FAD] =	sst s3  }
0xc: {  	[smem:$0x3FAE] =	sst s4  }
0xd: {  	[smem:$0x3FAF] =	sst s5  }
0xe: {  	[smem:$0x3FB0] =	sst s6  }
0xf: {  	[smem:$0x3FB1] =	sst s7  }
0x10: {  	[smem:$0x3FB2] =	sst s8  }
0x11: {  	[smem:$0x3FB3] =	sst s9;
	s0 =	simm.s32 @!p0 $0x0  }
0x12: {  	s1 =	sld [smem:$0x3F99];
	s0 =	simm.s32 @p0 $0x1  }
0x13: {  	[smem:$0x3FB4] =	sst s0;
	s0 =	simm.s32 @!p1 $0x0  }
0x14: {  	s2 =	sld [smem:$0x3F98];
	s0 =	simm.s32 @p1 $0x1  }
0x15: {  	[smem:$0x3FB5] =	sst s0;
	s0 =	simm.s32 @!p2 $0x0  }
0x16: {  	s3 =	sld [smem:$0x3FDB];
	s0 =	simm.s32 @p2 $0x1  }
0x17: {  	s4 =	simm.s32 $0x1BF5;
	[smem:$0x3FB7] =	sst s0  }
0x18: {  	s0 =	sld [smem:$0x3F9A];
	_ =	swait.ge [sflag:s4], $0x0  }
0x19: {  	s7 =	sld [smem:$0x3F9B]  }
0x1a: {  	s8 =	sadd.s32 $0xFFFFE003, lr  }
0x1b: {  	s9 =	sadd.s32 $0xFFFFFEF7, lr;
	s5 =	simm.s32 $0xFFFFFFFF;
	p2 =	slt.u32 s8, $0xFFFFF086  }
0x1c: {  	p1 =	slt.u32 s9, $0xF7A;
	s5 =	simm.s32 @!p2 $0x0  }
0x1d: {  	s5 =	simm.s32 @p1 $0x1;
	p0 =	seq.s32 s7, s2  }
0x1e: {  	s7 =	smul.u32 @!p0 $0xF7A, s2;
	p2 =	seq.s32 @!p0 s5, $0x0  }
0x1f: {  	s9 =	smul.u32 $0xF7A, s1;
	s8 =	simm.s32 @!p0 $0x1BF5;
	p2 =	por !p2, p0  }
0x20: {  	[sflag:s8] =	ssyncset.s32 @!p0 $0xFFFFF086;
	s6 =	sadd.s32 @!p0 s3, s7;
	s7 =	simm.s32 @!p0 $0x108  }
0x21: {  	s3 =	sadd.s32 s3, s9;
	s6 =	sadd.s32 @!p0 $0x88, s6;
	s7 =	simm.s32 @p2 $0x1082  }
0x22: {  	[simem:s7], [sflag:s8] =	dma.local @!p0 [hbm:s6], $0xF7A  }
0x23: {  	s9 =	sor.u32 $0xD0000000, s2;
	s6 =	simm.s32 $0x108;
	_ =	swait.ge @!p0 [sflag:s8], $0x0  }
0x24: {  	s3 =	sadd.s32 $0x88, s3;
	s6 =	simm.s32 @!p1 $0x1082;
	[sflag:s4] =	ssyncset.s32 $0xFFFFF086  }
0x25: {  	[simem:s6], [sflag:s4] =	dma.local [hbm:s3], $0xF7A  }
0x26: {  	[smem:$0x3F9B] =	sst s1;
	(tag) =	ssettag s2;
	_ =	strace s9  }
0x27: {  	s1 =	sld [smem:$0x3FAB]  }
0x28: {  	s2 =	sld [smem:$0x3FAC]  }
0x29: {  	s4 =	sld [smem:$0x3FAE]  }
0x2a: {  	p0 =	seq.s32 s5, $0x0;
	s5 =	sld [smem:$0x3FAF]  }
0x2b: {  	s6 =	sld [smem:$0x3FB0]  }
0x2c: {  	s7 =	sld [smem:$0x3FB1]  }
0x2d: {  	s3 =	simm.s32 $0x108;
	s8 =	sld [smem:$0x3FB2]  }
0x2e: {  	s3 =	simm.s32 @!p0 $0x1082;
	s9 =	sld [smem:$0x3FB3]  }
0x2f: {  	lr =	sadd.s32 s0, s3;
	s0 =	sld [smem:$0x3FAA]  }
0x30: {  	s3 =	sld [smem:$0x3FAD]  }
0x31: {  	[smem:$0x3FB6] =	sst s10  }
0x32: {  	s10 =	sld [smem:$0x3FB4];
	_ =	sdelay $0x3  }
0x33: {  	p0 =	seq.s32 s10, $0x1;
	s10 =	sld [smem:$0x3FB6];
	_ =	sdelay $0x3  }
0x34: {  	[smem:$0x3FB6] =	sst s10  }
0x35: {  	s10 =	sld [smem:$0x3FB5];
	_ =	sdelay $0x3  }
0x36: {  	p1 =	seq.s32 s10, $0x1;
	s10 =	sld [smem:$0x3FB6];
	_ =	sdelay $0x3  }
0x37: {  	[smem:$0x3FB6] =	sst s10  }
0x38: {  	s10 =	sld [smem:$0x3FB7]  }
0x39: {  	_ = 	snop;
	(pc) =	sbr.ind lr, $3  }
0x3a: {  	_ = 	snop  }
0x3b: {  	_ = 	snop  }
0x3c: {  	p2 =	seq.s32 s10, $0x1;
	s10 =	sld [smem:$0x3FB6]  }
0x3d: {  	_ =	shalt  }
0x3e: {  	_ =	shalt  }
0x3f: {  	_ =	shalt  }
0x40: {  	_ =	shalt  }
0x41: {  	_ =	shalt  }
0x42: {  	_ =	shalt  }
0x43: {  	_ =	shalt  }
0x44: {  	_ =	shalt  }
0x45: {  	_ =	shalt  }
0x46: {  	_ =	shalt  }
0x47: {  	_ =	shalt  }
0x48: {  	_ =	shalt  }
0x49: {  	_ =	shalt  }
0x4a: {  	_ =	shalt  }
0x4b: {  	_ =	shalt  }
0x4c: {  	_ =	shalt  }
0x4d: {  	_ =	shalt  }
0x4e: {  	_ =	shalt  }
0x4f: {  	_ =	shalt  }
0x50: {  	_ =	shalt  }
0x51: {  	_ =	shalt  }
0x52: {  	_ =	shalt  }
0x53: {  	_ =	shalt  }
0x54: {  	_ =	shalt  }
0x55: {  	_ =	shalt  }
0x56: {  	_ =	shalt  }
0x57: {  	_ =	shalt  }
0x58: {  	_ =	shalt  }
0x59: {  	_ =	shalt  }
0x5a: {  	_ =	shalt  }
0x5b: {  	_ =	shalt  }
0x5c: {  	_ =	shalt  }
0x5d: {  	_ =	shalt  }
0x5e: {  	_ =	shalt  }
0x5f: {  	_ =	shalt  }
0x60: {  	_ =	shalt  }
0x61: {  	_ =	shalt  }
0x62: {  	_ =	shalt  }
0x63: {  	_ =	shalt  }
0x64: {  	_ =	shalt  }
0x65: {  	_ =	shalt  }
0x66: {  	_ =	shalt  }
0x67: {  	_ =	shalt  }
0x68: {  	_ =	shalt  }
0x69: {  	_ =	shalt  }
0x6a: {  	_ =	shalt  }
0x6b: {  	_ =	shalt  }
0x6c: {  	_ =	shalt  }
0x6d: {  	_ =	shalt  }
0x6e: {  	_ =	shalt  }
0x6f: {  	_ =	shalt  }
0x70: {  	_ =	shalt  }
0x71: {  	_ =	shalt  }
0x72: {  	_ =	shalt  }
0x73: {  	_ =	shalt  }
0x74: {  	_ =	shalt  }
0x75: {  	_ =	shalt  }
0x76: {  	_ =	shalt  }
0x77: {  	_ =	shalt  }
0x78: {  	_ =	shalt  }
0x79: {  	_ =	shalt  }
0x7a: {  	_ =	shalt  }
0x7b: {  	_ =	shalt  }
0x7c: {  	_ =	shalt  }
0x7d: {  	_ =	shalt  }
0x7e: {  	_ =	shalt  }
0x7f: {  	_ =	shalt  }
0x80: {  	_ =	shalt  }
0x81: {  	_ =	shalt  }
0x82: {  	_ =	shalt  }
0x83: {  	_ =	shalt  }
0x84: {  	_ =	shalt  }
0x85: {  	_ =	shalt  }
0x86: {  	_ =	shalt  }
0x87: {  	_ =	shalt  }
.Lfunc_end0:
.L_simem_size_0:
called_computation.2_lowered:
.L_overlay_start_0:
0x88: {  	s2 =	sld [smem:$0x3FD9]  }
0x89: {  	s3 =	sld [smem:$0x3FFE];
	_ =	sdelay $0x1  }
0x8a: {  	s1 =	srdreg.scid  }
0x8b: {  	s0 =	sand.u32 $0x1, s1  }
0x8c: {  	s17 =	sshll.u32 s0, $0xA;
	s2 =	sadd.s32 s3, s2  }
0x8d: {  	s2 =	sadd.s32 s2, s17  }
0x8e: {  	[smem:$0x3FC2] =	sst s2  }
0x8f: {  	_ = 	snop  }
0x90: {  	s2 =	sld [smem:$0x3FD0];
	(tm) =	ssettm $0x1  }
0x91: {  	s18 =	sld [smem:$0x3FFB];
	_ =	sdelay $0x3  }
0x92: {  	_ =	strace s18  }
0x93: {  	s3 =	sld [smem:$0x3FFC];
	_ =	sdelay $0x3  }
0x94: {  	_ =	strace s3  }
0x95: {  	s3 =	sld [smem:$0x3FFD];
	_ =	sdelay $0x3  }
0x96: {  	_ =	strace s3  }
0x97: {  	_ =	strace $0x8FFFFFFF  }
0x98: {  	s19 =	sld [smem:$0x3FDB];
	_ =	sdelay $0x1  }
0x99: {  	s4 =	simm.s32 $_scs_section_size  }
0x9a: {  	s5 =	simm.s32 $_size__tile_overlayer_lowered;
	s6 =	simm.s32 $_tile_overlayer_lowered  }
0x9b: {  	s22 =	simm.s32 $0x1BFF;
	s21 =	sshll.u32 s6, $0x1;
	s3 =	sadd.s32 s4, s19  }
0x9c: {  	s7 =	simm.s32 $0x0;
	s20 =	sshll.u32 s5, $0x1;
	s5 =	sadd.s32 s21, s3  }
0x9d: {  	[timem:s7], [sflag:s22] =	dma.local [hbm:s5], s20  }
0x9e: {  	_ =	swait.ge [sflag:s22], s20  }
0x9f: {  	s4 =	ssub.s32 $0x0, s20;
	[sflag:s22] =	ssyncset.done $0x0  }
0xa0: {  	[sflag:s22] =	ssyncadd.s32 s4;
	_ =	sdelay $0x1  }
0xa1: {  	s23 =	simm.s32 $0x1B8B  }
0xa2: {  	_ =	swait.ge [sflag:s23], $0x1  }
0xa3: {  	[sflag:s23] =	ssyncset.done $0x0  }
0xa4: {  	s25 =	simm.s32 $0x1B8E;
	s24 =	sld [smem:$0x3FFE];
	[sflag:s23] =	ssyncadd.s32 $0xFFFFFFFF  }
0xa5: {  	s26 =	simm.s32 $execute0_lowered;
	[smem:$0x3FD2] =	sst s25  }
0xa6: {  	s5 =	sshll.u32 s26, $0x1;
	_ =	strace $0x8000004C;
	[dreg:$0x1] =	wrdreg $0xFFFFFFFF  }
0xa7: {  	s28 =	simm.s32 $_size_execute0_lowered;
	s3 =	sadd.s32 s3, s5;
	[dreg:$0x0] =	wrdreg $0x0  }
0xa8: {  	s5 =	sshll.u32 s28, $0x1;
	[dreg:$0x2] =	wrdreg s3  }
0xa9: {  	[dreg:$0x3] =	wrdreg s5  }
0xaa: {  	[dreg:$0x4] =	wrdreg $0xC0  }
0xab: {  	_ =	task [dreg:s7], $0x5FFFF  }
0xac: {  	[dreg:$0x1] =	wrdreg $0xFFFFFFFF  }
0xad: {  	[dreg:$0x0] =	wrdreg $0x60  }
0xae: {  	[dreg:$0x2] =	wrdreg s2  }
0xaf: {  	[dreg:$0x3] =	wrdreg s24  }
0xb0: {  	[dreg:$0x4] =	wrdreg $0xDA800  }
0xb1: {  	[dreg:$0x5] =	wrdreg $0x102800  }
0xb2: {  	[dreg:$0x6] =	wrdreg $0x9  }
0xb3: {  	_ =	task.clear_ibuf [dreg:s7], $0x7FFFF;
	_ =	strace $0x9000004C  }
0xb4: {  	s29 =	simm.s32 $0x9;
	_ =	strace $0x8000004E  }
0xb5: {  	_ =	swait.ge [sflag:s29], $0x1  }
0xb6: {  	[sflag:s29] =	ssyncadd.s32 $0xFFFFFFFF  }
0xb7: {  	_ =	strace $0x9000004E  }
0xb8: {  	_ =	sfence  }
0xb9: {  	s30 =	sld [smem:$0x0];
	_ =	sdelay $0x2  }
0xba: {  	s31 =	sshll.u32 s1, $0xD;
	s1 =	sshrl.u32 s1, $0x2  }
0xbb: {  	s3 =	sand.u32 $0x4000, s31;
	s1 =	sadd.s32 s1, s30  }
0xbc: {  	s0 =	sor.u32 s3, s0;
	s1 =	sshll.u32 s1, $0x11  }
0xbd: {  	s0 =	sor.u32 s1, s0  }
0xbe: {  	s0 =	sadd.s32 $0x8F2B, s0  }
0xbf: {  	[sflag:s0] =	ssyncadd.remote.s32 $0x1  }
0xc0: {  	_ =	sfence.sel $0xFFFF  }
0xc1: {  	[dreg:$0x0] =	wrdreg $0xFFFFFFFF;
	(pc) =	sbr.abs _section_cstart, $3  }
0xc2: {  	[dreg:$0x1] =	wrdreg $0xFFFFFFFF  }
0xc3: {  	_ =	task.clear_ibuf [dreg:s7], $0x2FFFF;
	_ =	strace $0x9FFFFFFF  }
0xc4: {  	(tm) =	ssettm $0x7FFFFFFF  }
0xc5: {  	_ =	shalt  }
tec
execute0_lowered:
.L_overlay_start_1:
0x0: {  	(tag) =	ssettag $0x1  }
0x1: {  	s0 =	rddreg [dreg:$0x0]  }
0x2: {  	s1 =	rddreg [dreg:$0x1]  }
0x3: {  	s2 =	rddreg [dreg:$0x2]  }
0x4: {  	s3 =	rddreg [dreg:$0x3];
	s19 =	stileid.u32  }
0x5: {  	s7 =	srdreg.scid;
	s4 =	simm.s32 $0x0;
	s18 =	simm.s32 $0x3  }
0x6: {  	s20 =	simm.s32 $0x80;
	s21 =	simm.s32 $0xA000;
	s5 =	smul.u32 $0x50, s19  }
0x7: {  	s22 =	simm.s32 $0xA800;
	s23 =	simm.s32 $0x1;
	s6 =	smul.u32 $0x4E00, s19  }
0x8: {  	s24 =	simm.s32 $0x2;
	s7 =	sand.u32 $0x1, s7;
	s8 =	smul.u32 $0x5000, s19  }
0x9: {  	[smem:$0x7FF] =	sst s4;
	s30 =	sshll.u32 s19, $0x6;
	s12 =	sadd.s32 $0x15280, s1  }
0xa: {  	p0 =	sne.s32 s19, $0xF;
	p1 =	seq.s32 s19, $0xF;
	s9 =	smul.u32 $0x50000, s7  }
0xb: {  	_ =	strace $0x8000004D;
	s29 =	ssub.s32 $0x2, s7;
	s13 =	sadd.s32 s5, s1  }
0xc: {  	s26 =	sshrl.u32 s6, $0x3;
	s7 =	sshrl.u32 s29, $0x1;
	s14 =	sshrl.u32 s8, $0x1  }
0xd: {  	s28 =	sadd.s32 s8, s9;
	s10 =	sadd.s32 s26, s1;
	s16 =	ssub.s32 s29, s7  }
0xe: {  	s5 =	sadd.s32 s14, s2;
	s7 =	sor.u32 $0x1C03, s30;
	s11 =	sshrl.u32 s9, $0x4  }
.Ltmp0:
0xf: {  	s13 =	sadd.s32 $0x15E00, s13;
	s14 =	sadd.s32 s14, s3;
	(pc) =	sbr.rel .LBB2_1-.Ltmp0, $4  }
0x10: {  	s26 =	simm.s32 $0xB000;
	s6 =	sshrl.u32 s28, $0x4;
	s31 =	sadd.s32 $0x2400, s10  }
0x11: {  	s9 =	sadd.s32 $0xC040, s10;
	s10 =	sadd.s32 s0, s11;
	s11 =	sadd.s32 $0xB640, s1  }
0x12: {  	s16 =	smax.u32 s16, $0x1;
	s17 =	sshrl.u32 s5, $0x3;
	s15 =	sadd.s32 s6, s1  }
0x13: {  	s6 =	sadd.s32 s0, s6;
	[dreg:$0x5] =	wrdreg s31;
	s15 =	sadd.s32 $0x16400, s15  }
.LBB2_13:
0x14: {  	[tilespmem:s22], [sflag:$0x2] =	stream.indirect.gather [spmem:s2], $0x10, s1, s20, $0xb8;
	[tilespmem:$0x12A80] =	vst v63  }
0x15: {  	s0 =	simm.s32 $0x9D80;
	s1 =	simm.s32 $0x9D00  }
.LBB2_17:
0x16: {  	_ =	swait.ge [sflag:s23], $0x800  }
0x17: {  	[sflag:s23] =	ssyncset.done $0x0  }
0x18: {  	[sflag:s23] =	ssyncadd.s32 $0xFFFFF800  }
0x19: {  	[spmem:s3] =	stream.indirect.scatter.add.bf16 [tilespmem:s21], [sflag:$0x3], $0x10, s1, s20, $0xb8;
	[tilespmem:$0x12A80] =	vst v63  }
0x1a: {  	_ =	swait.ge [sflag:s18], $0x800  }
0x1b: {  	[sflag:s18] =	ssyncset.done $0x0  }
0x1c: {  	[sflag:s18] =	ssyncadd.s32 $0xFFFFF800  }
0x1d: {  	_ =	swait.ge [sflag:s24], $0x800  }
0x1e: {  	[sflag:s24] =	ssyncset.done $0x0  }
0x1f: {  	[sflag:s24] =	ssyncadd.s32 $0xFFFFF800  }
0x20: {  	[spmem:s3] =	stream.indirect.scatter.add.bf16 [tilespmem:s22], [sflag:$0x3], $0x10, s0, s20, $0xb8;
	[tilespmem:$0x12A80] =	vst v63  }
0x21: {  	_ =	swait.ge [sflag:s18], $0x800  }
0x22: {  	s4 =	sadd.s32 $0x1, s4;
	[sflag:s18] =	ssyncset.done $0x0  }
0x23: {  	p2 =	sne.s32 s4, s16;
	[sflag:s18] =	ssyncadd.s32 $0xFFFFF800  }
.Ltmp1:
0x24: {  	s31 =	sshrl.u32 s14, $0x3;
	[bflag:$0x0] =	sbarrier.arrive $0xFFFF;
	(pc) =	sbr.rel @!p2 .LBB2_18-.Ltmp1, $4  }
0x25: {  	[hbm:s15], [sflag:s7] =	dma.local [spmem:s31], $0x500  }
0x26: {  	_ =	swait.ge [sflag:s18], $0x500  }
0x27: {  	[sflag:s18] =	ssyncset.done $0x0  }
0x28: {  	[sflag:s18] =	ssyncadd.s32 $0xFFFFFB00  }
.LBB2_1:
.Ltmp2:
0x29: {  	(pc) =	sbr.rel @p0 .LBB2_5-.Ltmp2, $4  }
0x2a: {  	[spmem:s17], [sflag:s7] =	dma.local [hbm:s6], $0x500  }
0x2b: {  	_ =	swait.ge [sflag:s18], $0x500  }
0x2c: {  	[sflag:s18] =	ssyncset.done $0x0  }
0x2d: {  	s0 =	simm.s32 $0x0;
	[sflag:s18] =	ssyncadd.s32 $0xFFFFFB00  }
0x2e: {  	[tilespmem:s0], [sflag:$0x3] =	stream.linear.gather [hbm4b:s11+s0], $0x5000, $0x38;
	[tilespmem:$0x12A80] =	vst v63  }
0x2f: {  	_ =	swait.ge [sflag:s18], $0x5000  }
0x30: {  	[sflag:s18] =	ssyncset.done $0x0  }
0x31: {  	s1 =	simm.s32 $0x5000;
	[sflag:s18] =	ssyncadd.s32 $0xFFFFB000  }
0x32: {  	[tilespmem:s1], [sflag:$0x3] =	stream.linear.gather [hbm4b:s12+s0], $0x5000, $0x38;
	[tilespmem:$0x12A80] =	vst v63  }
0x33: {  	_ =	swait.ge [sflag:s18], $0x5000  }
0x34: {  	[sflag:s18] =	ssyncset.done $0x0  }
0x35: {  	[sflag:s18] =	ssyncadd.s32 $0xFFFFB000  }
0x36: {  	[bflag:$0x0] =	sbarrier.arrive $0xFFFF  }
0x37: {  	[tilespmem:s21], [sflag:$0x1] =	stream.indirect.gather [hbm4b:s10+s20], $0x10, s0, s20, $0xb8;
	[tilespmem:$0x12A80] =	vst v63  }
0x38: {  	_ = 	snop  }
0x39: {  	[tilespmem:s22], [sflag:$0x2] =	stream.indirect.gather [hbm4b:s10+s20], $0x10, s20, s20, $0xb8;
	[tilespmem:$0x12A80] =	vst v63  }
0x3a: {  	_ =	swait.ge [sflag:s23], $0x800  }
0x3b: {  	[sflag:s23] =	ssyncset.done $0x0  }
0x3c: {  	s29 =	simm.s32 $0x5000;
	[sflag:s23] =	ssyncadd.s32 $0xFFFFF800  }
0x3d: {  	[spmem:s2] =	stream.indirect.scatter.add.bf16 [tilespmem:s21], [sflag:$0x3], $0x10, s29, s20, $0xb8;
	[tilespmem:$0x12A80] =	vst v63  }
0x3e: {  	_ =	swait.ge [sflag:s18], $0x800  }
0x3f: {  	[sflag:s18] =	ssyncset.done $0x0  }
0x40: {  	s30 =	simm.s32 $0x100;
	[sflag:s18] =	ssyncadd.s32 $0xFFFFF800  }
0x41: {  	[tilespmem:s21], [sflag:$0x1] =	stream.indirect.gather [hbm4b:s10+s20], $0x10, s30, s20, $0xb8;
	[tilespmem:$0x12A80] =	vst v63  }
0x42: {  	_ =	swait.ge [sflag:s24], $0x800  }
0x43: {  	[sflag:s24] =	ssyncset.done $0x0  }
0x44: {  	s31 =	simm.s32 $0x5080;
	[sflag:s24] =	ssyncadd.s32 $0xFFFFF800  }
0x45: {  	[spmem:s2] =	stream.indirect.scatter.add.bf16 [tilespmem:s22], [sflag:$0x3], $0x10, s31, s20, $0xb8;
	[tilespmem:$0x12A80] =	vst v63  }
0x46: {  	_ =	swait.ge [sflag:s18], $0x800  }
0x47: {  	[sflag:s18] =	ssyncset.done $0x0  }
0x48: {  	s1 =	simm.s32 $0x180;
	s0 =	simm.s32 $0x400;
	[sflag:s18] =	ssyncadd.s32 $0xFFFFF800  }
.LBB2_3:
0x49: {  	[tilespmem:s22], [sflag:$0x2] =	stream.indirect.gather [hbm4b:s10+s20], $0x10, s1, s20, $0xb8;
	[tilespmem:$0x12A80] =	vst v63  }
0x4a: {  	s1 =	smov.u32 s0  }
0x4b: {  	p2 =	sne.s32 s0, $0x13800;
	s0 =	sadd.s32 $0x400, s0;
	_ =	swait.ge [sflag:s23], $0x800  }
0x4c: {  	s1 =	sshra.s32 s1, $0x2;
	[sflag:s23] =	ssyncset.done $0x0  }
0x4d: {  	s28 =	sadd.s32 $0x5000, s1;
	[sflag:s23] =	ssyncadd.s32 $0xFFFFF800  }
0x4e: {  	[spmem:s2] =	stream.indirect.scatter.add.bf16 [tilespmem:s21], [sflag:$0x3], $0x10, s28, s20, $0xb8;
	[tilespmem:$0x12A80] =	vst v63  }
0x4f: {  	_ =	swait.ge [sflag:s18], $0x800  }
0x50: {  	[sflag:s18] =	ssyncset.done $0x0  }
0x51: {  	s28 =	sadd.s32 $0x100, s1;
	[sflag:s18] =	ssyncadd.s32 $0xFFFFF800  }
0x52: {  	[tilespmem:s21], [sflag:$0x1] =	stream.indirect.gather [hbm4b:s10+s20], $0x10, s28, s20, $0xb8;
	[tilespmem:$0x12A80] =	vst v63  }
0x53: {  	_ =	swait.ge [sflag:s24], $0x800  }
0x54: {  	[sflag:s24] =	ssyncset.done $0x0  }
.Ltmp3:
0x55: {  	s28 =	sadd.s32 $0x5080, s1;
	[sflag:s24] =	ssyncadd.s32 $0xFFFFF800;
	(pc) =	sbr.rel @p2 .LBB2_3-.Ltmp3, $4  }
0x56: {  	[spmem:s2] =	stream.indirect.scatter.add.bf16 [tilespmem:s22], [sflag:$0x3], $0x10, s28, s20, $0xb8;
	[tilespmem:$0x12A80] =	vst v63  }
0x57: {  	_ =	swait.ge [sflag:s18], $0x800  }
0x58: {  	[sflag:s18] =	ssyncset.done $0x0  }
0x59: {  	s1 =	sadd.s32 $0x180, s1;
	[sflag:s18] =	ssyncadd.s32 $0xFFFFF800  }
.Ltmp4:
0x5a: {  	(pc) =	sbr.rel .LBB2_8-.Ltmp4, $3  }
0x5b: {  	_ =	sdelay $0x1  }
0x5c: {  	[tilespmem:s22], [sflag:$0x2] =	stream.indirect.gather [hbm4b:s10+s20], $0x10, s1, s20, $0xb8;
	[tilespmem:$0x12A80] =	vst v63  }
0x5d: {  	s0 =	simm.s32 $0x9F80;
	s1 =	simm.s32 $0x9F00  }
.LBB2_5:
0x5e: {  	s1 =	rddreg [dreg:$0x5]  }
0x5f: {  	[tilespmem:s0], [sflag:$0x3] =	stream.linear.gather [hbm4b:s1+s0], $0x4E00, $0x38;
	[tilespmem:$0x12A80] =	vst v63  }
0x60: {  	_ =	swait.ge [sflag:s18], $0x4E00  }
0x61: {  	[sflag:s18] =	ssyncset.done $0x0  }
0x62: {  	s28 =	simm.s32 $0x5000;
	[sflag:s18] =	ssyncadd.s32 $0xFFFFB200  }
0x63: {  	[tilespmem:s28], [sflag:$0x3] =	stream.linear.gather [hbm4b:s9+s0], $0x4E00, $0x38;
	[tilespmem:$0x12A80] =	vst v63  }
0x64: {  	_ =	swait.ge [sflag:s18], $0x4E00  }
0x65: {  	[sflag:s18] =	ssyncset.done $0x0  }
0x66: {  	[sflag:s18] =	ssyncadd.s32 $0xFFFFB200  }
0x67: {  	[bflag:$0x0] =	sbarrier.arrive $0xFFFF  }
0x68: {  	[tilespmem:s21], [sflag:$0x1] =	stream.indirect.gather [hbm4b:s10+s20], $0x10, s0, s20, $0xb8;
	[tilespmem:$0x12A80] =	vst v63  }
0x69: {  	_ = 	snop  }
0x6a: {  	[tilespmem:s22], [sflag:$0x2] =	stream.indirect.gather [hbm4b:s10+s20], $0x10, s20, s20, $0xb8;
	[tilespmem:$0x12A80] =	vst v63  }
0x6b: {  	_ =	swait.ge [sflag:s23], $0x800  }
0x6c: {  	[sflag:s23] =	ssyncset.done $0x0  }
0x6d: {  	s29 =	simm.s32 $0x5000;
	[sflag:s23] =	ssyncadd.s32 $0xFFFFF800  }
0x6e: {  	[spmem:s2] =	stream.indirect.scatter.add.bf16 [tilespmem:s21], [sflag:$0x3], $0x10, s29, s20, $0xb8;
	[tilespmem:$0x12A80] =	vst v63  }
0x6f: {  	_ =	swait.ge [sflag:s18], $0x800  }
0x70: {  	[sflag:s18] =	ssyncset.done $0x0  }
0x71: {  	s30 =	simm.s32 $0x100;
	[sflag:s18] =	ssyncadd.s32 $0xFFFFF800  }
0x72: {  	[tilespmem:s21], [sflag:$0x1] =	stream.indirect.gather [hbm4b:s10+s20], $0x10, s30, s20, $0xb8;
	[tilespmem:$0x12A80] =	vst v63  }
0x73: {  	_ =	swait.ge [sflag:s24], $0x800  }
0x74: {  	p2 =	por $0x0, $0x0;
	[sflag:s24] =	ssyncset.done $0x0  }
.Ltmp5:
0x75: {  	s31 =	simm.s32 $0x5080;
	[sflag:s24] =	ssyncadd.s32 $0xFFFFF800;
	(pc) =	sbr.rel @p2 .LBB2_7-.Ltmp5, $4  }
0x76: {  	[spmem:s2] =	stream.indirect.scatter.add.bf16 [tilespmem:s22], [sflag:$0x3], $0x10, s31, s20, $0xb8;
	[tilespmem:$0x12A80] =	vst v63  }
0x77: {  	_ =	swait.ge [sflag:s18], $0x800  }
0x78: {  	[sflag:s18] =	ssyncset.done $0x0  }
0x79: {  	s1 =	simm.s32 $0x180;
	s0 =	simm.s32 $0x400;
	[sflag:s18] =	ssyncadd.s32 $0xFFFFF800  }
.LBB2_6:
0x7a: {  	[tilespmem:s22], [sflag:$0x2] =	stream.indirect.gather [hbm4b:s10+s20], $0x10, s1, s20, $0xb8;
	[tilespmem:$0x12A80] =	vst v63  }
0x7b: {  	s1 =	smov.u32 s0  }
0x7c: {  	p2 =	seq.s32 s0, $0x13000;
	s0 =	sadd.s32 $0x400, s0;
	_ =	swait.ge [sflag:s23], $0x800  }
0x7d: {  	s1 =	sshra.s32 s1, $0x2;
	[sflag:s23] =	ssyncset.done $0x0  }
0x7e: {  	s28 =	sadd.s32 $0x5000, s1;
	[sflag:s23] =	ssyncadd.s32 $0xFFFFF800  }
0x7f: {  	[spmem:s2] =	stream.indirect.scatter.add.bf16 [tilespmem:s21], [sflag:$0x3], $0x10, s28, s20, $0xb8;
	[tilespmem:$0x12A80] =	vst v63  }
0x80: {  	_ =	swait.ge [sflag:s18], $0x800  }
0x81: {  	[sflag:s18] =	ssyncset.done $0x0  }
0x82: {  	s28 =	sadd.s32 $0x100, s1;
	[sflag:s18] =	ssyncadd.s32 $0xFFFFF800  }
0x83: {  	[tilespmem:s21], [sflag:$0x1] =	stream.indirect.gather [hbm4b:s10+s20], $0x10, s28, s20, $0xb8;
	[tilespmem:$0x12A80] =	vst v63  }
0x84: {  	_ =	swait.ge [sflag:s24], $0x800  }
0x85: {  	[sflag:s24] =	ssyncset.done $0x0  }
.Ltmp6:
0x86: {  	s28 =	sadd.s32 $0x5080, s1;
	[sflag:s24] =	ssyncadd.s32 $0xFFFFF800;
	(pc) =	sbr.rel @!p2 .LBB2_6-.Ltmp6, $4  }
0x87: {  	[spmem:s2] =	stream.indirect.scatter.add.bf16 [tilespmem:s22], [sflag:$0x3], $0x10, s28, s20, $0xb8;
	[tilespmem:$0x12A80] =	vst v63  }
0x88: {  	_ =	swait.ge [sflag:s18], $0x800  }
0x89: {  	[sflag:s18] =	ssyncset.done $0x0  }
0x8a: {  	s1 =	sadd.s32 $0x180, s1;
	[sflag:s18] =	ssyncadd.s32 $0xFFFFF800  }
.LBB2_7:
0x8b: {  	[tilespmem:s22], [sflag:$0x2] =	stream.indirect.gather [hbm4b:s10+s20], $0x10, s1, s20, $0xb8;
	[tilespmem:$0x12A80] =	vst v63  }
0x8c: {  	s0 =	simm.s32 $0x9D80;
	s1 =	simm.s32 $0x9D00  }
.LBB2_8:
0x8d: {  	_ =	swait.ge [sflag:s23], $0x800  }
0x8e: {  	[sflag:s23] =	ssyncset.done $0x0  }
0x8f: {  	[sflag:s23] =	ssyncadd.s32 $0xFFFFF800  }
0x90: {  	[spmem:s2] =	stream.indirect.scatter.add.bf16 [tilespmem:s21], [sflag:$0x3], $0x10, s1, s20, $0xb8;
	[tilespmem:$0x12A80] =	vst v63  }
0x91: {  	_ =	swait.ge [sflag:s18], $0x800  }
0x92: {  	[sflag:s18] =	ssyncset.done $0x0  }
0x93: {  	[sflag:s18] =	ssyncadd.s32 $0xFFFFF800  }
0x94: {  	_ =	swait.ge [sflag:s24], $0x800  }
0x95: {  	[sflag:s24] =	ssyncset.done $0x0  }
0x96: {  	[sflag:s24] =	ssyncadd.s32 $0xFFFFF800  }
0x97: {  	[spmem:s2] =	stream.indirect.scatter.add.bf16 [tilespmem:s22], [sflag:$0x3], $0x10, s0, s20, $0xb8;
	[tilespmem:$0x12A80] =	vst v63  }
0x98: {  	_ =	swait.ge [sflag:s18], $0x800  }
0x99: {  	[sflag:s18] =	ssyncset.done $0x0  }
0x9a: {  	[sflag:s18] =	ssyncadd.s32 $0xFFFFF800  }
0x9b: {  	s19 =	simm.s32 $0x0;
	s25 =	simm.s32 $0xD800;
	[bflag:$0x0] =	sbarrier.arrive $0xFFFF  }
0x9c: {  	[tilespmem:s25], [sflag:$0x3] =	stream.linear.gather [hbm4b:s13+s19], $0x280, $0x38;
	[tilespmem:$0x12A80] =	vst v63  }
0x9d: {  	_ =	swait.ge [sflag:s18], $0x280  }
0x9e: {  	[sflag:s18] =	ssyncset.done $0x0  }
0x9f: {  	[sflag:s18] =	ssyncadd.s32 $0xFFFFFD80  }
0xa0: {  	[tilespmem:s26], [sflag:$0x3] =	stream.linear.gather [spmem:s5], $0x2800, $0x38;
	[tilespmem:$0x12A80] =	vst v63  }
0xa1: {  	_ =	swait.ge [sflag:s18], $0x2800  }
0xa2: {  	[sflag:s18] =	ssyncset.done $0x0  }
0xa3: {  	s29 =	simm.s32 $0xB080;
	[sflag:s18] =	ssyncadd.s32 $0xFFFFD800  }
0xa4: {  	v0 =	vld [tilespmem:s29+$0x70]  }
0xa5: {  	v6 =	vld [tilespmem:s29+$0x60]  }
0xa6: {  	v4 =	vld [tilespmem:s29+$0x40];
	_ =	sdelay $0x1  }
0xa7: {  	s31 =	simm.s32 $0x0  }
0xa8: {  	v14 =	vld [tilespmem:s31+$0xD800]  }
0xa9: {  	v2 =	vunpack.i.u.bf16.f32 v0  }
0xaa: {  	s30 =	simm.s32 $0x40;
	s28 =	simm.s32 $0xB080;
	v1 =	vld [tilespmem:s29+$0xFFFFFFF0];
	v3 =	vunpack.i.l.bf16.f32 v0;
	v8 =	vunpack.i.l.bf16.f32 v6;
	v0 =	vunpack.i.u.bf16.f32 v4  }
.LBB2_9:
0xab: {  	p2 =	sne.s32 s30, $0x9C0  }
0xac: {  	v4 =	vunpack.i.l.bf16.f32 v4;
	s29 =	sadd.s32 $0x100, s29;
	s0 =	smov.u32 s30;
	s30 =	sadd.s32 $0x40, s30  }
0xad: {  	v7 =	vld [tilespmem:s28+$0xFFFFFFB0];
	(v2sf) =	vpush v14, $0xE  }
0xae: {  	v10 =	vld [tilespmem:s28+$0xFFFFFFC0];
	(v2sf) =	vpush v14, $0xD  }
0xaf: {  	v11 =	vld [tilespmem:s29+$0xFFFFFFF0];
	(v2sf) =	vpush v14, $0x6  }
0xb0: {  	v12 =	vld [tilespmem:s28+$0x0];
	(v2sf) =	vpush v14, $0x0;
	_ =	sdelay $0x1  }
0xb1: {  	v5 =	vunpack.i.l.bf16.f32 v7;
	v15 =	vld [tilespmem:s28+$0x20];
	(v2sf) =	vpush v14, $0xC  }
0xb2: {  	v16 =	vld [tilespmem:s28+$0xFFFFFF90];
	v9 =	vunpack.i.u.bf16.f32 v10;
	(v2sf) =	vpush v14, $0x5  }
0xb3: {  	v7 =	vunpack.i.u.bf16.f32 v7;
	v13 =	vunpack.i.l.bf16.f32 v10;
	v17 =	vld [tilespmem:s28+$0x10];
	(v2sf) =	vpush v14, $0x2  }
0xb4: {  	v18 =	vunpack.i.u.bf16.f32 v12;
	(v2sf) =	vpush v14, $0xB  }
0xb5: {  	(v2sf) =	vpush v14, $0xA  }
0xb6: {  	v19 =	vunpack.i.l.bf16.f32 v12;
	v20 =	vunpack.i.u.bf16.f32 v15;
	(v2sf) =	vpush v14, $0x9  }
0xb7: {  	v15 =	vunpack.i.l.bf16.f32 v15;
	v21 =	vld [tilespmem:s28+$0xFFFFFF80];
	(v2sf) =	vpush v14, $0x8  }
0xb8: {  	v10 =	vunpack.i.u.bf16.f32 v16;
	v12 =	vunpack.i.l.bf16.f32 v16;
	v16 =	vld [tilespmem:s28+$0x50];
	(v2sf) =	vpush v14, $0x7  }
0xb9: {  	v22 =	vunpack.i.u.bf16.f32 v17;
	(v2sf) =	vpush v14, $0x4  }
0xba: {  	v17 =	vunpack.i.l.bf16.f32 v17;
	v23 =	vld [tilespmem:s28+$0xFFFFFFE0];
	(v2sf) =	vpush v14, $0x3  }
0xbb: {  	s1 =	spop (v2sf);
	(v2sf) =	vpush v14, $0xF  }
0xbc: {  	v24 =	vunpack.i.l.bf16.f32 v1;
	s1 =	smul.f32 s1, s1;
	(v2sf) =	vpush v14, $0x1;
	s31 =	spop (v2sf)  }
0xbd: {  	v6 =	vunpack.i.u.bf16.f32 v6;
	v14 =	vunpack.i.u.bf16.f32 v21;
	v25 =	vld [tilespmem:s28+$0xFFFFFFD0];
	s31 =	smul.f32 s31, s31;
	v26 =	vunpack.i.l.bf16.f32 v16;
	s19 =	spop (v2sf)  }
0xbe: {  	v16 =	vunpack.i.u.bf16.f32 v16;
	v27 =	vld [tilespmem:s28+$0xFFFFFFA0];
	s19 =	smul.f32 s19, s19;
	v8 =	vmul.f32 s1, v8;
	v6 =	vmul.f32 s1, v6;
	s1 =	spop (v2sf)  }
0xbf: {  	s1 =	smul.f32 s1, s1;
	v28 =	vunpack.i.u.bf16.f32 v23;
	v26 =	vmul.f32 s31, v26;
	v16 =	vmul.f32 s31, v16  }
0xc0: {  	v21 =	vunpack.i.l.bf16.f32 v21;
	s31 =	sshra.s32 s0, $0x2;
	v23 =	vunpack.i.l.bf16.f32 v23;
	v28 =	vmul.f32 s19, v28;
	v29 =	vld [tilespmem:s28+$0x30];
	s0 =	spop (v2sf)  }
0xc1: {  	v23 =	vmul.f32 s19, v23;
	v6 =	vpack.i.f32.bf16 v6, v8;
	v21 =	vmul.f32 s1, v21;
	s0 =	smul.f32 s0, s0;
	s19 =	spop (v2sf)  }
0xc2: {  	v8 =	vmul.f32 s1, v14;
	v16 =	vpack.i.f32.bf16 v16, v26;
	s1 =	smul.f32 s19, s19;
	v14 =	vunpack.i.u.bf16.f32 v25;
	[tilespmem:s28+$0x60] =	vst v6;
	s19 =	spop (v2sf)  }
0xc3: {  	v25 =	vunpack.i.l.bf16.f32 v25;
	v23 =	vpack.i.f32.bf16 v28, v23;
	s19 =	smul.f32 s19, s19;
	v6 =	vunpack.i.u.bf16.f32 v27;
	[tilespmem:s28+$0x50] =	vst v16;
	s25 =	spop (v2sf)  }
0xc4: {  	v16 =	vunpack.i.l.bf16.f32 v27;
	v25 =	vmul.f32 s1, v25;
	v14 =	vmul.f32 s1, v14;
	[tilespmem:s28+$0xFFFFFFE0] =	vst v23;
	s1 =	smul.f32 s25, s25;
	s25 =	spop (v2sf)  }
0xc5: {  	v8 =	vpack.i.f32.bf16 v8, v21;
	v16 =	vmul.f32 s19, v16;
	v6 =	vmul.f32 s19, v6;
	s19 =	smul.f32 s25, s25;
	s25 =	spop (v2sf)  }
0xc6: {  	v21 =	vunpack.i.l.bf16.f32 v29;
	[tilespmem:s28+$0xFFFFFF80] =	vst v8;
	v8 =	vpack.i.f32.bf16 v14, v25;
	s25 =	smul.f32 s25, s25;
	v14 =	vunpack.i.u.bf16.f32 v29;
	s8 =	spop (v2sf)  }
0xc7: {  	v6 =	vpack.i.f32.bf16 v6, v16;
	[tilespmem:s28+$0xFFFFFFD0] =	vst v8;
	s8 =	smul.f32 s8, s8;
	v8 =	vmul.f32 s19, v15;
	v15 =	vmul.f32 s19, v20;
	s19 =	spop (v2sf)  }
0xc8: {  	[tilespmem:s28+$0xFFFFFFA0] =	vst v6;
	s19 =	smul.f32 s19, s19;
	v6 =	vunpack.i.u.bf16.f32 v1;
	v16 =	vmul.f32 s25, v17;
	v17 =	vmul.f32 s25, v22;
	s25 =	spop (v2sf);
	v1 =	vmovc v11  }
0xc9: {  	s25 =	smul.f32 s25, s25;
	v11 =	vmul.f32 s8, v19;
	v18 =	vmul.f32 s8, v18;
	v8 =	vpack.i.f32.bf16 v15, v8;
	s8 =	spop (v2sf)  }
0xca: {  	s8 =	smul.f32 s8, s8;
	v15 =	vmul.f32 s19, v24;
	v6 =	vmul.f32 s19, v6;
	v16 =	vpack.i.f32.bf16 v17, v16;
	[tilespmem:s28+$0x20] =	vst v8;
	s19 =	spop (v2sf)  }
0xcb: {  	v8 =	vmul.f32 s25, v13;
	v9 =	vmul.f32 s25, v9;
	v11 =	vpack.i.f32.bf16 v18, v11;
	[tilespmem:s28+$0x10] =	vst v16;
	s19 =	smul.f32 s19, s19;
	s25 =	spop (v2sf)  }
0xcc: {  	s25 =	smul.f32 s25, s25;
	v5 =	vmul.f32 s8, v5;
	v7 =	vmul.f32 s8, v7;
	v6 =	vpack.i.f32.bf16 v6, v15;
	[tilespmem:s28+$0x0] =	vst v11  }
0xcd: {  	v8 =	vpack.i.f32.bf16 v9, v8;
	[tilespmem:s28+$0xFFFFFFF0] =	vst v6;
	v3 =	vmul.f32 s19, v3;
	v2 =	vmul.f32 s19, v2  }
0xce: {  	v6 =	vmul.f32 s25, v12;
	v9 =	vmul.f32 s25, v10;
	v5 =	vpack.i.f32.bf16 v7, v5;
	[tilespmem:s28+$0xFFFFFFC0] =	vst v8  }
0xcf: {  	v4 =	vmul.f32 s0, v4;
	v0 =	vmul.f32 s0, v0;
	[tilespmem:s28+$0xFFFFFFB0] =	vst v5;
	v2 =	vpack.i.f32.bf16 v2, v3  }
0xd0: {  	v5 =	vmul.f32 s1, v21;
	v3 =	vpack.i.f32.bf16 v9, v6;
	v6 =	vmul.f32 s1, v14;
	[tilespmem:s28+$0x70] =	vst v2  }
0xd1: {  	v0 =	vpack.i.f32.bf16 v0, v4;
	v7 =	vld [tilespmem:s29+$0x70];
	[tilespmem:s28+$0xFFFFFF90] =	vst v3  }
0xd2: {  	v2 =	vpack.i.f32.bf16 v6, v5;
	[tilespmem:s28+$0x40] =	vst v0  }
0xd3: {  	v6 =	vld [tilespmem:s29+$0x60];
	[tilespmem:s28+$0x30] =	vst v2;
	s28 =	smov.u32 s29;
	_ =	sdelay $0x1  }
0xd4: {  	v4 =	vld [tilespmem:s29+$0x40]  }
.Ltmp7:
0xd5: {  	v14 =	vld [tilespmem:s31+$0xD800];
	(pc) =	sbr.rel @p2 .LBB2_9-.Ltmp7, $3  }
0xd6: {  	v2 =	vunpack.i.u.bf16.f32 v7;
	v3 =	vunpack.i.l.bf16.f32 v7;
	_ =	sdelay $0x1  }
0xd7: {  	v8 =	vunpack.i.l.bf16.f32 v6  }
0xd8: {  	v0 =	vunpack.i.u.bf16.f32 v4  }
0xd9: {  	(v2sf) =	vpush v14, $0xE  }
0xda: {  	(v2sf) =	vpush v14, $0xD  }
0xdb: {  	(v2sf) =	vpush v14, $0x6  }
0xdc: {  	v5 =	vld [tilespmem:s28+$0xFFFFFFB0];
	(v2sf) =	vpush v14, $0x0  }
0xdd: {  	v7 =	vld [tilespmem:s28+$0xFFFFFFC0];
	(v2sf) =	vpush v14, $0xC  }
0xde: {  	v9 =	vld [tilespmem:s28+$0x0];
	(v2sf) =	vpush v14, $0x5  }
0xdf: {  	v10 =	vld [tilespmem:s28+$0x20];
	(v2sf) =	vpush v14, $0x2  }
0xe0: {  	v11 =	vld [tilespmem:s28+$0xFFFFFF90];
	v4 =	vunpack.i.l.bf16.f32 v4;
	(v2sf) =	vpush v14, $0xB  }
0xe1: {  	v13 =	vld [tilespmem:s28+$0x10];
	v23 =	vunpack.i.l.bf16.f32 v1;
	v6 =	vunpack.i.u.bf16.f32 v6;
	(v2sf) =	vpush v14, $0xA  }
0xe2: {  	v16 =	vld [tilespmem:s28+$0xFFFFFF80];
	v49 =	vunpack.i.u.bf16.f32 v1;
	v12 =	vunpack.i.l.bf16.f32 v5;
	(v2sf) =	vpush v14, $0x9  }
0xe3: {  	v18 =	vld [tilespmem:s28+$0x50];
	v15 =	vunpack.i.u.bf16.f32 v7;
	v5 =	vunpack.i.u.bf16.f32 v5;
	(v2sf) =	vpush v14, $0x8  }
0xe4: {  	v21 =	vld [tilespmem:s28+$0xFFFFFFE0];
	v7 =	vunpack.i.l.bf16.f32 v7;
	v17 =	vunpack.i.u.bf16.f32 v9;
	(v2sf) =	vpush v14, $0x7  }
0xe5: {  	v24 =	vld [tilespmem:s28+$0xFFFFFFD0];
	v9 =	vunpack.i.l.bf16.f32 v9;
	v19 =	vunpack.i.u.bf16.f32 v10;
	(v2sf) =	vpush v14, $0x4  }
0xe6: {  	v26 =	vld [tilespmem:s28+$0xFFFFFFA0];
	v10 =	vunpack.i.l.bf16.f32 v10;
	v20 =	vunpack.i.u.bf16.f32 v11;
	(v2sf) =	vpush v14, $0x3  }
0xe7: {  	v11 =	vunpack.i.l.bf16.f32 v11;
	v22 =	vunpack.i.u.bf16.f32 v13;
	v13 =	vunpack.i.l.bf16.f32 v13  }
0xe8: {  	v39 =	vunpack.i.u.bf16.f32 v16;
	v25 =	vunpack.i.l.bf16.f32 v18;
	(v2sf) =	vpush v14, $0xF;
	s0 =	spop (v2sf)  }
0xe9: {  	v28 =	vld [tilespmem:s28+$0x30];
	v18 =	vunpack.i.u.bf16.f32 v18;
	v27 =	vunpack.i.u.bf16.f32 v21;
	(v2sf) =	vpush v14, $0x1;
	s0 =	smul.f32 s0, s0;
	s1 =	spop (v2sf)  }
0xea: {  	v16 =	vunpack.i.l.bf16.f32 v16;
	v21 =	vunpack.i.l.bf16.f32 v21;
	v41 =	vunpack.i.u.bf16.f32 v24;
	s1 =	smul.f32 s1, s1;
	s8 =	spop (v2sf)  }
0xeb: {  	v42 =	vunpack.i.u.bf16.f32 v26;
	s8 =	smul.f32 s8, s8;
	v8 =	vmul.f32 s0, v8;
	v6 =	vmul.f32 s0, v6;
	s31 =	spop (v2sf)  }
0xec: {  	v24 =	vunpack.i.l.bf16.f32 v24;
	v25 =	vmul.f32 s1, v25;
	v18 =	vmul.f32 s1, v18;
	s0 =	spop (v2sf)  }
0xed: {  	v43 =	vunpack.i.l.bf16.f32 v26;
	s19 =	smul.f32 s31, s31;
	v27 =	vmul.f32 s8, v27;
	v21 =	vmul.f32 s8, v21;
	s8 =	spop (v2sf)  }
0xee: {  	v45 =	vunpack.i.u.bf16.f32 v28;
	v46 =	vunpack.i.l.bf16.f32 v28;
	v6 =	vpack.i.f32.bf16 v6, v8;
	s0 =	smul.f32 s0, s0;
	s25 =	spop (v2sf)  }
0xef: {  	v16 =	vmul.f32 s19, v16;
	v40 =	vmul.f32 s19, v39;
	s1 =	smul.f32 s8, s8;
	v18 =	vpack.i.f32.bf16 v18, v25;
	[tilespmem:s28+$0x60] =	vst v6;
	s19 =	spop (v2sf)  }
0xf0: {  	s8 =	smul.f32 s25, s25;
	v21 =	vpack.i.f32.bf16 v27, v21;
	[tilespmem:s28+$0x50] =	vst v18;
	v4 =	vmul.f32 s0, v4;
	v0 =	vmul.f32 s0, v0;
	s29 =	spop (v2sf)  }
0xf1: {  	v24 =	vmul.f32 s1, v24;
	v14 =	vmul.f32 s1, v41;
	v8 =	vpack.i.f32.bf16 v40, v16;
	[tilespmem:s28+$0xFFFFFFE0] =	vst v21;
	s1 =	smul.f32 s29, s29;
	s30 =	spop (v2sf)  }
0xf2: {  	v6 =	vmul.f32 s8, v43;
	v44 =	vmul.f32 s8, v42;
	[tilespmem:s28+$0xFFFFFF80] =	vst v8;
	v0 =	vpack.i.f32.bf16 v0, v4;
	s8 =	smul.f32 s30, s30;
	s25 =	spop (v2sf)  }
0xf3: {  	v14 =	vpack.i.f32.bf16 v14, v24;
	[tilespmem:s28+$0x40] =	vst v0;
	s25 =	smul.f32 s25, s25;
	v47 =	vmul.f32 s1, v10;
	v48 =	vmul.f32 s1, v19;
	s31 =	spop (v2sf)  }
0xf4: {  	v6 =	vpack.i.f32.bf16 v44, v6;
	[tilespmem:s28+$0xFFFFFFD0] =	vst v14;
	s1 =	smul.f32 s31, s31;
	v13 =	vmul.f32 s8, v13;
	v50 =	vmul.f32 s8, v22;
	s29 =	spop (v2sf)  }
0xf5: {  	[tilespmem:s28+$0xFFFFFFA0] =	vst v6;
	s8 =	smul.f32 s29, s29;
	v51 =	vmul.f32 s25, v9;
	v52 =	vmul.f32 s25, v17;
	v8 =	vpack.i.f32.bf16 v48, v47;
	s30 =	spop (v2sf)  }
0xf6: {  	s25 =	smul.f32 s30, s30;
	v53 =	vmul.f32 s1, v23;
	v1 =	vmul.f32 s1, v49;
	v13 =	vpack.i.f32.bf16 v50, v13;
	[tilespmem:s28+$0x20] =	vst v8  }
0xf7: {  	s31 =	spop (v2sf);
	s30 =	smul.f32 s19, s19;
	v7 =	vmul.f32 s8, v7;
	v54 =	vmul.f32 s8, v15;
	v6 =	vpack.i.f32.bf16 v52, v51;
	[tilespmem:s28+$0x10] =	vst v13  }
0xf8: {  	s1 =	smul.f32 s31, s31;
	s29 =	spop (v2sf);
	v55 =	vmul.f32 s25, v12;
	v5 =	vmul.f32 s25, v5;
	v1 =	vpack.i.f32.bf16 v1, v53;
	[tilespmem:s28+$0x0] =	vst v6  }
0xf9: {  	s8 =	smul.f32 s29, s29;
	v61 =	vmul.f32 s30, v46;
	v62 =	vmul.f32 s30, v45;
	v56 =	vpack.i.f32.bf16 v54, v7;
	[tilespmem:s28+$0xFFFFFFF0] =	vst v1  }
0xfa: {  	v57 =	vmul.f32 s1, v3;
	v2 =	vmul.f32 s1, v2;
	v5 =	vpack.i.f32.bf16 v5, v55;
	[tilespmem:s28+$0xFFFFFFC0] =	vst v56  }
0xfb: {  	v58 =	vmul.f32 s8, v11;
	v59 =	vmul.f32 s8, v20;
	v63 =	vpack.i.f32.bf16 v62, v61;
	[tilespmem:s28+$0xFFFFFFB0] =	vst v5  }
0xfc: {  	v1 =	vpack.i.f32.bf16 v2, v57;
	[tilespmem:s28+$0x30] =	vst v63  }
0xfd: {  	v60 =	vpack.i.f32.bf16 v59, v58;
	[tilespmem:s28+$0x70] =	vst v1  }
0xfe: {  	[tilespmem:s28+$0xFFFFFF90] =	vst v60  }
0xff: {  	[spmem:s5] =	stream.linear.scatter [tilespmem:s26], [sflag:$0x3], $0x2800, $0x38;
	[tilespmem:$0x12A80] =	vst v63  }
0x100: {  	_ =	swait.ge [sflag:s18], $0x2800  }
0x101: {  	[sflag:s18] =	ssyncset.done $0x0  }
0x102: {  	[sflag:s18] =	ssyncadd.s32 $0xFFFFD800  }
0x103: {  	[spmem:s14] =	stream.linear.scatter [tilespmem:s26], [sflag:$0x3], $0x2800, $0x38;
	[tilespmem:$0x12A80] =	vst v63  }
0x104: {  	_ =	swait.ge [sflag:s18], $0x2800  }
0x105: {  	[sflag:s18] =	ssyncset.done $0x0  }
.Ltmp8:
0x106: {  	[sflag:s18] =	ssyncadd.s32 $0xFFFFD800;
	(pc) =	sbr.rel @!p1 .LBB2_11-.Ltmp8, $4  }
0x107: {  	s31 =	simm.s32 $0x0;
	[bflag:$0x0] =	sbarrier.arrive $0xFFFF  }
0x108: {  	[tilespmem:s21], [sflag:$0x1] =	stream.indirect.gather [spmem:s2], $0x10, s31, s20, $0xb8;
	[tilespmem:$0x12A80] =	vst v63  }
0x109: {  	_ = 	snop  }
0x10a: {  	[tilespmem:s22], [sflag:$0x2] =	stream.indirect.gather [spmem:s2], $0x10, s20, s20, $0xb8;
	[tilespmem:$0x12A80] =	vst v63  }
0x10b: {  	_ =	swait.ge [sflag:s23], $0x800  }
0x10c: {  	[sflag:s23] =	ssyncset.done $0x0  }
0x10d: {  	s0 =	simm.s32 $0x5000;
	[sflag:s23] =	ssyncadd.s32 $0xFFFFF800  }
0x10e: {  	[spmem:s3] =	stream.indirect.scatter.add.bf16 [tilespmem:s21], [sflag:$0x3], $0x10, s0, s20, $0xb8;
	[tilespmem:$0x12A80] =	vst v63  }
0x10f: {  	_ =	swait.ge [sflag:s18], $0x800  }
0x110: {  	[sflag:s18] =	ssyncset.done $0x0  }
0x111: {  	s30 =	simm.s32 $0x100;
	[sflag:s18] =	ssyncadd.s32 $0xFFFFF800  }
0x112: {  	[tilespmem:s21], [sflag:$0x1] =	stream.indirect.gather [spmem:s2], $0x10, s30, s20, $0xb8;
	[tilespmem:$0x12A80] =	vst v63  }
0x113: {  	_ =	swait.ge [sflag:s24], $0x800  }
0x114: {  	[sflag:s24] =	ssyncset.done $0x0  }
0x115: {  	s31 =	simm.s32 $0x5080;
	[sflag:s24] =	ssyncadd.s32 $0xFFFFF800  }
0x116: {  	[spmem:s3] =	stream.indirect.scatter.add.bf16 [tilespmem:s22], [sflag:$0x3], $0x10, s31, s20, $0xb8;
	[tilespmem:$0x12A80] =	vst v63  }
0x117: {  	_ =	swait.ge [sflag:s18], $0x800  }
0x118: {  	[sflag:s18] =	ssyncset.done $0x0  }
0x119: {  	s1 =	simm.s32 $0x180;
	s0 =	simm.s32 $0x400;
	[sflag:s18] =	ssyncadd.s32 $0xFFFFF800  }
.LBB2_15:
0x11a: {  	[tilespmem:s22], [sflag:$0x2] =	stream.indirect.gather [spmem:s2], $0x10, s1, s20, $0xb8;
	[tilespmem:$0x12A80] =	vst v63  }
0x11b: {  	s1 =	smov.u32 s0  }
0x11c: {  	p2 =	sne.s32 s0, $0x13800;
	s0 =	sadd.s32 $0x400, s0;
	_ =	swait.ge [sflag:s23], $0x800  }
0x11d: {  	s1 =	sshra.s32 s1, $0x2;
	[sflag:s23] =	ssyncset.done $0x0  }
0x11e: {  	s8 =	sadd.s32 $0x5000, s1;
	[sflag:s23] =	ssyncadd.s32 $0xFFFFF800  }
0x11f: {  	[spmem:s3] =	stream.indirect.scatter.add.bf16 [tilespmem:s21], [sflag:$0x3], $0x10, s8, s20, $0xb8;
	[tilespmem:$0x12A80] =	vst v63  }
0x120: {  	_ =	swait.ge [sflag:s18], $0x800  }
0x121: {  	[sflag:s18] =	ssyncset.done $0x0  }
0x122: {  	s8 =	sadd.s32 $0x100, s1;
	[sflag:s18] =	ssyncadd.s32 $0xFFFFF800  }
0x123: {  	[tilespmem:s21], [sflag:$0x1] =	stream.indirect.gather [spmem:s2], $0x10, s8, s20, $0xb8;
	[tilespmem:$0x12A80] =	vst v63  }
0x124: {  	_ =	swait.ge [sflag:s24], $0x800  }
0x125: {  	[sflag:s24] =	ssyncset.done $0x0  }
.Ltmp9:
0x126: {  	s8 =	sadd.s32 $0x5080, s1;
	[sflag:s24] =	ssyncadd.s32 $0xFFFFF800;
	(pc) =	sbr.rel @p2 .LBB2_15-.Ltmp9, $4  }
0x127: {  	[spmem:s3] =	stream.indirect.scatter.add.bf16 [tilespmem:s22], [sflag:$0x3], $0x10, s8, s20, $0xb8;
	[tilespmem:$0x12A80] =	vst v63  }
0x128: {  	_ =	swait.ge [sflag:s18], $0x800  }
0x129: {  	[sflag:s18] =	ssyncset.done $0x0  }
0x12a: {  	s1 =	sadd.s32 $0x180, s1;
	[sflag:s18] =	ssyncadd.s32 $0xFFFFF800  }
.Ltmp10:
0x12b: {  	(pc) =	sbr.rel .LBB2_17-.Ltmp10, $3  }
0x12c: {  	_ =	sdelay $0x1  }
0x12d: {  	[tilespmem:s22], [sflag:$0x2] =	stream.indirect.gather [spmem:s2], $0x10, s1, s20, $0xb8;
	[tilespmem:$0x12A80] =	vst v63  }
0x12e: {  	s0 =	simm.s32 $0x9F80;
	s1 =	simm.s32 $0x9F00  }
.LBB2_11:
0x12f: {  	_ =	swait.ge [sflag:s23], $0x800  }
0x130: {  	[sflag:s23] =	ssyncset.done $0x0  }
0x131: {  	s0 =	simm.s32 $0x5000;
	[sflag:s23] =	ssyncadd.s32 $0xFFFFF800  }
0x132: {  	[spmem:s3] =	stream.indirect.scatter.add.bf16 [tilespmem:s21], [sflag:$0x3], $0x10, s0, s20, $0xb8;
	[tilespmem:$0x12A80] =	vst v63  }
0x133: {  	_ =	swait.ge [sflag:s18], $0x800  }
0x134: {  	[sflag:s18] =	ssyncset.done $0x0  }
0x135: {  	s30 =	simm.s32 $0x100;
	[sflag:s18] =	ssyncadd.s32 $0xFFFFF800  }
0x136: {  	[tilespmem:s21], [sflag:$0x1] =	stream.indirect.gather [spmem:s2], $0x10, s30, s20, $0xb8;
	[tilespmem:$0x12A80] =	vst v63  }
0x137: {  	_ =	swait.ge [sflag:s24], $0x800  }
0x138: {  	p2 =	por $0x0, $0x0;
	[sflag:s24] =	ssyncset.done $0x0  }
.Ltmp11:
0x139: {  	s31 =	simm.s32 $0x5080;
	[sflag:s24] =	ssyncadd.s32 $0xFFFFF800;
	(pc) =	sbr.rel @p2 .LBB2_13-.Ltmp11, $4  }
0x13a: {  	[spmem:s3] =	stream.indirect.scatter.add.bf16 [tilespmem:s22], [sflag:$0x3], $0x10, s31, s20, $0xb8;
	[tilespmem:$0x12A80] =	vst v63  }
0x13b: {  	_ =	swait.ge [sflag:s18], $0x800  }
0x13c: {  	[sflag:s18] =	ssyncset.done $0x0  }
0x13d: {  	s1 =	simm.s32 $0x180;
	s0 =	simm.s32 $0x400;
	[sflag:s18] =	ssyncadd.s32 $0xFFFFF800  }
.LBB2_12:
0x13e: {  	[tilespmem:s22], [sflag:$0x2] =	stream.indirect.gather [spmem:s2], $0x10, s1, s20, $0xb8;
	[tilespmem:$0x12A80] =	vst v63  }
0x13f: {  	s1 =	smov.u32 s0  }
0x140: {  	p2 =	seq.s32 s0, $0x13000;
	s0 =	sadd.s32 $0x400, s0;
	_ =	swait.ge [sflag:s23], $0x800  }
0x141: {  	s1 =	sshra.s32 s1, $0x2;
	[sflag:s23] =	ssyncset.done $0x0  }
0x142: {  	s8 =	sadd.s32 $0x5000, s1;
	[sflag:s23] =	ssyncadd.s32 $0xFFFFF800  }
0x143: {  	[spmem:s3] =	stream.indirect.scatter.add.bf16 [tilespmem:s21], [sflag:$0x3], $0x10, s8, s20, $0xb8;
	[tilespmem:$0x12A80] =	vst v63  }
0x144: {  	_ =	swait.ge [sflag:s18], $0x800  }
0x145: {  	[sflag:s18] =	ssyncset.done $0x0  }
0x146: {  	s8 =	sadd.s32 $0x100, s1;
	[sflag:s18] =	ssyncadd.s32 $0xFFFFF800  }
0x147: {  	[tilespmem:s21], [sflag:$0x1] =	stream.indirect.gather [spmem:s2], $0x10, s8, s20, $0xb8;
	[tilespmem:$0x12A80] =	vst v63  }
0x148: {  	_ =	swait.ge [sflag:s24], $0x800  }
0x149: {  	[sflag:s24] =	ssyncset.done $0x0  }
.Ltmp12:
0x14a: {  	s8 =	sadd.s32 $0x5080, s1;
	[sflag:s24] =	ssyncadd.s32 $0xFFFFF800;
	(pc) =	sbr.rel @!p2 .LBB2_12-.Ltmp12, $4  }
0x14b: {  	[spmem:s3] =	stream.indirect.scatter.add.bf16 [tilespmem:s22], [sflag:$0x3], $0x10, s8, s20, $0xb8;
	[tilespmem:$0x12A80] =	vst v63  }
0x14c: {  	_ =	swait.ge [sflag:s18], $0x800  }
0x14d: {  	[sflag:s18] =	ssyncset.done $0x0  }
0x14e: {  	s1 =	sadd.s32 $0x180, s1;
	[sflag:s18] =	ssyncadd.s32 $0xFFFFF800  }
.Ltmp13:
0x14f: {  	_ = 	snop;
	(pc) =	sbr.rel .LBB2_13-.Ltmp13, $1  }
0x150: {  	_ =	sdelay $0x3  }
.LBB2_18:
0x151: {  	_ =	sfence.sel $0x180000  }
0x152: {  	[bflag:$0x0] =	sbarrier.arrive $0xFFFF  }
0x153: {  	_ =	strace $0x9000004D  }
0x154: {  	s0 =	stileid.u32;
	[bflag:$0x2] =	sbarrier.arrive $0xFFFF  }
0x155: {  	p0 =	sne.s32 s0, $0x0;
	s0 =	rddreg [dreg:$0x4]  }
0x156: {  	s0 =	sadd.s32 @!p0 $0x100000, s0  }
0x157: {  	[sflag:s0] =	ssyncadd.tile.s32 @!p0 $0x1;
	_ =	shalt  }
.Lfunc_end2:
_tile_overlayer_lowered:
.L_overlay_start_2:
0x158: {  	(tag) =	ssettag $0x2  }
0x159: {  	s0 =	rddreg [dreg:$0x0];
	s2 =	stileid.u32  }
0x15a: {  	s1 =	rddreg [dreg:$0x1];
	p0 =	sne.s32 s2, $0x0  }
0x15b: {  	s3 =	rddreg [dreg:$0x2];
	[bflag:$0x3] =	sbarrier.arrive $0xFFFF;
	s2 =	simm.s32 @!p0 $0x1C03  }
0x15c: {  	[timem:s3], [sflag:s2] =	dma.local @!p0 [hbm:s0], s1  }
0x15d: {  	s0 =	simm.s32 @!p0 $0x3  }
0x15e: {  	_ =	swait.ge @!p0 [sflag:s0], s1  }
0x15f: {  	s1 =	ssub.s32 @!p0 $0x0, s1;
	[sflag:s0] =	ssyncset.done @!p0 $0x0  }
0x160: {  	[sflag:s0] =	ssyncadd.s32 @!p0 s1  }
0x161: {  	[bflag:$0x3] =	sbarrier.arrive $0xFFFF  }
0x162: {  	_ =	shalt  }

// kernel: kernel.8.cloned.1.call-start
scs
__scs_entry_jumppad:
0x0: {  	(pc) =	sbr.rel $0x88, $3  }
0x1: {  	(tag) =	ssettag $0x0;
	lr =	simm.s32 $0x1  }
0x2: {  	[smem:$0x3F9B] =	sst lr;
	_ =	strace $0xD0000000  }
0x3: {  	_ = 	snop  }
0x4: {  	_ = 	snop  }
0x5: {  	_ = 	snop  }
0x6: {  	_ = 	snop  }
0x7: {  	_ = 	snop  }
__scs_overlays_trampoline_lowered:
0x8: {  	[smem:$0x3FAA] =	sst s0  }
0x9: {  	[smem:$0x3FAB] =	sst s1  }
0xa: {  	[smem:$0x3FAC] =	sst s2  }
0xb: {  	[smem:$0x3FAD] =	sst s3  }
0xc: {  	[smem:$0x3FAE] =	sst s4  }
0xd: {  	[smem:$0x3FAF] =	sst s5  }
0xe: {  	[smem:$0x3FB0] =	sst s6  }
0xf: {  	[smem:$0x3FB1] =	sst s7  }
0x10: {  	[smem:$0x3FB2] =	sst s8  }
0x11: {  	[smem:$0x3FB3] =	sst s9;
	s0 =	simm.s32 @!p0 $0x0  }
0x12: {  	s1 =	sld [smem:$0x3F99];
	s0 =	simm.s32 @p0 $0x1  }
0x13: {  	[smem:$0x3FB4] =	sst s0;
	s0 =	simm.s32 @!p1 $0x0  }
0x14: {  	s2 =	sld [smem:$0x3F98];
	s0 =	simm.s32 @p1 $0x1  }
0x15: {  	[smem:$0x3FB5] =	sst s0;
	s0 =	simm.s32 @!p2 $0x0  }
0x16: {  	s3 =	sld [smem:$0x3FDB];
	s0 =	simm.s32 @p2 $0x1  }
0x17: {  	s4 =	simm.s32 $0x1BF5;
	[smem:$0x3FB7] =	sst s0  }
0x18: {  	s0 =	sld [smem:$0x3F9A];
	_ =	swait.ge [sflag:s4], $0x0  }
0x19: {  	s7 =	sld [smem:$0x3F9B]  }
0x1a: {  	s8 =	sadd.s32 $0xFFFFE003, lr  }
0x1b: {  	s9 =	sadd.s32 $0xFFFFFEF7, lr;
	s5 =	simm.s32 $0xFFFFFFFF;
	p2 =	slt.u32 s8, $0xFFFFF086  }
0x1c: {  	p1 =	slt.u32 s9, $0xF7A;
	s5 =	simm.s32 @!p2 $0x0  }
0x1d: {  	s5 =	simm.s32 @p1 $0x1;
	p0 =	seq.s32 s7, s2  }
0x1e: {  	s7 =	smul.u32 @!p0 $0xF7A, s2;
	p2 =	seq.s32 @!p0 s5, $0x0  }
0x1f: {  	s9 =	smul.u32 $0xF7A, s1;
	s8 =	simm.s32 @!p0 $0x1BF5;
	p2 =	por !p2, p0  }
0x20: {  	[sflag:s8] =	ssyncset.s32 @!p0 $0xFFFFF086;
	s6 =	sadd.s32 @!p0 s3, s7;
	s7 =	simm.s32 @!p0 $0x108  }
0x21: {  	s3 =	sadd.s32 s3, s9;
	s6 =	sadd.s32 @!p0 $0x88, s6;
	s7 =	simm.s32 @p2 $0x1082  }
0x22: {  	[simem:s7], [sflag:s8] =	dma.local @!p0 [hbm:s6], $0xF7A  }
0x23: {  	s9 =	sor.u32 $0xD0000000, s2;
	s6 =	simm.s32 $0x108;
	_ =	swait.ge @!p0 [sflag:s8], $0x0  }
0x24: {  	s3 =	sadd.s32 $0x88, s3;
	s6 =	simm.s32 @!p1 $0x1082;
	[sflag:s4] =	ssyncset.s32 $0xFFFFF086  }
0x25: {  	[simem:s6], [sflag:s4] =	dma.local [hbm:s3], $0xF7A  }
0x26: {  	[smem:$0x3F9B] =	sst s1;
	(tag) =	ssettag s2;
	_ =	strace s9  }
0x27: {  	s1 =	sld [smem:$0x3FAB]  }
0x28: {  	s2 =	sld [smem:$0x3FAC]  }
0x29: {  	s4 =	sld [smem:$0x3FAE]  }
0x2a: {  	p0 =	seq.s32 s5, $0x0;
	s5 =	sld [smem:$0x3FAF]  }
0x2b: {  	s6 =	sld [smem:$0x3FB0]  }
0x2c: {  	s7 =	sld [smem:$0x3FB1]  }
0x2d: {  	s3 =	simm.s32 $0x108;
	s8 =	sld [smem:$0x3FB2]  }
0x2e: {  	s3 =	simm.s32 @!p0 $0x1082;
	s9 =	sld [smem:$0x3FB3]  }
0x2f: {  	lr =	sadd.s32 s0, s3;
	s0 =	sld [smem:$0x3FAA]  }
0x30: {  	s3 =	sld [smem:$0x3FAD]  }
0x31: {  	[smem:$0x3FB6] =	sst s10  }
0x32: {  	s10 =	sld [smem:$0x3FB4];
	_ =	sdelay $0x3  }
0x33: {  	p0 =	seq.s32 s10, $0x1;
	s10 =	sld [smem:$0x3FB6];
	_ =	sdelay $0x3  }
0x34: {  	[smem:$0x3FB6] =	sst s10  }
0x35: {  	s10 =	sld [smem:$0x3FB5];
	_ =	sdelay $0x3  }
0x36: {  	p1 =	seq.s32 s10, $0x1;
	s10 =	sld [smem:$0x3FB6];
	_ =	sdelay $0x3  }
0x37: {  	[smem:$0x3FB6] =	sst s10  }
0x38: {  	s10 =	sld [smem:$0x3FB7]  }
0x39: {  	_ = 	snop;
	(pc) =	sbr.ind lr, $3  }
0x3a: {  	_ = 	snop  }
0x3b: {  	_ = 	snop  }
0x3c: {  	p2 =	seq.s32 s10, $0x1;
	s10 =	sld [smem:$0x3FB6]  }
0x3d: {  	_ =	shalt  }
0x3e: {  	_ =	shalt  }
0x3f: {  	_ =	shalt  }
0x40: {  	_ =	shalt  }
0x41: {  	_ =	shalt  }
0x42: {  	_ =	shalt  }
0x43: {  	_ =	shalt  }
0x44: {  	_ =	shalt  }
0x45: {  	_ =	shalt  }
0x46: {  	_ =	shalt  }
0x47: {  	_ =	shalt  }
0x48: {  	_ =	shalt  }
0x49: {  	_ =	shalt  }
0x4a: {  	_ =	shalt  }
0x4b: {  	_ =	shalt  }
0x4c: {  	_ =	shalt  }
0x4d: {  	_ =	shalt  }
0x4e: {  	_ =	shalt  }
0x4f: {  	_ =	shalt  }
0x50: {  	_ =	shalt  }
0x51: {  	_ =	shalt  }
0x52: {  	_ =	shalt  }
0x53: {  	_ =	shalt  }
0x54: {  	_ =	shalt  }
0x55: {  	_ =	shalt  }
0x56: {  	_ =	shalt  }
0x57: {  	_ =	shalt  }
0x58: {  	_ =	shalt  }
0x59: {  	_ =	shalt  }
0x5a: {  	_ =	shalt  }
0x5b: {  	_ =	shalt  }
0x5c: {  	_ =	shalt  }
0x5d: {  	_ =	shalt  }
0x5e: {  	_ =	shalt  }
0x5f: {  	_ =	shalt  }
0x60: {  	_ =	shalt  }
0x61: {  	_ =	shalt  }
0x62: {  	_ =	shalt  }
0x63: {  	_ =	shalt  }
0x64: {  	_ =	shalt  }
0x65: {  	_ =	shalt  }
0x66: {  	_ =	shalt  }
0x67: {  	_ =	shalt  }
0x68: {  	_ =	shalt  }
0x69: {  	_ =	shalt  }
0x6a: {  	_ =	shalt  }
0x6b: {  	_ =	shalt  }
0x6c: {  	_ =	shalt  }
0x6d: {  	_ =	shalt  }
0x6e: {  	_ =	shalt  }
0x6f: {  	_ =	shalt  }
0x70: {  	_ =	shalt  }
0x71: {  	_ =	shalt  }
0x72: {  	_ =	shalt  }
0x73: {  	_ =	shalt  }
0x74: {  	_ =	shalt  }
0x75: {  	_ =	shalt  }
0x76: {  	_ =	shalt  }
0x77: {  	_ =	shalt  }
0x78: {  	_ =	shalt  }
0x79: {  	_ =	shalt  }
0x7a: {  	_ =	shalt  }
0x7b: {  	_ =	shalt  }
0x7c: {  	_ =	shalt  }
0x7d: {  	_ =	shalt  }
0x7e: {  	_ =	shalt  }
0x7f: {  	_ =	shalt  }
0x80: {  	_ =	shalt  }
0x81: {  	_ =	shalt  }
0x82: {  	_ =	shalt  }
0x83: {  	_ =	shalt  }
0x84: {  	_ =	shalt  }
0x85: {  	_ =	shalt  }
0x86: {  	_ =	shalt  }
0x87: {  	_ =	shalt  }
.Lfunc_end0:
.L_simem_size_0:
called_computation_lowered:
.L_overlay_start_0:
0x88: {  	s2 =	sld [smem:$0x3FD9]  }
0x89: {  	s3 =	sld [smem:$0x3FFE];
	_ =	sdelay $0x1  }
0x8a: {  	s1 =	srdreg.scid  }
0x8b: {  	s0 =	sand.u32 $0x1, s1  }
0x8c: {  	s17 =	sshll.u32 s0, $0xA;
	s2 =	sadd.s32 s3, s2  }
0x8d: {  	s2 =	sadd.s32 s2, s17  }
0x8e: {  	[smem:$0x3FC2] =	sst s2  }
0x8f: {  	_ = 	snop  }
0x90: {  	s2 =	sld [smem:$0x3FD0];
	(tm) =	ssettm $0x1  }
0x91: {  	s18 =	sld [smem:$0x3FFB];
	_ =	sdelay $0x3  }
0x92: {  	_ =	strace s18  }
0x93: {  	s3 =	sld [smem:$0x3FFC];
	_ =	sdelay $0x3  }
0x94: {  	_ =	strace s3  }
0x95: {  	s3 =	sld [smem:$0x3FFD];
	_ =	sdelay $0x3  }
0x96: {  	_ =	strace s3  }
0x97: {  	_ =	strace $0x8FFFFFFF  }
0x98: {  	s19 =	sld [smem:$0x3FDB];
	_ =	sdelay $0x1  }
0x99: {  	s4 =	simm.s32 $_scs_section_size  }
0x9a: {  	s5 =	simm.s32 $_size__tile_overlayer_lowered;
	s6 =	simm.s32 $_tile_overlayer_lowered  }
0x9b: {  	s22 =	simm.s32 $0x1BFF;
	s21 =	sshll.u32 s6, $0x1;
	s3 =	sadd.s32 s4, s19  }
0x9c: {  	s7 =	simm.s32 $0x0;
	s20 =	sshll.u32 s5, $0x1;
	s5 =	sadd.s32 s21, s3  }
0x9d: {  	[timem:s7], [sflag:s22] =	dma.local [hbm:s5], s20  }
0x9e: {  	_ =	swait.ge [sflag:s22], s20  }
0x9f: {  	s4 =	ssub.s32 $0x0, s20;
	[sflag:s22] =	ssyncset.done $0x0  }
0xa0: {  	[sflag:s22] =	ssyncadd.s32 s4;
	_ =	sdelay $0x1  }
0xa1: {  	s23 =	simm.s32 $0x1B8B  }
0xa2: {  	_ =	swait.ge [sflag:s23], $0x1  }
0xa3: {  	[sflag:s23] =	ssyncset.done $0x0  }
0xa4: {  	s25 =	simm.s32 $0x1B8E;
	s24 =	sld [smem:$0x3FFE];
	[sflag:s23] =	ssyncadd.s32 $0xFFFFFFFF  }
0xa5: {  	s26 =	simm.s32 $execute0_lowered;
	[smem:$0x3FD2] =	sst s25  }
0xa6: {  	s5 =	sshll.u32 s26, $0x1;
	_ =	strace $0x80000046;
	[dreg:$0x1] =	wrdreg $0xFFFFFFFF  }
0xa7: {  	s28 =	simm.s32 $_size_execute0_lowered;
	s3 =	sadd.s32 s3, s5;
	[dreg:$0x0] =	wrdreg $0x0  }
0xa8: {  	s5 =	sshll.u32 s28, $0x1;
	[dreg:$0x2] =	wrdreg s3  }
0xa9: {  	[dreg:$0x3] =	wrdreg s5  }
0xaa: {  	[dreg:$0x4] =	wrdreg $0xC0  }
0xab: {  	_ =	task [dreg:s7], $0x5FFFF  }
0xac: {  	[dreg:$0x1] =	wrdreg $0xFFFFFFFF  }
0xad: {  	[dreg:$0x0] =	wrdreg $0x60  }
0xae: {  	[dreg:$0x2] =	wrdreg s24  }
0xaf: {  	[dreg:$0x3] =	wrdreg s2  }
0xb0: {  	[dreg:$0x4] =	wrdreg $0x31000  }
0xb1: {  	[dreg:$0x5] =	wrdreg $0x9  }
0xb2: {  	_ =	task.clear_ibuf [dreg:s7], $0x6FFFF;
	_ =	strace $0x90000046  }
0xb3: {  	s29 =	simm.s32 $0x9;
	_ =	strace $0x80000048  }
0xb4: {  	_ =	swait.ge [sflag:s29], $0x1  }
0xb5: {  	[sflag:s29] =	ssyncadd.s32 $0xFFFFFFFF  }
0xb6: {  	_ =	strace $0x90000048  }
0xb7: {  	_ =	sfence  }
0xb8: {  	s30 =	sld [smem:$0x0];
	_ =	sdelay $0x2  }
0xb9: {  	s31 =	sshll.u32 s1, $0xD;
	s1 =	sshrl.u32 s1, $0x2  }
0xba: {  	s3 =	sand.u32 $0x4000, s31;
	s1 =	sadd.s32 s1, s30  }
0xbb: {  	s0 =	sor.u32 s3, s0;
	s1 =	sshll.u32 s1, $0x11  }
0xbc: {  	s0 =	sor.u32 s1, s0  }
0xbd: {  	s0 =	sadd.s32 $0x8F2B, s0  }
0xbe: {  	[sflag:s0] =	ssyncadd.remote.s32 $0x1  }
0xbf: {  	_ =	sfence.sel $0xFFFF  }
0xc0: {  	[dreg:$0x0] =	wrdreg $0xFFFFFFFF;
	(pc) =	sbr.abs _section_cstart, $3  }
0xc1: {  	[dreg:$0x1] =	wrdreg $0xFFFFFFFF  }
0xc2: {  	_ =	task.clear_ibuf [dreg:s7], $0x2FFFF;
	_ =	strace $0x9FFFFFFF  }
0xc3: {  	(tm) =	ssettm $0x7FFFFFFF  }
tec
execute0_lowered:
.L_overlay_start_1:
0x0: {  	(tag) =	ssettag $0x1  }
0x1: {  	s8 =	rddreg [dreg:$0x0]  }
0x2: {  	s9 =	rddreg [dreg:$0x1]  }
0x3: {  	s1 =	rddreg [dreg:$0x2]  }
0x4: {  	s0 =	rddreg [dreg:$0x3];
	s2 =	simm.s32 $0x0;
	s3 =	srdreg.scid  }
0x5: {  	[smem:$0x7FF] =	sst s2;
	s5 =	sand.u32 $0x1, s3;
	s3 =	stileid.u32  }
0x6: {  	_ =	strace $0x80000047;
	s4 =	sshll.u32 s5, $0x4;
	s7 =	smul.u32 $0x2800, s3  }
0x7: {  	s6 =	ssub.s32 $0x2, s5;
	s13 =	smul.u32 $0x28000, s5;
	s30 =	sshll.u32 s3, $0x6  }
0x8: {  	s11 =	sor.u32 s3, s4;
	s4 =	sadd.s32 $0x15E00, s8;
	s10 =	sshrl.u32 s6, $0x1  }
0x9: {  	s12 =	smul.u32 $0x2700, s11;
	s10 =	ssub.s32 s6, s10;
	s28 =	sshrl.u32 s7, $0x3  }
0xa: {  	s14 =	sadd.s32 s7, s1;
	s13 =	sadd.s32 s7, s13;
	s6 =	sor.u32 $0x1C01, s30  }
.Ltmp0:
0xb: {  	p0 =	sne.s32 s11, $0x1F;
	s5 =	sadd.s32 s4, s28;
	(pc) =	sbr.rel .LBB2_1-.Ltmp0, $4  }
0xc: {  	s31 =	sshrl.u32 s13, $0x3;
	s10 =	smax.u32 s10, $0x1;
	s11 =	sshrl.u32 s14, $0x3  }
0xd: {  	s13 =	simm.s32 $0x2900;
	s14 =	simm.s32 $0x80;
	s29 =	sshrl.u32 s12, $0x3  }
0xe: {  	s9 =	sadd.s32 s9, s31;
	s12 =	simm.s32 $0x1;
	s15 =	sadd.s32 s8, s29  }
0xf: {  	s8 =	sadd.s32 $0x15760, s8;
	s7 =	sadd.s32 $0xC040, s15;
	s15 =	simm.s32 $0x0  }
.LBB2_7:
0x10: {  	[sflag:s12] =	ssyncadd.s32 $0xFFFFF800  }
.LBB2_8:
0x11: {  	s15 =	sadd.s32 $0x1, s15  }
0x12: {  	p1 =	sne.s32 s15, s10  }
.Ltmp1:
0x13: {  	[bflag:$0x0] =	sbarrier.arrive $0xFFFF;
	(pc) =	sbr.rel @!p1 .LBB2_9-.Ltmp1, $4  }
0x14: {  	[hbm:s9], [sflag:s6] =	dma.local [spmem:s11], $0x500  }
0x15: {  	_ =	swait.ge [sflag:s12], $0x500  }
0x16: {  	[sflag:s12] =	ssyncset.done $0x0  }
0x17: {  	[sflag:s12] =	ssyncadd.s32 $0xFFFFFB00  }
.LBB2_1:
0x18: {  	[spmem:s11], [sflag:s6] =	dma.local [hbm:s5], $0x500  }
0x19: {  	_ =	swait.ge [sflag:s12], $0x500  }
0x1a: {  	[sflag:s12] =	ssyncset.done $0x0  }
.Ltmp2:
0x1b: {  	[sflag:s12] =	ssyncadd.s32 $0xFFFFFB00;
	(pc) =	sbr.rel @p0 .LBB2_5-.Ltmp2, $4  }
0x1c: {  	[tilespmem:s13], [sflag:$0x1] =	stream.linear.gather [hbm4b:s4+s2], $0x800, $0x38;
	[tilespmem:$0x5900] =	vst v63  }
0x1d: {  	_ =	swait.ge [sflag:s12], $0x800  }
0x1e: {  	[sflag:s12] =	ssyncset.done $0x0  }
0x1f: {  	s16 =	simm.s32 $0x0;
	[sflag:s12] =	ssyncadd.s32 $0xFFFFF800  }
0x20: {  	[tilespmem:s16], [sflag:$0x1] =	stream.linear.gather [hbm4b:s8+s16], $0x2900, $0x38;
	[tilespmem:$0x5900] =	vst v63  }
0x21: {  	_ =	swait.ge [sflag:s12], $0x2900  }
0x22: {  	[sflag:s12] =	ssyncset.done $0x0  }
0x23: {  	[sflag:s12] =	ssyncadd.s32 $0xFFFFD700  }
0x24: {  	s31 =	simm.s32 $0x0;
	[bflag:$0x0] =	sbarrier.arrive $0xFFFF  }
0x25: {  	[spmem:s1] =	stream.indirect.scatter.add.f32 [tilespmem:s13], [sflag:$0x1], $0x10, s31, s14, $0xb8;
	[tilespmem:$0x5900] =	vst v63  }
0x26: {  	_ =	swait.ge [sflag:s12], $0x800  }
0x27: {  	s16 =	simm.s32 $0x200;
	[sflag:s12] =	ssyncset.done $0x0  }
.LBB2_3:
0x28: {  	s17 =	sshra.s32 s16, $0x2;
	[sflag:s12] =	ssyncadd.s32 $0xFFFFF800;
	p1 =	sne.s32 s16, $0xA200  }
0x29: {  	[spmem:s1] =	stream.indirect.scatter.add.f32 [tilespmem:s13], [sflag:$0x1], $0x10, s17, s14, $0xb8;
	[tilespmem:$0x5900] =	vst v63  }
.Ltmp3:
0x2a: {  	_ = 	snop;
	(pc) =	sbr.rel @p1 .LBB2_3-.Ltmp3, $4  }
0x2b: {  	_ = 	snop  }
0x2c: {  	s16 =	sadd.s32 $0x200, s16  }
0x2d: {  	_ =	swait.ge [sflag:s12], $0x800  }
0x2e: {  	[sflag:s12] =	ssyncset.done $0x0  }
.Ltmp4:
0x2f: {  	(pc) =	sbr.rel .LBB2_8-.Ltmp4, $2  }
0x30: {  	_ =	sdelay $0x2  }
0x31: {  	[sflag:s12] =	ssyncadd.s32 $0xFFFFF800  }
.LBB2_5:
0x32: {  	[tilespmem:s16], [sflag:$0x1] =	stream.linear.gather [hbm4b:s7+s16], $0x2700, $0x38;
	[tilespmem:$0x5900] =	vst v63  }
0x33: {  	_ =	swait.ge [sflag:s12], $0x2700  }
0x34: {  	[sflag:s12] =	ssyncset.done $0x0  }
0x35: {  	[sflag:s12] =	ssyncadd.s32 $0xFFFFD900  }
0x36: {  	s31 =	simm.s32 $0x0;
	[bflag:$0x0] =	sbarrier.arrive $0xFFFF  }
0x37: {  	[spmem:s1] =	stream.indirect.scatter.add.f32 [tilespmem:s13], [sflag:$0x1], $0x10, s31, s14, $0xb8;
	[tilespmem:$0x5900] =	vst v63  }
0x38: {  	_ =	swait.ge [sflag:s12], $0x800  }
0x39: {  	s16 =	simm.s32 $0x200;
	[sflag:s12] =	ssyncset.done $0x0  }
.LBB2_6:
0x3a: {  	s17 =	sshra.s32 s16, $0x2;
	[sflag:s12] =	ssyncadd.s32 $0xFFFFF800;
	p1 =	seq.s32 s16, $0x9A00  }
0x3b: {  	[spmem:s1] =	stream.indirect.scatter.add.f32 [tilespmem:s13], [sflag:$0x1], $0x10, s17, s14, $0xb8;
	[tilespmem:$0x5900] =	vst v63  }
.Ltmp5:
0x3c: {  	_ = 	snop;
	(pc) =	sbr.rel @!p1 .LBB2_6-.Ltmp5, $4  }
0x3d: {  	_ = 	snop  }
0x3e: {  	s16 =	sadd.s32 $0x200, s16  }
0x3f: {  	_ =	swait.ge [sflag:s12], $0x800  }
0x40: {  	[sflag:s12] =	ssyncset.done $0x0  }
.Ltmp6:
0x41: {  	_ = 	snop;
	(pc) =	sbr.rel .LBB2_7-.Ltmp6, $1  }
0x42: {  	_ =	sdelay $0x3  }
.LBB2_9:
0x43: {  	_ =	sfence.sel $0x180000  }
0x44: {  	[bflag:$0x0] =	sbarrier.arrive $0xFFFF  }
0x45: {  	p0 =	sne.s32 s3, $0x0;
	_ =	strace $0x90000047  }
0x46: {  	s0 =	sadd.s32 @!p0 $0x100000, s0;
	[bflag:$0x2] =	sbarrier.arrive $0xFFFF  }
0x47: {  	[sflag:s0] =	ssyncadd.tile.s32 @!p0 $0x1;
	_ =	shalt  }
.Lfunc_end2:
_tile_overlayer_lowered:
.L_overlay_start_2:
0x48: {  	(tag) =	ssettag $0x2  }
0x49: {  	s0 =	rddreg [dreg:$0x0];
	s2 =	stileid.u32  }
0x4a: {  	s1 =	rddreg [dreg:$0x1];
	p0 =	sne.s32 s2, $0x0  }
0x4b: {  	s3 =	rddreg [dreg:$0x2];
	[bflag:$0x3] =	sbarrier.arrive $0xFFFF;
	s2 =	simm.s32 @!p0 $0x1C01  }
0x4c: {  	[timem:s3], [sflag:s2] =	dma.local @!p0 [hbm:s0], s1  }
0x4d: {  	s0 =	simm.s32 @!p0 $0x1  }
0x4e: {  	_ =	swait.ge @!p0 [sflag:s0], s1  }
0x4f: {  	s1 =	ssub.s32 @!p0 $0x0, s1;
	[sflag:s0] =	ssyncset.done @!p0 $0x0  }
0x50: {  	[sflag:s0] =	ssyncadd.s32 @!p0 s1  }
0x51: {  	[bflag:$0x3] =	sbarrier.arrive $0xFFFF  }
0x52: {  	_ =	shalt  }

</sc_bundles>
